<compile_context>
chip_gen: v7x
topology: tpu7x:2x2x1
jax: 0.10.2.dev20260603
libtpu: 0.0.44.dev20260713+nightly
codegen_flags: <defaults>
</compile_context>

<pallas_src>
import functools

import jax
import jax.numpy as jnp
from jax import lax
from jax.experimental import pallas as pl
from jax.experimental.pallas import tpu as pltpu
from jax.experimental.pallas import tpu_sc as plsc

MF_DIM = 32
BATCH = 16384
NC = 2
NS = 16
NW = NC * NS
B_PER_W = BATCH // NW
BLK = 128
WAVE = 16


def _gmf_body(ui_hbm, ii_hbm, ut_hbm, it_hbm, wb_hbm, out_hbm,
              idx_uv, idx_iv, blks, cu, ci, wb_v, out_v, sem):
    c = lax.axis_index("c")
    s = lax.axis_index("s")
    wid = s * NC + c

    pltpu.sync_copy(ui_hbm.at[wid], idx_uv)
    pltpu.sync_copy(ii_hbm.at[wid], idx_iv)
    pltpu.sync_copy(wb_hbm, wb_v)

    lanes = lax.iota(jnp.int32, 16)

    def wave(step, idx_ref, tab_hbm, dst):
        chunk = idx_ref[pl.ds(step * WAVE, WAVE)]
        rs = [chunk[lane] for lane in range(WAVE)]
        for lane in range(WAVE):
            base = pl.multiple_of((rs[lane] >> 7) * BLK, BLK)
            pltpu.async_copy(
                tab_hbm.at[:, pl.ds(base, BLK)], blks.at[lane], sem)
        for lane in range(WAVE):
            pltpu.make_async_copy(
                tab_hbm.at[:, pl.ds(0, BLK)], blks.at[lane], sem).wait()
        evec = step * WAVE + lanes
        for lane in range(WAVE):
            col = jnp.full((16,), rs[lane] & (BLK - 1), jnp.int32)
            ev = jnp.full((16,), step * WAVE + lane, jnp.int32)
            for h in range(2):
                dvec = lanes + 16 * h
                x = plsc.load_gather(blks.at[lane], [dvec, col])
                plsc.store_scatter(dst, [dvec, ev], x)
        del evec

    def w_body(step, carry):
        wave(step, idx_uv, ut_hbm, cu)
        wave(step, idx_iv, it_hbm, ci)
        return carry

    lax.fori_loop(0, B_PER_W // WAVE, w_body, 0)

    ws = [plsc.load_gather(wb_v, [jnp.full((16,), d, jnp.int32)])
          for d in range(MF_DIM)]
    bv = plsc.load_gather(wb_v, [jnp.full((16,), MF_DIM, jnp.int32)])

    def g_body(g, carry):
        rows = g * 16 + lanes
        acc = bv
        for d in range(MF_DIM):
            dcol = jnp.full((16,), d, jnp.int32)
            u_d = plsc.load_gather(cu, [dcol, rows])
            v_d = plsc.load_gather(ci, [dcol, rows])
            acc = acc + u_d * v_d * ws[d]
        out_v[pl.ds(g * 16, 16)] = 1.0 / (1.0 + jnp.exp(-acc))
        return carry

    lax.fori_loop(0, B_PER_W // 16, g_body, 0)
    pltpu.sync_copy(out_v, out_hbm.at[pl.ds(wid * B_PER_W, B_PER_W)])


@functools.partial(
    pl.kernel,
    mesh=plsc.VectorSubcoreMesh(core_axis_name="c", subcore_axis_name="s"),
    out_type=jax.ShapeDtypeStruct((BATCH,), jnp.float32),
    compiler_params=pltpu.CompilerParams(
        needs_layout_passes=False, use_tc_tiling_on_sc=True),
    scratch_types=[
        pltpu.VMEM((B_PER_W,), jnp.int32),
        pltpu.VMEM((B_PER_W,), jnp.int32),
        pltpu.VMEM((WAVE, MF_DIM, BLK), jnp.float32),
        pltpu.VMEM((MF_DIM, B_PER_W), jnp.float32),
        pltpu.VMEM((MF_DIM, B_PER_W), jnp.float32),
        pltpu.VMEM((48,), jnp.float32),
        pltpu.VMEM((B_PER_W,), jnp.float32),
        pltpu.SemaphoreType.DMA,
    ],
)
def _gmf_sc(*args):
    _gmf_body(*args)


def kernel(user_input, item_input, user_table, item_table, W, b):
    ui = user_input.astype(jnp.int32).reshape(NW, B_PER_W)
    ii = item_input.astype(jnp.int32).reshape(NW, B_PER_W)
    wb = jnp.concatenate([
        W.reshape(MF_DIM).astype(jnp.float32),
        b.reshape(1).astype(jnp.float32),
        jnp.zeros((15,), jnp.float32),
    ])
    out = _gmf_sc(ui, ii, user_table.T, item_table.T, wb)
    return out.reshape(BATCH, 1)

# --- scband reference (transcript-rebuilt; emitter-appended) ---
"""Pipeline reference for scband-gmf-40364102648028 (READ-ONLY COPY).

The authoritative reference and input builder live on the scoring server;
editing this copy changes nothing except your own understanding.
"""

import jax, jax.numpy as jnp
import numpy as np

NUM_USERS = 1000000
NUM_ITEMS = 1000000
MF_DIM = 32
BATCH = 16384


def setup_inputs(seed: int = 0) -> dict:
    key = jax.random.key(seed)
    k1, k2, k3, k4, k5, k6 = jax.random.split(key, 6)
    user_input = jax.random.randint(k1, (BATCH,), 0, NUM_USERS, dtype=jnp.int64 if jax.config.jax_enable_x64 else jnp.int32)
    item_input = jax.random.randint(k2, (BATCH,), 0, NUM_ITEMS, dtype=jnp.int64 if jax.config.jax_enable_x64 else jnp.int32)
    user_table = jax.random.normal(k3, (NUM_USERS, MF_DIM), dtype=jnp.float32) * 0.01
    item_table = jax.random.normal(k4, (NUM_ITEMS, MF_DIM), dtype=jnp.float32) * 0.01
    # predict_layer: Linear(mf_dim, 1), default torch init ~ U(-1/sqrt(mf_dim), 1/sqrt(mf_dim))
    bound = 1.0 / np.sqrt(MF_DIM)
    W = jax.random.uniform(k5, (MF_DIM, 1), dtype=jnp.float32, minval=-bound, maxval=bound)
    b = jax.random.uniform(k6, (1,), dtype=jnp.float32, minval=-bound, maxval=bound)
    return {"user_input": user_input, "item_input": item_input, "user_table": user_table, "item_table": item_table, "W": W, "b": b}


def reference(user_input, item_input, user_table, item_table, W, b):
    mf_user_latent = jnp.take(user_table, user_input, axis=0).reshape(-1, MF_DIM)
    mf_item_latent = jnp.take(item_table, item_input, axis=0).reshape(-1, MF_DIM)
    mf_vector = mf_user_latent * mf_item_latent
    logits = mf_vector @ W + b
    prediction = jax.nn.sigmoid(logits)
    return prediction

if __name__ == "__main__":
    import jax
    _d = setup_inputs()
    print(jax.jit(kernel)(*tuple(_d.values())))

</pallas_src>

<mosaic_0001>
#map = affine_map<(d0, d1) -> (0, 0)>
#map1 = affine_map<(d0, d1) -> (0)>
module attributes {stable_mosaic.version = 14 : i64} {
  func.func @_gmf_sc(%arg0: i32, %arg1: i32, %arg2: memref<32x512xi32, #tpu.memory_space<hbm>>, %arg3: memref<32x512xi32, #tpu.memory_space<hbm>>, %arg4: memref<32x1000000xf32, #tpu.memory_space<hbm>>, %arg5: memref<32x1000000xf32, #tpu.memory_space<hbm>>, %arg6: memref<48xf32, #tpu.memory_space<hbm>>, %arg7: memref<16384xf32, #tpu.memory_space<hbm>>, %arg8: memref<512xi32, #tpu.memory_space<vmem>>, %arg9: memref<512xi32, #tpu.memory_space<vmem>>, %arg10: memref<16x32x128xf32, #tpu.memory_space<vmem>>, %arg11: memref<32x512xf32, #tpu.memory_space<vmem>>, %arg12: memref<32x512xf32, #tpu.memory_space<vmem>>, %arg13: memref<48xf32, #tpu.memory_space<vmem>>, %arg14: memref<512xf32, #tpu.memory_space<vmem>>, %arg15: memref<!tpu.dma_semaphore, #tpu.memory_space<semaphore_mem>>) attributes {dimension_semantics = [#tpu.dimension_semantics<core_parallel>, #tpu.dimension_semantics<subcore_parallel>], iteration_bounds = array<i64: 2, 16>, scalar_prefetch = 0 : i64, scratch_operands = 8 : i64, tpu.core_type = #tpu.core_type<sc_vector_subcore>, window_params = [{transform_indices = #map}, {transform_indices = #map}, {transform_indices = #map}, {transform_indices = #map}, {transform_indices = #map1}, {transform_indices = #map1}]} {
    %mul3A = arith.constant 2 : i32
    %mul3A_0 = arith.muli %arg1, %mul3A : i32
    %add3A = arith.addi %mul3A_0, %arg0 : i32
    "tpu.region"() ({
      %run_scoped3A = tpu.sem_alloc : memref<!tpu.dma_semaphore, #tpu.memory_space<semaphore_mem>>
      %dma_start3A = arith.constant 0 : i32
      %dma_start3A_111 = tpu.memref_slice %arg2[%add3A, %dma_start3A] : memref<32x512xi32, #tpu.memory_space<hbm>> -> memref<1x512xi32, #tpu.memory_space<hbm>>
      %dma_start3A_112 = tpu.memref_squeeze %dma_start3A_111 : memref<1x512xi32, #tpu.memory_space<hbm>> -> memref<512xi32, #tpu.memory_space<hbm>>
      %dma_start3A_113 = arith.constant 0 : i32
      %dma_start3A_114 = tpu.memref_slice %arg2[%add3A, %dma_start3A_113] : memref<32x512xi32, #tpu.memory_space<hbm>> -> memref<1x512xi32, #tpu.memory_space<hbm>>
      %dma_start3A_115 = tpu.memref_squeeze %dma_start3A_114 : memref<1x512xi32, #tpu.memory_space<hbm>> -> memref<512xi32, #tpu.memory_space<hbm>>
      tpu.enqueue_dma source(%dma_start3A_115 : memref<512xi32, #tpu.memory_space<hbm>>) target(%arg8 : memref<512xi32, #tpu.memory_space<vmem>>) target_semaphore(%run_scoped3A : memref<!tpu.dma_semaphore, #tpu.memory_space<semaphore_mem>>)
      %dma_wait3A = arith.constant 0 : i32
      %dma_wait3A_116 = tpu.memref_slice %arg2[%add3A, %dma_wait3A] : memref<32x512xi32, #tpu.memory_space<hbm>> -> memref<1x512xi32, #tpu.memory_space<hbm>>
      %dma_wait3A_117 = tpu.memref_squeeze %dma_wait3A_116 : memref<1x512xi32, #tpu.memory_space<hbm>> -> memref<512xi32, #tpu.memory_space<hbm>>
      %dma_wait3A_118 = arith.constant 0 : i32
      %dma_wait3A_119 = tpu.memref_slice %arg2[%add3A, %dma_wait3A_118] : memref<32x512xi32, #tpu.memory_space<hbm>> -> memref<1x512xi32, #tpu.memory_space<hbm>>
      %dma_wait3A_120 = tpu.memref_squeeze %dma_wait3A_119 : memref<1x512xi32, #tpu.memory_space<hbm>> -> memref<512xi32, #tpu.memory_space<hbm>>
      tpu.wait_dma2 semaphore(%run_scoped3A : memref<!tpu.dma_semaphore, #tpu.memory_space<semaphore_mem>>) src(%dma_wait3A_120 : memref<512xi32, #tpu.memory_space<hbm>>) dst(%arg8 : memref<512xi32, #tpu.memory_space<vmem>>)
      tpu.yield
    }) : () -> ()
    "tpu.region"() ({
      %run_scoped3A = tpu.sem_alloc : memref<!tpu.dma_semaphore, #tpu.memory_space<semaphore_mem>>
      %dma_start3A = arith.constant 0 : i32
      %dma_start3A_111 = tpu.memref_slice %arg3[%add3A, %dma_start3A] : memref<32x512xi32, #tpu.memory_space<hbm>> -> memref<1x512xi32, #tpu.memory_space<hbm>>
      %dma_start3A_112 = tpu.memref_squeeze %dma_start3A_111 : memref<1x512xi32, #tpu.memory_space<hbm>> -> memref<512xi32, #tpu.memory_space<hbm>>
      %dma_start3A_113 = arith.constant 0 : i32
      %dma_start3A_114 = tpu.memref_slice %arg3[%add3A, %dma_start3A_113] : memref<32x512xi32, #tpu.memory_space<hbm>> -> memref<1x512xi32, #tpu.memory_space<hbm>>
      %dma_start3A_115 = tpu.memref_squeeze %dma_start3A_114 : memref<1x512xi32, #tpu.memory_space<hbm>> -> memref<512xi32, #tpu.memory_space<hbm>>
      tpu.enqueue_dma source(%dma_start3A_115 : memref<512xi32, #tpu.memory_space<hbm>>) target(%arg9 : memref<512xi32, #tpu.memory_space<vmem>>) target_semaphore(%run_scoped3A : memref<!tpu.dma_semaphore, #tpu.memory_space<semaphore_mem>>)
      %dma_wait3A = arith.constant 0 : i32
      %dma_wait3A_116 = tpu.memref_slice %arg3[%add3A, %dma_wait3A] : memref<32x512xi32, #tpu.memory_space<hbm>> -> memref<1x512xi32, #tpu.memory_space<hbm>>
      %dma_wait3A_117 = tpu.memref_squeeze %dma_wait3A_116 : memref<1x512xi32, #tpu.memory_space<hbm>> -> memref<512xi32, #tpu.memory_space<hbm>>
      %dma_wait3A_118 = arith.constant 0 : i32
      %dma_wait3A_119 = tpu.memref_slice %arg3[%add3A, %dma_wait3A_118] : memref<32x512xi32, #tpu.memory_space<hbm>> -> memref<1x512xi32, #tpu.memory_space<hbm>>
      %dma_wait3A_120 = tpu.memref_squeeze %dma_wait3A_119 : memref<1x512xi32, #tpu.memory_space<hbm>> -> memref<512xi32, #tpu.memory_space<hbm>>
      tpu.wait_dma2 semaphore(%run_scoped3A : memref<!tpu.dma_semaphore, #tpu.memory_space<semaphore_mem>>) src(%dma_wait3A_120 : memref<512xi32, #tpu.memory_space<hbm>>) dst(%arg9 : memref<512xi32, #tpu.memory_space<vmem>>)
      tpu.yield
    }) : () -> ()
    "tpu.region"() ({
      %run_scoped3A = tpu.sem_alloc : memref<!tpu.dma_semaphore, #tpu.memory_space<semaphore_mem>>
      tpu.enqueue_dma source(%arg6 : memref<48xf32, #tpu.memory_space<hbm>>) target(%arg13 : memref<48xf32, #tpu.memory_space<vmem>>) target_semaphore(%run_scoped3A : memref<!tpu.dma_semaphore, #tpu.memory_space<semaphore_mem>>)
      tpu.wait_dma2 semaphore(%run_scoped3A : memref<!tpu.dma_semaphore, #tpu.memory_space<semaphore_mem>>) src(%arg6 : memref<48xf32, #tpu.memory_space<hbm>>) dst(%arg13 : memref<48xf32, #tpu.memory_space<vmem>>)
      tpu.yield
    }) : () -> ()
    %iota3A = tpu.iota {dimensions = array<i32: 0>} : vector<16xi32>
    %scan3A = arith.constant 0 : i32
    %scan3A_1 = arith.constant 0 : i32
    %scan3A_2 = arith.constant 32 : i32
    %scan3A_3 = arith.addi %scan3A_1, %scan3A_2 : i32
    %scan3A_4 = arith.constant 1 : i32
    scf.for %scan3A_111 = %scan3A_1 to %scan3A_3 step %scan3A_4  : i32 {
      %mul3A_112 = arith.constant 16 : i32
      %mul3A_113 = arith.muli %scan3A_111, %mul3A_112 : i32
      %get3A = arith.index_cast %mul3A_113 : i32 to index
      %get3A_114 = tpu.vector_load %arg8[%get3A] {strides = array<i32>} : memref<512xi32, #tpu.memory_space<vmem>>, vector<16xi32>,
      %slice3A = vector.extract_strided_slice %get3A_114 {offsets = [0], sizes = [1], strides = [1]} : vector<16xi32> to vector<1xi32>
      %squeeze3A = vector.extract %slice3A[0] : i32 from vector<1xi32>
      %slice3A_115 = vector.extract_strided_slice %get3A_114 {offsets = [1], sizes = [1], strides = [1]} : vector<16xi32> to vector<1xi32>
      %squeeze3A_116 = vector.extract %slice3A_115[0] : i32 from vector<1xi32>
      %slice3A_117 = vector.extract_strided_slice %get3A_114 {offsets = [2], sizes = [1], strides = [1]} : vector<16xi32> to vector<1xi32>
      %squeeze3A_118 = vector.extract %slice3A_117[0] : i32 from vector<1xi32>
      %slice3A_119 = vector.extract_strided_slice %get3A_114 {offsets = [3], sizes = [1], strides = [1]} : vector<16xi32> to vector<1xi32>
      %squeeze3A_120 = vector.extract %slice3A_119[0] : i32 from vector<1xi32>
      %slice3A_121 = vector.extract_strided_slice %get3A_114 {offsets = [4], sizes = [1], strides = [1]} : vector<16xi32> to vector<1xi32>
      %squeeze3A_122 = vector.extract %slice3A_121[0] : i32 from vector<1xi32>
      %slice3A_123 = vector.extract_strided_slice %get3A_114 {offsets = [5], sizes = [1], strides = [1]} : vector<16xi32> to vector<1xi32>
      %squeeze3A_124 = vector.extract %slice3A_123[0] : i32 from vector<1xi32>
      %slice3A_125 = vector.extract_strided_slice %get3A_114 {offsets = [6], sizes = [1], strides = [1]} : vector<16xi32> to vector<1xi32>
      %squeeze3A_126 = vector.extract %slice3A_125[0] : i32 from vector<1xi32>
      %slice3A_127 = vector.extract_strided_slice %get3A_114 {offsets = [7], sizes = [1], strides = [1]} : vector<16xi32> to vector<1xi32>
      %squeeze3A_128 = vector.extract %slice3A_127[0] : i32 from vector<1xi32>
      %slice3A_129 = vector.extract_strided_slice %get3A_114 {offsets = [8], sizes = [1], strides = [1]} : vector<16xi32> to vector<1xi32>
      %squeeze3A_130 = vector.extract %slice3A_129[0] : i32 from vector<1xi32>
      %slice3A_131 = vector.extract_strided_slice %get3A_114 {offsets = [9], sizes = [1], strides = [1]} : vector<16xi32> to vector<1xi32>
      %squeeze3A_132 = vector.extract %slice3A_131[0] : i32 from vector<1xi32>
      %slice3A_133 = vector.extract_strided_slice %get3A_114 {offsets = [10], sizes = [1], strides = [1]} : vector<16xi32> to vector<1xi32>
      %squeeze3A_134 = vector.extract %slice3A_133[0] : i32 from vector<1xi32>
      %slice3A_135 = vector.extract_strided_slice %get3A_114 {offsets = [11], sizes = [1], strides = [1]} : vector<16xi32> to vector<1xi32>
      %squeeze3A_136 = vector.extract %slice3A_135[0] : i32 from vector<1xi32>
      %slice3A_137 = vector.extract_strided_slice %get3A_114 {offsets = [12], sizes = [1], strides = [1]} : vector<16xi32> to vector<1xi32>
      %squeeze3A_138 = vector.extract %slice3A_137[0] : i32 from vector<1xi32>
      %slice3A_139 = vector.extract_strided_slice %get3A_114 {offsets = [13], sizes = [1], strides = [1]} : vector<16xi32> to vector<1xi32>
      %squeeze3A_140 = vector.extract %slice3A_139[0] : i32 from vector<1xi32>
      %slice3A_141 = vector.extract_strided_slice %get3A_114 {offsets = [14], sizes = [1], strides = [1]} : vector<16xi32> to vector<1xi32>
      %squeeze3A_142 = vector.extract %slice3A_141[0] : i32 from vector<1xi32>
      %slice3A_143 = vector.extract_strided_slice %get3A_114 {offsets = [15], sizes = [1], strides = [1]} : vector<16xi32> to vector<1xi32>
      %squeeze3A_144 = vector.extract %slice3A_143[0] : i32 from vector<1xi32>
      %shift_right_arithmetic3A = arith.constant 7 : i32
      %shift_right_arithmetic3A_145 = arith.shrsi %squeeze3A, %shift_right_arithmetic3A : i32
      %mul3A_146 = arith.constant 128 : i32
      %mul3A_147 = arith.muli %shift_right_arithmetic3A_145, %mul3A_146 : i32
      %multiple_of3A = tpu.assume_multiple %mul3A_147, 128 : i32
      %dma_start3A = arith.constant 0 : i32
      %dma_start3A_148 = arith.constant 0 : i32
      %dma_start3A_149 = arith.constant 0 : i32
      %dma_start3A_150 = tpu.memref_slice %arg10[%dma_start3A, %dma_start3A_148, %dma_start3A_149] : memref<16x32x128xf32, #tpu.memory_space<vmem>> -> memref<1x32x128xf32, #tpu.memory_space<vmem>>
      %dma_start3A_151 = tpu.memref_squeeze %dma_start3A_150 : memref<1x32x128xf32, #tpu.memory_space<vmem>> -> memref<32x128xf32, #tpu.memory_space<vmem>>
      %dma_start3A_152 = arith.constant 0 : i32
      %dma_start3A_153 = tpu.memref_slice %arg4[%dma_start3A_152, %multiple_of3A] : memref<32x1000000xf32, #tpu.memory_space<hbm>> -> memref<32x128xf32, #tpu.memory_space<hbm>>
      %dma_start3A_154 = arith.constant 0 : i32
      %dma_start3A_155 = arith.constant 0 : i32
      %dma_start3A_156 = tpu.memref_slice %arg10[%dma_start3A, %dma_start3A_154, %dma_start3A_155] : memref<16x32x128xf32, #tpu.memory_space<vmem>> -> memref<1x32x128xf32, #tpu.memory_space<vmem>>
      %dma_start3A_157 = tpu.memref_squeeze %dma_start3A_156 : memref<1x32x128xf32, #tpu.memory_space<vmem>> -> memref<32x128xf32, #tpu.memory_space<vmem>>
      %dma_start3A_158 = arith.constant 0 : i32
      %dma_start3A_159 = tpu.memref_slice %arg4[%dma_start3A_158, %multiple_of3A] : memref<32x1000000xf32, #tpu.memory_space<hbm>> -> memref<32x128xf32, #tpu.memory_space<hbm>>
      tpu.enqueue_dma source(%dma_start3A_159 : memref<32x128xf32, #tpu.memory_space<hbm>>) target(%dma_start3A_157 : memref<32x128xf32, #tpu.memory_space<vmem>>) target_semaphore(%arg15 : memref<!tpu.dma_semaphore, #tpu.memory_space<semaphore_mem>>)
      %shift_right_arithmetic3A_160 = arith.constant 7 : i32
      %shift_right_arithmetic3A_161 = arith.shrsi %squeeze3A_116, %shift_right_arithmetic3A_160 : i32
      %mul3A_162 = arith.constant 128 : i32
      %mul3A_163 = arith.muli %shift_right_arithmetic3A_161, %mul3A_162 : i32
      %multiple_of3A_164 = tpu.assume_multiple %mul3A_163, 128 : i32
      %dma_start3A_165 = arith.constant 1 : i32
      %dma_start3A_166 = arith.constant 0 : i32
      %dma_start3A_167 = arith.constant 0 : i32
      %dma_start3A_168 = tpu.memref_slice %arg10[%dma_start3A_165, %dma_start3A_166, %dma_start3A_167] : memref<16x32x128xf32, #tpu.memory_space<vmem>> -> memref<1x32x128xf32, #tpu.memory_space<vmem>>
      %dma_start3A_169 = tpu.memref_squeeze %dma_start3A_168 : memref<1x32x128xf32, #tpu.memory_space<vmem>> -> memref<32x128xf32, #tpu.memory_space<vmem>>
      %dma_start3A_170 = arith.constant 0 : i32
      %dma_start3A_171 = tpu.memref_slice %arg4[%dma_start3A_170, %multiple_of3A_164] : memref<32x1000000xf32, #tpu.memory_space<hbm>> -> memref<32x128xf32, #tpu.memory_space<hbm>>
      %dma_start3A_172 = arith.constant 0 : i32
      %dma_start3A_173 = arith.constant 0 : i32
      %dma_start3A_174 = tpu.memref_slice %arg10[%dma_start3A_165, %dma_start3A_172, %dma_start3A_173] : memref<16x32x128xf32, #tpu.memory_space<vmem>> -> memref<1x32x128xf32, #tpu.memory_space<vmem>>
      %dma_start3A_175 = tpu.memref_squeeze %dma_start3A_174 : memref<1x32x128xf32, #tpu.memory_space<vmem>> -> memref<32x128xf32, #tpu.memory_space<vmem>>
      %dma_start3A_176 = arith.constant 0 : i32
      %dma_start3A_177 = tpu.memref_slice %arg4[%dma_start3A_176, %multiple_of3A_164] : memref<32x1000000xf32, #tpu.memory_space<hbm>> -> memref<32x128xf32, #tpu.memory_space<hbm>>
      tpu.enqueue_dma source(%dma_start3A_177 : memref<32x128xf32, #tpu.memory_space<hbm>>) target(%dma_start3A_175 : memref<32x128xf32, #tpu.memory_space<vmem>>) target_semaphore(%arg15 : memref<!tpu.dma_semaphore, #tpu.memory_space<semaphore_mem>>)
      %shift_right_arithmetic3A_178 = arith.constant 7 : i32
      %shift_right_arithmetic3A_179 = arith.shrsi %squeeze3A_118, %shift_right_arithmetic3A_178 : i32
      %mul3A_180 = arith.constant 128 : i32
      %mul3A_181 = arith.muli %shift_right_arithmetic3A_179, %mul3A_180 : i32
      %multiple_of3A_182 = tpu.assume_multiple %mul3A_181, 128 : i32
      %dma_start3A_183 = arith.constant 2 : i32
      %dma_start3A_184 = arith.constant 0 : i32
      %dma_start3A_185 = arith.constant 0 : i32
      %dma_start3A_186 = tpu.memref_slice %arg10[%dma_start3A_183, %dma_start3A_184, %dma_start3A_185] : memref<16x32x128xf32, #tpu.memory_space<vmem>> -> memref<1x32x128xf32, #tpu.memory_space<vmem>>
      %dma_start3A_187 = tpu.memref_squeeze %dma_start3A_186 : memref<1x32x128xf32, #tpu.memory_space<vmem>> -> memref<32x128xf32, #tpu.memory_space<vmem>>
      %dma_start3A_188 = arith.constant 0 : i32
      %dma_start3A_189 = tpu.memref_slice %arg4[%dma_start3A_188, %multiple_of3A_182] : memref<32x1000000xf32, #tpu.memory_space<hbm>> -> memref<32x128xf32, #tpu.memory_space<hbm>>
      %dma_start3A_190 = arith.constant 0 : i32
      %dma_start3A_191 = arith.constant 0 : i32
      %dma_start3A_192 = tpu.memref_slice %arg10[%dma_start3A_183, %dma_start3A_190, %dma_start3A_191] : memref<16x32x128xf32, #tpu.memory_space<vmem>> -> memref<1x32x128xf32, #tpu.memory_space<vmem>>
      %dma_start3A_193 = tpu.memref_squeeze %dma_start3A_192 : memref<1x32x128xf32, #tpu.memory_space<vmem>> -> memref<32x128xf32, #tpu.memory_space<vmem>>
      %dma_start3A_194 = arith.constant 0 : i32
      %dma_start3A_195 = tpu.memref_slice %arg4[%dma_start3A_194, %multiple_of3A_182] : memref<32x1000000xf32, #tpu.memory_space<hbm>> -> memref<32x128xf32, #tpu.memory_space<hbm>>
      tpu.enqueue_dma source(%dma_start3A_195 : memref<32x128xf32, #tpu.memory_space<hbm>>) target(%dma_start3A_193 : memref<32x128xf32, #tpu.memory_space<vmem>>) target_semaphore(%arg15 : memref<!tpu.dma_semaphore, #tpu.memory_space<semaphore_mem>>)
      %shift_right_arithmetic3A_196 = arith.constant 7 : i32
      %shift_right_arithmetic3A_197 = arith.shrsi %squeeze3A_120, %shift_right_arithmetic3A_196 : i32
      %mul3A_198 = arith.constant 128 : i32
      %mul3A_199 = arith.muli %shift_right_arithmetic3A_197, %mul3A_198 : i32
      %multiple_of3A_200 = tpu.assume_multiple %mul3A_199, 128 : i32
      %dma_start3A_201 = arith.constant 3 : i32
      %dma_start3A_202 = arith.constant 0 : i32
      %dma_start3A_203 = arith.constant 0 : i32
      %dma_start3A_204 = tpu.memref_slice %arg10[%dma_start3A_201, %dma_start3A_202, %dma_start3A_203] : memref<16x32x128xf32, #tpu.memory_space<vmem>> -> memref<1x32x128xf32, #tpu.memory_space<vmem>>
      %dma_start3A_205 = tpu.memref_squeeze %dma_start3A_204 : memref<1x32x128xf32, #tpu.memory_space<vmem>> -> memref<32x128xf32, #tpu.memory_space<vmem>>
      %dma_start3A_206 = arith.constant 0 : i32
      %dma_start3A_207 = tpu.memref_slice %arg4[%dma_start3A_206, %multiple_of3A_200] : memref<32x1000000xf32, #tpu.memory_space<hbm>> -> memref<32x128xf32, #tpu.memory_space<hbm>>
      %dma_start3A_208 = arith.constant 0 : i32
      %dma_start3A_209 = arith.constant 0 : i32
      %dma_start3A_210 = tpu.memref_slice %arg10[%dma_start3A_201, %dma_start3A_208, %dma_start3A_209] : memref<16x32x128xf32, #tpu.memory_space<vmem>> -> memref<1x32x128xf32, #tpu.memory_space<vmem>>
      %dma_start3A_211 = tpu.memref_squeeze %dma_start3A_210 : memref<1x32x128xf32, #tpu.memory_space<vmem>> -> memref<32x128xf32, #tpu.memory_space<vmem>>
      %dma_start3A_212 = arith.constant 0 : i32
      %dma_start3A_213 = tpu.memref_slice %arg4[%dma_start3A_212, %multiple_of3A_200] : memref<32x1000000xf32, #tpu.memory_space<hbm>> -> memref<32x128xf32, #tpu.memory_space<hbm>>
      tpu.enqueue_dma source(%dma_start3A_213 : memref<32x128xf32, #tpu.memory_space<hbm>>) target(%dma_start3A_211 : memref<32x128xf32, #tpu.memory_space<vmem>>) target_semaphore(%arg15 : memref<!tpu.dma_semaphore, #tpu.memory_space<semaphore_mem>>)
      %shift_right_arithmetic3A_214 = arith.constant 7 : i32
      %shift_right_arithmetic3A_215 = arith.shrsi %squeeze3A_122, %shift_right_arithmetic3A_214 : i32
      %mul3A_216 = arith.constant 128 : i32
      %mul3A_217 = arith.muli %shift_right_arithmetic3A_215, %mul3A_216 : i32
      %multiple_of3A_218 = tpu.assume_multiple %mul3A_217, 128 : i32
      %dma_start3A_219 = arith.constant 4 : i32
      %dma_start3A_220 = arith.constant 0 : i32
      %dma_start3A_221 = arith.constant 0 : i32
      %dma_start3A_222 = tpu.memref_slice %arg10[%dma_start3A_219, %dma_start3A_220, %dma_start3A_221] : memref<16x32x128xf32, #tpu.memory_space<vmem>> -> memref<1x32x128xf32, #tpu.memory_space<vmem>>
      %dma_start3A_223 = tpu.memref_squeeze %dma_start3A_222 : memref<1x32x128xf32, #tpu.memory_space<vmem>> -> memref<32x128xf32, #tpu.memory_space<vmem>>
      %dma_start3A_224 = arith.constant 0 : i32
      %dma_start3A_225 = tpu.memref_slice %arg4[%dma_start3A_224, %multiple_of3A_218] : memref<32x1000000xf32, #tpu.memory_space<hbm>> -> memref<32x128xf32, #tpu.memory_space<hbm>>
      %dma_start3A_226 = arith.constant 0 : i32
      %dma_start3A_227 = arith.constant 0 : i32
      %dma_start3A_228 = tpu.memref_slice %arg10[%dma_start3A_219, %dma_start3A_226, %dma_start3A_227] : memref<16x32x128xf32, #tpu.memory_space<vmem>> -> memref<1x32x128xf32, #tpu.memory_space<vmem>>
      %dma_start3A_229 = tpu.memref_squeeze %dma_start3A_228 : memref<1x32x128xf32, #tpu.memory_space<vmem>> -> memref<32x128xf32, #tpu.memory_space<vmem>>
      %dma_start3A_230 = arith.constant 0 : i32
      %dma_start3A_231 = tpu.memref_slice %arg4[%dma_start3A_230, %multiple_of3A_218] : memref<32x1000000xf32, #tpu.memory_space<hbm>> -> memref<32x128xf32, #tpu.memory_space<hbm>>
      tpu.enqueue_dma source(%dma_start3A_231 : memref<32x128xf32, #tpu.memory_space<hbm>>) target(%dma_start3A_229 : memref<32x128xf32, #tpu.memory_space<vmem>>) target_semaphore(%arg15 : memref<!tpu.dma_semaphore, #tpu.memory_space<semaphore_mem>>)
      %shift_right_arithmetic3A_232 = arith.constant 7 : i32
      %shift_right_arithmetic3A_233 = arith.shrsi %squeeze3A_124, %shift_right_arithmetic3A_232 : i32
      %mul3A_234 = arith.constant 128 : i32
      %mul3A_235 = arith.muli %shift_right_arithmetic3A_233, %mul3A_234 : i32
      %multiple_of3A_236 = tpu.assume_multiple %mul3A_235, 128 : i32
      %dma_start3A_237 = arith.constant 5 : i32
      %dma_start3A_238 = arith.constant 0 : i32
      %dma_start3A_239 = arith.constant 0 : i32
      %dma_start3A_240 = tpu.memref_slice %arg10[%dma_start3A_237, %dma_start3A_238, %dma_start3A_239] : memref<16x32x128xf32, #tpu.memory_space<vmem>> -> memref<1x32x128xf32, #tpu.memory_space<vmem>>
      %dma_start3A_241 = tpu.memref_squeeze %dma_start3A_240 : memref<1x32x128xf32, #tpu.memory_space<vmem>> -> memref<32x128xf32, #tpu.memory_space<vmem>>
      %dma_start3A_242 = arith.constant 0 : i32
      %dma_start3A_243 = tpu.memref_slice %arg4[%dma_start3A_242, %multiple_of3A_236] : memref<32x1000000xf32, #tpu.memory_space<hbm>> -> memref<32x128xf32, #tpu.memory_space<hbm>>
      %dma_start3A_244 = arith.constant 0 : i32
      %dma_start3A_245 = arith.constant 0 : i32
      %dma_start3A_246 = tpu.memref_slice %arg10[%dma_start3A_237, %dma_start3A_244, %dma_start3A_245] : memref<16x32x128xf32, #tpu.memory_space<vmem>> -> memref<1x32x128xf32, #tpu.memory_space<vmem>>
      %dma_start3A_247 = tpu.memref_squeeze %dma_start3A_246 : memref<1x32x128xf32, #tpu.memory_space<vmem>> -> memref<32x128xf32, #tpu.memory_space<vmem>>
      %dma_start3A_248 = arith.constant 0 : i32
      %dma_start3A_249 = tpu.memref_slice %arg4[%dma_start3A_248, %multiple_of3A_236] : memref<32x1000000xf32, #tpu.memory_space<hbm>> -> memref<32x128xf32, #tpu.memory_space<hbm>>
      tpu.enqueue_dma source(%dma_start3A_249 : memref<32x128xf32, #tpu.memory_space<hbm>>) target(%dma_start3A_247 : memref<32x128xf32, #tpu.memory_space<vmem>>) target_semaphore(%arg15 : memref<!tpu.dma_semaphore, #tpu.memory_space<semaphore_mem>>)
      %shift_right_arithmetic3A_250 = arith.constant 7 : i32
      %shift_right_arithmetic3A_251 = arith.shrsi %squeeze3A_126, %shift_right_arithmetic3A_250 : i32
      %mul3A_252 = arith.constant 128 : i32
      %mul3A_253 = arith.muli %shift_right_arithmetic3A_251, %mul3A_252 : i32
      %multiple_of3A_254 = tpu.assume_multiple %mul3A_253, 128 : i32
      %dma_start3A_255 = arith.constant 6 : i32
      %dma_start3A_256 = arith.constant 0 : i32
      %dma_start3A_257 = arith.constant 0 : i32
      %dma_start3A_258 = tpu.memref_slice %arg10[%dma_start3A_255, %dma_start3A_256, %dma_start3A_257] : memref<16x32x128xf32, #tpu.memory_space<vmem>> -> memref<1x32x128xf32, #tpu.memory_space<vmem>>
      %dma_start3A_259 = tpu.memref_squeeze %dma_start3A_258 : memref<1x32x128xf32, #tpu.memory_space<vmem>> -> memref<32x128xf32, #tpu.memory_space<vmem>>
      %dma_start3A_260 = arith.constant 0 : i32
      %dma_start3A_261 = tpu.memref_slice %arg4[%dma_start3A_260, %multiple_of3A_254] : memref<32x1000000xf32, #tpu.memory_space<hbm>> -> memref<32x128xf32, #tpu.memory_space<hbm>>
      %dma_start3A_262 = arith.constant 0 : i32
      %dma_start3A_263 = arith.constant 0 : i32
      %dma_start3A_264 = tpu.memref_slice %arg10[%dma_start3A_255, %dma_start3A_262, %dma_start3A_263] : memref<16x32x128xf32, #tpu.memory_space<vmem>> -> memref<1x32x128xf32, #tpu.memory_space<vmem>>
      %dma_start3A_265 = tpu.memref_squeeze %dma_start3A_264 : memref<1x32x128xf32, #tpu.memory_space<vmem>> -> memref<32x128xf32, #tpu.memory_space<vmem>>
      %dma_start3A_266 = arith.constant 0 : i32
      %dma_start3A_267 = tpu.memref_slice %arg4[%dma_start3A_266, %multiple_of3A_254] : memref<32x1000000xf32, #tpu.memory_space<hbm>> -> memref<32x128xf32, #tpu.memory_space<hbm>>
      tpu.enqueue_dma source(%dma_start3A_267 : memref<32x128xf32, #tpu.memory_space<hbm>>) target(%dma_start3A_265 : memref<32x128xf32, #tpu.memory_space<vmem>>) target_semaphore(%arg15 : memref<!tpu.dma_semaphore, #tpu.memory_space<semaphore_mem>>)
      %shift_right_arithmetic3A_268 = arith.constant 7 : i32
      %shift_right_arithmetic3A_269 = arith.shrsi %squeeze3A_128, %shift_right_arithmetic3A_268 : i32
      %mul3A_270 = arith.constant 128 : i32
      %mul3A_271 = arith.muli %shift_right_arithmetic3A_269, %mul3A_270 : i32
      %multiple_of3A_272 = tpu.assume_multiple %mul3A_271, 128 : i32
      %dma_start3A_273 = arith.constant 7 : i32
      %dma_start3A_274 = arith.constant 0 : i32
      %dma_start3A_275 = arith.constant 0 : i32
      %dma_start3A_276 = tpu.memref_slice %arg10[%dma_start3A_273, %dma_start3A_274, %dma_start3A_275] : memref<16x32x128xf32, #tpu.memory_space<vmem>> -> memref<1x32x128xf32, #tpu.memory_space<vmem>>
      %dma_start3A_277 = tpu.memref_squeeze %dma_start3A_276 : memref<1x32x128xf32, #tpu.memory_space<vmem>> -> memref<32x128xf32, #tpu.memory_space<vmem>>
      %dma_start3A_278 = arith.constant 0 : i32
      %dma_start3A_279 = tpu.memref_slice %arg4[%dma_start3A_278, %multiple_of3A_272] : memref<32x1000000xf32, #tpu.memory_space<hbm>> -> memref<32x128xf32, #tpu.memory_space<hbm>>
      %dma_start3A_280 = arith.constant 0 : i32
      %dma_start3A_281 = arith.constant 0 : i32
      %dma_start3A_282 = tpu.memref_slice %arg10[%dma_start3A_273, %dma_start3A_280, %dma_start3A_281] : memref<16x32x128xf32, #tpu.memory_space<vmem>> -> memref<1x32x128xf32, #tpu.memory_space<vmem>>
      %dma_start3A_283 = tpu.memref_squeeze %dma_start3A_282 : memref<1x32x128xf32, #tpu.memory_space<vmem>> -> memref<32x128xf32, #tpu.memory_space<vmem>>
      %dma_start3A_284 = arith.constant 0 : i32
      %dma_start3A_285 = tpu.memref_slice %arg4[%dma_start3A_284, %multiple_of3A_272] : memref<32x1000000xf32, #tpu.memory_space<hbm>> -> memref<32x128xf32, #tpu.memory_space<hbm>>
      tpu.enqueue_dma source(%dma_start3A_285 : memref<32x128xf32, #tpu.memory_space<hbm>>) target(%dma_start3A_283 : memref<32x128xf32, #tpu.memory_space<vmem>>) target_semaphore(%arg15 : memref<!tpu.dma_semaphore, #tpu.memory_space<semaphore_mem>>)
      %shift_right_arithmetic3A_286 = arith.constant 7 : i32
      %shift_right_arithmetic3A_287 = arith.shrsi %squeeze3A_130, %shift_right_arithmetic3A_286 : i32
      %mul3A_288 = arith.constant 128 : i32
      %mul3A_289 = arith.muli %shift_right_arithmetic3A_287, %mul3A_288 : i32
      %multiple_of3A_290 = tpu.assume_multiple %mul3A_289, 128 : i32
      %dma_start3A_291 = arith.constant 8 : i32
      %dma_start3A_292 = arith.constant 0 : i32
      %dma_start3A_293 = arith.constant 0 : i32
      %dma_start3A_294 = tpu.memref_slice %arg10[%dma_start3A_291, %dma_start3A_292, %dma_start3A_293] : memref<16x32x128xf32, #tpu.memory_space<vmem>> -> memref<1x32x128xf32, #tpu.memory_space<vmem>>
      %dma_start3A_295 = tpu.memref_squeeze %dma_start3A_294 : memref<1x32x128xf32, #tpu.memory_space<vmem>> -> memref<32x128xf32, #tpu.memory_space<vmem>>
      %dma_start3A_296 = arith.constant 0 : i32
      %dma_start3A_297 = tpu.memref_slice %arg4[%dma_start3A_296, %multiple_of3A_290] : memref<32x1000000xf32, #tpu.memory_space<hbm>> -> memref<32x128xf32, #tpu.memory_space<hbm>>
      %dma_start3A_298 = arith.constant 0 : i32
      %dma_start3A_299 = arith.constant 0 : i32
      %dma_start3A_300 = tpu.memref_slice %arg10[%dma_start3A_291, %dma_start3A_298, %dma_start3A_299] : memref<16x32x128xf32, #tpu.memory_space<vmem>> -> memref<1x32x128xf32, #tpu.memory_space<vmem>>
      %dma_start3A_301 = tpu.memref_squeeze %dma_start3A_300 : memref<1x32x128xf32, #tpu.memory_space<vmem>> -> memref<32x128xf32, #tpu.memory_space<vmem>>
      %dma_start3A_302 = arith.constant 0 : i32
      %dma_start3A_303 = tpu.memref_slice %arg4[%dma_start3A_302, %multiple_of3A_290] : memref<32x1000000xf32, #tpu.memory_space<hbm>> -> memref<32x128xf32, #tpu.memory_space<hbm>>
      tpu.enqueue_dma source(%dma_start3A_303 : memref<32x128xf32, #tpu.memory_space<hbm>>) target(%dma_start3A_301 : memref<32x128xf32, #tpu.memory_space<vmem>>) target_semaphore(%arg15 : memref<!tpu.dma_semaphore, #tpu.memory_space<semaphore_mem>>)
      %shift_right_arithmetic3A_304 = arith.constant 7 : i32
      %shift_right_arithmetic3A_305 = arith.shrsi %squeeze3A_132, %shift_right_arithmetic3A_304 : i32
      %mul3A_306 = arith.constant 128 : i32
      %mul3A_307 = arith.muli %shift_right_arithmetic3A_305, %mul3A_306 : i32
      %multiple_of3A_308 = tpu.assume_multiple %mul3A_307, 128 : i32
      %dma_start3A_309 = arith.constant 9 : i32
      %dma_start3A_310 = arith.constant 0 : i32
      %dma_start3A_311 = arith.constant 0 : i32
      %dma_start3A_312 = tpu.memref_slice %arg10[%dma_start3A_309, %dma_start3A_310, %dma_start3A_311] : memref<16x32x128xf32, #tpu.memory_space<vmem>> -> memref<1x32x128xf32, #tpu.memory_space<vmem>>
      %dma_start3A_313 = tpu.memref_squeeze %dma_start3A_312 : memref<1x32x128xf32, #tpu.memory_space<vmem>> -> memref<32x128xf32, #tpu.memory_space<vmem>>
      %dma_start3A_314 = arith.constant 0 : i32
      %dma_start3A_315 = tpu.memref_slice %arg4[%dma_start3A_314, %multiple_of3A_308] : memref<32x1000000xf32, #tpu.memory_space<hbm>> -> memref<32x128xf32, #tpu.memory_space<hbm>>
      %dma_start3A_316 = arith.constant 0 : i32
      %dma_start3A_317 = arith.constant 0 : i32
      %dma_start3A_318 = tpu.memref_slice %arg10[%dma_start3A_309, %dma_start3A_316, %dma_start3A_317] : memref<16x32x128xf32, #tpu.memory_space<vmem>> -> memref<1x32x128xf32, #tpu.memory_space<vmem>>
      %dma_start3A_319 = tpu.memref_squeeze %dma_start3A_318 : memref<1x32x128xf32, #tpu.memory_space<vmem>> -> memref<32x128xf32, #tpu.memory_space<vmem>>
      %dma_start3A_320 = arith.constant 0 : i32
      %dma_start3A_321 = tpu.memref_slice %arg4[%dma_start3A_320, %multiple_of3A_308] : memref<32x1000000xf32, #tpu.memory_space<hbm>> -> memref<32x128xf32, #tpu.memory_space<hbm>>
      tpu.enqueue_dma source(%dma_start3A_321 : memref<32x128xf32, #tpu.memory_space<hbm>>) target(%dma_start3A_319 : memref<32x128xf32, #tpu.memory_space<vmem>>) target_semaphore(%arg15 : memref<!tpu.dma_semaphore, #tpu.memory_space<semaphore_mem>>)
      %shift_right_arithmetic3A_322 = arith.constant 7 : i32
      %shift_right_arithmetic3A_323 = arith.shrsi %squeeze3A_134, %shift_right_arithmetic3A_322 : i32
      %mul3A_324 = arith.constant 128 : i32
      %mul3A_325 = arith.muli %shift_right_arithmetic3A_323, %mul3A_324 : i32
      %multiple_of3A_326 = tpu.assume_multiple %mul3A_325, 128 : i32
      %dma_start3A_327 = arith.constant 10 : i32
      %dma_start3A_328 = arith.constant 0 : i32
      %dma_start3A_329 = arith.constant 0 : i32
      %dma_start3A_330 = tpu.memref_slice %arg10[%dma_start3A_327, %dma_start3A_328, %dma_start3A_329] : memref<16x32x128xf32, #tpu.memory_space<vmem>> -> memref<1x32x128xf32, #tpu.memory_space<vmem>>
      %dma_start3A_331 = tpu.memref_squeeze %dma_start3A_330 : memref<1x32x128xf32, #tpu.memory_space<vmem>> -> memref<32x128xf32, #tpu.memory_space<vmem>>
      %dma_start3A_332 = arith.constant 0 : i32
      %dma_start3A_333 = tpu.memref_slice %arg4[%dma_start3A_332, %multiple_of3A_326] : memref<32x1000000xf32, #tpu.memory_space<hbm>> -> memref<32x128xf32, #tpu.memory_space<hbm>>
      %dma_start3A_334 = arith.constant 0 : i32
      %dma_start3A_335 = arith.constant 0 : i32
      %dma_start3A_336 = tpu.memref_slice %arg10[%dma_start3A_327, %dma_start3A_334, %dma_start3A_335] : memref<16x32x128xf32, #tpu.memory_space<vmem>> -> memref<1x32x128xf32, #tpu.memory_space<vmem>>
      %dma_start3A_337 = tpu.memref_squeeze %dma_start3A_336 : memref<1x32x128xf32, #tpu.memory_space<vmem>> -> memref<32x128xf32, #tpu.memory_space<vmem>>
      %dma_start3A_338 = arith.constant 0 : i32
      %dma_start3A_339 = tpu.memref_slice %arg4[%dma_start3A_338, %multiple_of3A_326] : memref<32x1000000xf32, #tpu.memory_space<hbm>> -> memref<32x128xf32, #tpu.memory_space<hbm>>
      tpu.enqueue_dma source(%dma_start3A_339 : memref<32x128xf32, #tpu.memory_space<hbm>>) target(%dma_start3A_337 : memref<32x128xf32, #tpu.memory_space<vmem>>) target_semaphore(%arg15 : memref<!tpu.dma_semaphore, #tpu.memory_space<semaphore_mem>>)
      %shift_right_arithmetic3A_340 = arith.constant 7 : i32
      %shift_right_arithmetic3A_341 = arith.shrsi %squeeze3A_136, %shift_right_arithmetic3A_340 : i32
      %mul3A_342 = arith.constant 128 : i32
      %mul3A_343 = arith.muli %shift_right_arithmetic3A_341, %mul3A_342 : i32
      %multiple_of3A_344 = tpu.assume_multiple %mul3A_343, 128 : i32
      %dma_start3A_345 = arith.constant 11 : i32
      %dma_start3A_346 = arith.constant 0 : i32
      %dma_start3A_347 = arith.constant 0 : i32
      %dma_start3A_348 = tpu.memref_slice %arg10[%dma_start3A_345, %dma_start3A_346, %dma_start3A_347] : memref<16x32x128xf32, #tpu.memory_space<vmem>> -> memref<1x32x128xf32, #tpu.memory_space<vmem>>
      %dma_start3A_349 = tpu.memref_squeeze %dma_start3A_348 : memref<1x32x128xf32, #tpu.memory_space<vmem>> -> memref<32x128xf32, #tpu.memory_space<vmem>>
      %dma_start3A_350 = arith.constant 0 : i32
      %dma_start3A_351 = tpu.memref_slice %arg4[%dma_start3A_350, %multiple_of3A_344] : memref<32x1000000xf32, #tpu.memory_space<hbm>> -> memref<32x128xf32, #tpu.memory_space<hbm>>
      %dma_start3A_352 = arith.constant 0 : i32
      %dma_start3A_353 = arith.constant 0 : i32
      %dma_start3A_354 = tpu.memref_slice %arg10[%dma_start3A_345, %dma_start3A_352, %dma_start3A_353] : memref<16x32x128xf32, #tpu.memory_space<vmem>> -> memref<1x32x128xf32, #tpu.memory_space<vmem>>
      %dma_start3A_355 = tpu.memref_squeeze %dma_start3A_354 : memref<1x32x128xf32, #tpu.memory_space<vmem>> -> memref<32x128xf32, #tpu.memory_space<vmem>>
      %dma_start3A_356 = arith.constant 0 : i32
      %dma_start3A_357 = tpu.memref_slice %arg4[%dma_start3A_356, %multiple_of3A_344] : memref<32x1000000xf32, #tpu.memory_space<hbm>> -> memref<32x128xf32, #tpu.memory_space<hbm>>
      tpu.enqueue_dma source(%dma_start3A_357 : memref<32x128xf32, #tpu.memory_space<hbm>>) target(%dma_start3A_355 : memref<32x128xf32, #tpu.memory_space<vmem>>) target_semaphore(%arg15 : memref<!tpu.dma_semaphore, #tpu.memory_space<semaphore_mem>>)
      %shift_right_arithmetic3A_358 = arith.constant 7 : i32
      %shift_right_arithmetic3A_359 = arith.shrsi %squeeze3A_138, %shift_right_arithmetic3A_358 : i32
      %mul3A_360 = arith.constant 128 : i32
      %mul3A_361 = arith.muli %shift_right_arithmetic3A_359, %mul3A_360 : i32
      %multiple_of3A_362 = tpu.assume_multiple %mul3A_361, 128 : i32
      %dma_start3A_363 = arith.constant 12 : i32
      %dma_start3A_364 = arith.constant 0 : i32
      %dma_start3A_365 = arith.constant 0 : i32
      %dma_start3A_366 = tpu.memref_slice %arg10[%dma_start3A_363, %dma_start3A_364, %dma_start3A_365] : memref<16x32x128xf32, #tpu.memory_space<vmem>> -> memref<1x32x128xf32, #tpu.memory_space<vmem>>
      %dma_start3A_367 = tpu.memref_squeeze %dma_start3A_366 : memref<1x32x128xf32, #tpu.memory_space<vmem>> -> memref<32x128xf32, #tpu.memory_space<vmem>>
      %dma_start3A_368 = arith.constant 0 : i32
      %dma_start3A_369 = tpu.memref_slice %arg4[%dma_start3A_368, %multiple_of3A_362] : memref<32x1000000xf32, #tpu.memory_space<hbm>> -> memref<32x128xf32, #tpu.memory_space<hbm>>
      %dma_start3A_370 = arith.constant 0 : i32
      %dma_start3A_371 = arith.constant 0 : i32
      %dma_start3A_372 = tpu.memref_slice %arg10[%dma_start3A_363, %dma_start3A_370, %dma_start3A_371] : memref<16x32x128xf32, #tpu.memory_space<vmem>> -> memref<1x32x128xf32, #tpu.memory_space<vmem>>
      %dma_start3A_373 = tpu.memref_squeeze %dma_start3A_372 : memref<1x32x128xf32, #tpu.memory_space<vmem>> -> memref<32x128xf32, #tpu.memory_space<vmem>>
      %dma_start3A_374 = arith.constant 0 : i32
      %dma_start3A_375 = tpu.memref_slice %arg4[%dma_start3A_374, %multiple_of3A_362] : memref<32x1000000xf32, #tpu.memory_space<hbm>> -> memref<32x128xf32, #tpu.memory_space<hbm>>
      tpu.enqueue_dma source(%dma_start3A_375 : memref<32x128xf32, #tpu.memory_space<hbm>>) target(%dma_start3A_373 : memref<32x128xf32, #tpu.memory_space<vmem>>) target_semaphore(%arg15 : memref<!tpu.dma_semaphore, #tpu.memory_space<semaphore_mem>>)
      %shift_right_arithmetic3A_376 = arith.constant 7 : i32
      %shift_right_arithmetic3A_377 = arith.shrsi %squeeze3A_140, %shift_right_arithmetic3A_376 : i32
      %mul3A_378 = arith.constant 128 : i32
      %mul3A_379 = arith.muli %shift_right_arithmetic3A_377, %mul3A_378 : i32
      %multiple_of3A_380 = tpu.assume_multiple %mul3A_379, 128 : i32
      %dma_start3A_381 = arith.constant 13 : i32
      %dma_start3A_382 = arith.constant 0 : i32
      %dma_start3A_383 = arith.constant 0 : i32
      %dma_start3A_384 = tpu.memref_slice %arg10[%dma_start3A_381, %dma_start3A_382, %dma_start3A_383] : memref<16x32x128xf32, #tpu.memory_space<vmem>> -> memref<1x32x128xf32, #tpu.memory_space<vmem>>
      %dma_start3A_385 = tpu.memref_squeeze %dma_start3A_384 : memref<1x32x128xf32, #tpu.memory_space<vmem>> -> memref<32x128xf32, #tpu.memory_space<vmem>>
      %dma_start3A_386 = arith.constant 0 : i32
      %dma_start3A_387 = tpu.memref_slice %arg4[%dma_start3A_386, %multiple_of3A_380] : memref<32x1000000xf32, #tpu.memory_space<hbm>> -> memref<32x128xf32, #tpu.memory_space<hbm>>
      %dma_start3A_388 = arith.constant 0 : i32
      %dma_start3A_389 = arith.constant 0 : i32
      %dma_start3A_390 = tpu.memref_slice %arg10[%dma_start3A_381, %dma_start3A_388, %dma_start3A_389] : memref<16x32x128xf32, #tpu.memory_space<vmem>> -> memref<1x32x128xf32, #tpu.memory_space<vmem>>
      %dma_start3A_391 = tpu.memref_squeeze %dma_start3A_390 : memref<1x32x128xf32, #tpu.memory_space<vmem>> -> memref<32x128xf32, #tpu.memory_space<vmem>>
      %dma_start3A_392 = arith.constant 0 : i32
      %dma_start3A_393 = tpu.memref_slice %arg4[%dma_start3A_392, %multiple_of3A_380] : memref<32x1000000xf32, #tpu.memory_space<hbm>> -> memref<32x128xf32, #tpu.memory_space<hbm>>
      tpu.enqueue_dma source(%dma_start3A_393 : memref<32x128xf32, #tpu.memory_space<hbm>>) target(%dma_start3A_391 : memref<32x128xf32, #tpu.memory_space<vmem>>) target_semaphore(%arg15 : memref<!tpu.dma_semaphore, #tpu.memory_space<semaphore_mem>>)
      %shift_right_arithmetic3A_394 = arith.constant 7 : i32
      %shift_right_arithmetic3A_395 = arith.shrsi %squeeze3A_142, %shift_right_arithmetic3A_394 : i32
      %mul3A_396 = arith.constant 128 : i32
      %mul3A_397 = arith.muli %shift_right_arithmetic3A_395, %mul3A_396 : i32
      %multiple_of3A_398 = tpu.assume_multiple %mul3A_397, 128 : i32
      %dma_start3A_399 = arith.constant 14 : i32
      %dma_start3A_400 = arith.constant 0 : i32
      %dma_start3A_401 = arith.constant 0 : i32
      %dma_start3A_402 = tpu.memref_slice %arg10[%dma_start3A_399, %dma_start3A_400, %dma_start3A_401] : memref<16x32x128xf32, #tpu.memory_space<vmem>> -> memref<1x32x128xf32, #tpu.memory_space<vmem>>
      %dma_start3A_403 = tpu.memref_squeeze %dma_start3A_402 : memref<1x32x128xf32, #tpu.memory_space<vmem>> -> memref<32x128xf32, #tpu.memory_space<vmem>>
      %dma_start3A_404 = arith.constant 0 : i32
      %dma_start3A_405 = tpu.memref_slice %arg4[%dma_start3A_404, %multiple_of3A_398] : memref<32x1000000xf32, #tpu.memory_space<hbm>> -> memref<32x128xf32, #tpu.memory_space<hbm>>
      %dma_start3A_406 = arith.constant 0 : i32
      %dma_start3A_407 = arith.constant 0 : i32
      %dma_start3A_408 = tpu.memref_slice %arg10[%dma_start3A_399, %dma_start3A_406, %dma_start3A_407] : memref<16x32x128xf32, #tpu.memory_space<vmem>> -> memref<1x32x128xf32, #tpu.memory_space<vmem>>
      %dma_start3A_409 = tpu.memref_squeeze %dma_start3A_408 : memref<1x32x128xf32, #tpu.memory_space<vmem>> -> memref<32x128xf32, #tpu.memory_space<vmem>>
      %dma_start3A_410 = arith.constant 0 : i32
      %dma_start3A_411 = tpu.memref_slice %arg4[%dma_start3A_410, %multiple_of3A_398] : memref<32x1000000xf32, #tpu.memory_space<hbm>> -> memref<32x128xf32, #tpu.memory_space<hbm>>
      tpu.enqueue_dma source(%dma_start3A_411 : memref<32x128xf32, #tpu.memory_space<hbm>>) target(%dma_start3A_409 : memref<32x128xf32, #tpu.memory_space<vmem>>) target_semaphore(%arg15 : memref<!tpu.dma_semaphore, #tpu.memory_space<semaphore_mem>>)
      %shift_right_arithmetic3A_412 = arith.constant 7 : i32
      %shift_right_arithmetic3A_413 = arith.shrsi %squeeze3A_144, %shift_right_arithmetic3A_412 : i32
      %mul3A_414 = arith.constant 128 : i32
      %mul3A_415 = arith.muli %shift_right_arithmetic3A_413, %mul3A_414 : i32
      %multiple_of3A_416 = tpu.assume_multiple %mul3A_415, 128 : i32
      %dma_start3A_417 = arith.constant 15 : i32
      %dma_start3A_418 = arith.constant 0 : i32
      %dma_start3A_419 = arith.constant 0 : i32
      %dma_start3A_420 = tpu.memref_slice %arg10[%dma_start3A_417, %dma_start3A_418, %dma_start3A_419] : memref<16x32x128xf32, #tpu.memory_space<vmem>> -> memref<1x32x128xf32, #tpu.memory_space<vmem>>
      %dma_start3A_421 = tpu.memref_squeeze %dma_start3A_420 : memref<1x32x128xf32, #tpu.memory_space<vmem>> -> memref<32x128xf32, #tpu.memory_space<vmem>>
      %dma_start3A_422 = arith.constant 0 : i32
      %dma_start3A_423 = tpu.memref_slice %arg4[%dma_start3A_422, %multiple_of3A_416] : memref<32x1000000xf32, #tpu.memory_space<hbm>> -> memref<32x128xf32, #tpu.memory_space<hbm>>
      %dma_start3A_424 = arith.constant 0 : i32
      %dma_start3A_425 = arith.constant 0 : i32
      %dma_start3A_426 = tpu.memref_slice %arg10[%dma_start3A_417, %dma_start3A_424, %dma_start3A_425] : memref<16x32x128xf32, #tpu.memory_space<vmem>> -> memref<1x32x128xf32, #tpu.memory_space<vmem>>
      %dma_start3A_427 = tpu.memref_squeeze %dma_start3A_426 : memref<1x32x128xf32, #tpu.memory_space<vmem>> -> memref<32x128xf32, #tpu.memory_space<vmem>>
      %dma_start3A_428 = arith.constant 0 : i32
      %dma_start3A_429 = tpu.memref_slice %arg4[%dma_start3A_428, %multiple_of3A_416] : memref<32x1000000xf32, #tpu.memory_space<hbm>> -> memref<32x128xf32, #tpu.memory_space<hbm>>
      tpu.enqueue_dma source(%dma_start3A_429 : memref<32x128xf32, #tpu.memory_space<hbm>>) target(%dma_start3A_427 : memref<32x128xf32, #tpu.memory_space<vmem>>) target_semaphore(%arg15 : memref<!tpu.dma_semaphore, #tpu.memory_space<semaphore_mem>>)
      %dma_wait3A = arith.constant 0 : i32
      %dma_wait3A_430 = arith.constant 0 : i32
      %dma_wait3A_431 = arith.constant 0 : i32
      %dma_wait3A_432 = tpu.memref_slice %arg10[%dma_wait3A, %dma_wait3A_430, %dma_wait3A_431] : memref<16x32x128xf32, #tpu.memory_space<vmem>> -> memref<1x32x128xf32, #tpu.memory_space<vmem>>
      %dma_wait3A_433 = tpu.memref_squeeze %dma_wait3A_432 : memref<1x32x128xf32, #tpu.memory_space<vmem>> -> memref<32x128xf32, #tpu.memory_space<vmem>>
      %dma_wait3A_434 = arith.constant 0 : i32
      %dma_wait3A_435 = arith.constant 0 : i32
      %dma_wait3A_436 = tpu.memref_slice %arg4[%dma_wait3A_434, %dma_wait3A_435] : memref<32x1000000xf32, #tpu.memory_space<hbm>> -> memref<32x128xf32, #tpu.memory_space<hbm>>
      %dma_wait3A_437 = arith.constant 0 : i32
      %dma_wait3A_438 = arith.constant 0 : i32
      %dma_wait3A_439 = tpu.memref_slice %arg10[%dma_wait3A, %dma_wait3A_437, %dma_wait3A_438] : memref<16x32x128xf32, #tpu.memory_space<vmem>> -> memref<1x32x128xf32, #tpu.memory_space<vmem>>
      %dma_wait3A_440 = tpu.memref_squeeze %dma_wait3A_439 : memref<1x32x128xf32, #tpu.memory_space<vmem>> -> memref<32x128xf32, #tpu.memory_space<vmem>>
      %dma_wait3A_441 = arith.constant 0 : i32
      %dma_wait3A_442 = arith.constant 0 : i32
      %dma_wait3A_443 = tpu.memref_slice %arg4[%dma_wait3A_441, %dma_wait3A_442] : memref<32x1000000xf32, #tpu.memory_space<hbm>> -> memref<32x128xf32, #tpu.memory_space<hbm>>
      tpu.wait_dma2 semaphore(%arg15 : memref<!tpu.dma_semaphore, #tpu.memory_space<semaphore_mem>>) src(%dma_wait3A_443 : memref<32x128xf32, #tpu.memory_space<hbm>>) dst(%dma_wait3A_440 : memref<32x128xf32, #tpu.memory_space<vmem>>)
      %dma_wait3A_444 = arith.constant 1 : i32
      %dma_wait3A_445 = arith.constant 0 : i32
      %dma_wait3A_446 = arith.constant 0 : i32
      %dma_wait3A_447 = tpu.memref_slice %arg10[%dma_wait3A_444, %dma_wait3A_445, %dma_wait3A_446] : memref<16x32x128xf32, #tpu.memory_space<vmem>> -> memref<1x32x128xf32, #tpu.memory_space<vmem>>
      %dma_wait3A_448 = tpu.memref_squeeze %dma_wait3A_447 : memref<1x32x128xf32, #tpu.memory_space<vmem>> -> memref<32x128xf32, #tpu.memory_space<vmem>>
      %dma_wait3A_449 = arith.constant 0 : i32
      %dma_wait3A_450 = arith.constant 0 : i32
      %dma_wait3A_451 = tpu.memref_slice %arg4[%dma_wait3A_449, %dma_wait3A_450] : memref<32x1000000xf32, #tpu.memory_space<hbm>> -> memref<32x128xf32, #tpu.memory_space<hbm>>
      %dma_wait3A_452 = arith.constant 0 : i32
      %dma_wait3A_453 = arith.constant 0 : i32
      %dma_wait3A_454 = tpu.memref_slice %arg10[%dma_wait3A_444, %dma_wait3A_452, %dma_wait3A_453] : memref<16x32x128xf32, #tpu.memory_space<vmem>> -> memref<1x32x128xf32, #tpu.memory_space<vmem>>
      %dma_wait3A_455 = tpu.memref_squeeze %dma_wait3A_454 : memref<1x32x128xf32, #tpu.memory_space<vmem>> -> memref<32x128xf32, #tpu.memory_space<vmem>>
      %dma_wait3A_456 = arith.constant 0 : i32
      %dma_wait3A_457 = arith.constant 0 : i32
      %dma_wait3A_458 = tpu.memref_slice %arg4[%dma_wait3A_456, %dma_wait3A_457] : memref<32x1000000xf32, #tpu.memory_space<hbm>> -> memref<32x128xf32, #tpu.memory_space<hbm>>
      tpu.wait_dma2 semaphore(%arg15 : memref<!tpu.dma_semaphore, #tpu.memory_space<semaphore_mem>>) src(%dma_wait3A_458 : memref<32x128xf32, #tpu.memory_space<hbm>>) dst(%dma_wait3A_455 : memref<32x128xf32, #tpu.memory_space<vmem>>)
      %dma_wait3A_459 = arith.constant 2 : i32
      %dma_wait3A_460 = arith.constant 0 : i32
      %dma_wait3A_461 = arith.constant 0 : i32
      %dma_wait3A_462 = tpu.memref_slice %arg10[%dma_wait3A_459, %dma_wait3A_460, %dma_wait3A_461] : memref<16x32x128xf32, #tpu.memory_space<vmem>> -> memref<1x32x128xf32, #tpu.memory_space<vmem>>
      %dma_wait3A_463 = tpu.memref_squeeze %dma_wait3A_462 : memref<1x32x128xf32, #tpu.memory_space<vmem>> -> memref<32x128xf32, #tpu.memory_space<vmem>>
      %dma_wait3A_464 = arith.constant 0 : i32
      %dma_wait3A_465 = arith.constant 0 : i32
      %dma_wait3A_466 = tpu.memref_slice %arg4[%dma_wait3A_464, %dma_wait3A_465] : memref<32x1000000xf32, #tpu.memory_space<hbm>> -> memref<32x128xf32, #tpu.memory_space<hbm>>
      %dma_wait3A_467 = arith.constant 0 : i32
      %dma_wait3A_468 = arith.constant 0 : i32
      %dma_wait3A_469 = tpu.memref_slice %arg10[%dma_wait3A_459, %dma_wait3A_467, %dma_wait3A_468] : memref<16x32x128xf32, #tpu.memory_space<vmem>> -> memref<1x32x128xf32, #tpu.memory_space<vmem>>
      %dma_wait3A_470 = tpu.memref_squeeze %dma_wait3A_469 : memref<1x32x128xf32, #tpu.memory_space<vmem>> -> memref<32x128xf32, #tpu.memory_space<vmem>>
      %dma_wait3A_471 = arith.constant 0 : i32
      %dma_wait3A_472 = arith.constant 0 : i32
      %dma_wait3A_473 = tpu.memref_slice %arg4[%dma_wait3A_471, %dma_wait3A_472] : memref<32x1000000xf32, #tpu.memory_space<hbm>> -> memref<32x128xf32, #tpu.memory_space<hbm>>
      tpu.wait_dma2 semaphore(%arg15 : memref<!tpu.dma_semaphore, #tpu.memory_space<semaphore_mem>>) src(%dma_wait3A_473 : memref<32x128xf32, #tpu.memory_space<hbm>>) dst(%dma_wait3A_470 : memref<32x128xf32, #tpu.memory_space<vmem>>)
      %dma_wait3A_474 = arith.constant 3 : i32
      %dma_wait3A_475 = arith.constant 0 : i32
      %dma_wait3A_476 = arith.constant 0 : i32
      %dma_wait3A_477 = tpu.memref_slice %arg10[%dma_wait3A_474, %dma_wait3A_475, %dma_wait3A_476] : memref<16x32x128xf32, #tpu.memory_space<vmem>> -> memref<1x32x128xf32, #tpu.memory_space<vmem>>
      %dma_wait3A_478 = tpu.memref_squeeze %dma_wait3A_477 : memref<1x32x128xf32, #tpu.memory_space<vmem>> -> memref<32x128xf32, #tpu.memory_space<vmem>>
      %dma_wait3A_479 = arith.constant 0 : i32
      %dma_wait3A_480 = arith.constant 0 : i32
      %dma_wait3A_481 = tpu.memref_slice %arg4[%dma_wait3A_479, %dma_wait3A_480] : memref<32x1000000xf32, #tpu.memory_space<hbm>> -> memref<32x128xf32, #tpu.memory_space<hbm>>
      %dma_wait3A_482 = arith.constant 0 : i32
      %dma_wait3A_483 = arith.constant 0 : i32
      %dma_wait3A_484 = tpu.memref_slice %arg10[%dma_wait3A_474, %dma_wait3A_482, %dma_wait3A_483] : memref<16x32x128xf32, #tpu.memory_space<vmem>> -> memref<1x32x128xf32, #tpu.memory_space<vmem>>
      %dma_wait3A_485 = tpu.memref_squeeze %dma_wait3A_484 : memref<1x32x128xf32, #tpu.memory_space<vmem>> -> memref<32x128xf32, #tpu.memory_space<vmem>>
      %dma_wait3A_486 = arith.constant 0 : i32
      %dma_wait3A_487 = arith.constant 0 : i32
      %dma_wait3A_488 = tpu.memref_slice %arg4[%dma_wait3A_486, %dma_wait3A_487] : memref<32x1000000xf32, #tpu.memory_space<hbm>> -> memref<32x128xf32, #tpu.memory_space<hbm>>
      tpu.wait_dma2 semaphore(%arg15 : memref<!tpu.dma_semaphore, #tpu.memory_space<semaphore_mem>>) src(%dma_wait3A_488 : memref<32x128xf32, #tpu.memory_space<hbm>>) dst(%dma_wait3A_485 : memref<32x128xf32, #tpu.memory_space<vmem>>)
      %dma_wait3A_489 = arith.constant 4 : i32
      %dma_wait3A_490 = arith.constant 0 : i32
      %dma_wait3A_491 = arith.constant 0 : i32
      %dma_wait3A_492 = tpu.memref_slice %arg10[%dma_wait3A_489, %dma_wait3A_490, %dma_wait3A_491] : memref<16x32x128xf32, #tpu.memory_space<vmem>> -> memref<1x32x128xf32, #tpu.memory_space<vmem>>
      %dma_wait3A_493 = tpu.memref_squeeze %dma_wait3A_492 : memref<1x32x128xf32, #tpu.memory_space<vmem>> -> memref<32x128xf32, #tpu.memory_space<vmem>>
      %dma_wait3A_494 = arith.constant 0 : i32
      %dma_wait3A_495 = arith.constant 0 : i32
      %dma_wait3A_496 = tpu.memref_slice %arg4[%dma_wait3A_494, %dma_wait3A_495] : memref<32x1000000xf32, #tpu.memory_space<hbm>> -> memref<32x128xf32, #tpu.memory_space<hbm>>
      %dma_wait3A_497 = arith.constant 0 : i32
      %dma_wait3A_498 = arith.constant 0 : i32
      %dma_wait3A_499 = tpu.memref_slice %arg10[%dma_wait3A_489, %dma_wait3A_497, %dma_wait3A_498] : memref<16x32x128xf32, #tpu.memory_space<vmem>> -> memref<1x32x128xf32, #tpu.memory_space<vmem>>
      %dma_wait3A_500 = tpu.memref_squeeze %dma_wait3A_499 : memref<1x32x128xf32, #tpu.memory_space<vmem>> -> memref<32x128xf32, #tpu.memory_space<vmem>>
      %dma_wait3A_501 = arith.constant 0 : i32
      %dma_wait3A_502 = arith.constant 0 : i32
      %dma_wait3A_503 = tpu.memref_slice %arg4[%dma_wait3A_501, %dma_wait3A_502] : memref<32x1000000xf32, #tpu.memory_space<hbm>> -> memref<32x128xf32, #tpu.memory_space<hbm>>
      tpu.wait_dma2 semaphore(%arg15 : memref<!tpu.dma_semaphore, #tpu.memory_space<semaphore_mem>>) src(%dma_wait3A_503 : memref<32x128xf32, #tpu.memory_space<hbm>>) dst(%dma_wait3A_500 : memref<32x128xf32, #tpu.memory_space<vmem>>)
      %dma_wait3A_504 = arith.constant 5 : i32
      %dma_wait3A_505 = arith.constant 0 : i32
      %dma_wait3A_506 = arith.constant 0 : i32
      %dma_wait3A_507 = tpu.memref_slice %arg10[%dma_wait3A_504, %dma_wait3A_505, %dma_wait3A_506] : memref<16x32x128xf32, #tpu.memory_space<vmem>> -> memref<1x32x128xf32, #tpu.memory_space<vmem>>
      %dma_wait3A_508 = tpu.memref_squeeze %dma_wait3A_507 : memref<1x32x128xf32, #tpu.memory_space<vmem>> -> memref<32x128xf32, #tpu.memory_space<vmem>>
      %dma_wait3A_509 = arith.constant 0 : i32
      %dma_wait3A_510 = arith.constant 0 : i32
      %dma_wait3A_511 = tpu.memref_slice %arg4[%dma_wait3A_509, %dma_wait3A_510] : memref<32x1000000xf32, #tpu.memory_space<hbm>> -> memref<32x128xf32, #tpu.memory_space<hbm>>
      %dma_wait3A_512 = arith.constant 0 : i32
      %dma_wait3A_513 = arith.constant 0 : i32
      %dma_wait3A_514 = tpu.memref_slice %arg10[%dma_wait3A_504, %dma_wait3A_512, %dma_wait3A_513] : memref<16x32x128xf32, #tpu.memory_space<vmem>> -> memref<1x32x128xf32, #tpu.memory_space<vmem>>
      %dma_wait3A_515 = tpu.memref_squeeze %dma_wait3A_514 : memref<1x32x128xf32, #tpu.memory_space<vmem>> -> memref<32x128xf32, #tpu.memory_space<vmem>>
      %dma_wait3A_516 = arith.constant 0 : i32
      %dma_wait3A_517 = arith.constant 0 : i32
      %dma_wait3A_518 = tpu.memref_slice %arg4[%dma_wait3A_516, %dma_wait3A_517] : memref<32x1000000xf32, #tpu.memory_space<hbm>> -> memref<32x128xf32, #tpu.memory_space<hbm>>
      tpu.wait_dma2 semaphore(%arg15 : memref<!tpu.dma_semaphore, #tpu.memory_space<semaphore_mem>>) src(%dma_wait3A_518 : memref<32x128xf32, #tpu.memory_space<hbm>>) dst(%dma_wait3A_515 : memref<32x128xf32, #tpu.memory_space<vmem>>)
      %dma_wait3A_519 = arith.constant 6 : i32
      %dma_wait3A_520 = arith.constant 0 : i32
      %dma_wait3A_521 = arith.constant 0 : i32
      %dma_wait3A_522 = tpu.memref_slice %arg10[%dma_wait3A_519, %dma_wait3A_520, %dma_wait3A_521] : memref<16x32x128xf32, #tpu.memory_space<vmem>> -> memref<1x32x128xf32, #tpu.memory_space<vmem>>
      %dma_wait3A_523 = tpu.memref_squeeze %dma_wait3A_522 : memref<1x32x128xf32, #tpu.memory_space<vmem>> -> memref<32x128xf32, #tpu.memory_space<vmem>>
      %dma_wait3A_524 = arith.constant 0 : i32
      %dma_wait3A_525 = arith.constant 0 : i32
      %dma_wait3A_526 = tpu.memref_slice %arg4[%dma_wait3A_524, %dma_wait3A_525] : memref<32x1000000xf32, #tpu.memory_space<hbm>> -> memref<32x128xf32, #tpu.memory_space<hbm>>
      %dma_wait3A_527 = arith.constant 0 : i32
      %dma_wait3A_528 = arith.constant 0 : i32
      %dma_wait3A_529 = tpu.memref_slice %arg10[%dma_wait3A_519, %dma_wait3A_527, %dma_wait3A_528] : memref<16x32x128xf32, #tpu.memory_space<vmem>> -> memref<1x32x128xf32, #tpu.memory_space<vmem>>
      %dma_wait3A_530 = tpu.memref_squeeze %dma_wait3A_529 : memref<1x32x128xf32, #tpu.memory_space<vmem>> -> memref<32x128xf32, #tpu.memory_space<vmem>>
      %dma_wait3A_531 = arith.constant 0 : i32
      %dma_wait3A_532 = arith.constant 0 : i32
      %dma_wait3A_533 = tpu.memref_slice %arg4[%dma_wait3A_531, %dma_wait3A_532] : memref<32x1000000xf32, #tpu.memory_space<hbm>> -> memref<32x128xf32, #tpu.memory_space<hbm>>
      tpu.wait_dma2 semaphore(%arg15 : memref<!tpu.dma_semaphore, #tpu.memory_space<semaphore_mem>>) src(%dma_wait3A_533 : memref<32x128xf32, #tpu.memory_space<hbm>>) dst(%dma_wait3A_530 : memref<32x128xf32, #tpu.memory_space<vmem>>)
      %dma_wait3A_534 = arith.constant 7 : i32
      %dma_wait3A_535 = arith.constant 0 : i32
      %dma_wait3A_536 = arith.constant 0 : i32
      %dma_wait3A_537 = tpu.memref_slice %arg10[%dma_wait3A_534, %dma_wait3A_535, %dma_wait3A_536] : memref<16x32x128xf32, #tpu.memory_space<vmem>> -> memref<1x32x128xf32, #tpu.memory_space<vmem>>
      %dma_wait3A_538 = tpu.memref_squeeze %dma_wait3A_537 : memref<1x32x128xf32, #tpu.memory_space<vmem>> -> memref<32x128xf32, #tpu.memory_space<vmem>>
      %dma_wait3A_539 = arith.constant 0 : i32
      %dma_wait3A_540 = arith.constant 0 : i32
      %dma_wait3A_541 = tpu.memref_slice %arg4[%dma_wait3A_539, %dma_wait3A_540] : memref<32x1000000xf32, #tpu.memory_space<hbm>> -> memref<32x128xf32, #tpu.memory_space<hbm>>
      %dma_wait3A_542 = arith.constant 0 : i32
      %dma_wait3A_543 = arith.constant 0 : i32
      %dma_wait3A_544 = tpu.memref_slice %arg10[%dma_wait3A_534, %dma_wait3A_542, %dma_wait3A_543] : memref<16x32x128xf32, #tpu.memory_space<vmem>> -> memref<1x32x128xf32, #tpu.memory_space<vmem>>
      %dma_wait3A_545 = tpu.memref_squeeze %dma_wait3A_544 : memref<1x32x128xf32, #tpu.memory_space<vmem>> -> memref<32x128xf32, #tpu.memory_space<vmem>>
      %dma_wait3A_546 = arith.constant 0 : i32
      %dma_wait3A_547 = arith.constant 0 : i32
      %dma_wait3A_548 = tpu.memref_slice %arg4[%dma_wait3A_546, %dma_wait3A_547] : memref<32x1000000xf32, #tpu.memory_space<hbm>> -> memref<32x128xf32, #tpu.memory_space<hbm>>
      tpu.wait_dma2 semaphore(%arg15 : memref<!tpu.dma_semaphore, #tpu.memory_space<semaphore_mem>>) src(%dma_wait3A_548 : memref<32x128xf32, #tpu.memory_space<hbm>>) dst(%dma_wait3A_545 : memref<32x128xf32, #tpu.memory_space<vmem>>)
      %dma_wait3A_549 = arith.constant 8 : i32
      %dma_wait3A_550 = arith.constant 0 : i32
      %dma_wait3A_551 = arith.constant 0 : i32
      %dma_wait3A_552 = tpu.memref_slice %arg10[%dma_wait3A_549, %dma_wait3A_550, %dma_wait3A_551] : memref<16x32x128xf32, #tpu.memory_space<vmem>> -> memref<1x32x128xf32, #tpu.memory_space<vmem>>
      %dma_wait3A_553 = tpu.memref_squeeze %dma_wait3A_552 : memref<1x32x128xf32, #tpu.memory_space<vmem>> -> memref<32x128xf32, #tpu.memory_space<vmem>>
      %dma_wait3A_554 = arith.constant 0 : i32
      %dma_wait3A_555 = arith.constant 0 : i32
      %dma_wait3A_556 = tpu.memref_slice %arg4[%dma_wait3A_554, %dma_wait3A_555] : memref<32x1000000xf32, #tpu.memory_space<hbm>> -> memref<32x128xf32, #tpu.memory_space<hbm>>
      %dma_wait3A_557 = arith.constant 0 : i32
      %dma_wait3A_558 = arith.constant 0 : i32
      %dma_wait3A_559 = tpu.memref_slice %arg10[%dma_wait3A_549, %dma_wait3A_557, %dma_wait3A_558] : memref<16x32x128xf32, #tpu.memory_space<vmem>> -> memref<1x32x128xf32, #tpu.memory_space<vmem>>
      %dma_wait3A_560 = tpu.memref_squeeze %dma_wait3A_559 : memref<1x32x128xf32, #tpu.memory_space<vmem>> -> memref<32x128xf32, #tpu.memory_space<vmem>>
      %dma_wait3A_561 = arith.constant 0 : i32
      %dma_wait3A_562 = arith.constant 0 : i32
      %dma_wait3A_563 = tpu.memref_slice %arg4[%dma_wait3A_561, %dma_wait3A_562] : memref<32x1000000xf32, #tpu.memory_space<hbm>> -> memref<32x128xf32, #tpu.memory_space<hbm>>
      tpu.wait_dma2 semaphore(%arg15 : memref<!tpu.dma_semaphore, #tpu.memory_space<semaphore_mem>>) src(%dma_wait3A_563 : memref<32x128xf32, #tpu.memory_space<hbm>>) dst(%dma_wait3A_560 : memref<32x128xf32, #tpu.memory_space<vmem>>)
      %dma_wait3A_564 = arith.constant 9 : i32
      %dma_wait3A_565 = arith.constant 0 : i32
      %dma_wait3A_566 = arith.constant 0 : i32
      %dma_wait3A_567 = tpu.memref_slice %arg10[%dma_wait3A_564, %dma_wait3A_565, %dma_wait3A_566] : memref<16x32x128xf32, #tpu.memory_space<vmem>> -> memref<1x32x128xf32, #tpu.memory_space<vmem>>
      %dma_wait3A_568 = tpu.memref_squeeze %dma_wait3A_567 : memref<1x32x128xf32, #tpu.memory_space<vmem>> -> memref<32x128xf32, #tpu.memory_space<vmem>>
      %dma_wait3A_569 = arith.constant 0 : i32
      %dma_wait3A_570 = arith.constant 0 : i32
      %dma_wait3A_571 = tpu.memref_slice %arg4[%dma_wait3A_569, %dma_wait3A_570] : memref<32x1000000xf32, #tpu.memory_space<hbm>> -> memref<32x128xf32, #tpu.memory_space<hbm>>
      %dma_wait3A_572 = arith.constant 0 : i32
      %dma_wait3A_573 = arith.constant 0 : i32
      %dma_wait3A_574 = tpu.memref_slice %arg10[%dma_wait3A_564, %dma_wait3A_572, %dma_wait3A_573] : memref<16x32x128xf32, #tpu.memory_space<vmem>> -> memref<1x32x128xf32, #tpu.memory_space<vmem>>
      %dma_wait3A_575 = tpu.memref_squeeze %dma_wait3A_574 : memref<1x32x128xf32, #tpu.memory_space<vmem>> -> memref<32x128xf32, #tpu.memory_space<vmem>>
      %dma_wait3A_576 = arith.constant 0 : i32
      %dma_wait3A_577 = arith.constant 0 : i32
      %dma_wait3A_578 = tpu.memref_slice %arg4[%dma_wait3A_576, %dma_wait3A_577] : memref<32x1000000xf32, #tpu.memory_space<hbm>> -> memref<32x128xf32, #tpu.memory_space<hbm>>
      tpu.wait_dma2 semaphore(%arg15 : memref<!tpu.dma_semaphore, #tpu.memory_space<semaphore_mem>>) src(%dma_wait3A_578 : memref<32x128xf32, #tpu.memory_space<hbm>>) dst(%dma_wait3A_575 : memref<32x128xf32, #tpu.memory_space<vmem>>)
      %dma_wait3A_579 = arith.constant 10 : i32
      %dma_wait3A_580 = arith.constant 0 : i32
      %dma_wait3A_581 = arith.constant 0 : i32
      %dma_wait3A_582 = tpu.memref_slice %arg10[%dma_wait3A_579, %dma_wait3A_580, %dma_wait3A_581] : memref<16x32x128xf32, #tpu.memory_space<vmem>> -> memref<1x32x128xf32, #tpu.memory_space<vmem>>
      %dma_wait3A_583 = tpu.memref_squeeze %dma_wait3A_582 : memref<1x32x128xf32, #tpu.memory_space<vmem>> -> memref<32x128xf32, #tpu.memory_space<vmem>>
      %dma_wait3A_584 = arith.constant 0 : i32
      %dma_wait3A_585 = arith.constant 0 : i32
      %dma_wait3A_586 = tpu.memref_slice %arg4[%dma_wait3A_584, %dma_wait3A_585] : memref<32x1000000xf32, #tpu.memory_space<hbm>> -> memref<32x128xf32, #tpu.memory_space<hbm>>
      %dma_wait3A_587 = arith.constant 0 : i32
      %dma_wait3A_588 = arith.constant 0 : i32
      %dma_wait3A_589 = tpu.memref_slice %arg10[%dma_wait3A_579, %dma_wait3A_587, %dma_wait3A_588] : memref<16x32x128xf32, #tpu.memory_space<vmem>> -> memref<1x32x128xf32, #tpu.memory_space<vmem>>
      %dma_wait3A_590 = tpu.memref_squeeze %dma_wait3A_589 : memref<1x32x128xf32, #tpu.memory_space<vmem>> -> memref<32x128xf32, #tpu.memory_space<vmem>>
      %dma_wait3A_591 = arith.constant 0 : i32
      %dma_wait3A_592 = arith.constant 0 : i32
      %dma_wait3A_593 = tpu.memref_slice %arg4[%dma_wait3A_591, %dma_wait3A_592] : memref<32x1000000xf32, #tpu.memory_space<hbm>> -> memref<32x128xf32, #tpu.memory_space<hbm>>
      tpu.wait_dma2 semaphore(%arg15 : memref<!tpu.dma_semaphore, #tpu.memory_space<semaphore_mem>>) src(%dma_wait3A_593 : memref<32x128xf32, #tpu.memory_space<hbm>>) dst(%dma_wait3A_590 : memref<32x128xf32, #tpu.memory_space<vmem>>)
      %dma_wait3A_594 = arith.constant 11 : i32
      %dma_wait3A_595 = arith.constant 0 : i32
      %dma_wait3A_596 = arith.constant 0 : i32
      %dma_wait3A_597 = tpu.memref_slice %arg10[%dma_wait3A_594, %dma_wait3A_595, %dma_wait3A_596] : memref<16x32x128xf32, #tpu.memory_space<vmem>> -> memref<1x32x128xf32, #tpu.memory_space<vmem>>
      %dma_wait3A_598 = tpu.memref_squeeze %dma_wait3A_597 : memref<1x32x128xf32, #tpu.memory_space<vmem>> -> memref<32x128xf32, #tpu.memory_space<vmem>>
      %dma_wait3A_599 = arith.constant 0 : i32
      %dma_wait3A_600 = arith.constant 0 : i32
      %dma_wait3A_601 = tpu.memref_slice %arg4[%dma_wait3A_599, %dma_wait3A_600] : memref<32x1000000xf32, #tpu.memory_space<hbm>> -> memref<32x128xf32, #tpu.memory_space<hbm>>
      %dma_wait3A_602 = arith.constant 0 : i32
      %dma_wait3A_603 = arith.constant 0 : i32
      %dma_wait3A_604 = tpu.memref_slice %arg10[%dma_wait3A_594, %dma_wait3A_602, %dma_wait3A_603] : memref<16x32x128xf32, #tpu.memory_space<vmem>> -> memref<1x32x128xf32, #tpu.memory_space<vmem>>
      %dma_wait3A_605 = tpu.memref_squeeze %dma_wait3A_604 : memref<1x32x128xf32, #tpu.memory_space<vmem>> -> memref<32x128xf32, #tpu.memory_space<vmem>>
      %dma_wait3A_606 = arith.constant 0 : i32
      %dma_wait3A_607 = arith.constant 0 : i32
      %dma_wait3A_608 = tpu.memref_slice %arg4[%dma_wait3A_606, %dma_wait3A_607] : memref<32x1000000xf32, #tpu.memory_space<hbm>> -> memref<32x128xf32, #tpu.memory_space<hbm>>
      tpu.wait_dma2 semaphore(%arg15 : memref<!tpu.dma_semaphore, #tpu.memory_space<semaphore_mem>>) src(%dma_wait3A_608 : memref<32x128xf32, #tpu.memory_space<hbm>>) dst(%dma_wait3A_605 : memref<32x128xf32, #tpu.memory_space<vmem>>)
      %dma_wait3A_609 = arith.constant 12 : i32
      %dma_wait3A_610 = arith.constant 0 : i32
      %dma_wait3A_611 = arith.constant 0 : i32
      %dma_wait3A_612 = tpu.memref_slice %arg10[%dma_wait3A_609, %dma_wait3A_610, %dma_wait3A_611] : memref<16x32x128xf32, #tpu.memory_space<vmem>> -> memref<1x32x128xf32, #tpu.memory_space<vmem>>
      %dma_wait3A_613 = tpu.memref_squeeze %dma_wait3A_612 : memref<1x32x128xf32, #tpu.memory_space<vmem>> -> memref<32x128xf32, #tpu.memory_space<vmem>>
      %dma_wait3A_614 = arith.constant 0 : i32
      %dma_wait3A_615 = arith.constant 0 : i32
      %dma_wait3A_616 = tpu.memref_slice %arg4[%dma_wait3A_614, %dma_wait3A_615] : memref<32x1000000xf32, #tpu.memory_space<hbm>> -> memref<32x128xf32, #tpu.memory_space<hbm>>
      %dma_wait3A_617 = arith.constant 0 : i32
      %dma_wait3A_618 = arith.constant 0 : i32
      %dma_wait3A_619 = tpu.memref_slice %arg10[%dma_wait3A_609, %dma_wait3A_617, %dma_wait3A_618] : memref<16x32x128xf32, #tpu.memory_space<vmem>> -> memref<1x32x128xf32, #tpu.memory_space<vmem>>
      %dma_wait3A_620 = tpu.memref_squeeze %dma_wait3A_619 : memref<1x32x128xf32, #tpu.memory_space<vmem>> -> memref<32x128xf32, #tpu.memory_space<vmem>>
      %dma_wait3A_621 = arith.constant 0 : i32
      %dma_wait3A_622 = arith.constant 0 : i32
      %dma_wait3A_623 = tpu.memref_slice %arg4[%dma_wait3A_621, %dma_wait3A_622] : memref<32x1000000xf32, #tpu.memory_space<hbm>> -> memref<32x128xf32, #tpu.memory_space<hbm>>
      tpu.wait_dma2 semaphore(%arg15 : memref<!tpu.dma_semaphore, #tpu.memory_space<semaphore_mem>>) src(%dma_wait3A_623 : memref<32x128xf32, #tpu.memory_space<hbm>>) dst(%dma_wait3A_620 : memref<32x128xf32, #tpu.memory_space<vmem>>)
      %dma_wait3A_624 = arith.constant 13 : i32
      %dma_wait3A_625 = arith.constant 0 : i32
      %dma_wait3A_626 = arith.constant 0 : i32
      %dma_wait3A_627 = tpu.memref_slice %arg10[%dma_wait3A_624, %dma_wait3A_625, %dma_wait3A_626] : memref<16x32x128xf32, #tpu.memory_space<vmem>> -> memref<1x32x128xf32, #tpu.memory_space<vmem>>
      %dma_wait3A_628 = tpu.memref_squeeze %dma_wait3A_627 : memref<1x32x128xf32, #tpu.memory_space<vmem>> -> memref<32x128xf32, #tpu.memory_space<vmem>>
      %dma_wait3A_629 = arith.constant 0 : i32
      %dma_wait3A_630 = arith.constant 0 : i32
      %dma_wait3A_631 = tpu.memref_slice %arg4[%dma_wait3A_629, %dma_wait3A_630] : memref<32x1000000xf32, #tpu.memory_space<hbm>> -> memref<32x128xf32, #tpu.memory_space<hbm>>
      %dma_wait3A_632 = arith.constant 0 : i32
      %dma_wait3A_633 = arith.constant 0 : i32
      %dma_wait3A_634 = tpu.memref_slice %arg10[%dma_wait3A_624, %dma_wait3A_632, %dma_wait3A_633] : memref<16x32x128xf32, #tpu.memory_space<vmem>> -> memref<1x32x128xf32, #tpu.memory_space<vmem>>
      %dma_wait3A_635 = tpu.memref_squeeze %dma_wait3A_634 : memref<1x32x128xf32, #tpu.memory_space<vmem>> -> memref<32x128xf32, #tpu.memory_space<vmem>>
      %dma_wait3A_636 = arith.constant 0 : i32
      %dma_wait3A_637 = arith.constant 0 : i32
      %dma_wait3A_638 = tpu.memref_slice %arg4[%dma_wait3A_636, %dma_wait3A_637] : memref<32x1000000xf32, #tpu.memory_space<hbm>> -> memref<32x128xf32, #tpu.memory_space<hbm>>
      tpu.wait_dma2 semaphore(%arg15 : memref<!tpu.dma_semaphore, #tpu.memory_space<semaphore_mem>>) src(%dma_wait3A_638 : memref<32x128xf32, #tpu.memory_space<hbm>>) dst(%dma_wait3A_635 : memref<32x128xf32, #tpu.memory_space<vmem>>)
      %dma_wait3A_639 = arith.constant 14 : i32
      %dma_wait3A_640 = arith.constant 0 : i32
      %dma_wait3A_641 = arith.constant 0 : i32
      %dma_wait3A_642 = tpu.memref_slice %arg10[%dma_wait3A_639, %dma_wait3A_640, %dma_wait3A_641] : memref<16x32x128xf32, #tpu.memory_space<vmem>> -> memref<1x32x128xf32, #tpu.memory_space<vmem>>
      %dma_wait3A_643 = tpu.memref_squeeze %dma_wait3A_642 : memref<1x32x128xf32, #tpu.memory_space<vmem>> -> memref<32x128xf32, #tpu.memory_space<vmem>>
      %dma_wait3A_644 = arith.constant 0 : i32
      %dma_wait3A_645 = arith.constant 0 : i32
      %dma_wait3A_646 = tpu.memref_slice %arg4[%dma_wait3A_644, %dma_wait3A_645] : memref<32x1000000xf32, #tpu.memory_space<hbm>> -> memref<32x128xf32, #tpu.memory_space<hbm>>
      %dma_wait3A_647 = arith.constant 0 : i32
      %dma_wait3A_648 = arith.constant 0 : i32
      %dma_wait3A_649 = tpu.memref_slice %arg10[%dma_wait3A_639, %dma_wait3A_647, %dma_wait3A_648] : memref<16x32x128xf32, #tpu.memory_space<vmem>> -> memref<1x32x128xf32, #tpu.memory_space<vmem>>
      %dma_wait3A_650 = tpu.memref_squeeze %dma_wait3A_649 : memref<1x32x128xf32, #tpu.memory_space<vmem>> -> memref<32x128xf32, #tpu.memory_space<vmem>>
      %dma_wait3A_651 = arith.constant 0 : i32
      %dma_wait3A_652 = arith.constant 0 : i32
      %dma_wait3A_653 = tpu.memref_slice %arg4[%dma_wait3A_651, %dma_wait3A_652] : memref<32x1000000xf32, #tpu.memory_space<hbm>> -> memref<32x128xf32, #tpu.memory_space<hbm>>
      tpu.wait_dma2 semaphore(%arg15 : memref<!tpu.dma_semaphore, #tpu.memory_space<semaphore_mem>>) src(%dma_wait3A_653 : memref<32x128xf32, #tpu.memory_space<hbm>>) dst(%dma_wait3A_650 : memref<32x128xf32, #tpu.memory_space<vmem>>)
      %dma_wait3A_654 = arith.constant 15 : i32
      %dma_wait3A_655 = arith.constant 0 : i32
      %dma_wait3A_656 = arith.constant 0 : i32
      %dma_wait3A_657 = tpu.memref_slice %arg10[%dma_wait3A_654, %dma_wait3A_655, %dma_wait3A_656] : memref<16x32x128xf32, #tpu.memory_space<vmem>> -> memref<1x32x128xf32, #tpu.memory_space<vmem>>
      %dma_wait3A_658 = tpu.memref_squeeze %dma_wait3A_657 : memref<1x32x128xf32, #tpu.memory_space<vmem>> -> memref<32x128xf32, #tpu.memory_space<vmem>>
      %dma_wait3A_659 = arith.constant 0 : i32
      %dma_wait3A_660 = arith.constant 0 : i32
      %dma_wait3A_661 = tpu.memref_slice %arg4[%dma_wait3A_659, %dma_wait3A_660] : memref<32x1000000xf32, #tpu.memory_space<hbm>> -> memref<32x128xf32, #tpu.memory_space<hbm>>
      %dma_wait3A_662 = arith.constant 0 : i32
      %dma_wait3A_663 = arith.constant 0 : i32
      %dma_wait3A_664 = tpu.memref_slice %arg10[%dma_wait3A_654, %dma_wait3A_662, %dma_wait3A_663] : memref<16x32x128xf32, #tpu.memory_space<vmem>> -> memref<1x32x128xf32, #tpu.memory_space<vmem>>
      %dma_wait3A_665 = tpu.memref_squeeze %dma_wait3A_664 : memref<1x32x128xf32, #tpu.memory_space<vmem>> -> memref<32x128xf32, #tpu.memory_space<vmem>>
      %dma_wait3A_666 = arith.constant 0 : i32
      %dma_wait3A_667 = arith.constant 0 : i32
      %dma_wait3A_668 = tpu.memref_slice %arg4[%dma_wait3A_666, %dma_wait3A_667] : memref<32x1000000xf32, #tpu.memory_space<hbm>> -> memref<32x128xf32, #tpu.memory_space<hbm>>
      tpu.wait_dma2 semaphore(%arg15 : memref<!tpu.dma_semaphore, #tpu.memory_space<semaphore_mem>>) src(%dma_wait3A_668 : memref<32x128xf32, #tpu.memory_space<hbm>>) dst(%dma_wait3A_665 : memref<32x128xf32, #tpu.memory_space<vmem>>)
      %mul3A_669 = arith.constant 16 : i32
      %mul3A_670 = arith.muli %scan3A_111, %mul3A_669 : i32
      %add3A_671 = vector.broadcast %mul3A_670 : i32 to vector<16xi32>
      %add3A_672 = arith.addi %add3A_671, %iota3A : vector<16xi32>
      %and3A = arith.constant 127 : i32
      %and3A_673 = arith.andi %squeeze3A, %and3A : i32
      %broadcast_in_dim3A_674 = vector.broadcast %and3A_673 : i32 to vector<16xi32>
      %mul3A_675 = arith.constant 16 : i32
      %mul3A_676 = arith.muli %scan3A_111, %mul3A_675 : i32
      %add3A_677 = arith.constant 0 : i32
      %add3A_678 = arith.addi %mul3A_676, %add3A_677 : i32
      %broadcast_in_dim3A_679 = vector.broadcast %add3A_678 : i32 to vector<16xi32>
      %add3A_680 = arith.constant 0 : i32
      %add3A_681 = vector.broadcast %add3A_680 : i32 to vector<16xi32>
      %add3A_682 = arith.addi %iota3A, %add3A_681 : vector<16xi32>
      %gather3A_683 = arith.constant 0 : i32
      %gather3A_684 = arith.constant 0 : i32
      %gather3A_685 = arith.constant 0 : i32
      %gather3A_686 = tpu.memref_slice %arg10[%gather3A_683, %gather3A_684, %gather3A_685] : memref<16x32x128xf32, #tpu.memory_space<vmem>> -> memref<1x32x128xf32, #tpu.memory_space<vmem>>
      %gather3A_687 = tpu.memref_squeeze %gather3A_686 : memref<1x32x128xf32, #tpu.memory_space<vmem>> -> memref<32x128xf32, #tpu.memory_space<vmem>>
      %gather3A_688 = tpu.vector_load_idx %gather3A_687[%add3A_682, %broadcast_in_dim3A_674] : memref<32x128xf32, #tpu.memory_space<vmem>>[vector<16xi32>, vector<16xi32>], vector<16xf32>,
      tpu.vector_store_idx %arg11[%add3A_682, %broadcast_in_dim3A_679], %gather3A_688 : memref<32x512xf32, #tpu.memory_space<vmem>>[vector<16xi32>, vector<16xi32>], vector<16xf32>,
      %add3A_689 = arith.constant 16 : i32
      %add3A_690 = vector.broadcast %add3A_689 : i32 to vector<16xi32>
      %add3A_691 = arith.addi %iota3A, %add3A_690 : vector<16xi32>
      %gather3A_692 = arith.constant 0 : i32
      %gather3A_693 = arith.constant 0 : i32
      %gather3A_694 = arith.constant 0 : i32
      %gather3A_695 = tpu.memref_slice %arg10[%gather3A_692, %gather3A_693, %gather3A_694] : memref<16x32x128xf32, #tpu.memory_space<vmem>> -> memref<1x32x128xf32, #tpu.memory_space<vmem>>
      %gather3A_696 = tpu.memref_squeeze %gather3A_695 : memref<1x32x128xf32, #tpu.memory_space<vmem>> -> memref<32x128xf32, #tpu.memory_space<vmem>>
      %gather3A_697 = tpu.vector_load_idx %gather3A_696[%add3A_691, %broadcast_in_dim3A_674] : memref<32x128xf32, #tpu.memory_space<vmem>>[vector<16xi32>, vector<16xi32>], vector<16xf32>,
      tpu.vector_store_idx %arg11[%add3A_691, %broadcast_in_dim3A_679], %gather3A_697 : memref<32x512xf32, #tpu.memory_space<vmem>>[vector<16xi32>, vector<16xi32>], vector<16xf32>,
      %and3A_698 = arith.constant 127 : i32
      %and3A_699 = arith.andi %squeeze3A_116, %and3A_698 : i32
      %broadcast_in_dim3A_700 = vector.broadcast %and3A_699 : i32 to vector<16xi32>
      %mul3A_701 = arith.constant 16 : i32
      %mul3A_702 = arith.muli %scan3A_111, %mul3A_701 : i32
      %add3A_703 = arith.constant 1 : i32
      %add3A_704 = arith.addi %mul3A_702, %add3A_703 : i32
      %broadcast_in_dim3A_705 = vector.broadcast %add3A_704 : i32 to vector<16xi32>
      %add3A_706 = arith.constant 0 : i32
      %add3A_707 = vector.broadcast %add3A_706 : i32 to vector<16xi32>
      %add3A_708 = arith.addi %iota3A, %add3A_707 : vector<16xi32>
      %gather3A_709 = arith.constant 1 : i32
      %gather3A_710 = arith.constant 0 : i32
      %gather3A_711 = arith.constant 0 : i32
      %gather3A_712 = tpu.memref_slice %arg10[%gather3A_709, %gather3A_710, %gather3A_711] : memref<16x32x128xf32, #tpu.memory_space<vmem>> -> memref<1x32x128xf32, #tpu.memory_space<vmem>>
      %gather3A_713 = tpu.memref_squeeze %gather3A_712 : memref<1x32x128xf32, #tpu.memory_space<vmem>> -> memref<32x128xf32, #tpu.memory_space<vmem>>
      %gather3A_714 = tpu.vector_load_idx %gather3A_713[%add3A_708, %broadcast_in_dim3A_700] : memref<32x128xf32, #tpu.memory_space<vmem>>[vector<16xi32>, vector<16xi32>], vector<16xf32>,
      tpu.vector_store_idx %arg11[%add3A_708, %broadcast_in_dim3A_705], %gather3A_714 : memref<32x512xf32, #tpu.memory_space<vmem>>[vector<16xi32>, vector<16xi32>], vector<16xf32>,
      %add3A_715 = arith.constant 16 : i32
      %add3A_716 = vector.broadcast %add3A_715 : i32 to vector<16xi32>
      %add3A_717 = arith.addi %iota3A, %add3A_716 : vector<16xi32>
      %gather3A_718 = arith.constant 1 : i32
      %gather3A_719 = arith.constant 0 : i32
      %gather3A_720 = arith.constant 0 : i32
      %gather3A_721 = tpu.memref_slice %arg10[%gather3A_718, %gather3A_719, %gather3A_720] : memref<16x32x128xf32, #tpu.memory_space<vmem>> -> memref<1x32x128xf32, #tpu.memory_space<vmem>>
      %gather3A_722 = tpu.memref_squeeze %gather3A_721 : memref<1x32x128xf32, #tpu.memory_space<vmem>> -> memref<32x128xf32, #tpu.memory_space<vmem>>
      %gather3A_723 = tpu.vector_load_idx %gather3A_722[%add3A_717, %broadcast_in_dim3A_700] : memref<32x128xf32, #tpu.memory_space<vmem>>[vector<16xi32>, vector<16xi32>], vector<16xf32>,
      tpu.vector_store_idx %arg11[%add3A_717, %broadcast_in_dim3A_705], %gather3A_723 : memref<32x512xf32, #tpu.memory_space<vmem>>[vector<16xi32>, vector<16xi32>], vector<16xf32>,
      %and3A_724 = arith.constant 127 : i32
      %and3A_725 = arith.andi %squeeze3A_118, %and3A_724 : i32
      %broadcast_in_dim3A_726 = vector.broadcast %and3A_725 : i32 to vector<16xi32>
      %mul3A_727 = arith.constant 16 : i32
      %mul3A_728 = arith.muli %scan3A_111, %mul3A_727 : i32
      %add3A_729 = arith.constant 2 : i32
      %add3A_730 = arith.addi %mul3A_728, %add3A_729 : i32
      %broadcast_in_dim3A_731 = vector.broadcast %add3A_730 : i32 to vector<16xi32>
      %add3A_732 = arith.constant 0 : i32
      %add3A_733 = vector.broadcast %add3A_732 : i32 to vector<16xi32>
      %add3A_734 = arith.addi %iota3A, %add3A_733 : vector<16xi32>
      %gather3A_735 = arith.constant 2 : i32
      %gather3A_736 = arith.constant 0 : i32
      %gather3A_737 = arith.constant 0 : i32
      %gather3A_738 = tpu.memref_slice %arg10[%gather3A_735, %gather3A_736, %gather3A_737] : memref<16x32x128xf32, #tpu.memory_space<vmem>> -> memref<1x32x128xf32, #tpu.memory_space<vmem>>
      %gather3A_739 = tpu.memref_squeeze %gather3A_738 : memref<1x32x128xf32, #tpu.memory_space<vmem>> -> memref<32x128xf32, #tpu.memory_space<vmem>>
      %gather3A_740 = tpu.vector_load_idx %gather3A_739[%add3A_734, %broadcast_in_dim3A_726] : memref<32x128xf32, #tpu.memory_space<vmem>>[vector<16xi32>, vector<16xi32>], vector<16xf32>,
      tpu.vector_store_idx %arg11[%add3A_734, %broadcast_in_dim3A_731], %gather3A_740 : memref<32x512xf32, #tpu.memory_space<vmem>>[vector<16xi32>, vector<16xi32>], vector<16xf32>,
      %add3A_741 = arith.constant 16 : i32
      %add3A_742 = vector.broadcast %add3A_741 : i32 to vector<16xi32>
      %add3A_743 = arith.addi %iota3A, %add3A_742 : vector<16xi32>
      %gather3A_744 = arith.constant 2 : i32
      %gather3A_745 = arith.constant 0 : i32
      %gather3A_746 = arith.constant 0 : i32
      %gather3A_747 = tpu.memref_slice %arg10[%gather3A_744, %gather3A_745, %gather3A_746] : memref<16x32x128xf32, #tpu.memory_space<vmem>> -> memref<1x32x128xf32, #tpu.memory_space<vmem>>
      %gather3A_748 = tpu.memref_squeeze %gather3A_747 : memref<1x32x128xf32, #tpu.memory_space<vmem>> -> memref<32x128xf32, #tpu.memory_space<vmem>>
      %gather3A_749 = tpu.vector_load_idx %gather3A_748[%add3A_743, %broadcast_in_dim3A_726] : memref<32x128xf32, #tpu.memory_space<vmem>>[vector<16xi32>, vector<16xi32>], vector<16xf32>,
      tpu.vector_store_idx %arg11[%add3A_743, %broadcast_in_dim3A_731], %gather3A_749 : memref<32x512xf32, #tpu.memory_space<vmem>>[vector<16xi32>, vector<16xi32>], vector<16xf32>,
      %and3A_750 = arith.constant 127 : i32
      %and3A_751 = arith.andi %squeeze3A_120, %and3A_750 : i32
      %broadcast_in_dim3A_752 = vector.broadcast %and3A_751 : i32 to vector<16xi32>
      %mul3A_753 = arith.constant 16 : i32
      %mul3A_754 = arith.muli %scan3A_111, %mul3A_753 : i32
      %add3A_755 = arith.constant 3 : i32
      %add3A_756 = arith.addi %mul3A_754, %add3A_755 : i32
      %broadcast_in_dim3A_757 = vector.broadcast %add3A_756 : i32 to vector<16xi32>
      %add3A_758 = arith.constant 0 : i32
      %add3A_759 = vector.broadcast %add3A_758 : i32 to vector<16xi32>
      %add3A_760 = arith.addi %iota3A, %add3A_759 : vector<16xi32>
      %gather3A_761 = arith.constant 3 : i32
      %gather3A_762 = arith.constant 0 : i32
      %gather3A_763 = arith.constant 0 : i32
      %gather3A_764 = tpu.memref_slice %arg10[%gather3A_761, %gather3A_762, %gather3A_763] : memref<16x32x128xf32, #tpu.memory_space<vmem>> -> memref<1x32x128xf32, #tpu.memory_space<vmem>>
      %gather3A_765 = tpu.memref_squeeze %gather3A_764 : memref<1x32x128xf32, #tpu.memory_space<vmem>> -> memref<32x128xf32, #tpu.memory_space<vmem>>
      %gather3A_766 = tpu.vector_load_idx %gather3A_765[%add3A_760, %broadcast_in_dim3A_752] : memref<32x128xf32, #tpu.memory_space<vmem>>[vector<16xi32>, vector<16xi32>], vector<16xf32>,
      tpu.vector_store_idx %arg11[%add3A_760, %broadcast_in_dim3A_757], %gather3A_766 : memref<32x512xf32, #tpu.memory_space<vmem>>[vector<16xi32>, vector<16xi32>], vector<16xf32>,
      %add3A_767 = arith.constant 16 : i32
      %add3A_768 = vector.broadcast %add3A_767 : i32 to vector<16xi32>
      %add3A_769 = arith.addi %iota3A, %add3A_768 : vector<16xi32>
      %gather3A_770 = arith.constant 3 : i32
      %gather3A_771 = arith.constant 0 : i32
      %gather3A_772 = arith.constant 0 : i32
      %gather3A_773 = tpu.memref_slice %arg10[%gather3A_770, %gather3A_771, %gather3A_772] : memref<16x32x128xf32, #tpu.memory_space<vmem>> -> memref<1x32x128xf32, #tpu.memory_space<vmem>>
      %gather3A_774 = tpu.memref_squeeze %gather3A_773 : memref<1x32x128xf32, #tpu.memory_space<vmem>> -> memref<32x128xf32, #tpu.memory_space<vmem>>
      %gather3A_775 = tpu.vector_load_idx %gather3A_774[%add3A_769, %broadcast_in_dim3A_752] : memref<32x128xf32, #tpu.memory_space<vmem>>[vector<16xi32>, vector<16xi32>], vector<16xf32>,
      tpu.vector_store_idx %arg11[%add3A_769, %broadcast_in_dim3A_757], %gather3A_775 : memref<32x512xf32, #tpu.memory_space<vmem>>[vector<16xi32>, vector<16xi32>], vector<16xf32>,
      %and3A_776 = arith.constant 127 : i32
      %and3A_777 = arith.andi %squeeze3A_122, %and3A_776 : i32
      %broadcast_in_dim3A_778 = vector.broadcast %and3A_777 : i32 to vector<16xi32>
      %mul3A_779 = arith.constant 16 : i32
      %mul3A_780 = arith.muli %scan3A_111, %mul3A_779 : i32
      %add3A_781 = arith.constant 4 : i32
      %add3A_782 = arith.addi %mul3A_780, %add3A_781 : i32
      %broadcast_in_dim3A_783 = vector.broadcast %add3A_782 : i32 to vector<16xi32>
      %add3A_784 = arith.constant 0 : i32
      %add3A_785 = vector.broadcast %add3A_784 : i32 to vector<16xi32>
      %add3A_786 = arith.addi %iota3A, %add3A_785 : vector<16xi32>
      %gather3A_787 = arith.constant 4 : i32
      %gather3A_788 = arith.constant 0 : i32
      %gather3A_789 = arith.constant 0 : i32
      %gather3A_790 = tpu.memref_slice %arg10[%gather3A_787, %gather3A_788, %gather3A_789] : memref<16x32x128xf32, #tpu.memory_space<vmem>> -> memref<1x32x128xf32, #tpu.memory_space<vmem>>
      %gather3A_791 = tpu.memref_squeeze %gather3A_790 : memref<1x32x128xf32, #tpu.memory_space<vmem>> -> memref<32x128xf32, #tpu.memory_space<vmem>>
      %gather3A_792 = tpu.vector_load_idx %gather3A_791[%add3A_786, %broadcast_in_dim3A_778] : memref<32x128xf32, #tpu.memory_space<vmem>>[vector<16xi32>, vector<16xi32>], vector<16xf32>,
      tpu.vector_store_idx %arg11[%add3A_786, %broadcast_in_dim3A_783], %gather3A_792 : memref<32x512xf32, #tpu.memory_space<vmem>>[vector<16xi32>, vector<16xi32>], vector<16xf32>,
      %add3A_793 = arith.constant 16 : i32
      %add3A_794 = vector.broadcast %add3A_793 : i32 to vector<16xi32>
      %add3A_795 = arith.addi %iota3A, %add3A_794 : vector<16xi32>
      %gather3A_796 = arith.constant 4 : i32
      %gather3A_797 = arith.constant 0 : i32
      %gather3A_798 = arith.constant 0 : i32
      %gather3A_799 = tpu.memref_slice %arg10[%gather3A_796, %gather3A_797, %gather3A_798] : memref<16x32x128xf32, #tpu.memory_space<vmem>> -> memref<1x32x128xf32, #tpu.memory_space<vmem>>
      %gather3A_800 = tpu.memref_squeeze %gather3A_799 : memref<1x32x128xf32, #tpu.memory_space<vmem>> -> memref<32x128xf32, #tpu.memory_space<vmem>>
      %gather3A_801 = tpu.vector_load_idx %gather3A_800[%add3A_795, %broadcast_in_dim3A_778] : memref<32x128xf32, #tpu.memory_space<vmem>>[vector<16xi32>, vector<16xi32>], vector<16xf32>,
      tpu.vector_store_idx %arg11[%add3A_795, %broadcast_in_dim3A_783], %gather3A_801 : memref<32x512xf32, #tpu.memory_space<vmem>>[vector<16xi32>, vector<16xi32>], vector<16xf32>,
      %and3A_802 = arith.constant 127 : i32
      %and3A_803 = arith.andi %squeeze3A_124, %and3A_802 : i32
      %broadcast_in_dim3A_804 = vector.broadcast %and3A_803 : i32 to vector<16xi32>
      %mul3A_805 = arith.constant 16 : i32
      %mul3A_806 = arith.muli %scan3A_111, %mul3A_805 : i32
      %add3A_807 = arith.constant 5 : i32
      %add3A_808 = arith.addi %mul3A_806, %add3A_807 : i32
      %broadcast_in_dim3A_809 = vector.broadcast %add3A_808 : i32 to vector<16xi32>
      %add3A_810 = arith.constant 0 : i32
      %add3A_811 = vector.broadcast %add3A_810 : i32 to vector<16xi32>
      %add3A_812 = arith.addi %iota3A, %add3A_811 : vector<16xi32>
      %gather3A_813 = arith.constant 5 : i32
      %gather3A_814 = arith.constant 0 : i32
      %gather3A_815 = arith.constant 0 : i32
      %gather3A_816 = tpu.memref_slice %arg10[%gather3A_813, %gather3A_814, %gather3A_815] : memref<16x32x128xf32, #tpu.memory_space<vmem>> -> memref<1x32x128xf32, #tpu.memory_space<vmem>>
      %gather3A_817 = tpu.memref_squeeze %gather3A_816 : memref<1x32x128xf32, #tpu.memory_space<vmem>> -> memref<32x128xf32, #tpu.memory_space<vmem>>
      %gather3A_818 = tpu.vector_load_idx %gather3A_817[%add3A_812, %broadcast_in_dim3A_804] : memref<32x128xf32, #tpu.memory_space<vmem>>[vector<16xi32>, vector<16xi32>], vector<16xf32>,
      tpu.vector_store_idx %arg11[%add3A_812, %broadcast_in_dim3A_809], %gather3A_818 : memref<32x512xf32, #tpu.memory_space<vmem>>[vector<16xi32>, vector<16xi32>], vector<16xf32>,
      %add3A_819 = arith.constant 16 : i32
      %add3A_820 = vector.broadcast %add3A_819 : i32 to vector<16xi32>
      %add3A_821 = arith.addi %iota3A, %add3A_820 : vector<16xi32>
      %gather3A_822 = arith.constant 5 : i32
      %gather3A_823 = arith.constant 0 : i32
      %gather3A_824 = arith.constant 0 : i32
      %gather3A_825 = tpu.memref_slice %arg10[%gather3A_822, %gather3A_823, %gather3A_824] : memref<16x32x128xf32, #tpu.memory_space<vmem>> -> memref<1x32x128xf32, #tpu.memory_space<vmem>>
      %gather3A_826 = tpu.memref_squeeze %gather3A_825 : memref<1x32x128xf32, #tpu.memory_space<vmem>> -> memref<32x128xf32, #tpu.memory_space<vmem>>
      %gather3A_827 = tpu.vector_load_idx %gather3A_826[%add3A_821, %broadcast_in_dim3A_804] : memref<32x128xf32, #tpu.memory_space<vmem>>[vector<16xi32>, vector<16xi32>], vector<16xf32>,
      tpu.vector_store_idx %arg11[%add3A_821, %broadcast_in_dim3A_809], %gather3A_827 : memref<32x512xf32, #tpu.memory_space<vmem>>[vector<16xi32>, vector<16xi32>], vector<16xf32>,
      %and3A_828 = arith.constant 127 : i32
      %and3A_829 = arith.andi %squeeze3A_126, %and3A_828 : i32
      %broadcast_in_dim3A_830 = vector.broadcast %and3A_829 : i32 to vector<16xi32>
      %mul3A_831 = arith.constant 16 : i32
      %mul3A_832 = arith.muli %scan3A_111, %mul3A_831 : i32
      %add3A_833 = arith.constant 6 : i32
      %add3A_834 = arith.addi %mul3A_832, %add3A_833 : i32
      %broadcast_in_dim3A_835 = vector.broadcast %add3A_834 : i32 to vector<16xi32>
      %add3A_836 = arith.constant 0 : i32
      %add3A_837 = vector.broadcast %add3A_836 : i32 to vector<16xi32>
      %add3A_838 = arith.addi %iota3A, %add3A_837 : vector<16xi32>
      %gather3A_839 = arith.constant 6 : i32
      %gather3A_840 = arith.constant 0 : i32
      %gather3A_841 = arith.constant 0 : i32
      %gather3A_842 = tpu.memref_slice %arg10[%gather3A_839, %gather3A_840, %gather3A_841] : memref<16x32x128xf32, #tpu.memory_space<vmem>> -> memref<1x32x128xf32, #tpu.memory_space<vmem>>
      %gather3A_843 = tpu.memref_squeeze %gather3A_842 : memref<1x32x128xf32, #tpu.memory_space<vmem>> -> memref<32x128xf32, #tpu.memory_space<vmem>>
      %gather3A_844 = tpu.vector_load_idx %gather3A_843[%add3A_838, %broadcast_in_dim3A_830] : memref<32x128xf32, #tpu.memory_space<vmem>>[vector<16xi32>, vector<16xi32>], vector<16xf32>,
      tpu.vector_store_idx %arg11[%add3A_838, %broadcast_in_dim3A_835], %gather3A_844 : memref<32x512xf32, #tpu.memory_space<vmem>>[vector<16xi32>, vector<16xi32>], vector<16xf32>,
      %add3A_845 = arith.constant 16 : i32
      %add3A_846 = vector.broadcast %add3A_845 : i32 to vector<16xi32>
      %add3A_847 = arith.addi %iota3A, %add3A_846 : vector<16xi32>
      %gather3A_848 = arith.constant 6 : i32
      %gather3A_849 = arith.constant 0 : i32
      %gather3A_850 = arith.constant 0 : i32
      %gather3A_851 = tpu.memref_slice %arg10[%gather3A_848, %gather3A_849, %gather3A_850] : memref<16x32x128xf32, #tpu.memory_space<vmem>> -> memref<1x32x128xf32, #tpu.memory_space<vmem>>
      %gather3A_852 = tpu.memref_squeeze %gather3A_851 : memref<1x32x128xf32, #tpu.memory_space<vmem>> -> memref<32x128xf32, #tpu.memory_space<vmem>>
      %gather3A_853 = tpu.vector_load_idx %gather3A_852[%add3A_847, %broadcast_in_dim3A_830] : memref<32x128xf32, #tpu.memory_space<vmem>>[vector<16xi32>, vector<16xi32>], vector<16xf32>,
      tpu.vector_store_idx %arg11[%add3A_847, %broadcast_in_dim3A_835], %gather3A_853 : memref<32x512xf32, #tpu.memory_space<vmem>>[vector<16xi32>, vector<16xi32>], vector<16xf32>,
      %and3A_854 = arith.constant 127 : i32
      %and3A_855 = arith.andi %squeeze3A_128, %and3A_854 : i32
      %broadcast_in_dim3A_856 = vector.broadcast %and3A_855 : i32 to vector<16xi32>
      %mul3A_857 = arith.constant 16 : i32
      %mul3A_858 = arith.muli %scan3A_111, %mul3A_857 : i32
      %add3A_859 = arith.constant 7 : i32
      %add3A_860 = arith.addi %mul3A_858, %add3A_859 : i32
      %broadcast_in_dim3A_861 = vector.broadcast %add3A_860 : i32 to vector<16xi32>
      %add3A_862 = arith.constant 0 : i32
      %add3A_863 = vector.broadcast %add3A_862 : i32 to vector<16xi32>
      %add3A_864 = arith.addi %iota3A, %add3A_863 : vector<16xi32>
      %gather3A_865 = arith.constant 7 : i32
      %gather3A_866 = arith.constant 0 : i32
      %gather3A_867 = arith.constant 0 : i32
      %gather3A_868 = tpu.memref_slice %arg10[%gather3A_865, %gather3A_866, %gather3A_867] : memref<16x32x128xf32, #tpu.memory_space<vmem>> -> memref<1x32x128xf32, #tpu.memory_space<vmem>>
      %gather3A_869 = tpu.memref_squeeze %gather3A_868 : memref<1x32x128xf32, #tpu.memory_space<vmem>> -> memref<32x128xf32, #tpu.memory_space<vmem>>
      %gather3A_870 = tpu.vector_load_idx %gather3A_869[%add3A_864, %broadcast_in_dim3A_856] : memref<32x128xf32, #tpu.memory_space<vmem>>[vector<16xi32>, vector<16xi32>], vector<16xf32>,
      tpu.vector_store_idx %arg11[%add3A_864, %broadcast_in_dim3A_861], %gather3A_870 : memref<32x512xf32, #tpu.memory_space<vmem>>[vector<16xi32>, vector<16xi32>], vector<16xf32>,
      %add3A_871 = arith.constant 16 : i32
      %add3A_872 = vector.broadcast %add3A_871 : i32 to vector<16xi32>
      %add3A_873 = arith.addi %iota3A, %add3A_872 : vector<16xi32>
      %gather3A_874 = arith.constant 7 : i32
      %gather3A_875 = arith.constant 0 : i32
      %gather3A_876 = arith.constant 0 : i32
      %gather3A_877 = tpu.memref_slice %arg10[%gather3A_874, %gather3A_875, %gather3A_876] : memref<16x32x128xf32, #tpu.memory_space<vmem>> -> memref<1x32x128xf32, #tpu.memory_space<vmem>>
      %gather3A_878 = tpu.memref_squeeze %gather3A_877 : memref<1x32x128xf32, #tpu.memory_space<vmem>> -> memref<32x128xf32, #tpu.memory_space<vmem>>
      %gather3A_879 = tpu.vector_load_idx %gather3A_878[%add3A_873, %broadcast_in_dim3A_856] : memref<32x128xf32, #tpu.memory_space<vmem>>[vector<16xi32>, vector<16xi32>], vector<16xf32>,
      tpu.vector_store_idx %arg11[%add3A_873, %broadcast_in_dim3A_861], %gather3A_879 : memref<32x512xf32, #tpu.memory_space<vmem>>[vector<16xi32>, vector<16xi32>], vector<16xf32>,
      %and3A_880 = arith.constant 127 : i32
      %and3A_881 = arith.andi %squeeze3A_130, %and3A_880 : i32
      %broadcast_in_dim3A_882 = vector.broadcast %and3A_881 : i32 to vector<16xi32>
      %mul3A_883 = arith.constant 16 : i32
      %mul3A_884 = arith.muli %scan3A_111, %mul3A_883 : i32
      %add3A_885 = arith.constant 8 : i32
      %add3A_886 = arith.addi %mul3A_884, %add3A_885 : i32
      %broadcast_in_dim3A_887 = vector.broadcast %add3A_886 : i32 to vector<16xi32>
      %add3A_888 = arith.constant 0 : i32
      %add3A_889 = vector.broadcast %add3A_888 : i32 to vector<16xi32>
      %add3A_890 = arith.addi %iota3A, %add3A_889 : vector<16xi32>
      %gather3A_891 = arith.constant 8 : i32
      %gather3A_892 = arith.constant 0 : i32
      %gather3A_893 = arith.constant 0 : i32
      %gather3A_894 = tpu.memref_slice %arg10[%gather3A_891, %gather3A_892, %gather3A_893] : memref<16x32x128xf32, #tpu.memory_space<vmem>> -> memref<1x32x128xf32, #tpu.memory_space<vmem>>
      %gather3A_895 = tpu.memref_squeeze %gather3A_894 : memref<1x32x128xf32, #tpu.memory_space<vmem>> -> memref<32x128xf32, #tpu.memory_space<vmem>>
      %gather3A_896 = tpu.vector_load_idx %gather3A_895[%add3A_890, %broadcast_in_dim3A_882] : memref<32x128xf32, #tpu.memory_space<vmem>>[vector<16xi32>, vector<16xi32>], vector<16xf32>,
      tpu.vector_store_idx %arg11[%add3A_890, %broadcast_in_dim3A_887], %gather3A_896 : memref<32x512xf32, #tpu.memory_space<vmem>>[vector<16xi32>, vector<16xi32>], vector<16xf32>,
      %add3A_897 = arith.constant 16 : i32
      %add3A_898 = vector.broadcast %add3A_897 : i32 to vector<16xi32>
      %add3A_899 = arith.addi %iota3A, %add3A_898 : vector<16xi32>
      %gather3A_900 = arith.constant 8 : i32
      %gather3A_901 = arith.constant 0 : i32
      %gather3A_902 = arith.constant 0 : i32
      %gather3A_903 = tpu.memref_slice %arg10[%gather3A_900, %gather3A_901, %gather3A_902] : memref<16x32x128xf32, #tpu.memory_space<vmem>> -> memref<1x32x128xf32, #tpu.memory_space<vmem>>
      %gather3A_904 = tpu.memref_squeeze %gather3A_903 : memref<1x32x128xf32, #tpu.memory_space<vmem>> -> memref<32x128xf32, #tpu.memory_space<vmem>>
      %gather3A_905 = tpu.vector_load_idx %gather3A_904[%add3A_899, %broadcast_in_dim3A_882] : memref<32x128xf32, #tpu.memory_space<vmem>>[vector<16xi32>, vector<16xi32>], vector<16xf32>,
      tpu.vector_store_idx %arg11[%add3A_899, %broadcast_in_dim3A_887], %gather3A_905 : memref<32x512xf32, #tpu.memory_space<vmem>>[vector<16xi32>, vector<16xi32>], vector<16xf32>,
      %and3A_906 = arith.constant 127 : i32
      %and3A_907 = arith.andi %squeeze3A_132, %and3A_906 : i32
      %broadcast_in_dim3A_908 = vector.broadcast %and3A_907 : i32 to vector<16xi32>
      %mul3A_909 = arith.constant 16 : i32
      %mul3A_910 = arith.muli %scan3A_111, %mul3A_909 : i32
      %add3A_911 = arith.constant 9 : i32
      %add3A_912 = arith.addi %mul3A_910, %add3A_911 : i32
      %broadcast_in_dim3A_913 = vector.broadcast %add3A_912 : i32 to vector<16xi32>
      %add3A_914 = arith.constant 0 : i32
      %add3A_915 = vector.broadcast %add3A_914 : i32 to vector<16xi32>
      %add3A_916 = arith.addi %iota3A, %add3A_915 : vector<16xi32>
      %gather3A_917 = arith.constant 9 : i32
      %gather3A_918 = arith.constant 0 : i32
      %gather3A_919 = arith.constant 0 : i32
      %gather3A_920 = tpu.memref_slice %arg10[%gather3A_917, %gather3A_918, %gather3A_919] : memref<16x32x128xf32, #tpu.memory_space<vmem>> -> memref<1x32x128xf32, #tpu.memory_space<vmem>>
      %gather3A_921 = tpu.memref_squeeze %gather3A_920 : memref<1x32x128xf32, #tpu.memory_space<vmem>> -> memref<32x128xf32, #tpu.memory_space<vmem>>
      %gather3A_922 = tpu.vector_load_idx %gather3A_921[%add3A_916, %broadcast_in_dim3A_908] : memref<32x128xf32, #tpu.memory_space<vmem>>[vector<16xi32>, vector<16xi32>], vector<16xf32>,
      tpu.vector_store_idx %arg11[%add3A_916, %broadcast_in_dim3A_913], %gather3A_922 : memref<32x512xf32, #tpu.memory_space<vmem>>[vector<16xi32>, vector<16xi32>], vector<16xf32>,
      %add3A_923 = arith.constant 16 : i32
      %add3A_924 = vector.broadcast %add3A_923 : i32 to vector<16xi32>
      %add3A_925 = arith.addi %iota3A, %add3A_924 : vector<16xi32>
      %gather3A_926 = arith.constant 9 : i32
      %gather3A_927 = arith.constant 0 : i32
      %gather3A_928 = arith.constant 0 : i32
      %gather3A_929 = tpu.memref_slice %arg10[%gather3A_926, %gather3A_927, %gather3A_928] : memref<16x32x128xf32, #tpu.memory_space<vmem>> -> memref<1x32x128xf32, #tpu.memory_space<vmem>>
      %gather3A_930 = tpu.memref_squeeze %gather3A_929 : memref<1x32x128xf32, #tpu.memory_space<vmem>> -> memref<32x128xf32, #tpu.memory_space<vmem>>
      %gather3A_931 = tpu.vector_load_idx %gather3A_930[%add3A_925, %broadcast_in_dim3A_908] : memref<32x128xf32, #tpu.memory_space<vmem>>[vector<16xi32>, vector<16xi32>], vector<16xf32>,
      tpu.vector_store_idx %arg11[%add3A_925, %broadcast_in_dim3A_913], %gather3A_931 : memref<32x512xf32, #tpu.memory_space<vmem>>[vector<16xi32>, vector<16xi32>], vector<16xf32>,
      %and3A_932 = arith.constant 127 : i32
      %and3A_933 = arith.andi %squeeze3A_134, %and3A_932 : i32
      %broadcast_in_dim3A_934 = vector.broadcast %and3A_933 : i32 to vector<16xi32>
      %mul3A_935 = arith.constant 16 : i32
      %mul3A_936 = arith.muli %scan3A_111, %mul3A_935 : i32
      %add3A_937 = arith.constant 10 : i32
      %add3A_938 = arith.addi %mul3A_936, %add3A_937 : i32
      %broadcast_in_dim3A_939 = vector.broadcast %add3A_938 : i32 to vector<16xi32>
      %add3A_940 = arith.constant 0 : i32
      %add3A_941 = vector.broadcast %add3A_940 : i32 to vector<16xi32>
      %add3A_942 = arith.addi %iota3A, %add3A_941 : vector<16xi32>
      %gather3A_943 = arith.constant 10 : i32
      %gather3A_944 = arith.constant 0 : i32
      %gather3A_945 = arith.constant 0 : i32
      %gather3A_946 = tpu.memref_slice %arg10[%gather3A_943, %gather3A_944, %gather3A_945] : memref<16x32x128xf32, #tpu.memory_space<vmem>> -> memref<1x32x128xf32, #tpu.memory_space<vmem>>
      %gather3A_947 = tpu.memref_squeeze %gather3A_946 : memref<1x32x128xf32, #tpu.memory_space<vmem>> -> memref<32x128xf32, #tpu.memory_space<vmem>>
      %gather3A_948 = tpu.vector_load_idx %gather3A_947[%add3A_942, %broadcast_in_dim3A_934] : memref<32x128xf32, #tpu.memory_space<vmem>>[vector<16xi32>, vector<16xi32>], vector<16xf32>,
      tpu.vector_store_idx %arg11[%add3A_942, %broadcast_in_dim3A_939], %gather3A_948 : memref<32x512xf32, #tpu.memory_space<vmem>>[vector<16xi32>, vector<16xi32>], vector<16xf32>,
      %add3A_949 = arith.constant 16 : i32
      %add3A_950 = vector.broadcast %add3A_949 : i32 to vector<16xi32>
      %add3A_951 = arith.addi %iota3A, %add3A_950 : vector<16xi32>
      %gather3A_952 = arith.constant 10 : i32
      %gather3A_953 = arith.constant 0 : i32
      %gather3A_954 = arith.constant 0 : i32
      %gather3A_955 = tpu.memref_slice %arg10[%gather3A_952, %gather3A_953, %gather3A_954] : memref<16x32x128xf32, #tpu.memory_space<vmem>> -> memref<1x32x128xf32, #tpu.memory_space<vmem>>
      %gather3A_956 = tpu.memref_squeeze %gather3A_955 : memref<1x32x128xf32, #tpu.memory_space<vmem>> -> memref<32x128xf32, #tpu.memory_space<vmem>>
      %gather3A_957 = tpu.vector_load_idx %gather3A_956[%add3A_951, %broadcast_in_dim3A_934] : memref<32x128xf32, #tpu.memory_space<vmem>>[vector<16xi32>, vector<16xi32>], vector<16xf32>,
      tpu.vector_store_idx %arg11[%add3A_951, %broadcast_in_dim3A_939], %gather3A_957 : memref<32x512xf32, #tpu.memory_space<vmem>>[vector<16xi32>, vector<16xi32>], vector<16xf32>,
      %and3A_958 = arith.constant 127 : i32
      %and3A_959 = arith.andi %squeeze3A_136, %and3A_958 : i32
      %broadcast_in_dim3A_960 = vector.broadcast %and3A_959 : i32 to vector<16xi32>
      %mul3A_961 = arith.constant 16 : i32
      %mul3A_962 = arith.muli %scan3A_111, %mul3A_961 : i32
      %add3A_963 = arith.constant 11 : i32
      %add3A_964 = arith.addi %mul3A_962, %add3A_963 : i32
      %broadcast_in_dim3A_965 = vector.broadcast %add3A_964 : i32 to vector<16xi32>
      %add3A_966 = arith.constant 0 : i32
      %add3A_967 = vector.broadcast %add3A_966 : i32 to vector<16xi32>
      %add3A_968 = arith.addi %iota3A, %add3A_967 : vector<16xi32>
      %gather3A_969 = arith.constant 11 : i32
      %gather3A_970 = arith.constant 0 : i32
      %gather3A_971 = arith.constant 0 : i32
      %gather3A_972 = tpu.memref_slice %arg10[%gather3A_969, %gather3A_970, %gather3A_971] : memref<16x32x128xf32, #tpu.memory_space<vmem>> -> memref<1x32x128xf32, #tpu.memory_space<vmem>>
      %gather3A_973 = tpu.memref_squeeze %gather3A_972 : memref<1x32x128xf32, #tpu.memory_space<vmem>> -> memref<32x128xf32, #tpu.memory_space<vmem>>
      %gather3A_974 = tpu.vector_load_idx %gather3A_973[%add3A_968, %broadcast_in_dim3A_960] : memref<32x128xf32, #tpu.memory_space<vmem>>[vector<16xi32>, vector<16xi32>], vector<16xf32>,
      tpu.vector_store_idx %arg11[%add3A_968, %broadcast_in_dim3A_965], %gather3A_974 : memref<32x512xf32, #tpu.memory_space<vmem>>[vector<16xi32>, vector<16xi32>], vector<16xf32>,
      %add3A_975 = arith.constant 16 : i32
      %add3A_976 = vector.broadcast %add3A_975 : i32 to vector<16xi32>
      %add3A_977 = arith.addi %iota3A, %add3A_976 : vector<16xi32>
      %gather3A_978 = arith.constant 11 : i32
      %gather3A_979 = arith.constant 0 : i32
      %gather3A_980 = arith.constant 0 : i32
      %gather3A_981 = tpu.memref_slice %arg10[%gather3A_978, %gather3A_979, %gather3A_980] : memref<16x32x128xf32, #tpu.memory_space<vmem>> -> memref<1x32x128xf32, #tpu.memory_space<vmem>>
      %gather3A_982 = tpu.memref_squeeze %gather3A_981 : memref<1x32x128xf32, #tpu.memory_space<vmem>> -> memref<32x128xf32, #tpu.memory_space<vmem>>
      %gather3A_983 = tpu.vector_load_idx %gather3A_982[%add3A_977, %broadcast_in_dim3A_960] : memref<32x128xf32, #tpu.memory_space<vmem>>[vector<16xi32>, vector<16xi32>], vector<16xf32>,
      tpu.vector_store_idx %arg11[%add3A_977, %broadcast_in_dim3A_965], %gather3A_983 : memref<32x512xf32, #tpu.memory_space<vmem>>[vector<16xi32>, vector<16xi32>], vector<16xf32>,
      %and3A_984 = arith.constant 127 : i32
      %and3A_985 = arith.andi %squeeze3A_138, %and3A_984 : i32
      %broadcast_in_dim3A_986 = vector.broadcast %and3A_985 : i32 to vector<16xi32>
      %mul3A_987 = arith.constant 16 : i32
      %mul3A_988 = arith.muli %scan3A_111, %mul3A_987 : i32
      %add3A_989 = arith.constant 12 : i32
      %add3A_990 = arith.addi %mul3A_988, %add3A_989 : i32
      %broadcast_in_dim3A_991 = vector.broadcast %add3A_990 : i32 to vector<16xi32>
      %add3A_992 = arith.constant 0 : i32
      %add3A_993 = vector.broadcast %add3A_992 : i32 to vector<16xi32>
      %add3A_994 = arith.addi %iota3A, %add3A_993 : vector<16xi32>
      %gather3A_995 = arith.constant 12 : i32
      %gather3A_996 = arith.constant 0 : i32
      %gather3A_997 = arith.constant 0 : i32
      %gather3A_998 = tpu.memref_slice %arg10[%gather3A_995, %gather3A_996, %gather3A_997] : memref<16x32x128xf32, #tpu.memory_space<vmem>> -> memref<1x32x128xf32, #tpu.memory_space<vmem>>
      %gather3A_999 = tpu.memref_squeeze %gather3A_998 : memref<1x32x128xf32, #tpu.memory_space<vmem>> -> memref<32x128xf32, #tpu.memory_space<vmem>>
      %gather3A_1000 = tpu.vector_load_idx %gather3A_999[%add3A_994, %broadcast_in_dim3A_986] : memref<32x128xf32, #tpu.memory_space<vmem>>[vector<16xi32>, vector<16xi32>], vector<16xf32>,
      tpu.vector_store_idx %arg11[%add3A_994, %broadcast_in_dim3A_991], %gather3A_1000 : memref<32x512xf32, #tpu.memory_space<vmem>>[vector<16xi32>, vector<16xi32>], vector<16xf32>,
      %add3A_1001 = arith.constant 16 : i32
      %add3A_1002 = vector.broadcast %add3A_1001 : i32 to vector<16xi32>
      %add3A_1003 = arith.addi %iota3A, %add3A_1002 : vector<16xi32>
      %gather3A_1004 = arith.constant 12 : i32
      %gather3A_1005 = arith.constant 0 : i32
      %gather3A_1006 = arith.constant 0 : i32
      %gather3A_1007 = tpu.memref_slice %arg10[%gather3A_1004, %gather3A_1005, %gather3A_1006] : memref<16x32x128xf32, #tpu.memory_space<vmem>> -> memref<1x32x128xf32, #tpu.memory_space<vmem>>
      %gather3A_1008 = tpu.memref_squeeze %gather3A_1007 : memref<1x32x128xf32, #tpu.memory_space<vmem>> -> memref<32x128xf32, #tpu.memory_space<vmem>>
      %gather3A_1009 = tpu.vector_load_idx %gather3A_1008[%add3A_1003, %broadcast_in_dim3A_986] : memref<32x128xf32, #tpu.memory_space<vmem>>[vector<16xi32>, vector<16xi32>], vector<16xf32>,
      tpu.vector_store_idx %arg11[%add3A_1003, %broadcast_in_dim3A_991], %gather3A_1009 : memref<32x512xf32, #tpu.memory_space<vmem>>[vector<16xi32>, vector<16xi32>], vector<16xf32>,
      %and3A_1010 = arith.constant 127 : i32
      %and3A_1011 = arith.andi %squeeze3A_140, %and3A_1010 : i32
      %broadcast_in_dim3A_1012 = vector.broadcast %and3A_1011 : i32 to vector<16xi32>
      %mul3A_1013 = arith.constant 16 : i32
      %mul3A_1014 = arith.muli %scan3A_111, %mul3A_1013 : i32
      %add3A_1015 = arith.constant 13 : i32
      %add3A_1016 = arith.addi %mul3A_1014, %add3A_1015 : i32
      %broadcast_in_dim3A_1017 = vector.broadcast %add3A_1016 : i32 to vector<16xi32>
      %add3A_1018 = arith.constant 0 : i32
      %add3A_1019 = vector.broadcast %add3A_1018 : i32 to vector<16xi32>
      %add3A_1020 = arith.addi %iota3A, %add3A_1019 : vector<16xi32>
      %gather3A_1021 = arith.constant 13 : i32
      %gather3A_1022 = arith.constant 0 : i32
      %gather3A_1023 = arith.constant 0 : i32
      %gather3A_1024 = tpu.memref_slice %arg10[%gather3A_1021, %gather3A_1022, %gather3A_1023] : memref<16x32x128xf32, #tpu.memory_space<vmem>> -> memref<1x32x128xf32, #tpu.memory_space<vmem>>
      %gather3A_1025 = tpu.memref_squeeze %gather3A_1024 : memref<1x32x128xf32, #tpu.memory_space<vmem>> -> memref<32x128xf32, #tpu.memory_space<vmem>>
      %gather3A_1026 = tpu.vector_load_idx %gather3A_1025[%add3A_1020, %broadcast_in_dim3A_1012] : memref<32x128xf32, #tpu.memory_space<vmem>>[vector<16xi32>, vector<16xi32>], vector<16xf32>,
      tpu.vector_store_idx %arg11[%add3A_1020, %broadcast_in_dim3A_1017], %gather3A_1026 : memref<32x512xf32, #tpu.memory_space<vmem>>[vector<16xi32>, vector<16xi32>], vector<16xf32>,
      %add3A_1027 = arith.constant 16 : i32
      %add3A_1028 = vector.broadcast %add3A_1027 : i32 to vector<16xi32>
      %add3A_1029 = arith.addi %iota3A, %add3A_1028 : vector<16xi32>
      %gather3A_1030 = arith.constant 13 : i32
      %gather3A_1031 = arith.constant 0 : i32
      %gather3A_1032 = arith.constant 0 : i32
      %gather3A_1033 = tpu.memref_slice %arg10[%gather3A_1030, %gather3A_1031, %gather3A_1032] : memref<16x32x128xf32, #tpu.memory_space<vmem>> -> memref<1x32x128xf32, #tpu.memory_space<vmem>>
      %gather3A_1034 = tpu.memref_squeeze %gather3A_1033 : memref<1x32x128xf32, #tpu.memory_space<vmem>> -> memref<32x128xf32, #tpu.memory_space<vmem>>
      %gather3A_1035 = tpu.vector_load_idx %gather3A_1034[%add3A_1029, %broadcast_in_dim3A_1012] : memref<32x128xf32, #tpu.memory_space<vmem>>[vector<16xi32>, vector<16xi32>], vector<16xf32>,
      tpu.vector_store_idx %arg11[%add3A_1029, %broadcast_in_dim3A_1017], %gather3A_1035 : memref<32x512xf32, #tpu.memory_space<vmem>>[vector<16xi32>, vector<16xi32>], vector<16xf32>,
      %and3A_1036 = arith.constant 127 : i32
      %and3A_1037 = arith.andi %squeeze3A_142, %and3A_1036 : i32
      %broadcast_in_dim3A_1038 = vector.broadcast %and3A_1037 : i32 to vector<16xi32>
      %mul3A_1039 = arith.constant 16 : i32
      %mul3A_1040 = arith.muli %scan3A_111, %mul3A_1039 : i32
      %add3A_1041 = arith.constant 14 : i32
      %add3A_1042 = arith.addi %mul3A_1040, %add3A_1041 : i32
      %broadcast_in_dim3A_1043 = vector.broadcast %add3A_1042 : i32 to vector<16xi32>
      %add3A_1044 = arith.constant 0 : i32
      %add3A_1045 = vector.broadcast %add3A_1044 : i32 to vector<16xi32>
      %add3A_1046 = arith.addi %iota3A, %add3A_1045 : vector<16xi32>
      %gather3A_1047 = arith.constant 14 : i32
      %gather3A_1048 = arith.constant 0 : i32
      %gather3A_1049 = arith.constant 0 : i32
      %gather3A_1050 = tpu.memref_slice %arg10[%gather3A_1047, %gather3A_1048, %gather3A_1049] : memref<16x32x128xf32, #tpu.memory_space<vmem>> -> memref<1x32x128xf32, #tpu.memory_space<vmem>>
      %gather3A_1051 = tpu.memref_squeeze %gather3A_1050 : memref<1x32x128xf32, #tpu.memory_space<vmem>> -> memref<32x128xf32, #tpu.memory_space<vmem>>
      %gather3A_1052 = tpu.vector_load_idx %gather3A_1051[%add3A_1046, %broadcast_in_dim3A_1038] : memref<32x128xf32, #tpu.memory_space<vmem>>[vector<16xi32>, vector<16xi32>], vector<16xf32>,
      tpu.vector_store_idx %arg11[%add3A_1046, %broadcast_in_dim3A_1043], %gather3A_1052 : memref<32x512xf32, #tpu.memory_space<vmem>>[vector<16xi32>, vector<16xi32>], vector<16xf32>,
      %add3A_1053 = arith.constant 16 : i32
      %add3A_1054 = vector.broadcast %add3A_1053 : i32 to vector<16xi32>
      %add3A_1055 = arith.addi %iota3A, %add3A_1054 : vector<16xi32>
      %gather3A_1056 = arith.constant 14 : i32
      %gather3A_1057 = arith.constant 0 : i32
      %gather3A_1058 = arith.constant 0 : i32
      %gather3A_1059 = tpu.memref_slice %arg10[%gather3A_1056, %gather3A_1057, %gather3A_1058] : memref<16x32x128xf32, #tpu.memory_space<vmem>> -> memref<1x32x128xf32, #tpu.memory_space<vmem>>
      %gather3A_1060 = tpu.memref_squeeze %gather3A_1059 : memref<1x32x128xf32, #tpu.memory_space<vmem>> -> memref<32x128xf32, #tpu.memory_space<vmem>>
      %gather3A_1061 = tpu.vector_load_idx %gather3A_1060[%add3A_1055, %broadcast_in_dim3A_1038] : memref<32x128xf32, #tpu.memory_space<vmem>>[vector<16xi32>, vector<16xi32>], vector<16xf32>,
      tpu.vector_store_idx %arg11[%add3A_1055, %broadcast_in_dim3A_1043], %gather3A_1061 : memref<32x512xf32, #tpu.memory_space<vmem>>[vector<16xi32>, vector<16xi32>], vector<16xf32>,
      %and3A_1062 = arith.constant 127 : i32
      %and3A_1063 = arith.andi %squeeze3A_144, %and3A_1062 : i32
      %broadcast_in_dim3A_1064 = vector.broadcast %and3A_1063 : i32 to vector<16xi32>
      %mul3A_1065 = arith.constant 16 : i32
      %mul3A_1066 = arith.muli %scan3A_111, %mul3A_1065 : i32
      %add3A_1067 = arith.constant 15 : i32
      %add3A_1068 = arith.addi %mul3A_1066, %add3A_1067 : i32
      %broadcast_in_dim3A_1069 = vector.broadcast %add3A_1068 : i32 to vector<16xi32>
      %add3A_1070 = arith.constant 0 : i32
      %add3A_1071 = vector.broadcast %add3A_1070 : i32 to vector<16xi32>
      %add3A_1072 = arith.addi %iota3A, %add3A_1071 : vector<16xi32>
      %gather3A_1073 = arith.constant 15 : i32
      %gather3A_1074 = arith.constant 0 : i32
      %gather3A_1075 = arith.constant 0 : i32
      %gather3A_1076 = tpu.memref_slice %arg10[%gather3A_1073, %gather3A_1074, %gather3A_1075] : memref<16x32x128xf32, #tpu.memory_space<vmem>> -> memref<1x32x128xf32, #tpu.memory_space<vmem>>
      %gather3A_1077 = tpu.memref_squeeze %gather3A_1076 : memref<1x32x128xf32, #tpu.memory_space<vmem>> -> memref<32x128xf32, #tpu.memory_space<vmem>>
      %gather3A_1078 = tpu.vector_load_idx %gather3A_1077[%add3A_1072, %broadcast_in_dim3A_1064] : memref<32x128xf32, #tpu.memory_space<vmem>>[vector<16xi32>, vector<16xi32>], vector<16xf32>,
      tpu.vector_store_idx %arg11[%add3A_1072, %broadcast_in_dim3A_1069], %gather3A_1078 : memref<32x512xf32, #tpu.memory_space<vmem>>[vector<16xi32>, vector<16xi32>], vector<16xf32>,
      %add3A_1079 = arith.constant 16 : i32
      %add3A_1080 = vector.broadcast %add3A_1079 : i32 to vector<16xi32>
      %add3A_1081 = arith.addi %iota3A, %add3A_1080 : vector<16xi32>
      %gather3A_1082 = arith.constant 15 : i32
      %gather3A_1083 = arith.constant 0 : i32
      %gather3A_1084 = arith.constant 0 : i32
      %gather3A_1085 = tpu.memref_slice %arg10[%gather3A_1082, %gather3A_1083, %gather3A_1084] : memref<16x32x128xf32, #tpu.memory_space<vmem>> -> memref<1x32x128xf32, #tpu.memory_space<vmem>>
      %gather3A_1086 = tpu.memref_squeeze %gather3A_1085 : memref<1x32x128xf32, #tpu.memory_space<vmem>> -> memref<32x128xf32, #tpu.memory_space<vmem>>
      %gather3A_1087 = tpu.vector_load_idx %gather3A_1086[%add3A_1081, %broadcast_in_dim3A_1064] : memref<32x128xf32, #tpu.memory_space<vmem>>[vector<16xi32>, vector<16xi32>], vector<16xf32>,
      tpu.vector_store_idx %arg11[%add3A_1081, %broadcast_in_dim3A_1069], %gather3A_1087 : memref<32x512xf32, #tpu.memory_space<vmem>>[vector<16xi32>, vector<16xi32>], vector<16xf32>,
      %mul3A_1088 = arith.constant 16 : i32
      %mul3A_1089 = arith.muli %scan3A_111, %mul3A_1088 : i32
      %get3A_1090 = arith.index_cast %mul3A_1089 : i32 to index
      %get3A_1091 = tpu.vector_load %arg9[%get3A_1090] {strides = array<i32>} : memref<512xi32, #tpu.memory_space<vmem>>, vector<16xi32>,
      %slice3A_1092 = vector.extract_strided_slice %get3A_1091 {offsets = [0], sizes = [1], strides = [1]} : vector<16xi32> to vector<1xi32>
      %squeeze3A_1093 = vector.extract %slice3A_1092[0] : i32 from vector<1xi32>
      %slice3A_1094 = vector.extract_strided_slice %get3A_1091 {offsets = [1], sizes = [1], strides = [1]} : vector<16xi32> to vector<1xi32>
      %squeeze3A_1095 = vector.extract %slice3A_1094[0] : i32 from vector<1xi32>
      %slice3A_1096 = vector.extract_strided_slice %get3A_1091 {offsets = [2], sizes = [1], strides = [1]} : vector<16xi32> to vector<1xi32>
      %squeeze3A_1097 = vector.extract %slice3A_1096[0] : i32 from vector<1xi32>
      %slice3A_1098 = vector.extract_strided_slice %get3A_1091 {offsets = [3], sizes = [1], strides = [1]} : vector<16xi32> to vector<1xi32>
      %squeeze3A_1099 = vector.extract %slice3A_1098[0] : i32 from vector<1xi32>
      %slice3A_1100 = vector.extract_strided_slice %get3A_1091 {offsets = [4], sizes = [1], strides = [1]} : vector<16xi32> to vector<1xi32>
      %squeeze3A_1101 = vector.extract %slice3A_1100[0] : i32 from vector<1xi32>
      %slice3A_1102 = vector.extract_strided_slice %get3A_1091 {offsets = [5], sizes = [1], strides = [1]} : vector<16xi32> to vector<1xi32>
      %squeeze3A_1103 = vector.extract %slice3A_1102[0] : i32 from vector<1xi32>
      %slice3A_1104 = vector.extract_strided_slice %get3A_1091 {offsets = [6], sizes = [1], strides = [1]} : vector<16xi32> to vector<1xi32>
      %squeeze3A_1105 = vector.extract %slice3A_1104[0] : i32 from vector<1xi32>
      %slice3A_1106 = vector.extract_strided_slice %get3A_1091 {offsets = [7], sizes = [1], strides = [1]} : vector<16xi32> to vector<1xi32>
      %squeeze3A_1107 = vector.extract %slice3A_1106[0] : i32 from vector<1xi32>
      %slice3A_1108 = vector.extract_strided_slice %get3A_1091 {offsets = [8], sizes = [1], strides = [1]} : vector<16xi32> to vector<1xi32>
      %squeeze3A_1109 = vector.extract %slice3A_1108[0] : i32 from vector<1xi32>
      %slice3A_1110 = vector.extract_strided_slice %get3A_1091 {offsets = [9], sizes = [1], strides = [1]} : vector<16xi32> to vector<1xi32>
      %squeeze3A_1111 = vector.extract %slice3A_1110[0] : i32 from vector<1xi32>
      %slice3A_1112 = vector.extract_strided_slice %get3A_1091 {offsets = [10], sizes = [1], strides = [1]} : vector<16xi32> to vector<1xi32>
      %squeeze3A_1113 = vector.extract %slice3A_1112[0] : i32 from vector<1xi32>
      %slice3A_1114 = vector.extract_strided_slice %get3A_1091 {offsets = [11], sizes = [1], strides = [1]} : vector<16xi32> to vector<1xi32>
      %squeeze3A_1115 = vector.extract %slice3A_1114[0] : i32 from vector<1xi32>
      %slice3A_1116 = vector.extract_strided_slice %get3A_1091 {offsets = [12], sizes = [1], strides = [1]} : vector<16xi32> to vector<1xi32>
      %squeeze3A_1117 = vector.extract %slice3A_1116[0] : i32 from vector<1xi32>
      %slice3A_1118 = vector.extract_strided_slice %get3A_1091 {offsets = [13], sizes = [1], strides = [1]} : vector<16xi32> to vector<1xi32>
      %squeeze3A_1119 = vector.extract %slice3A_1118[0] : i32 from vector<1xi32>
      %slice3A_1120 = vector.extract_strided_slice %get3A_1091 {offsets = [14], sizes = [1], strides = [1]} : vector<16xi32> to vector<1xi32>
      %squeeze3A_1121 = vector.extract %slice3A_1120[0] : i32 from vector<1xi32>
      %slice3A_1122 = vector.extract_strided_slice %get3A_1091 {offsets = [15], sizes = [1], strides = [1]} : vector<16xi32> to vector<1xi32>
      %squeeze3A_1123 = vector.extract %slice3A_1122[0] : i32 from vector<1xi32>
      %shift_right_arithmetic3A_1124 = arith.constant 7 : i32
      %shift_right_arithmetic3A_1125 = arith.shrsi %squeeze3A_1093, %shift_right_arithmetic3A_1124 : i32
      %mul3A_1126 = arith.constant 128 : i32
      %mul3A_1127 = arith.muli %shift_right_arithmetic3A_1125, %mul3A_1126 : i32
      %multiple_of3A_1128 = tpu.assume_multiple %mul3A_1127, 128 : i32
      %dma_start3A_1129 = arith.constant 0 : i32
      %dma_start3A_1130 = arith.constant 0 : i32
      %dma_start3A_1131 = arith.constant 0 : i32
      %dma_start3A_1132 = tpu.memref_slice %arg10[%dma_start3A_1129, %dma_start3A_1130, %dma_start3A_1131] : memref<16x32x128xf32, #tpu.memory_space<vmem>> -> memref<1x32x128xf32, #tpu.memory_space<vmem>>
      %dma_start3A_1133 = tpu.memref_squeeze %dma_start3A_1132 : memref<1x32x128xf32, #tpu.memory_space<vmem>> -> memref<32x128xf32, #tpu.memory_space<vmem>>
      %dma_start3A_1134 = arith.constant 0 : i32
      %dma_start3A_1135 = tpu.memref_slice %arg5[%dma_start3A_1134, %multiple_of3A_1128] : memref<32x1000000xf32, #tpu.memory_space<hbm>> -> memref<32x128xf32, #tpu.memory_space<hbm>>
      %dma_start3A_1136 = arith.constant 0 : i32
      %dma_start3A_1137 = arith.constant 0 : i32
      %dma_start3A_1138 = tpu.memref_slice %arg10[%dma_start3A_1129, %dma_start3A_1136, %dma_start3A_1137] : memref<16x32x128xf32, #tpu.memory_space<vmem>> -> memref<1x32x128xf32, #tpu.memory_space<vmem>>
      %dma_start3A_1139 = tpu.memref_squeeze %dma_start3A_1138 : memref<1x32x128xf32, #tpu.memory_space<vmem>> -> memref<32x128xf32, #tpu.memory_space<vmem>>
      %dma_start3A_1140 = arith.constant 0 : i32
      %dma_start3A_1141 = tpu.memref_slice %arg5[%dma_start3A_1140, %multiple_of3A_1128] : memref<32x1000000xf32, #tpu.memory_space<hbm>> -> memref<32x128xf32, #tpu.memory_space<hbm>>
      tpu.enqueue_dma source(%dma_start3A_1141 : memref<32x128xf32, #tpu.memory_space<hbm>>) target(%dma_start3A_1139 : memref<32x128xf32, #tpu.memory_space<vmem>>) target_semaphore(%arg15 : memref<!tpu.dma_semaphore, #tpu.memory_space<semaphore_mem>>)
      %shift_right_arithmetic3A_1142 = arith.constant 7 : i32
      %shift_right_arithmetic3A_1143 = arith.shrsi %squeeze3A_1095, %shift_right_arithmetic3A_1142 : i32
      %mul3A_1144 = arith.constant 128 : i32
      %mul3A_1145 = arith.muli %shift_right_arithmetic3A_1143, %mul3A_1144 : i32
      %multiple_of3A_1146 = tpu.assume_multiple %mul3A_1145, 128 : i32
      %dma_start3A_1147 = arith.constant 1 : i32
      %dma_start3A_1148 = arith.constant 0 : i32
      %dma_start3A_1149 = arith.constant 0 : i32
      %dma_start3A_1150 = tpu.memref_slice %arg10[%dma_start3A_1147, %dma_start3A_1148, %dma_start3A_1149] : memref<16x32x128xf32, #tpu.memory_space<vmem>> -> memref<1x32x128xf32, #tpu.memory_space<vmem>>
      %dma_start3A_1151 = tpu.memref_squeeze %dma_start3A_1150 : memref<1x32x128xf32, #tpu.memory_space<vmem>> -> memref<32x128xf32, #tpu.memory_space<vmem>>
      %dma_start3A_1152 = arith.constant 0 : i32
      %dma_start3A_1153 = tpu.memref_slice %arg5[%dma_start3A_1152, %multiple_of3A_1146] : memref<32x1000000xf32, #tpu.memory_space<hbm>> -> memref<32x128xf32, #tpu.memory_space<hbm>>
      %dma_start3A_1154 = arith.constant 0 : i32
      %dma_start3A_1155 = arith.constant 0 : i32
      %dma_start3A_1156 = tpu.memref_slice %arg10[%dma_start3A_1147, %dma_start3A_1154, %dma_start3A_1155] : memref<16x32x128xf32, #tpu.memory_space<vmem>> -> memref<1x32x128xf32, #tpu.memory_space<vmem>>
      %dma_start3A_1157 = tpu.memref_squeeze %dma_start3A_1156 : memref<1x32x128xf32, #tpu.memory_space<vmem>> -> memref<32x128xf32, #tpu.memory_space<vmem>>
      %dma_start3A_1158 = arith.constant 0 : i32
      %dma_start3A_1159 = tpu.memref_slice %arg5[%dma_start3A_1158, %multiple_of3A_1146] : memref<32x1000000xf32, #tpu.memory_space<hbm>> -> memref<32x128xf32, #tpu.memory_space<hbm>>
      tpu.enqueue_dma source(%dma_start3A_1159 : memref<32x128xf32, #tpu.memory_space<hbm>>) target(%dma_start3A_1157 : memref<32x128xf32, #tpu.memory_space<vmem>>) target_semaphore(%arg15 : memref<!tpu.dma_semaphore, #tpu.memory_space<semaphore_mem>>)
      %shift_right_arithmetic3A_1160 = arith.constant 7 : i32
      %shift_right_arithmetic3A_1161 = arith.shrsi %squeeze3A_1097, %shift_right_arithmetic3A_1160 : i32
      %mul3A_1162 = arith.constant 128 : i32
      %mul3A_1163 = arith.muli %shift_right_arithmetic3A_1161, %mul3A_1162 : i32
      %multiple_of3A_1164 = tpu.assume_multiple %mul3A_1163, 128 : i32
      %dma_start3A_1165 = arith.constant 2 : i32
      %dma_start3A_1166 = arith.constant 0 : i32
      %dma_start3A_1167 = arith.constant 0 : i32
      %dma_start3A_1168 = tpu.memref_slice %arg10[%dma_start3A_1165, %dma_start3A_1166, %dma_start3A_1167] : memref<16x32x128xf32, #tpu.memory_space<vmem>> -> memref<1x32x128xf32, #tpu.memory_space<vmem>>
      %dma_start3A_1169 = tpu.memref_squeeze %dma_start3A_1168 : memref<1x32x128xf32, #tpu.memory_space<vmem>> -> memref<32x128xf32, #tpu.memory_space<vmem>>
      %dma_start3A_1170 = arith.constant 0 : i32
      %dma_start3A_1171 = tpu.memref_slice %arg5[%dma_start3A_1170, %multiple_of3A_1164] : memref<32x1000000xf32, #tpu.memory_space<hbm>> -> memref<32x128xf32, #tpu.memory_space<hbm>>
      %dma_start3A_1172 = arith.constant 0 : i32
      %dma_start3A_1173 = arith.constant 0 : i32
      %dma_start3A_1174 = tpu.memref_slice %arg10[%dma_start3A_1165, %dma_start3A_1172, %dma_start3A_1173] : memref<16x32x128xf32, #tpu.memory_space<vmem>> -> memref<1x32x128xf32, #tpu.memory_space<vmem>>
      %dma_start3A_1175 = tpu.memref_squeeze %dma_start3A_1174 : memref<1x32x128xf32, #tpu.memory_space<vmem>> -> memref<32x128xf32, #tpu.memory_space<vmem>>
      %dma_start3A_1176 = arith.constant 0 : i32
      %dma_start3A_1177 = tpu.memref_slice %arg5[%dma_start3A_1176, %multiple_of3A_1164] : memref<32x1000000xf32, #tpu.memory_space<hbm>> -> memref<32x128xf32, #tpu.memory_space<hbm>>
      tpu.enqueue_dma source(%dma_start3A_1177 : memref<32x128xf32, #tpu.memory_space<hbm>>) target(%dma_start3A_1175 : memref<32x128xf32, #tpu.memory_space<vmem>>) target_semaphore(%arg15 : memref<!tpu.dma_semaphore, #tpu.memory_space<semaphore_mem>>)
      %shift_right_arithmetic3A_1178 = arith.constant 7 : i32
      %shift_right_arithmetic3A_1179 = arith.shrsi %squeeze3A_1099, %shift_right_arithmetic3A_1178 : i32
      %mul3A_1180 = arith.constant 128 : i32
      %mul3A_1181 = arith.muli %shift_right_arithmetic3A_1179, %mul3A_1180 : i32
      %multiple_of3A_1182 = tpu.assume_multiple %mul3A_1181, 128 : i32
      %dma_start3A_1183 = arith.constant 3 : i32
      %dma_start3A_1184 = arith.constant 0 : i32
      %dma_start3A_1185 = arith.constant 0 : i32
      %dma_start3A_1186 = tpu.memref_slice %arg10[%dma_start3A_1183, %dma_start3A_1184, %dma_start3A_1185] : memref<16x32x128xf32, #tpu.memory_space<vmem>> -> memref<1x32x128xf32, #tpu.memory_space<vmem>>
      %dma_start3A_1187 = tpu.memref_squeeze %dma_start3A_1186 : memref<1x32x128xf32, #tpu.memory_space<vmem>> -> memref<32x128xf32, #tpu.memory_space<vmem>>
      %dma_start3A_1188 = arith.constant 0 : i32
      %dma_start3A_1189 = tpu.memref_slice %arg5[%dma_start3A_1188, %multiple_of3A_1182] : memref<32x1000000xf32, #tpu.memory_space<hbm>> -> memref<32x128xf32, #tpu.memory_space<hbm>>
      %dma_start3A_1190 = arith.constant 0 : i32
      %dma_start3A_1191 = arith.constant 0 : i32
      %dma_start3A_1192 = tpu.memref_slice %arg10[%dma_start3A_1183, %dma_start3A_1190, %dma_start3A_1191] : memref<16x32x128xf32, #tpu.memory_space<vmem>> -> memref<1x32x128xf32, #tpu.memory_space<vmem>>
      %dma_start3A_1193 = tpu.memref_squeeze %dma_start3A_1192 : memref<1x32x128xf32, #tpu.memory_space<vmem>> -> memref<32x128xf32, #tpu.memory_space<vmem>>
      %dma_start3A_1194 = arith.constant 0 : i32
      %dma_start3A_1195 = tpu.memref_slice %arg5[%dma_start3A_1194, %multiple_of3A_1182] : memref<32x1000000xf32, #tpu.memory_space<hbm>> -> memref<32x128xf32, #tpu.memory_space<hbm>>
      tpu.enqueue_dma source(%dma_start3A_1195 : memref<32x128xf32, #tpu.memory_space<hbm>>) target(%dma_start3A_1193 : memref<32x128xf32, #tpu.memory_space<vmem>>) target_semaphore(%arg15 : memref<!tpu.dma_semaphore, #tpu.memory_space<semaphore_mem>>)
      %shift_right_arithmetic3A_1196 = arith.constant 7 : i32
      %shift_right_arithmetic3A_1197 = arith.shrsi %squeeze3A_1101, %shift_right_arithmetic3A_1196 : i32
      %mul3A_1198 = arith.constant 128 : i32
      %mul3A_1199 = arith.muli %shift_right_arithmetic3A_1197, %mul3A_1198 : i32
      %multiple_of3A_1200 = tpu.assume_multiple %mul3A_1199, 128 : i32
      %dma_start3A_1201 = arith.constant 4 : i32
      %dma_start3A_1202 = arith.constant 0 : i32
      %dma_start3A_1203 = arith.constant 0 : i32
      %dma_start3A_1204 = tpu.memref_slice %arg10[%dma_start3A_1201, %dma_start3A_1202, %dma_start3A_1203] : memref<16x32x128xf32, #tpu.memory_space<vmem>> -> memref<1x32x128xf32, #tpu.memory_space<vmem>>
      %dma_start3A_1205 = tpu.memref_squeeze %dma_start3A_1204 : memref<1x32x128xf32, #tpu.memory_space<vmem>> -> memref<32x128xf32, #tpu.memory_space<vmem>>
      %dma_start3A_1206 = arith.constant 0 : i32
      %dma_start3A_1207 = tpu.memref_slice %arg5[%dma_start3A_1206, %multiple_of3A_1200] : memref<32x1000000xf32, #tpu.memory_space<hbm>> -> memref<32x128xf32, #tpu.memory_space<hbm>>
      %dma_start3A_1208 = arith.constant 0 : i32
      %dma_start3A_1209 = arith.constant 0 : i32
      %dma_start3A_1210 = tpu.memref_slice %arg10[%dma_start3A_1201, %dma_start3A_1208, %dma_start3A_1209] : memref<16x32x128xf32, #tpu.memory_space<vmem>> -> memref<1x32x128xf32, #tpu.memory_space<vmem>>
      %dma_start3A_1211 = tpu.memref_squeeze %dma_start3A_1210 : memref<1x32x128xf32, #tpu.memory_space<vmem>> -> memref<32x128xf32, #tpu.memory_space<vmem>>
      %dma_start3A_1212 = arith.constant 0 : i32
      %dma_start3A_1213 = tpu.memref_slice %arg5[%dma_start3A_1212, %multiple_of3A_1200] : memref<32x1000000xf32, #tpu.memory_space<hbm>> -> memref<32x128xf32, #tpu.memory_space<hbm>>
      tpu.enqueue_dma source(%dma_start3A_1213 : memref<32x128xf32, #tpu.memory_space<hbm>>) target(%dma_start3A_1211 : memref<32x128xf32, #tpu.memory_space<vmem>>) target_semaphore(%arg15 : memref<!tpu.dma_semaphore, #tpu.memory_space<semaphore_mem>>)
      %shift_right_arithmetic3A_1214 = arith.constant 7 : i32
      %shift_right_arithmetic3A_1215 = arith.shrsi %squeeze3A_1103, %shift_right_arithmetic3A_1214 : i32
      %mul3A_1216 = arith.constant 128 : i32
      %mul3A_1217 = arith.muli %shift_right_arithmetic3A_1215, %mul3A_1216 : i32
      %multiple_of3A_1218 = tpu.assume_multiple %mul3A_1217, 128 : i32
      %dma_start3A_1219 = arith.constant 5 : i32
      %dma_start3A_1220 = arith.constant 0 : i32
      %dma_start3A_1221 = arith.constant 0 : i32
      %dma_start3A_1222 = tpu.memref_slice %arg10[%dma_start3A_1219, %dma_start3A_1220, %dma_start3A_1221] : memref<16x32x128xf32, #tpu.memory_space<vmem>> -> memref<1x32x128xf32, #tpu.memory_space<vmem>>
      %dma_start3A_1223 = tpu.memref_squeeze %dma_start3A_1222 : memref<1x32x128xf32, #tpu.memory_space<vmem>> -> memref<32x128xf32, #tpu.memory_space<vmem>>
      %dma_start3A_1224 = arith.constant 0 : i32
      %dma_start3A_1225 = tpu.memref_slice %arg5[%dma_start3A_1224, %multiple_of3A_1218] : memref<32x1000000xf32, #tpu.memory_space<hbm>> -> memref<32x128xf32, #tpu.memory_space<hbm>>
      %dma_start3A_1226 = arith.constant 0 : i32
      %dma_start3A_1227 = arith.constant 0 : i32
      %dma_start3A_1228 = tpu.memref_slice %arg10[%dma_start3A_1219, %dma_start3A_1226, %dma_start3A_1227] : memref<16x32x128xf32, #tpu.memory_space<vmem>> -> memref<1x32x128xf32, #tpu.memory_space<vmem>>
      %dma_start3A_1229 = tpu.memref_squeeze %dma_start3A_1228 : memref<1x32x128xf32, #tpu.memory_space<vmem>> -> memref<32x128xf32, #tpu.memory_space<vmem>>
      %dma_start3A_1230 = arith.constant 0 : i32
      %dma_start3A_1231 = tpu.memref_slice %arg5[%dma_start3A_1230, %multiple_of3A_1218] : memref<32x1000000xf32, #tpu.memory_space<hbm>> -> memref<32x128xf32, #tpu.memory_space<hbm>>
      tpu.enqueue_dma source(%dma_start3A_1231 : memref<32x128xf32, #tpu.memory_space<hbm>>) target(%dma_start3A_1229 : memref<32x128xf32, #tpu.memory_space<vmem>>) target_semaphore(%arg15 : memref<!tpu.dma_semaphore, #tpu.memory_space<semaphore_mem>>)
      %shift_right_arithmetic3A_1232 = arith.constant 7 : i32
      %shift_right_arithmetic3A_1233 = arith.shrsi %squeeze3A_1105, %shift_right_arithmetic3A_1232 : i32
      %mul3A_1234 = arith.constant 128 : i32
      %mul3A_1235 = arith.muli %shift_right_arithmetic3A_1233, %mul3A_1234 : i32
      %multiple_of3A_1236 = tpu.assume_multiple %mul3A_1235, 128 : i32
      %dma_start3A_1237 = arith.constant 6 : i32
      %dma_start3A_1238 = arith.constant 0 : i32
      %dma_start3A_1239 = arith.constant 0 : i32
      %dma_start3A_1240 = tpu.memref_slice %arg10[%dma_start3A_1237, %dma_start3A_1238, %dma_start3A_1239] : memref<16x32x128xf32, #tpu.memory_space<vmem>> -> memref<1x32x128xf32, #tpu.memory_space<vmem>>
      %dma_start3A_1241 = tpu.memref_squeeze %dma_start3A_1240 : memref<1x32x128xf32, #tpu.memory_space<vmem>> -> memref<32x128xf32, #tpu.memory_space<vmem>>
      %dma_start3A_1242 = arith.constant 0 : i32
      %dma_start3A_1243 = tpu.memref_slice %arg5[%dma_start3A_1242, %multiple_of3A_1236] : memref<32x1000000xf32, #tpu.memory_space<hbm>> -> memref<32x128xf32, #tpu.memory_space<hbm>>
      %dma_start3A_1244 = arith.constant 0 : i32
      %dma_start3A_1245 = arith.constant 0 : i32
      %dma_start3A_1246 = tpu.memref_slice %arg10[%dma_start3A_1237, %dma_start3A_1244, %dma_start3A_1245] : memref<16x32x128xf32, #tpu.memory_space<vmem>> -> memref<1x32x128xf32, #tpu.memory_space<vmem>>
      %dma_start3A_1247 = tpu.memref_squeeze %dma_start3A_1246 : memref<1x32x128xf32, #tpu.memory_space<vmem>> -> memref<32x128xf32, #tpu.memory_space<vmem>>
      %dma_start3A_1248 = arith.constant 0 : i32
      %dma_start3A_1249 = tpu.memref_slice %arg5[%dma_start3A_1248, %multiple_of3A_1236] : memref<32x1000000xf32, #tpu.memory_space<hbm>> -> memref<32x128xf32, #tpu.memory_space<hbm>>
      tpu.enqueue_dma source(%dma_start3A_1249 : memref<32x128xf32, #tpu.memory_space<hbm>>) target(%dma_start3A_1247 : memref<32x128xf32, #tpu.memory_space<vmem>>) target_semaphore(%arg15 : memref<!tpu.dma_semaphore, #tpu.memory_space<semaphore_mem>>)
      %shift_right_arithmetic3A_1250 = arith.constant 7 : i32
      %shift_right_arithmetic3A_1251 = arith.shrsi %squeeze3A_1107, %shift_right_arithmetic3A_1250 : i32
      %mul3A_1252 = arith.constant 128 : i32
      %mul3A_1253 = arith.muli %shift_right_arithmetic3A_1251, %mul3A_1252 : i32
      %multiple_of3A_1254 = tpu.assume_multiple %mul3A_1253, 128 : i32
      %dma_start3A_1255 = arith.constant 7 : i32
      %dma_start3A_1256 = arith.constant 0 : i32
      %dma_start3A_1257 = arith.constant 0 : i32
      %dma_start3A_1258 = tpu.memref_slice %arg10[%dma_start3A_1255, %dma_start3A_1256, %dma_start3A_1257] : memref<16x32x128xf32, #tpu.memory_space<vmem>> -> memref<1x32x128xf32, #tpu.memory_space<vmem>>
      %dma_start3A_1259 = tpu.memref_squeeze %dma_start3A_1258 : memref<1x32x128xf32, #tpu.memory_space<vmem>> -> memref<32x128xf32, #tpu.memory_space<vmem>>
      %dma_start3A_1260 = arith.constant 0 : i32
      %dma_start3A_1261 = tpu.memref_slice %arg5[%dma_start3A_1260, %multiple_of3A_1254] : memref<32x1000000xf32, #tpu.memory_space<hbm>> -> memref<32x128xf32, #tpu.memory_space<hbm>>
      %dma_start3A_1262 = arith.constant 0 : i32
      %dma_start3A_1263 = arith.constant 0 : i32
      %dma_start3A_1264 = tpu.memref_slice %arg10[%dma_start3A_1255, %dma_start3A_1262, %dma_start3A_1263] : memref<16x32x128xf32, #tpu.memory_space<vmem>> -> memref<1x32x128xf32, #tpu.memory_space<vmem>>
      %dma_start3A_1265 = tpu.memref_squeeze %dma_start3A_1264 : memref<1x32x128xf32, #tpu.memory_space<vmem>> -> memref<32x128xf32, #tpu.memory_space<vmem>>
      %dma_start3A_1266 = arith.constant 0 : i32
      %dma_start3A_1267 = tpu.memref_slice %arg5[%dma_start3A_1266, %multiple_of3A_1254] : memref<32x1000000xf32, #tpu.memory_space<hbm>> -> memref<32x128xf32, #tpu.memory_space<hbm>>
      tpu.enqueue_dma source(%dma_start3A_1267 : memref<32x128xf32, #tpu.memory_space<hbm>>) target(%dma_start3A_1265 : memref<32x128xf32, #tpu.memory_space<vmem>>) target_semaphore(%arg15 : memref<!tpu.dma_semaphore, #tpu.memory_space<semaphore_mem>>)
      %shift_right_arithmetic3A_1268 = arith.constant 7 : i32
      %shift_right_arithmetic3A_1269 = arith.shrsi %squeeze3A_1109, %shift_right_arithmetic3A_1268 : i32
      %mul3A_1270 = arith.constant 128 : i32
      %mul3A_1271 = arith.muli %shift_right_arithmetic3A_1269, %mul3A_1270 : i32
      %multiple_of3A_1272 = tpu.assume_multiple %mul3A_1271, 128 : i32
      %dma_start3A_1273 = arith.constant 8 : i32
      %dma_start3A_1274 = arith.constant 0 : i32
      %dma_start3A_1275 = arith.constant 0 : i32
      %dma_start3A_1276 = tpu.memref_slice %arg10[%dma_start3A_1273, %dma_start3A_1274, %dma_start3A_1275] : memref<16x32x128xf32, #tpu.memory_space<vmem>> -> memref<1x32x128xf32, #tpu.memory_space<vmem>>
      %dma_start3A_1277 = tpu.memref_squeeze %dma_start3A_1276 : memref<1x32x128xf32, #tpu.memory_space<vmem>> -> memref<32x128xf32, #tpu.memory_space<vmem>>
      %dma_start3A_1278 = arith.constant 0 : i32
      %dma_start3A_1279 = tpu.memref_slice %arg5[%dma_start3A_1278, %multiple_of3A_1272] : memref<32x1000000xf32, #tpu.memory_space<hbm>> -> memref<32x128xf32, #tpu.memory_space<hbm>>
      %dma_start3A_1280 = arith.constant 0 : i32
      %dma_start3A_1281 = arith.constant 0 : i32
      %dma_start3A_1282 = tpu.memref_slice %arg10[%dma_start3A_1273, %dma_start3A_1280, %dma_start3A_1281] : memref<16x32x128xf32, #tpu.memory_space<vmem>> -> memref<1x32x128xf32, #tpu.memory_space<vmem>>
      %dma_start3A_1283 = tpu.memref_squeeze %dma_start3A_1282 : memref<1x32x128xf32, #tpu.memory_space<vmem>> -> memref<32x128xf32, #tpu.memory_space<vmem>>
      %dma_start3A_1284 = arith.constant 0 : i32
      %dma_start3A_1285 = tpu.memref_slice %arg5[%dma_start3A_1284, %multiple_of3A_1272] : memref<32x1000000xf32, #tpu.memory_space<hbm>> -> memref<32x128xf32, #tpu.memory_space<hbm>>
      tpu.enqueue_dma source(%dma_start3A_1285 : memref<32x128xf32, #tpu.memory_space<hbm>>) target(%dma_start3A_1283 : memref<32x128xf32, #tpu.memory_space<vmem>>) target_semaphore(%arg15 : memref<!tpu.dma_semaphore, #tpu.memory_space<semaphore_mem>>)
      %shift_right_arithmetic3A_1286 = arith.constant 7 : i32
      %shift_right_arithmetic3A_1287 = arith.shrsi %squeeze3A_1111, %shift_right_arithmetic3A_1286 : i32
      %mul3A_1288 = arith.constant 128 : i32
      %mul3A_1289 = arith.muli %shift_right_arithmetic3A_1287, %mul3A_1288 : i32
      %multiple_of3A_1290 = tpu.assume_multiple %mul3A_1289, 128 : i32
      %dma_start3A_1291 = arith.constant 9 : i32
      %dma_start3A_1292 = arith.constant 0 : i32
      %dma_start3A_1293 = arith.constant 0 : i32
      %dma_start3A_1294 = tpu.memref_slice %arg10[%dma_start3A_1291, %dma_start3A_1292, %dma_start3A_1293] : memref<16x32x128xf32, #tpu.memory_space<vmem>> -> memref<1x32x128xf32, #tpu.memory_space<vmem>>
      %dma_start3A_1295 = tpu.memref_squeeze %dma_start3A_1294 : memref<1x32x128xf32, #tpu.memory_space<vmem>> -> memref<32x128xf32, #tpu.memory_space<vmem>>
      %dma_start3A_1296 = arith.constant 0 : i32
      %dma_start3A_1297 = tpu.memref_slice %arg5[%dma_start3A_1296, %multiple_of3A_1290] : memref<32x1000000xf32, #tpu.memory_space<hbm>> -> memref<32x128xf32, #tpu.memory_space<hbm>>
      %dma_start3A_1298 = arith.constant 0 : i32
      %dma_start3A_1299 = arith.constant 0 : i32
      %dma_start3A_1300 = tpu.memref_slice %arg10[%dma_start3A_1291, %dma_start3A_1298, %dma_start3A_1299] : memref<16x32x128xf32, #tpu.memory_space<vmem>> -> memref<1x32x128xf32, #tpu.memory_space<vmem>>
      %dma_start3A_1301 = tpu.memref_squeeze %dma_start3A_1300 : memref<1x32x128xf32, #tpu.memory_space<vmem>> -> memref<32x128xf32, #tpu.memory_space<vmem>>
      %dma_start3A_1302 = arith.constant 0 : i32
      %dma_start3A_1303 = tpu.memref_slice %arg5[%dma_start3A_1302, %multiple_of3A_1290] : memref<32x1000000xf32, #tpu.memory_space<hbm>> -> memref<32x128xf32, #tpu.memory_space<hbm>>
      tpu.enqueue_dma source(%dma_start3A_1303 : memref<32x128xf32, #tpu.memory_space<hbm>>) target(%dma_start3A_1301 : memref<32x128xf32, #tpu.memory_space<vmem>>) target_semaphore(%arg15 : memref<!tpu.dma_semaphore, #tpu.memory_space<semaphore_mem>>)
      %shift_right_arithmetic3A_1304 = arith.constant 7 : i32
      %shift_right_arithmetic3A_1305 = arith.shrsi %squeeze3A_1113, %shift_right_arithmetic3A_1304 : i32
      %mul3A_1306 = arith.constant 128 : i32
      %mul3A_1307 = arith.muli %shift_right_arithmetic3A_1305, %mul3A_1306 : i32
      %multiple_of3A_1308 = tpu.assume_multiple %mul3A_1307, 128 : i32
      %dma_start3A_1309 = arith.constant 10 : i32
      %dma_start3A_1310 = arith.constant 0 : i32
      %dma_start3A_1311 = arith.constant 0 : i32
      %dma_start3A_1312 = tpu.memref_slice %arg10[%dma_start3A_1309, %dma_start3A_1310, %dma_start3A_1311] : memref<16x32x128xf32, #tpu.memory_space<vmem>> -> memref<1x32x128xf32, #tpu.memory_space<vmem>>
      %dma_start3A_1313 = tpu.memref_squeeze %dma_start3A_1312 : memref<1x32x128xf32, #tpu.memory_space<vmem>> -> memref<32x128xf32, #tpu.memory_space<vmem>>
      %dma_start3A_1314 = arith.constant 0 : i32
      %dma_start3A_1315 = tpu.memref_slice %arg5[%dma_start3A_1314, %multiple_of3A_1308] : memref<32x1000000xf32, #tpu.memory_space<hbm>> -> memref<32x128xf32, #tpu.memory_space<hbm>>
      %dma_start3A_1316 = arith.constant 0 : i32
      %dma_start3A_1317 = arith.constant 0 : i32
      %dma_start3A_1318 = tpu.memref_slice %arg10[%dma_start3A_1309, %dma_start3A_1316, %dma_start3A_1317] : memref<16x32x128xf32, #tpu.memory_space<vmem>> -> memref<1x32x128xf32, #tpu.memory_space<vmem>>
      %dma_start3A_1319 = tpu.memref_squeeze %dma_start3A_1318 : memref<1x32x128xf32, #tpu.memory_space<vmem>> -> memref<32x128xf32, #tpu.memory_space<vmem>>
      %dma_start3A_1320 = arith.constant 0 : i32
      %dma_start3A_1321 = tpu.memref_slice %arg5[%dma_start3A_1320, %multiple_of3A_1308] : memref<32x1000000xf32, #tpu.memory_space<hbm>> -> memref<32x128xf32, #tpu.memory_space<hbm>>
      tpu.enqueue_dma source(%dma_start3A_1321 : memref<32x128xf32, #tpu.memory_space<hbm>>) target(%dma_start3A_1319 : memref<32x128xf32, #tpu.memory_space<vmem>>) target_semaphore(%arg15 : memref<!tpu.dma_semaphore, #tpu.memory_space<semaphore_mem>>)
      %shift_right_arithmetic3A_1322 = arith.constant 7 : i32
      %shift_right_arithmetic3A_1323 = arith.shrsi %squeeze3A_1115, %shift_right_arithmetic3A_1322 : i32
      %mul3A_1324 = arith.constant 128 : i32
      %mul3A_1325 = arith.muli %shift_right_arithmetic3A_1323, %mul3A_1324 : i32
      %multiple_of3A_1326 = tpu.assume_multiple %mul3A_1325, 128 : i32
      %dma_start3A_1327 = arith.constant 11 : i32
      %dma_start3A_1328 = arith.constant 0 : i32
      %dma_start3A_1329 = arith.constant 0 : i32
      %dma_start3A_1330 = tpu.memref_slice %arg10[%dma_start3A_1327, %dma_start3A_1328, %dma_start3A_1329] : memref<16x32x128xf32, #tpu.memory_space<vmem>> -> memref<1x32x128xf32, #tpu.memory_space<vmem>>
      %dma_start3A_1331 = tpu.memref_squeeze %dma_start3A_1330 : memref<1x32x128xf32, #tpu.memory_space<vmem>> -> memref<32x128xf32, #tpu.memory_space<vmem>>
      %dma_start3A_1332 = arith.constant 0 : i32
      %dma_start3A_1333 = tpu.memref_slice %arg5[%dma_start3A_1332, %multiple_of3A_1326] : memref<32x1000000xf32, #tpu.memory_space<hbm>> -> memref<32x128xf32, #tpu.memory_space<hbm>>
      %dma_start3A_1334 = arith.constant 0 : i32
      %dma_start3A_1335 = arith.constant 0 : i32
      %dma_start3A_1336 = tpu.memref_slice %arg10[%dma_start3A_1327, %dma_start3A_1334, %dma_start3A_1335] : memref<16x32x128xf32, #tpu.memory_space<vmem>> -> memref<1x32x128xf32, #tpu.memory_space<vmem>>
      %dma_start3A_1337 = tpu.memref_squeeze %dma_start3A_1336 : memref<1x32x128xf32, #tpu.memory_space<vmem>> -> memref<32x128xf32, #tpu.memory_space<vmem>>
      %dma_start3A_1338 = arith.constant 0 : i32
      %dma_start3A_1339 = tpu.memref_slice %arg5[%dma_start3A_1338, %multiple_of3A_1326] : memref<32x1000000xf32, #tpu.memory_space<hbm>> -> memref<32x128xf32, #tpu.memory_space<hbm>>
      tpu.enqueue_dma source(%dma_start3A_1339 : memref<32x128xf32, #tpu.memory_space<hbm>>) target(%dma_start3A_1337 : memref<32x128xf32, #tpu.memory_space<vmem>>) target_semaphore(%arg15 : memref<!tpu.dma_semaphore, #tpu.memory_space<semaphore_mem>>)
      %shift_right_arithmetic3A_1340 = arith.constant 7 : i32
      %shift_right_arithmetic3A_1341 = arith.shrsi %squeeze3A_1117, %shift_right_arithmetic3A_1340 : i32
      %mul3A_1342 = arith.constant 128 : i32
      %mul3A_1343 = arith.muli %shift_right_arithmetic3A_1341, %mul3A_1342 : i32
      %multiple_of3A_1344 = tpu.assume_multiple %mul3A_1343, 128 : i32
      %dma_start3A_1345 = arith.constant 12 : i32
      %dma_start3A_1346 = arith.constant 0 : i32
      %dma_start3A_1347 = arith.constant 0 : i32
      %dma_start3A_1348 = tpu.memref_slice %arg10[%dma_start3A_1345, %dma_start3A_1346, %dma_start3A_1347] : memref<16x32x128xf32, #tpu.memory_space<vmem>> -> memref<1x32x128xf32, #tpu.memory_space<vmem>>
      %dma_start3A_1349 = tpu.memref_squeeze %dma_start3A_1348 : memref<1x32x128xf32, #tpu.memory_space<vmem>> -> memref<32x128xf32, #tpu.memory_space<vmem>>
      %dma_start3A_1350 = arith.constant 0 : i32
      %dma_start3A_1351 = tpu.memref_slice %arg5[%dma_start3A_1350, %multiple_of3A_1344] : memref<32x1000000xf32, #tpu.memory_space<hbm>> -> memref<32x128xf32, #tpu.memory_space<hbm>>
      %dma_start3A_1352 = arith.constant 0 : i32
      %dma_start3A_1353 = arith.constant 0 : i32
      %dma_start3A_1354 = tpu.memref_slice %arg10[%dma_start3A_1345, %dma_start3A_1352, %dma_start3A_1353] : memref<16x32x128xf32, #tpu.memory_space<vmem>> -> memref<1x32x128xf32, #tpu.memory_space<vmem>>
      %dma_start3A_1355 = tpu.memref_squeeze %dma_start3A_1354 : memref<1x32x128xf32, #tpu.memory_space<vmem>> -> memref<32x128xf32, #tpu.memory_space<vmem>>
      %dma_start3A_1356 = arith.constant 0 : i32
      %dma_start3A_1357 = tpu.memref_slice %arg5[%dma_start3A_1356, %multiple_of3A_1344] : memref<32x1000000xf32, #tpu.memory_space<hbm>> -> memref<32x128xf32, #tpu.memory_space<hbm>>
      tpu.enqueue_dma source(%dma_start3A_1357 : memref<32x128xf32, #tpu.memory_space<hbm>>) target(%dma_start3A_1355 : memref<32x128xf32, #tpu.memory_space<vmem>>) target_semaphore(%arg15 : memref<!tpu.dma_semaphore, #tpu.memory_space<semaphore_mem>>)
      %shift_right_arithmetic3A_1358 = arith.constant 7 : i32
      %shift_right_arithmetic3A_1359 = arith.shrsi %squeeze3A_1119, %shift_right_arithmetic3A_1358 : i32
      %mul3A_1360 = arith.constant 128 : i32
      %mul3A_1361 = arith.muli %shift_right_arithmetic3A_1359, %mul3A_1360 : i32
      %multiple_of3A_1362 = tpu.assume_multiple %mul3A_1361, 128 : i32
      %dma_start3A_1363 = arith.constant 13 : i32
      %dma_start3A_1364 = arith.constant 0 : i32
      %dma_start3A_1365 = arith.constant 0 : i32
      %dma_start3A_1366 = tpu.memref_slice %arg10[%dma_start3A_1363, %dma_start3A_1364, %dma_start3A_1365] : memref<16x32x128xf32, #tpu.memory_space<vmem>> -> memref<1x32x128xf32, #tpu.memory_space<vmem>>
      %dma_start3A_1367 = tpu.memref_squeeze %dma_start3A_1366 : memref<1x32x128xf32, #tpu.memory_space<vmem>> -> memref<32x128xf32, #tpu.memory_space<vmem>>
      %dma_start3A_1368 = arith.constant 0 : i32
      %dma_start3A_1369 = tpu.memref_slice %arg5[%dma_start3A_1368, %multiple_of3A_1362] : memref<32x1000000xf32, #tpu.memory_space<hbm>> -> memref<32x128xf32, #tpu.memory_space<hbm>>
      %dma_start3A_1370 = arith.constant 0 : i32
      %dma_start3A_1371 = arith.constant 0 : i32
      %dma_start3A_1372 = tpu.memref_slice %arg10[%dma_start3A_1363, %dma_start3A_1370, %dma_start3A_1371] : memref<16x32x128xf32, #tpu.memory_space<vmem>> -> memref<1x32x128xf32, #tpu.memory_space<vmem>>
      %dma_start3A_1373 = tpu.memref_squeeze %dma_start3A_1372 : memref<1x32x128xf32, #tpu.memory_space<vmem>> -> memref<32x128xf32, #tpu.memory_space<vmem>>
      %dma_start3A_1374 = arith.constant 0 : i32
      %dma_start3A_1375 = tpu.memref_slice %arg5[%dma_start3A_1374, %multiple_of3A_1362] : memref<32x1000000xf32, #tpu.memory_space<hbm>> -> memref<32x128xf32, #tpu.memory_space<hbm>>
      tpu.enqueue_dma source(%dma_start3A_1375 : memref<32x128xf32, #tpu.memory_space<hbm>>) target(%dma_start3A_1373 : memref<32x128xf32, #tpu.memory_space<vmem>>) target_semaphore(%arg15 : memref<!tpu.dma_semaphore, #tpu.memory_space<semaphore_mem>>)
      %shift_right_arithmetic3A_1376 = arith.constant 7 : i32
      %shift_right_arithmetic3A_1377 = arith.shrsi %squeeze3A_1121, %shift_right_arithmetic3A_1376 : i32
      %mul3A_1378 = arith.constant 128 : i32
      %mul3A_1379 = arith.muli %shift_right_arithmetic3A_1377, %mul3A_1378 : i32
      %multiple_of3A_1380 = tpu.assume_multiple %mul3A_1379, 128 : i32
      %dma_start3A_1381 = arith.constant 14 : i32
      %dma_start3A_1382 = arith.constant 0 : i32
      %dma_start3A_1383 = arith.constant 0 : i32
      %dma_start3A_1384 = tpu.memref_slice %arg10[%dma_start3A_1381, %dma_start3A_1382, %dma_start3A_1383] : memref<16x32x128xf32, #tpu.memory_space<vmem>> -> memref<1x32x128xf32, #tpu.memory_space<vmem>>
      %dma_start3A_1385 = tpu.memref_squeeze %dma_start3A_1384 : memref<1x32x128xf32, #tpu.memory_space<vmem>> -> memref<32x128xf32, #tpu.memory_space<vmem>>
      %dma_start3A_1386 = arith.constant 0 : i32
      %dma_start3A_1387 = tpu.memref_slice %arg5[%dma_start3A_1386, %multiple_of3A_1380] : memref<32x1000000xf32, #tpu.memory_space<hbm>> -> memref<32x128xf32, #tpu.memory_space<hbm>>
      %dma_start3A_1388 = arith.constant 0 : i32
      %dma_start3A_1389 = arith.constant 0 : i32
      %dma_start3A_1390 = tpu.memref_slice %arg10[%dma_start3A_1381, %dma_start3A_1388, %dma_start3A_1389] : memref<16x32x128xf32, #tpu.memory_space<vmem>> -> memref<1x32x128xf32, #tpu.memory_space<vmem>>
      %dma_start3A_1391 = tpu.memref_squeeze %dma_start3A_1390 : memref<1x32x128xf32, #tpu.memory_space<vmem>> -> memref<32x128xf32, #tpu.memory_space<vmem>>
      %dma_start3A_1392 = arith.constant 0 : i32
      %dma_start3A_1393 = tpu.memref_slice %arg5[%dma_start3A_1392, %multiple_of3A_1380] : memref<32x1000000xf32, #tpu.memory_space<hbm>> -> memref<32x128xf32, #tpu.memory_space<hbm>>
      tpu.enqueue_dma source(%dma_start3A_1393 : memref<32x128xf32, #tpu.memory_space<hbm>>) target(%dma_start3A_1391 : memref<32x128xf32, #tpu.memory_space<vmem>>) target_semaphore(%arg15 : memref<!tpu.dma_semaphore, #tpu.memory_space<semaphore_mem>>)
      %shift_right_arithmetic3A_1394 = arith.constant 7 : i32
      %shift_right_arithmetic3A_1395 = arith.shrsi %squeeze3A_1123, %shift_right_arithmetic3A_1394 : i32
      %mul3A_1396 = arith.constant 128 : i32
      %mul3A_1397 = arith.muli %shift_right_arithmetic3A_1395, %mul3A_1396 : i32
      %multiple_of3A_1398 = tpu.assume_multiple %mul3A_1397, 128 : i32
      %dma_start3A_1399 = arith.constant 15 : i32
      %dma_start3A_1400 = arith.constant 0 : i32
      %dma_start3A_1401 = arith.constant 0 : i32
      %dma_start3A_1402 = tpu.memref_slice %arg10[%dma_start3A_1399, %dma_start3A_1400, %dma_start3A_1401] : memref<16x32x128xf32, #tpu.memory_space<vmem>> -> memref<1x32x128xf32, #tpu.memory_space<vmem>>
      %dma_start3A_1403 = tpu.memref_squeeze %dma_start3A_1402 : memref<1x32x128xf32, #tpu.memory_space<vmem>> -> memref<32x128xf32, #tpu.memory_space<vmem>>
      %dma_start3A_1404 = arith.constant 0 : i32
      %dma_start3A_1405 = tpu.memref_slice %arg5[%dma_start3A_1404, %multiple_of3A_1398] : memref<32x1000000xf32, #tpu.memory_space<hbm>> -> memref<32x128xf32, #tpu.memory_space<hbm>>
      %dma_start3A_1406 = arith.constant 0 : i32
      %dma_start3A_1407 = arith.constant 0 : i32
      %dma_start3A_1408 = tpu.memref_slice %arg10[%dma_start3A_1399, %dma_start3A_1406, %dma_start3A_1407] : memref<16x32x128xf32, #tpu.memory_space<vmem>> -> memref<1x32x128xf32, #tpu.memory_space<vmem>>
      %dma_start3A_1409 = tpu.memref_squeeze %dma_start3A_1408 : memref<1x32x128xf32, #tpu.memory_space<vmem>> -> memref<32x128xf32, #tpu.memory_space<vmem>>
      %dma_start3A_1410 = arith.constant 0 : i32
      %dma_start3A_1411 = tpu.memref_slice %arg5[%dma_start3A_1410, %multiple_of3A_1398] : memref<32x1000000xf32, #tpu.memory_space<hbm>> -> memref<32x128xf32, #tpu.memory_space<hbm>>
      tpu.enqueue_dma source(%dma_start3A_1411 : memref<32x128xf32, #tpu.memory_space<hbm>>) target(%dma_start3A_1409 : memref<32x128xf32, #tpu.memory_space<vmem>>) target_semaphore(%arg15 : memref<!tpu.dma_semaphore, #tpu.memory_space<semaphore_mem>>)
      %dma_wait3A_1412 = arith.constant 0 : i32
      %dma_wait3A_1413 = arith.constant 0 : i32
      %dma_wait3A_1414 = arith.constant 0 : i32
      %dma_wait3A_1415 = tpu.memref_slice %arg10[%dma_wait3A_1412, %dma_wait3A_1413, %dma_wait3A_1414] : memref<16x32x128xf32, #tpu.memory_space<vmem>> -> memref<1x32x128xf32, #tpu.memory_space<vmem>>
      %dma_wait3A_1416 = tpu.memref_squeeze %dma_wait3A_1415 : memref<1x32x128xf32, #tpu.memory_space<vmem>> -> memref<32x128xf32, #tpu.memory_space<vmem>>
      %dma_wait3A_1417 = arith.constant 0 : i32
      %dma_wait3A_1418 = arith.constant 0 : i32
      %dma_wait3A_1419 = tpu.memref_slice %arg5[%dma_wait3A_1417, %dma_wait3A_1418] : memref<32x1000000xf32, #tpu.memory_space<hbm>> -> memref<32x128xf32, #tpu.memory_space<hbm>>
      %dma_wait3A_1420 = arith.constant 0 : i32
      %dma_wait3A_1421 = arith.constant 0 : i32
      %dma_wait3A_1422 = tpu.memref_slice %arg10[%dma_wait3A_1412, %dma_wait3A_1420, %dma_wait3A_1421] : memref<16x32x128xf32, #tpu.memory_space<vmem>> -> memref<1x32x128xf32, #tpu.memory_space<vmem>>
      %dma_wait3A_1423 = tpu.memref_squeeze %dma_wait3A_1422 : memref<1x32x128xf32, #tpu.memory_space<vmem>> -> memref<32x128xf32, #tpu.memory_space<vmem>>
      %dma_wait3A_1424 = arith.constant 0 : i32
      %dma_wait3A_1425 = arith.constant 0 : i32
      %dma_wait3A_1426 = tpu.memref_slice %arg5[%dma_wait3A_1424, %dma_wait3A_1425] : memref<32x1000000xf32, #tpu.memory_space<hbm>> -> memref<32x128xf32, #tpu.memory_space<hbm>>
      tpu.wait_dma2 semaphore(%arg15 : memref<!tpu.dma_semaphore, #tpu.memory_space<semaphore_mem>>) src(%dma_wait3A_1426 : memref<32x128xf32, #tpu.memory_space<hbm>>) dst(%dma_wait3A_1423 : memref<32x128xf32, #tpu.memory_space<vmem>>)
      %dma_wait3A_1427 = arith.constant 1 : i32
      %dma_wait3A_1428 = arith.constant 0 : i32
      %dma_wait3A_1429 = arith.constant 0 : i32
      %dma_wait3A_1430 = tpu.memref_slice %arg10[%dma_wait3A_1427, %dma_wait3A_1428, %dma_wait3A_1429] : memref<16x32x128xf32, #tpu.memory_space<vmem>> -> memref<1x32x128xf32, #tpu.memory_space<vmem>>
      %dma_wait3A_1431 = tpu.memref_squeeze %dma_wait3A_1430 : memref<1x32x128xf32, #tpu.memory_space<vmem>> -> memref<32x128xf32, #tpu.memory_space<vmem>>
      %dma_wait3A_1432 = arith.constant 0 : i32
      %dma_wait3A_1433 = arith.constant 0 : i32
      %dma_wait3A_1434 = tpu.memref_slice %arg5[%dma_wait3A_1432, %dma_wait3A_1433] : memref<32x1000000xf32, #tpu.memory_space<hbm>> -> memref<32x128xf32, #tpu.memory_space<hbm>>
      %dma_wait3A_1435 = arith.constant 0 : i32
      %dma_wait3A_1436 = arith.constant 0 : i32
      %dma_wait3A_1437 = tpu.memref_slice %arg10[%dma_wait3A_1427, %dma_wait3A_1435, %dma_wait3A_1436] : memref<16x32x128xf32, #tpu.memory_space<vmem>> -> memref<1x32x128xf32, #tpu.memory_space<vmem>>
      %dma_wait3A_1438 = tpu.memref_squeeze %dma_wait3A_1437 : memref<1x32x128xf32, #tpu.memory_space<vmem>> -> memref<32x128xf32, #tpu.memory_space<vmem>>
      %dma_wait3A_1439 = arith.constant 0 : i32
      %dma_wait3A_1440 = arith.constant 0 : i32
      %dma_wait3A_1441 = tpu.memref_slice %arg5[%dma_wait3A_1439, %dma_wait3A_1440] : memref<32x1000000xf32, #tpu.memory_space<hbm>> -> memref<32x128xf32, #tpu.memory_space<hbm>>
      tpu.wait_dma2 semaphore(%arg15 : memref<!tpu.dma_semaphore, #tpu.memory_space<semaphore_mem>>) src(%dma_wait3A_1441 : memref<32x128xf32, #tpu.memory_space<hbm>>) dst(%dma_wait3A_1438 : memref<32x128xf32, #tpu.memory_space<vmem>>)
      %dma_wait3A_1442 = arith.constant 2 : i32
      %dma_wait3A_1443 = arith.constant 0 : i32
      %dma_wait3A_1444 = arith.constant 0 : i32
      %dma_wait3A_1445 = tpu.memref_slice %arg10[%dma_wait3A_1442, %dma_wait3A_1443, %dma_wait3A_1444] : memref<16x32x128xf32, #tpu.memory_space<vmem>> -> memref<1x32x128xf32, #tpu.memory_space<vmem>>
      %dma_wait3A_1446 = tpu.memref_squeeze %dma_wait3A_1445 : memref<1x32x128xf32, #tpu.memory_space<vmem>> -> memref<32x128xf32, #tpu.memory_space<vmem>>
      %dma_wait3A_1447 = arith.constant 0 : i32
      %dma_wait3A_1448 = arith.constant 0 : i32
      %dma_wait3A_1449 = tpu.memref_slice %arg5[%dma_wait3A_1447, %dma_wait3A_1448] : memref<32x1000000xf32, #tpu.memory_space<hbm>> -> memref<32x128xf32, #tpu.memory_space<hbm>>
      %dma_wait3A_1450 = arith.constant 0 : i32
      %dma_wait3A_1451 = arith.constant 0 : i32
      %dma_wait3A_1452 = tpu.memref_slice %arg10[%dma_wait3A_1442, %dma_wait3A_1450, %dma_wait3A_1451] : memref<16x32x128xf32, #tpu.memory_space<vmem>> -> memref<1x32x128xf32, #tpu.memory_space<vmem>>
      %dma_wait3A_1453 = tpu.memref_squeeze %dma_wait3A_1452 : memref<1x32x128xf32, #tpu.memory_space<vmem>> -> memref<32x128xf32, #tpu.memory_space<vmem>>
      %dma_wait3A_1454 = arith.constant 0 : i32
      %dma_wait3A_1455 = arith.constant 0 : i32
      %dma_wait3A_1456 = tpu.memref_slice %arg5[%dma_wait3A_1454, %dma_wait3A_1455] : memref<32x1000000xf32, #tpu.memory_space<hbm>> -> memref<32x128xf32, #tpu.memory_space<hbm>>
      tpu.wait_dma2 semaphore(%arg15 : memref<!tpu.dma_semaphore, #tpu.memory_space<semaphore_mem>>) src(%dma_wait3A_1456 : memref<32x128xf32, #tpu.memory_space<hbm>>) dst(%dma_wait3A_1453 : memref<32x128xf32, #tpu.memory_space<vmem>>)
      %dma_wait3A_1457 = arith.constant 3 : i32
      %dma_wait3A_1458 = arith.constant 0 : i32
      %dma_wait3A_1459 = arith.constant 0 : i32
      %dma_wait3A_1460 = tpu.memref_slice %arg10[%dma_wait3A_1457, %dma_wait3A_1458, %dma_wait3A_1459] : memref<16x32x128xf32, #tpu.memory_space<vmem>> -> memref<1x32x128xf32, #tpu.memory_space<vmem>>
      %dma_wait3A_1461 = tpu.memref_squeeze %dma_wait3A_1460 : memref<1x32x128xf32, #tpu.memory_space<vmem>> -> memref<32x128xf32, #tpu.memory_space<vmem>>
      %dma_wait3A_1462 = arith.constant 0 : i32
      %dma_wait3A_1463 = arith.constant 0 : i32
      %dma_wait3A_1464 = tpu.memref_slice %arg5[%dma_wait3A_1462, %dma_wait3A_1463] : memref<32x1000000xf32, #tpu.memory_space<hbm>> -> memref<32x128xf32, #tpu.memory_space<hbm>>
      %dma_wait3A_1465 = arith.constant 0 : i32
      %dma_wait3A_1466 = arith.constant 0 : i32
      %dma_wait3A_1467 = tpu.memref_slice %arg10[%dma_wait3A_1457, %dma_wait3A_1465, %dma_wait3A_1466] : memref<16x32x128xf32, #tpu.memory_space<vmem>> -> memref<1x32x128xf32, #tpu.memory_space<vmem>>
      %dma_wait3A_1468 = tpu.memref_squeeze %dma_wait3A_1467 : memref<1x32x128xf32, #tpu.memory_space<vmem>> -> memref<32x128xf32, #tpu.memory_space<vmem>>
      %dma_wait3A_1469 = arith.constant 0 : i32
      %dma_wait3A_1470 = arith.constant 0 : i32
      %dma_wait3A_1471 = tpu.memref_slice %arg5[%dma_wait3A_1469, %dma_wait3A_1470] : memref<32x1000000xf32, #tpu.memory_space<hbm>> -> memref<32x128xf32, #tpu.memory_space<hbm>>
      tpu.wait_dma2 semaphore(%arg15 : memref<!tpu.dma_semaphore, #tpu.memory_space<semaphore_mem>>) src(%dma_wait3A_1471 : memref<32x128xf32, #tpu.memory_space<hbm>>) dst(%dma_wait3A_1468 : memref<32x128xf32, #tpu.memory_space<vmem>>)
      %dma_wait3A_1472 = arith.constant 4 : i32
      %dma_wait3A_1473 = arith.constant 0 : i32
      %dma_wait3A_1474 = arith.constant 0 : i32
      %dma_wait3A_1475 = tpu.memref_slice %arg10[%dma_wait3A_1472, %dma_wait3A_1473, %dma_wait3A_1474] : memref<16x32x128xf32, #tpu.memory_space<vmem>> -> memref<1x32x128xf32, #tpu.memory_space<vmem>>
      %dma_wait3A_1476 = tpu.memref_squeeze %dma_wait3A_1475 : memref<1x32x128xf32, #tpu.memory_space<vmem>> -> memref<32x128xf32, #tpu.memory_space<vmem>>
      %dma_wait3A_1477 = arith.constant 0 : i32
      %dma_wait3A_1478 = arith.constant 0 : i32
      %dma_wait3A_1479 = tpu.memref_slice %arg5[%dma_wait3A_1477, %dma_wait3A_1478] : memref<32x1000000xf32, #tpu.memory_space<hbm>> -> memref<32x128xf32, #tpu.memory_space<hbm>>
      %dma_wait3A_1480 = arith.constant 0 : i32
      %dma_wait3A_1481 = arith.constant 0 : i32
      %dma_wait3A_1482 = tpu.memref_slice %arg10[%dma_wait3A_1472, %dma_wait3A_1480, %dma_wait3A_1481] : memref<16x32x128xf32, #tpu.memory_space<vmem>> -> memref<1x32x128xf32, #tpu.memory_space<vmem>>
      %dma_wait3A_1483 = tpu.memref_squeeze %dma_wait3A_1482 : memref<1x32x128xf32, #tpu.memory_space<vmem>> -> memref<32x128xf32, #tpu.memory_space<vmem>>
      %dma_wait3A_1484 = arith.constant 0 : i32
      %dma_wait3A_1485 = arith.constant 0 : i32
      %dma_wait3A_1486 = tpu.memref_slice %arg5[%dma_wait3A_1484, %dma_wait3A_1485] : memref<32x1000000xf32, #tpu.memory_space<hbm>> -> memref<32x128xf32, #tpu.memory_space<hbm>>
      tpu.wait_dma2 semaphore(%arg15 : memref<!tpu.dma_semaphore, #tpu.memory_space<semaphore_mem>>) src(%dma_wait3A_1486 : memref<32x128xf32, #tpu.memory_space<hbm>>) dst(%dma_wait3A_1483 : memref<32x128xf32, #tpu.memory_space<vmem>>)
      %dma_wait3A_1487 = arith.constant 5 : i32
      %dma_wait3A_1488 = arith.constant 0 : i32
      %dma_wait3A_1489 = arith.constant 0 : i32
      %dma_wait3A_1490 = tpu.memref_slice %arg10[%dma_wait3A_1487, %dma_wait3A_1488, %dma_wait3A_1489] : memref<16x32x128xf32, #tpu.memory_space<vmem>> -> memref<1x32x128xf32, #tpu.memory_space<vmem>>
      %dma_wait3A_1491 = tpu.memref_squeeze %dma_wait3A_1490 : memref<1x32x128xf32, #tpu.memory_space<vmem>> -> memref<32x128xf32, #tpu.memory_space<vmem>>
      %dma_wait3A_1492 = arith.constant 0 : i32
      %dma_wait3A_1493 = arith.constant 0 : i32
      %dma_wait3A_1494 = tpu.memref_slice %arg5[%dma_wait3A_1492, %dma_wait3A_1493] : memref<32x1000000xf32, #tpu.memory_space<hbm>> -> memref<32x128xf32, #tpu.memory_space<hbm>>
      %dma_wait3A_1495 = arith.constant 0 : i32
      %dma_wait3A_1496 = arith.constant 0 : i32
      %dma_wait3A_1497 = tpu.memref_slice %arg10[%dma_wait3A_1487, %dma_wait3A_1495, %dma_wait3A_1496] : memref<16x32x128xf32, #tpu.memory_space<vmem>> -> memref<1x32x128xf32, #tpu.memory_space<vmem>>
      %dma_wait3A_1498 = tpu.memref_squeeze %dma_wait3A_1497 : memref<1x32x128xf32, #tpu.memory_space<vmem>> -> memref<32x128xf32, #tpu.memory_space<vmem>>
      %dma_wait3A_1499 = arith.constant 0 : i32
      %dma_wait3A_1500 = arith.constant 0 : i32
      %dma_wait3A_1501 = tpu.memref_slice %arg5[%dma_wait3A_1499, %dma_wait3A_1500] : memref<32x1000000xf32, #tpu.memory_space<hbm>> -> memref<32x128xf32, #tpu.memory_space<hbm>>
      tpu.wait_dma2 semaphore(%arg15 : memref<!tpu.dma_semaphore, #tpu.memory_space<semaphore_mem>>) src(%dma_wait3A_1501 : memref<32x128xf32, #tpu.memory_space<hbm>>) dst(%dma_wait3A_1498 : memref<32x128xf32, #tpu.memory_space<vmem>>)
      %dma_wait3A_1502 = arith.constant 6 : i32
      %dma_wait3A_1503 = arith.constant 0 : i32
      %dma_wait3A_1504 = arith.constant 0 : i32
      %dma_wait3A_1505 = tpu.memref_slice %arg10[%dma_wait3A_1502, %dma_wait3A_1503, %dma_wait3A_1504] : memref<16x32x128xf32, #tpu.memory_space<vmem>> -> memref<1x32x128xf32, #tpu.memory_space<vmem>>
      %dma_wait3A_1506 = tpu.memref_squeeze %dma_wait3A_1505 : memref<1x32x128xf32, #tpu.memory_space<vmem>> -> memref<32x128xf32, #tpu.memory_space<vmem>>
      %dma_wait3A_1507 = arith.constant 0 : i32
      %dma_wait3A_1508 = arith.constant 0 : i32
      %dma_wait3A_1509 = tpu.memref_slice %arg5[%dma_wait3A_1507, %dma_wait3A_1508] : memref<32x1000000xf32, #tpu.memory_space<hbm>> -> memref<32x128xf32, #tpu.memory_space<hbm>>
      %dma_wait3A_1510 = arith.constant 0 : i32
      %dma_wait3A_1511 = arith.constant 0 : i32
      %dma_wait3A_1512 = tpu.memref_slice %arg10[%dma_wait3A_1502, %dma_wait3A_1510, %dma_wait3A_1511] : memref<16x32x128xf32, #tpu.memory_space<vmem>> -> memref<1x32x128xf32, #tpu.memory_space<vmem>>
      %dma_wait3A_1513 = tpu.memref_squeeze %dma_wait3A_1512 : memref<1x32x128xf32, #tpu.memory_space<vmem>> -> memref<32x128xf32, #tpu.memory_space<vmem>>
      %dma_wait3A_1514 = arith.constant 0 : i32
      %dma_wait3A_1515 = arith.constant 0 : i32
      %dma_wait3A_1516 = tpu.memref_slice %arg5[%dma_wait3A_1514, %dma_wait3A_1515] : memref<32x1000000xf32, #tpu.memory_space<hbm>> -> memref<32x128xf32, #tpu.memory_space<hbm>>
      tpu.wait_dma2 semaphore(%arg15 : memref<!tpu.dma_semaphore, #tpu.memory_space<semaphore_mem>>) src(%dma_wait3A_1516 : memref<32x128xf32, #tpu.memory_space<hbm>>) dst(%dma_wait3A_1513 : memref<32x128xf32, #tpu.memory_space<vmem>>)
      %dma_wait3A_1517 = arith.constant 7 : i32
      %dma_wait3A_1518 = arith.constant 0 : i32
      %dma_wait3A_1519 = arith.constant 0 : i32
      %dma_wait3A_1520 = tpu.memref_slice %arg10[%dma_wait3A_1517, %dma_wait3A_1518, %dma_wait3A_1519] : memref<16x32x128xf32, #tpu.memory_space<vmem>> -> memref<1x32x128xf32, #tpu.memory_space<vmem>>
      %dma_wait3A_1521 = tpu.memref_squeeze %dma_wait3A_1520 : memref<1x32x128xf32, #tpu.memory_space<vmem>> -> memref<32x128xf32, #tpu.memory_space<vmem>>
      %dma_wait3A_1522 = arith.constant 0 : i32
      %dma_wait3A_1523 = arith.constant 0 : i32
      %dma_wait3A_1524 = tpu.memref_slice %arg5[%dma_wait3A_1522, %dma_wait3A_1523] : memref<32x1000000xf32, #tpu.memory_space<hbm>> -> memref<32x128xf32, #tpu.memory_space<hbm>>
      %dma_wait3A_1525 = arith.constant 0 : i32
      %dma_wait3A_1526 = arith.constant 0 : i32
      %dma_wait3A_1527 = tpu.memref_slice %arg10[%dma_wait3A_1517, %dma_wait3A_1525, %dma_wait3A_1526] : memref<16x32x128xf32, #tpu.memory_space<vmem>> -> memref<1x32x128xf32, #tpu.memory_space<vmem>>
      %dma_wait3A_1528 = tpu.memref_squeeze %dma_wait3A_1527 : memref<1x32x128xf32, #tpu.memory_space<vmem>> -> memref<32x128xf32, #tpu.memory_space<vmem>>
      %dma_wait3A_1529 = arith.constant 0 : i32
      %dma_wait3A_1530 = arith.constant 0 : i32
      %dma_wait3A_1531 = tpu.memref_slice %arg5[%dma_wait3A_1529, %dma_wait3A_1530] : memref<32x1000000xf32, #tpu.memory_space<hbm>> -> memref<32x128xf32, #tpu.memory_space<hbm>>
      tpu.wait_dma2 semaphore(%arg15 : memref<!tpu.dma_semaphore, #tpu.memory_space<semaphore_mem>>) src(%dma_wait3A_1531 : memref<32x128xf32, #tpu.memory_space<hbm>>) dst(%dma_wait3A_1528 : memref<32x128xf32, #tpu.memory_space<vmem>>)
      %dma_wait3A_1532 = arith.constant 8 : i32
      %dma_wait3A_1533 = arith.constant 0 : i32
      %dma_wait3A_1534 = arith.constant 0 : i32
      %dma_wait3A_1535 = tpu.memref_slice %arg10[%dma_wait3A_1532, %dma_wait3A_1533, %dma_wait3A_1534] : memref<16x32x128xf32, #tpu.memory_space<vmem>> -> memref<1x32x128xf32, #tpu.memory_space<vmem>>
      %dma_wait3A_1536 = tpu.memref_squeeze %dma_wait3A_1535 : memref<1x32x128xf32, #tpu.memory_space<vmem>> -> memref<32x128xf32, #tpu.memory_space<vmem>>
      %dma_wait3A_1537 = arith.constant 0 : i32
      %dma_wait3A_1538 = arith.constant 0 : i32
      %dma_wait3A_1539 = tpu.memref_slice %arg5[%dma_wait3A_1537, %dma_wait3A_1538] : memref<32x1000000xf32, #tpu.memory_space<hbm>> -> memref<32x128xf32, #tpu.memory_space<hbm>>
      %dma_wait3A_1540 = arith.constant 0 : i32
      %dma_wait3A_1541 = arith.constant 0 : i32
      %dma_wait3A_1542 = tpu.memref_slice %arg10[%dma_wait3A_1532, %dma_wait3A_1540, %dma_wait3A_1541] : memref<16x32x128xf32, #tpu.memory_space<vmem>> -> memref<1x32x128xf32, #tpu.memory_space<vmem>>
      %dma_wait3A_1543 = tpu.memref_squeeze %dma_wait3A_1542 : memref<1x32x128xf32, #tpu.memory_space<vmem>> -> memref<32x128xf32, #tpu.memory_space<vmem>>
      %dma_wait3A_1544 = arith.constant 0 : i32
      %dma_wait3A_1545 = arith.constant 0 : i32
      %dma_wait3A_1546 = tpu.memref_slice %arg5[%dma_wait3A_1544, %dma_wait3A_1545] : memref<32x1000000xf32, #tpu.memory_space<hbm>> -> memref<32x128xf32, #tpu.memory_space<hbm>>
      tpu.wait_dma2 semaphore(%arg15 : memref<!tpu.dma_semaphore, #tpu.memory_space<semaphore_mem>>) src(%dma_wait3A_1546 : memref<32x128xf32, #tpu.memory_space<hbm>>) dst(%dma_wait3A_1543 : memref<32x128xf32, #tpu.memory_space<vmem>>)
      %dma_wait3A_1547 = arith.constant 9 : i32
      %dma_wait3A_1548 = arith.constant 0 : i32
      %dma_wait3A_1549 = arith.constant 0 : i32
      %dma_wait3A_1550 = tpu.memref_slice %arg10[%dma_wait3A_1547, %dma_wait3A_1548, %dma_wait3A_1549] : memref<16x32x128xf32, #tpu.memory_space<vmem>> -> memref<1x32x128xf32, #tpu.memory_space<vmem>>
      %dma_wait3A_1551 = tpu.memref_squeeze %dma_wait3A_1550 : memref<1x32x128xf32, #tpu.memory_space<vmem>> -> memref<32x128xf32, #tpu.memory_space<vmem>>
      %dma_wait3A_1552 = arith.constant 0 : i32
      %dma_wait3A_1553 = arith.constant 0 : i32
      %dma_wait3A_1554 = tpu.memref_slice %arg5[%dma_wait3A_1552, %dma_wait3A_1553] : memref<32x1000000xf32, #tpu.memory_space<hbm>> -> memref<32x128xf32, #tpu.memory_space<hbm>>
      %dma_wait3A_1555 = arith.constant 0 : i32
      %dma_wait3A_1556 = arith.constant 0 : i32
      %dma_wait3A_1557 = tpu.memref_slice %arg10[%dma_wait3A_1547, %dma_wait3A_1555, %dma_wait3A_1556] : memref<16x32x128xf32, #tpu.memory_space<vmem>> -> memref<1x32x128xf32, #tpu.memory_space<vmem>>
      %dma_wait3A_1558 = tpu.memref_squeeze %dma_wait3A_1557 : memref<1x32x128xf32, #tpu.memory_space<vmem>> -> memref<32x128xf32, #tpu.memory_space<vmem>>
      %dma_wait3A_1559 = arith.constant 0 : i32
      %dma_wait3A_1560 = arith.constant 0 : i32
      %dma_wait3A_1561 = tpu.memref_slice %arg5[%dma_wait3A_1559, %dma_wait3A_1560] : memref<32x1000000xf32, #tpu.memory_space<hbm>> -> memref<32x128xf32, #tpu.memory_space<hbm>>
      tpu.wait_dma2 semaphore(%arg15 : memref<!tpu.dma_semaphore, #tpu.memory_space<semaphore_mem>>) src(%dma_wait3A_1561 : memref<32x128xf32, #tpu.memory_space<hbm>>) dst(%dma_wait3A_1558 : memref<32x128xf32, #tpu.memory_space<vmem>>)
      %dma_wait3A_1562 = arith.constant 10 : i32
      %dma_wait3A_1563 = arith.constant 0 : i32
      %dma_wait3A_1564 = arith.constant 0 : i32
      %dma_wait3A_1565 = tpu.memref_slice %arg10[%dma_wait3A_1562, %dma_wait3A_1563, %dma_wait3A_1564] : memref<16x32x128xf32, #tpu.memory_space<vmem>> -> memref<1x32x128xf32, #tpu.memory_space<vmem>>
      %dma_wait3A_1566 = tpu.memref_squeeze %dma_wait3A_1565 : memref<1x32x128xf32, #tpu.memory_space<vmem>> -> memref<32x128xf32, #tpu.memory_space<vmem>>
      %dma_wait3A_1567 = arith.constant 0 : i32
      %dma_wait3A_1568 = arith.constant 0 : i32
      %dma_wait3A_1569 = tpu.memref_slice %arg5[%dma_wait3A_1567, %dma_wait3A_1568] : memref<32x1000000xf32, #tpu.memory_space<hbm>> -> memref<32x128xf32, #tpu.memory_space<hbm>>
      %dma_wait3A_1570 = arith.constant 0 : i32
      %dma_wait3A_1571 = arith.constant 0 : i32
      %dma_wait3A_1572 = tpu.memref_slice %arg10[%dma_wait3A_1562, %dma_wait3A_1570, %dma_wait3A_1571] : memref<16x32x128xf32, #tpu.memory_space<vmem>> -> memref<1x32x128xf32, #tpu.memory_space<vmem>>
      %dma_wait3A_1573 = tpu.memref_squeeze %dma_wait3A_1572 : memref<1x32x128xf32, #tpu.memory_space<vmem>> -> memref<32x128xf32, #tpu.memory_space<vmem>>
      %dma_wait3A_1574 = arith.constant 0 : i32
      %dma_wait3A_1575 = arith.constant 0 : i32
      %dma_wait3A_1576 = tpu.memref_slice %arg5[%dma_wait3A_1574, %dma_wait3A_1575] : memref<32x1000000xf32, #tpu.memory_space<hbm>> -> memref<32x128xf32, #tpu.memory_space<hbm>>
      tpu.wait_dma2 semaphore(%arg15 : memref<!tpu.dma_semaphore, #tpu.memory_space<semaphore_mem>>) src(%dma_wait3A_1576 : memref<32x128xf32, #tpu.memory_space<hbm>>) dst(%dma_wait3A_1573 : memref<32x128xf32, #tpu.memory_space<vmem>>)
      %dma_wait3A_1577 = arith.constant 11 : i32
      %dma_wait3A_1578 = arith.constant 0 : i32
      %dma_wait3A_1579 = arith.constant 0 : i32
      %dma_wait3A_1580 = tpu.memref_slice %arg10[%dma_wait3A_1577, %dma_wait3A_1578, %dma_wait3A_1579] : memref<16x32x128xf32, #tpu.memory_space<vmem>> -> memref<1x32x128xf32, #tpu.memory_space<vmem>>
      %dma_wait3A_1581 = tpu.memref_squeeze %dma_wait3A_1580 : memref<1x32x128xf32, #tpu.memory_space<vmem>> -> memref<32x128xf32, #tpu.memory_space<vmem>>
      %dma_wait3A_1582 = arith.constant 0 : i32
      %dma_wait3A_1583 = arith.constant 0 : i32
      %dma_wait3A_1584 = tpu.memref_slice %arg5[%dma_wait3A_1582, %dma_wait3A_1583] : memref<32x1000000xf32, #tpu.memory_space<hbm>> -> memref<32x128xf32, #tpu.memory_space<hbm>>
      %dma_wait3A_1585 = arith.constant 0 : i32
      %dma_wait3A_1586 = arith.constant 0 : i32
      %dma_wait3A_1587 = tpu.memref_slice %arg10[%dma_wait3A_1577, %dma_wait3A_1585, %dma_wait3A_1586] : memref<16x32x128xf32, #tpu.memory_space<vmem>> -> memref<1x32x128xf32, #tpu.memory_space<vmem>>
      %dma_wait3A_1588 = tpu.memref_squeeze %dma_wait3A_1587 : memref<1x32x128xf32, #tpu.memory_space<vmem>> -> memref<32x128xf32, #tpu.memory_space<vmem>>
      %dma_wait3A_1589 = arith.constant 0 : i32
      %dma_wait3A_1590 = arith.constant 0 : i32
      %dma_wait3A_1591 = tpu.memref_slice %arg5[%dma_wait3A_1589, %dma_wait3A_1590] : memref<32x1000000xf32, #tpu.memory_space<hbm>> -> memref<32x128xf32, #tpu.memory_space<hbm>>
      tpu.wait_dma2 semaphore(%arg15 : memref<!tpu.dma_semaphore, #tpu.memory_space<semaphore_mem>>) src(%dma_wait3A_1591 : memref<32x128xf32, #tpu.memory_space<hbm>>) dst(%dma_wait3A_1588 : memref<32x128xf32, #tpu.memory_space<vmem>>)
      %dma_wait3A_1592 = arith.constant 12 : i32
      %dma_wait3A_1593 = arith.constant 0 : i32
      %dma_wait3A_1594 = arith.constant 0 : i32
      %dma_wait3A_1595 = tpu.memref_slice %arg10[%dma_wait3A_1592, %dma_wait3A_1593, %dma_wait3A_1594] : memref<16x32x128xf32, #tpu.memory_space<vmem>> -> memref<1x32x128xf32, #tpu.memory_space<vmem>>
      %dma_wait3A_1596 = tpu.memref_squeeze %dma_wait3A_1595 : memref<1x32x128xf32, #tpu.memory_space<vmem>> -> memref<32x128xf32, #tpu.memory_space<vmem>>
      %dma_wait3A_1597 = arith.constant 0 : i32
      %dma_wait3A_1598 = arith.constant 0 : i32
      %dma_wait3A_1599 = tpu.memref_slice %arg5[%dma_wait3A_1597, %dma_wait3A_1598] : memref<32x1000000xf32, #tpu.memory_space<hbm>> -> memref<32x128xf32, #tpu.memory_space<hbm>>
      %dma_wait3A_1600 = arith.constant 0 : i32
      %dma_wait3A_1601 = arith.constant 0 : i32
      %dma_wait3A_1602 = tpu.memref_slice %arg10[%dma_wait3A_1592, %dma_wait3A_1600, %dma_wait3A_1601] : memref<16x32x128xf32, #tpu.memory_space<vmem>> -> memref<1x32x128xf32, #tpu.memory_space<vmem>>
      %dma_wait3A_1603 = tpu.memref_squeeze %dma_wait3A_1602 : memref<1x32x128xf32, #tpu.memory_space<vmem>> -> memref<32x128xf32, #tpu.memory_space<vmem>>
      %dma_wait3A_1604 = arith.constant 0 : i32
      %dma_wait3A_1605 = arith.constant 0 : i32
      %dma_wait3A_1606 = tpu.memref_slice %arg5[%dma_wait3A_1604, %dma_wait3A_1605] : memref<32x1000000xf32, #tpu.memory_space<hbm>> -> memref<32x128xf32, #tpu.memory_space<hbm>>
      tpu.wait_dma2 semaphore(%arg15 : memref<!tpu.dma_semaphore, #tpu.memory_space<semaphore_mem>>) src(%dma_wait3A_1606 : memref<32x128xf32, #tpu.memory_space<hbm>>) dst(%dma_wait3A_1603 : memref<32x128xf32, #tpu.memory_space<vmem>>)
      %dma_wait3A_1607 = arith.constant 13 : i32
      %dma_wait3A_1608 = arith.constant 0 : i32
      %dma_wait3A_1609 = arith.constant 0 : i32
      %dma_wait3A_1610 = tpu.memref_slice %arg10[%dma_wait3A_1607, %dma_wait3A_1608, %dma_wait3A_1609] : memref<16x32x128xf32, #tpu.memory_space<vmem>> -> memref<1x32x128xf32, #tpu.memory_space<vmem>>
      %dma_wait3A_1611 = tpu.memref_squeeze %dma_wait3A_1610 : memref<1x32x128xf32, #tpu.memory_space<vmem>> -> memref<32x128xf32, #tpu.memory_space<vmem>>
      %dma_wait3A_1612 = arith.constant 0 : i32
      %dma_wait3A_1613 = arith.constant 0 : i32
      %dma_wait3A_1614 = tpu.memref_slice %arg5[%dma_wait3A_1612, %dma_wait3A_1613] : memref<32x1000000xf32, #tpu.memory_space<hbm>> -> memref<32x128xf32, #tpu.memory_space<hbm>>
      %dma_wait3A_1615 = arith.constant 0 : i32
      %dma_wait3A_1616 = arith.constant 0 : i32
      %dma_wait3A_1617 = tpu.memref_slice %arg10[%dma_wait3A_1607, %dma_wait3A_1615, %dma_wait3A_1616] : memref<16x32x128xf32, #tpu.memory_space<vmem>> -> memref<1x32x128xf32, #tpu.memory_space<vmem>>
      %dma_wait3A_1618 = tpu.memref_squeeze %dma_wait3A_1617 : memref<1x32x128xf32, #tpu.memory_space<vmem>> -> memref<32x128xf32, #tpu.memory_space<vmem>>
      %dma_wait3A_1619 = arith.constant 0 : i32
      %dma_wait3A_1620 = arith.constant 0 : i32
      %dma_wait3A_1621 = tpu.memref_slice %arg5[%dma_wait3A_1619, %dma_wait3A_1620] : memref<32x1000000xf32, #tpu.memory_space<hbm>> -> memref<32x128xf32, #tpu.memory_space<hbm>>
      tpu.wait_dma2 semaphore(%arg15 : memref<!tpu.dma_semaphore, #tpu.memory_space<semaphore_mem>>) src(%dma_wait3A_1621 : memref<32x128xf32, #tpu.memory_space<hbm>>) dst(%dma_wait3A_1618 : memref<32x128xf32, #tpu.memory_space<vmem>>)
      %dma_wait3A_1622 = arith.constant 14 : i32
      %dma_wait3A_1623 = arith.constant 0 : i32
      %dma_wait3A_1624 = arith.constant 0 : i32
      %dma_wait3A_1625 = tpu.memref_slice %arg10[%dma_wait3A_1622, %dma_wait3A_1623, %dma_wait3A_1624] : memref<16x32x128xf32, #tpu.memory_space<vmem>> -> memref<1x32x128xf32, #tpu.memory_space<vmem>>
      %dma_wait3A_1626 = tpu.memref_squeeze %dma_wait3A_1625 : memref<1x32x128xf32, #tpu.memory_space<vmem>> -> memref<32x128xf32, #tpu.memory_space<vmem>>
      %dma_wait3A_1627 = arith.constant 0 : i32
      %dma_wait3A_1628 = arith.constant 0 : i32
      %dma_wait3A_1629 = tpu.memref_slice %arg5[%dma_wait3A_1627, %dma_wait3A_1628] : memref<32x1000000xf32, #tpu.memory_space<hbm>> -> memref<32x128xf32, #tpu.memory_space<hbm>>
      %dma_wait3A_1630 = arith.constant 0 : i32
      %dma_wait3A_1631 = arith.constant 0 : i32
      %dma_wait3A_1632 = tpu.memref_slice %arg10[%dma_wait3A_1622, %dma_wait3A_1630, %dma_wait3A_1631] : memref<16x32x128xf32, #tpu.memory_space<vmem>> -> memref<1x32x128xf32, #tpu.memory_space<vmem>>
      %dma_wait3A_1633 = tpu.memref_squeeze %dma_wait3A_1632 : memref<1x32x128xf32, #tpu.memory_space<vmem>> -> memref<32x128xf32, #tpu.memory_space<vmem>>
      %dma_wait3A_1634 = arith.constant 0 : i32
      %dma_wait3A_1635 = arith.constant 0 : i32
      %dma_wait3A_1636 = tpu.memref_slice %arg5[%dma_wait3A_1634, %dma_wait3A_1635] : memref<32x1000000xf32, #tpu.memory_space<hbm>> -> memref<32x128xf32, #tpu.memory_space<hbm>>
      tpu.wait_dma2 semaphore(%arg15 : memref<!tpu.dma_semaphore, #tpu.memory_space<semaphore_mem>>) src(%dma_wait3A_1636 : memref<32x128xf32, #tpu.memory_space<hbm>>) dst(%dma_wait3A_1633 : memref<32x128xf32, #tpu.memory_space<vmem>>)
      %dma_wait3A_1637 = arith.constant 15 : i32
      %dma_wait3A_1638 = arith.constant 0 : i32
      %dma_wait3A_1639 = arith.constant 0 : i32
      %dma_wait3A_1640 = tpu.memref_slice %arg10[%dma_wait3A_1637, %dma_wait3A_1638, %dma_wait3A_1639] : memref<16x32x128xf32, #tpu.memory_space<vmem>> -> memref<1x32x128xf32, #tpu.memory_space<vmem>>
      %dma_wait3A_1641 = tpu.memref_squeeze %dma_wait3A_1640 : memref<1x32x128xf32, #tpu.memory_space<vmem>> -> memref<32x128xf32, #tpu.memory_space<vmem>>
      %dma_wait3A_1642 = arith.constant 0 : i32
      %dma_wait3A_1643 = arith.constant 0 : i32
      %dma_wait3A_1644 = tpu.memref_slice %arg5[%dma_wait3A_1642, %dma_wait3A_1643] : memref<32x1000000xf32, #tpu.memory_space<hbm>> -> memref<32x128xf32, #tpu.memory_space<hbm>>
      %dma_wait3A_1645 = arith.constant 0 : i32
      %dma_wait3A_1646 = arith.constant 0 : i32
      %dma_wait3A_1647 = tpu.memref_slice %arg10[%dma_wait3A_1637, %dma_wait3A_1645, %dma_wait3A_1646] : memref<16x32x128xf32, #tpu.memory_space<vmem>> -> memref<1x32x128xf32, #tpu.memory_space<vmem>>
      %dma_wait3A_1648 = tpu.memref_squeeze %dma_wait3A_1647 : memref<1x32x128xf32, #tpu.memory_space<vmem>> -> memref<32x128xf32, #tpu.memory_space<vmem>>
      %dma_wait3A_1649 = arith.constant 0 : i32
      %dma_wait3A_1650 = arith.constant 0 : i32
      %dma_wait3A_1651 = tpu.memref_slice %arg5[%dma_wait3A_1649, %dma_wait3A_1650] : memref<32x1000000xf32, #tpu.memory_space<hbm>> -> memref<32x128xf32, #tpu.memory_space<hbm>>
      tpu.wait_dma2 semaphore(%arg15 : memref<!tpu.dma_semaphore, #tpu.memory_space<semaphore_mem>>) src(%dma_wait3A_1651 : memref<32x128xf32, #tpu.memory_space<hbm>>) dst(%dma_wait3A_1648 : memref<32x128xf32, #tpu.memory_space<vmem>>)
      %mul3A_1652 = arith.constant 16 : i32
      %mul3A_1653 = arith.muli %scan3A_111, %mul3A_1652 : i32
      %add3A_1654 = vector.broadcast %mul3A_1653 : i32 to vector<16xi32>
      %add3A_1655 = arith.addi %add3A_1654, %iota3A : vector<16xi32>
      %and3A_1656 = arith.constant 127 : i32
      %and3A_1657 = arith.andi %squeeze3A_1093, %and3A_1656 : i32
      %broadcast_in_dim3A_1658 = vector.broadcast %and3A_1657 : i32 to vector<16xi32>
      %mul3A_1659 = arith.constant 16 : i32
      %mul3A_1660 = arith.muli %scan3A_111, %mul3A_1659 : i32
      %add3A_1661 = arith.constant 0 : i32
      %add3A_1662 = arith.addi %mul3A_1660, %add3A_1661 : i32
      %broadcast_in_dim3A_1663 = vector.broadcast %add3A_1662 : i32 to vector<16xi32>
      %add3A_1664 = arith.constant 0 : i32
      %add3A_1665 = vector.broadcast %add3A_1664 : i32 to vector<16xi32>
      %add3A_1666 = arith.addi %iota3A, %add3A_1665 : vector<16xi32>
      %gather3A_1667 = arith.constant 0 : i32
      %gather3A_1668 = arith.constant 0 : i32
      %gather3A_1669 = arith.constant 0 : i32
      %gather3A_1670 = tpu.memref_slice %arg10[%gather3A_1667, %gather3A_1668, %gather3A_1669] : memref<16x32x128xf32, #tpu.memory_space<vmem>> -> memref<1x32x128xf32, #tpu.memory_space<vmem>>
      %gather3A_1671 = tpu.memref_squeeze %gather3A_1670 : memref<1x32x128xf32, #tpu.memory_space<vmem>> -> memref<32x128xf32, #tpu.memory_space<vmem>>
      %gather3A_1672 = tpu.vector_load_idx %gather3A_1671[%add3A_1666, %broadcast_in_dim3A_1658] : memref<32x128xf32, #tpu.memory_space<vmem>>[vector<16xi32>, vector<16xi32>], vector<16xf32>,
      tpu.vector_store_idx %arg12[%add3A_1666, %broadcast_in_dim3A_1663], %gather3A_1672 : memref<32x512xf32, #tpu.memory_space<vmem>>[vector<16xi32>, vector<16xi32>], vector<16xf32>,
      %add3A_1673 = arith.constant 16 : i32
      %add3A_1674 = vector.broadcast %add3A_1673 : i32 to vector<16xi32>
      %add3A_1675 = arith.addi %iota3A, %add3A_1674 : vector<16xi32>
      %gather3A_1676 = arith.constant 0 : i32
      %gather3A_1677 = arith.constant 0 : i32
      %gather3A_1678 = arith.constant 0 : i32
      %gather3A_1679 = tpu.memref_slice %arg10[%gather3A_1676, %gather3A_1677, %gather3A_1678] : memref<16x32x128xf32, #tpu.memory_space<vmem>> -> memref<1x32x128xf32, #tpu.memory_space<vmem>>
      %gather3A_1680 = tpu.memref_squeeze %gather3A_1679 : memref<1x32x128xf32, #tpu.memory_space<vmem>> -> memref<32x128xf32, #tpu.memory_space<vmem>>
      %gather3A_1681 = tpu.vector_load_idx %gather3A_1680[%add3A_1675, %broadcast_in_dim3A_1658] : memref<32x128xf32, #tpu.memory_space<vmem>>[vector<16xi32>, vector<16xi32>], vector<16xf32>,
      tpu.vector_store_idx %arg12[%add3A_1675, %broadcast_in_dim3A_1663], %gather3A_1681 : memref<32x512xf32, #tpu.memory_space<vmem>>[vector<16xi32>, vector<16xi32>], vector<16xf32>,
      %and3A_1682 = arith.constant 127 : i32
      %and3A_1683 = arith.andi %squeeze3A_1095, %and3A_1682 : i32
      %broadcast_in_dim3A_1684 = vector.broadcast %and3A_1683 : i32 to vector<16xi32>
      %mul3A_1685 = arith.constant 16 : i32
      %mul3A_1686 = arith.muli %scan3A_111, %mul3A_1685 : i32
      %add3A_1687 = arith.constant 1 : i32
      %add3A_1688 = arith.addi %mul3A_1686, %add3A_1687 : i32
      %broadcast_in_dim3A_1689 = vector.broadcast %add3A_1688 : i32 to vector<16xi32>
      %add3A_1690 = arith.constant 0 : i32
      %add3A_1691 = vector.broadcast %add3A_1690 : i32 to vector<16xi32>
      %add3A_1692 = arith.addi %iota3A, %add3A_1691 : vector<16xi32>
      %gather3A_1693 = arith.constant 1 : i32
      %gather3A_1694 = arith.constant 0 : i32
      %gather3A_1695 = arith.constant 0 : i32
      %gather3A_1696 = tpu.memref_slice %arg10[%gather3A_1693, %gather3A_1694, %gather3A_1695] : memref<16x32x128xf32, #tpu.memory_space<vmem>> -> memref<1x32x128xf32, #tpu.memory_space<vmem>>
      %gather3A_1697 = tpu.memref_squeeze %gather3A_1696 : memref<1x32x128xf32, #tpu.memory_space<vmem>> -> memref<32x128xf32, #tpu.memory_space<vmem>>
      %gather3A_1698 = tpu.vector_load_idx %gather3A_1697[%add3A_1692, %broadcast_in_dim3A_1684] : memref<32x128xf32, #tpu.memory_space<vmem>>[vector<16xi32>, vector<16xi32>], vector<16xf32>,
      tpu.vector_store_idx %arg12[%add3A_1692, %broadcast_in_dim3A_1689], %gather3A_1698 : memref<32x512xf32, #tpu.memory_space<vmem>>[vector<16xi32>, vector<16xi32>], vector<16xf32>,
      %add3A_1699 = arith.constant 16 : i32
      %add3A_1700 = vector.broadcast %add3A_1699 : i32 to vector<16xi32>
      %add3A_1701 = arith.addi %iota3A, %add3A_1700 : vector<16xi32>
      %gather3A_1702 = arith.constant 1 : i32
      %gather3A_1703 = arith.constant 0 : i32
      %gather3A_1704 = arith.constant 0 : i32
      %gather3A_1705 = tpu.memref_slice %arg10[%gather3A_1702, %gather3A_1703, %gather3A_1704] : memref<16x32x128xf32, #tpu.memory_space<vmem>> -> memref<1x32x128xf32, #tpu.memory_space<vmem>>
      %gather3A_1706 = tpu.memref_squeeze %gather3A_1705 : memref<1x32x128xf32, #tpu.memory_space<vmem>> -> memref<32x128xf32, #tpu.memory_space<vmem>>
      %gather3A_1707 = tpu.vector_load_idx %gather3A_1706[%add3A_1701, %broadcast_in_dim3A_1684] : memref<32x128xf32, #tpu.memory_space<vmem>>[vector<16xi32>, vector<16xi32>], vector<16xf32>,
      tpu.vector_store_idx %arg12[%add3A_1701, %broadcast_in_dim3A_1689], %gather3A_1707 : memref<32x512xf32, #tpu.memory_space<vmem>>[vector<16xi32>, vector<16xi32>], vector<16xf32>,
      %and3A_1708 = arith.constant 127 : i32
      %and3A_1709 = arith.andi %squeeze3A_1097, %and3A_1708 : i32
      %broadcast_in_dim3A_1710 = vector.broadcast %and3A_1709 : i32 to vector<16xi32>
      %mul3A_1711 = arith.constant 16 : i32
      %mul3A_1712 = arith.muli %scan3A_111, %mul3A_1711 : i32
      %add3A_1713 = arith.constant 2 : i32
      %add3A_1714 = arith.addi %mul3A_1712, %add3A_1713 : i32
      %broadcast_in_dim3A_1715 = vector.broadcast %add3A_1714 : i32 to vector<16xi32>
      %add3A_1716 = arith.constant 0 : i32
      %add3A_1717 = vector.broadcast %add3A_1716 : i32 to vector<16xi32>
      %add3A_1718 = arith.addi %iota3A, %add3A_1717 : vector<16xi32>
      %gather3A_1719 = arith.constant 2 : i32
      %gather3A_1720 = arith.constant 0 : i32
      %gather3A_1721 = arith.constant 0 : i32
      %gather3A_1722 = tpu.memref_slice %arg10[%gather3A_1719, %gather3A_1720, %gather3A_1721] : memref<16x32x128xf32, #tpu.memory_space<vmem>> -> memref<1x32x128xf32, #tpu.memory_space<vmem>>
      %gather3A_1723 = tpu.memref_squeeze %gather3A_1722 : memref<1x32x128xf32, #tpu.memory_space<vmem>> -> memref<32x128xf32, #tpu.memory_space<vmem>>
      %gather3A_1724 = tpu.vector_load_idx %gather3A_1723[%add3A_1718, %broadcast_in_dim3A_1710] : memref<32x128xf32, #tpu.memory_space<vmem>>[vector<16xi32>, vector<16xi32>], vector<16xf32>,
      tpu.vector_store_idx %arg12[%add3A_1718, %broadcast_in_dim3A_1715], %gather3A_1724 : memref<32x512xf32, #tpu.memory_space<vmem>>[vector<16xi32>, vector<16xi32>], vector<16xf32>,
      %add3A_1725 = arith.constant 16 : i32
      %add3A_1726 = vector.broadcast %add3A_1725 : i32 to vector<16xi32>
      %add3A_1727 = arith.addi %iota3A, %add3A_1726 : vector<16xi32>
      %gather3A_1728 = arith.constant 2 : i32
      %gather3A_1729 = arith.constant 0 : i32
      %gather3A_1730 = arith.constant 0 : i32
      %gather3A_1731 = tpu.memref_slice %arg10[%gather3A_1728, %gather3A_1729, %gather3A_1730] : memref<16x32x128xf32, #tpu.memory_space<vmem>> -> memref<1x32x128xf32, #tpu.memory_space<vmem>>
      %gather3A_1732 = tpu.memref_squeeze %gather3A_1731 : memref<1x32x128xf32, #tpu.memory_space<vmem>> -> memref<32x128xf32, #tpu.memory_space<vmem>>
      %gather3A_1733 = tpu.vector_load_idx %gather3A_1732[%add3A_1727, %broadcast_in_dim3A_1710] : memref<32x128xf32, #tpu.memory_space<vmem>>[vector<16xi32>, vector<16xi32>], vector<16xf32>,
      tpu.vector_store_idx %arg12[%add3A_1727, %broadcast_in_dim3A_1715], %gather3A_1733 : memref<32x512xf32, #tpu.memory_space<vmem>>[vector<16xi32>, vector<16xi32>], vector<16xf32>,
      %and3A_1734 = arith.constant 127 : i32
      %and3A_1735 = arith.andi %squeeze3A_1099, %and3A_1734 : i32
      %broadcast_in_dim3A_1736 = vector.broadcast %and3A_1735 : i32 to vector<16xi32>
      %mul3A_1737 = arith.constant 16 : i32
      %mul3A_1738 = arith.muli %scan3A_111, %mul3A_1737 : i32
      %add3A_1739 = arith.constant 3 : i32
      %add3A_1740 = arith.addi %mul3A_1738, %add3A_1739 : i32
      %broadcast_in_dim3A_1741 = vector.broadcast %add3A_1740 : i32 to vector<16xi32>
      %add3A_1742 = arith.constant 0 : i32
      %add3A_1743 = vector.broadcast %add3A_1742 : i32 to vector<16xi32>
      %add3A_1744 = arith.addi %iota3A, %add3A_1743 : vector<16xi32>
      %gather3A_1745 = arith.constant 3 : i32
      %gather3A_1746 = arith.constant 0 : i32
      %gather3A_1747 = arith.constant 0 : i32
      %gather3A_1748 = tpu.memref_slice %arg10[%gather3A_1745, %gather3A_1746, %gather3A_1747] : memref<16x32x128xf32, #tpu.memory_space<vmem>> -> memref<1x32x128xf32, #tpu.memory_space<vmem>>
      %gather3A_1749 = tpu.memref_squeeze %gather3A_1748 : memref<1x32x128xf32, #tpu.memory_space<vmem>> -> memref<32x128xf32, #tpu.memory_space<vmem>>
      %gather3A_1750 = tpu.vector_load_idx %gather3A_1749[%add3A_1744, %broadcast_in_dim3A_1736] : memref<32x128xf32, #tpu.memory_space<vmem>>[vector<16xi32>, vector<16xi32>], vector<16xf32>,
      tpu.vector_store_idx %arg12[%add3A_1744, %broadcast_in_dim3A_1741], %gather3A_1750 : memref<32x512xf32, #tpu.memory_space<vmem>>[vector<16xi32>, vector<16xi32>], vector<16xf32>,
      %add3A_1751 = arith.constant 16 : i32
      %add3A_1752 = vector.broadcast %add3A_1751 : i32 to vector<16xi32>
      %add3A_1753 = arith.addi %iota3A, %add3A_1752 : vector<16xi32>
      %gather3A_1754 = arith.constant 3 : i32
      %gather3A_1755 = arith.constant 0 : i32
      %gather3A_1756 = arith.constant 0 : i32
      %gather3A_1757 = tpu.memref_slice %arg10[%gather3A_1754, %gather3A_1755, %gather3A_1756] : memref<16x32x128xf32, #tpu.memory_space<vmem>> -> memref<1x32x128xf32, #tpu.memory_space<vmem>>
      %gather3A_1758 = tpu.memref_squeeze %gather3A_1757 : memref<1x32x128xf32, #tpu.memory_space<vmem>> -> memref<32x128xf32, #tpu.memory_space<vmem>>
      %gather3A_1759 = tpu.vector_load_idx %gather3A_1758[%add3A_1753, %broadcast_in_dim3A_1736] : memref<32x128xf32, #tpu.memory_space<vmem>>[vector<16xi32>, vector<16xi32>], vector<16xf32>,
      tpu.vector_store_idx %arg12[%add3A_1753, %broadcast_in_dim3A_1741], %gather3A_1759 : memref<32x512xf32, #tpu.memory_space<vmem>>[vector<16xi32>, vector<16xi32>], vector<16xf32>,
      %and3A_1760 = arith.constant 127 : i32
      %and3A_1761 = arith.andi %squeeze3A_1101, %and3A_1760 : i32
      %broadcast_in_dim3A_1762 = vector.broadcast %and3A_1761 : i32 to vector<16xi32>
      %mul3A_1763 = arith.constant 16 : i32
      %mul3A_1764 = arith.muli %scan3A_111, %mul3A_1763 : i32
      %add3A_1765 = arith.constant 4 : i32
      %add3A_1766 = arith.addi %mul3A_1764, %add3A_1765 : i32
      %broadcast_in_dim3A_1767 = vector.broadcast %add3A_1766 : i32 to vector<16xi32>
      %add3A_1768 = arith.constant 0 : i32
      %add3A_1769 = vector.broadcast %add3A_1768 : i32 to vector<16xi32>
      %add3A_1770 = arith.addi %iota3A, %add3A_1769 : vector<16xi32>
      %gather3A_1771 = arith.constant 4 : i32
      %gather3A_1772 = arith.constant 0 : i32
      %gather3A_1773 = arith.constant 0 : i32
      %gather3A_1774 = tpu.memref_slice %arg10[%gather3A_1771, %gather3A_1772, %gather3A_1773] : memref<16x32x128xf32, #tpu.memory_space<vmem>> -> memref<1x32x128xf32, #tpu.memory_space<vmem>>
      %gather3A_1775 = tpu.memref_squeeze %gather3A_1774 : memref<1x32x128xf32, #tpu.memory_space<vmem>> -> memref<32x128xf32, #tpu.memory_space<vmem>>
      %gather3A_1776 = tpu.vector_load_idx %gather3A_1775[%add3A_1770, %broadcast_in_dim3A_1762] : memref<32x128xf32, #tpu.memory_space<vmem>>[vector<16xi32>, vector<16xi32>], vector<16xf32>,
      tpu.vector_store_idx %arg12[%add3A_1770, %broadcast_in_dim3A_1767], %gather3A_1776 : memref<32x512xf32, #tpu.memory_space<vmem>>[vector<16xi32>, vector<16xi32>], vector<16xf32>,
      %add3A_1777 = arith.constant 16 : i32
      %add3A_1778 = vector.broadcast %add3A_1777 : i32 to vector<16xi32>
      %add3A_1779 = arith.addi %iota3A, %add3A_1778 : vector<16xi32>
      %gather3A_1780 = arith.constant 4 : i32
      %gather3A_1781 = arith.constant 0 : i32
      %gather3A_1782 = arith.constant 0 : i32
      %gather3A_1783 = tpu.memref_slice %arg10[%gather3A_1780, %gather3A_1781, %gather3A_1782] : memref<16x32x128xf32, #tpu.memory_space<vmem>> -> memref<1x32x128xf32, #tpu.memory_space<vmem>>
      %gather3A_1784 = tpu.memref_squeeze %gather3A_1783 : memref<1x32x128xf32, #tpu.memory_space<vmem>> -> memref<32x128xf32, #tpu.memory_space<vmem>>
      %gather3A_1785 = tpu.vector_load_idx %gather3A_1784[%add3A_1779, %broadcast_in_dim3A_1762] : memref<32x128xf32, #tpu.memory_space<vmem>>[vector<16xi32>, vector<16xi32>], vector<16xf32>,
      tpu.vector_store_idx %arg12[%add3A_1779, %broadcast_in_dim3A_1767], %gather3A_1785 : memref<32x512xf32, #tpu.memory_space<vmem>>[vector<16xi32>, vector<16xi32>], vector<16xf32>,
      %and3A_1786 = arith.constant 127 : i32
      %and3A_1787 = arith.andi %squeeze3A_1103, %and3A_1786 : i32
      %broadcast_in_dim3A_1788 = vector.broadcast %and3A_1787 : i32 to vector<16xi32>
      %mul3A_1789 = arith.constant 16 : i32
      %mul3A_1790 = arith.muli %scan3A_111, %mul3A_1789 : i32
      %add3A_1791 = arith.constant 5 : i32
      %add3A_1792 = arith.addi %mul3A_1790, %add3A_1791 : i32
      %broadcast_in_dim3A_1793 = vector.broadcast %add3A_1792 : i32 to vector<16xi32>
      %add3A_1794 = arith.constant 0 : i32
      %add3A_1795 = vector.broadcast %add3A_1794 : i32 to vector<16xi32>
      %add3A_1796 = arith.addi %iota3A, %add3A_1795 : vector<16xi32>
      %gather3A_1797 = arith.constant 5 : i32
      %gather3A_1798 = arith.constant 0 : i32
      %gather3A_1799 = arith.constant 0 : i32
      %gather3A_1800 = tpu.memref_slice %arg10[%gather3A_1797, %gather3A_1798, %gather3A_1799] : memref<16x32x128xf32, #tpu.memory_space<vmem>> -> memref<1x32x128xf32, #tpu.memory_space<vmem>>
      %gather3A_1801 = tpu.memref_squeeze %gather3A_1800 : memref<1x32x128xf32, #tpu.memory_space<vmem>> -> memref<32x128xf32, #tpu.memory_space<vmem>>
      %gather3A_1802 = tpu.vector_load_idx %gather3A_1801[%add3A_1796, %broadcast_in_dim3A_1788] : memref<32x128xf32, #tpu.memory_space<vmem>>[vector<16xi32>, vector<16xi32>], vector<16xf32>,
      tpu.vector_store_idx %arg12[%add3A_1796, %broadcast_in_dim3A_1793], %gather3A_1802 : memref<32x512xf32, #tpu.memory_space<vmem>>[vector<16xi32>, vector<16xi32>], vector<16xf32>,
      %add3A_1803 = arith.constant 16 : i32
      %add3A_1804 = vector.broadcast %add3A_1803 : i32 to vector<16xi32>
      %add3A_1805 = arith.addi %iota3A, %add3A_1804 : vector<16xi32>
      %gather3A_1806 = arith.constant 5 : i32
      %gather3A_1807 = arith.constant 0 : i32
      %gather3A_1808 = arith.constant 0 : i32
      %gather3A_1809 = tpu.memref_slice %arg10[%gather3A_1806, %gather3A_1807, %gather3A_1808] : memref<16x32x128xf32, #tpu.memory_space<vmem>> -> memref<1x32x128xf32, #tpu.memory_space<vmem>>
      %gather3A_1810 = tpu.memref_squeeze %gather3A_1809 : memref<1x32x128xf32, #tpu.memory_space<vmem>> -> memref<32x128xf32, #tpu.memory_space<vmem>>
      %gather3A_1811 = tpu.vector_load_idx %gather3A_1810[%add3A_1805, %broadcast_in_dim3A_1788] : memref<32x128xf32, #tpu.memory_space<vmem>>[vector<16xi32>, vector<16xi32>], vector<16xf32>,
      tpu.vector_store_idx %arg12[%add3A_1805, %broadcast_in_dim3A_1793], %gather3A_1811 : memref<32x512xf32, #tpu.memory_space<vmem>>[vector<16xi32>, vector<16xi32>], vector<16xf32>,
      %and3A_1812 = arith.constant 127 : i32
      %and3A_1813 = arith.andi %squeeze3A_1105, %and3A_1812 : i32
      %broadcast_in_dim3A_1814 = vector.broadcast %and3A_1813 : i32 to vector<16xi32>
      %mul3A_1815 = arith.constant 16 : i32
      %mul3A_1816 = arith.muli %scan3A_111, %mul3A_1815 : i32
      %add3A_1817 = arith.constant 6 : i32
      %add3A_1818 = arith.addi %mul3A_1816, %add3A_1817 : i32
      %broadcast_in_dim3A_1819 = vector.broadcast %add3A_1818 : i32 to vector<16xi32>
      %add3A_1820 = arith.constant 0 : i32
      %add3A_1821 = vector.broadcast %add3A_1820 : i32 to vector<16xi32>
      %add3A_1822 = arith.addi %iota3A, %add3A_1821 : vector<16xi32>
      %gather3A_1823 = arith.constant 6 : i32
      %gather3A_1824 = arith.constant 0 : i32
      %gather3A_1825 = arith.constant 0 : i32
      %gather3A_1826 = tpu.memref_slice %arg10[%gather3A_1823, %gather3A_1824, %gather3A_1825] : memref<16x32x128xf32, #tpu.memory_space<vmem>> -> memref<1x32x128xf32, #tpu.memory_space<vmem>>
      %gather3A_1827 = tpu.memref_squeeze %gather3A_1826 : memref<1x32x128xf32, #tpu.memory_space<vmem>> -> memref<32x128xf32, #tpu.memory_space<vmem>>
      %gather3A_1828 = tpu.vector_load_idx %gather3A_1827[%add3A_1822, %broadcast_in_dim3A_1814] : memref<32x128xf32, #tpu.memory_space<vmem>>[vector<16xi32>, vector<16xi32>], vector<16xf32>,
      tpu.vector_store_idx %arg12[%add3A_1822, %broadcast_in_dim3A_1819], %gather3A_1828 : memref<32x512xf32, #tpu.memory_space<vmem>>[vector<16xi32>, vector<16xi32>], vector<16xf32>,
      %add3A_1829 = arith.constant 16 : i32
      %add3A_1830 = vector.broadcast %add3A_1829 : i32 to vector<16xi32>
      %add3A_1831 = arith.addi %iota3A, %add3A_1830 : vector<16xi32>
      %gather3A_1832 = arith.constant 6 : i32
      %gather3A_1833 = arith.constant 0 : i32
      %gather3A_1834 = arith.constant 0 : i32
      %gather3A_1835 = tpu.memref_slice %arg10[%gather3A_1832, %gather3A_1833, %gather3A_1834] : memref<16x32x128xf32, #tpu.memory_space<vmem>> -> memref<1x32x128xf32, #tpu.memory_space<vmem>>
      %gather3A_1836 = tpu.memref_squeeze %gather3A_1835 : memref<1x32x128xf32, #tpu.memory_space<vmem>> -> memref<32x128xf32, #tpu.memory_space<vmem>>
      %gather3A_1837 = tpu.vector_load_idx %gather3A_1836[%add3A_1831, %broadcast_in_dim3A_1814] : memref<32x128xf32, #tpu.memory_space<vmem>>[vector<16xi32>, vector<16xi32>], vector<16xf32>,
      tpu.vector_store_idx %arg12[%add3A_1831, %broadcast_in_dim3A_1819], %gather3A_1837 : memref<32x512xf32, #tpu.memory_space<vmem>>[vector<16xi32>, vector<16xi32>], vector<16xf32>,
      %and3A_1838 = arith.constant 127 : i32
      %and3A_1839 = arith.andi %squeeze3A_1107, %and3A_1838 : i32
      %broadcast_in_dim3A_1840 = vector.broadcast %and3A_1839 : i32 to vector<16xi32>
      %mul3A_1841 = arith.constant 16 : i32
      %mul3A_1842 = arith.muli %scan3A_111, %mul3A_1841 : i32
      %add3A_1843 = arith.constant 7 : i32
      %add3A_1844 = arith.addi %mul3A_1842, %add3A_1843 : i32
      %broadcast_in_dim3A_1845 = vector.broadcast %add3A_1844 : i32 to vector<16xi32>
      %add3A_1846 = arith.constant 0 : i32
      %add3A_1847 = vector.broadcast %add3A_1846 : i32 to vector<16xi32>
      %add3A_1848 = arith.addi %iota3A, %add3A_1847 : vector<16xi32>
      %gather3A_1849 = arith.constant 7 : i32
      %gather3A_1850 = arith.constant 0 : i32
      %gather3A_1851 = arith.constant 0 : i32
      %gather3A_1852 = tpu.memref_slice %arg10[%gather3A_1849, %gather3A_1850, %gather3A_1851] : memref<16x32x128xf32, #tpu.memory_space<vmem>> -> memref<1x32x128xf32, #tpu.memory_space<vmem>>
      %gather3A_1853 = tpu.memref_squeeze %gather3A_1852 : memref<1x32x128xf32, #tpu.memory_space<vmem>> -> memref<32x128xf32, #tpu.memory_space<vmem>>
      %gather3A_1854 = tpu.vector_load_idx %gather3A_1853[%add3A_1848, %broadcast_in_dim3A_1840] : memref<32x128xf32, #tpu.memory_space<vmem>>[vector<16xi32>, vector<16xi32>], vector<16xf32>,
      tpu.vector_store_idx %arg12[%add3A_1848, %broadcast_in_dim3A_1845], %gather3A_1854 : memref<32x512xf32, #tpu.memory_space<vmem>>[vector<16xi32>, vector<16xi32>], vector<16xf32>,
      %add3A_1855 = arith.constant 16 : i32
      %add3A_1856 = vector.broadcast %add3A_1855 : i32 to vector<16xi32>
      %add3A_1857 = arith.addi %iota3A, %add3A_1856 : vector<16xi32>
      %gather3A_1858 = arith.constant 7 : i32
      %gather3A_1859 = arith.constant 0 : i32
      %gather3A_1860 = arith.constant 0 : i32
      %gather3A_1861 = tpu.memref_slice %arg10[%gather3A_1858, %gather3A_1859, %gather3A_1860] : memref<16x32x128xf32, #tpu.memory_space<vmem>> -> memref<1x32x128xf32, #tpu.memory_space<vmem>>
      %gather3A_1862 = tpu.memref_squeeze %gather3A_1861 : memref<1x32x128xf32, #tpu.memory_space<vmem>> -> memref<32x128xf32, #tpu.memory_space<vmem>>
      %gather3A_1863 = tpu.vector_load_idx %gather3A_1862[%add3A_1857, %broadcast_in_dim3A_1840] : memref<32x128xf32, #tpu.memory_space<vmem>>[vector<16xi32>, vector<16xi32>], vector<16xf32>,
      tpu.vector_store_idx %arg12[%add3A_1857, %broadcast_in_dim3A_1845], %gather3A_1863 : memref<32x512xf32, #tpu.memory_space<vmem>>[vector<16xi32>, vector<16xi32>], vector<16xf32>,
      %and3A_1864 = arith.constant 127 : i32
      %and3A_1865 = arith.andi %squeeze3A_1109, %and3A_1864 : i32
      %broadcast_in_dim3A_1866 = vector.broadcast %and3A_1865 : i32 to vector<16xi32>
      %mul3A_1867 = arith.constant 16 : i32
      %mul3A_1868 = arith.muli %scan3A_111, %mul3A_1867 : i32
      %add3A_1869 = arith.constant 8 : i32
      %add3A_1870 = arith.addi %mul3A_1868, %add3A_1869 : i32
      %broadcast_in_dim3A_1871 = vector.broadcast %add3A_1870 : i32 to vector<16xi32>
      %add3A_1872 = arith.constant 0 : i32
      %add3A_1873 = vector.broadcast %add3A_1872 : i32 to vector<16xi32>
      %add3A_1874 = arith.addi %iota3A, %add3A_1873 : vector<16xi32>
      %gather3A_1875 = arith.constant 8 : i32
      %gather3A_1876 = arith.constant 0 : i32
      %gather3A_1877 = arith.constant 0 : i32
      %gather3A_1878 = tpu.memref_slice %arg10[%gather3A_1875, %gather3A_1876, %gather3A_1877] : memref<16x32x128xf32, #tpu.memory_space<vmem>> -> memref<1x32x128xf32, #tpu.memory_space<vmem>>
      %gather3A_1879 = tpu.memref_squeeze %gather3A_1878 : memref<1x32x128xf32, #tpu.memory_space<vmem>> -> memref<32x128xf32, #tpu.memory_space<vmem>>
      %gather3A_1880 = tpu.vector_load_idx %gather3A_1879[%add3A_1874, %broadcast_in_dim3A_1866] : memref<32x128xf32, #tpu.memory_space<vmem>>[vector<16xi32>, vector<16xi32>], vector<16xf32>,
      tpu.vector_store_idx %arg12[%add3A_1874, %broadcast_in_dim3A_1871], %gather3A_1880 : memref<32x512xf32, #tpu.memory_space<vmem>>[vector<16xi32>, vector<16xi32>], vector<16xf32>,
      %add3A_1881 = arith.constant 16 : i32
      %add3A_1882 = vector.broadcast %add3A_1881 : i32 to vector<16xi32>
      %add3A_1883 = arith.addi %iota3A, %add3A_1882 : vector<16xi32>
      %gather3A_1884 = arith.constant 8 : i32
      %gather3A_1885 = arith.constant 0 : i32
      %gather3A_1886 = arith.constant 0 : i32
      %gather3A_1887 = tpu.memref_slice %arg10[%gather3A_1884, %gather3A_1885, %gather3A_1886] : memref<16x32x128xf32, #tpu.memory_space<vmem>> -> memref<1x32x128xf32, #tpu.memory_space<vmem>>
      %gather3A_1888 = tpu.memref_squeeze %gather3A_1887 : memref<1x32x128xf32, #tpu.memory_space<vmem>> -> memref<32x128xf32, #tpu.memory_space<vmem>>
      %gather3A_1889 = tpu.vector_load_idx %gather3A_1888[%add3A_1883, %broadcast_in_dim3A_1866] : memref<32x128xf32, #tpu.memory_space<vmem>>[vector<16xi32>, vector<16xi32>], vector<16xf32>,
      tpu.vector_store_idx %arg12[%add3A_1883, %broadcast_in_dim3A_1871], %gather3A_1889 : memref<32x512xf32, #tpu.memory_space<vmem>>[vector<16xi32>, vector<16xi32>], vector<16xf32>,
      %and3A_1890 = arith.constant 127 : i32
      %and3A_1891 = arith.andi %squeeze3A_1111, %and3A_1890 : i32
      %broadcast_in_dim3A_1892 = vector.broadcast %and3A_1891 : i32 to vector<16xi32>
      %mul3A_1893 = arith.constant 16 : i32
      %mul3A_1894 = arith.muli %scan3A_111, %mul3A_1893 : i32
      %add3A_1895 = arith.constant 9 : i32
      %add3A_1896 = arith.addi %mul3A_1894, %add3A_1895 : i32
      %broadcast_in_dim3A_1897 = vector.broadcast %add3A_1896 : i32 to vector<16xi32>
      %add3A_1898 = arith.constant 0 : i32
      %add3A_1899 = vector.broadcast %add3A_1898 : i32 to vector<16xi32>
      %add3A_1900 = arith.addi %iota3A, %add3A_1899 : vector<16xi32>
      %gather3A_1901 = arith.constant 9 : i32
      %gather3A_1902 = arith.constant 0 : i32
      %gather3A_1903 = arith.constant 0 : i32
      %gather3A_1904 = tpu.memref_slice %arg10[%gather3A_1901, %gather3A_1902, %gather3A_1903] : memref<16x32x128xf32, #tpu.memory_space<vmem>> -> memref<1x32x128xf32, #tpu.memory_space<vmem>>
      %gather3A_1905 = tpu.memref_squeeze %gather3A_1904 : memref<1x32x128xf32, #tpu.memory_space<vmem>> -> memref<32x128xf32, #tpu.memory_space<vmem>>
      %gather3A_1906 = tpu.vector_load_idx %gather3A_1905[%add3A_1900, %broadcast_in_dim3A_1892] : memref<32x128xf32, #tpu.memory_space<vmem>>[vector<16xi32>, vector<16xi32>], vector<16xf32>,
      tpu.vector_store_idx %arg12[%add3A_1900, %broadcast_in_dim3A_1897], %gather3A_1906 : memref<32x512xf32, #tpu.memory_space<vmem>>[vector<16xi32>, vector<16xi32>], vector<16xf32>,
      %add3A_1907 = arith.constant 16 : i32
      %add3A_1908 = vector.broadcast %add3A_1907 : i32 to vector<16xi32>
      %add3A_1909 = arith.addi %iota3A, %add3A_1908 : vector<16xi32>
      %gather3A_1910 = arith.constant 9 : i32
      %gather3A_1911 = arith.constant 0 : i32
      %gather3A_1912 = arith.constant 0 : i32
      %gather3A_1913 = tpu.memref_slice %arg10[%gather3A_1910, %gather3A_1911, %gather3A_1912] : memref<16x32x128xf32, #tpu.memory_space<vmem>> -> memref<1x32x128xf32, #tpu.memory_space<vmem>>
      %gather3A_1914 = tpu.memref_squeeze %gather3A_1913 : memref<1x32x128xf32, #tpu.memory_space<vmem>> -> memref<32x128xf32, #tpu.memory_space<vmem>>
      %gather3A_1915 = tpu.vector_load_idx %gather3A_1914[%add3A_1909, %broadcast_in_dim3A_1892] : memref<32x128xf32, #tpu.memory_space<vmem>>[vector<16xi32>, vector<16xi32>], vector<16xf32>,
      tpu.vector_store_idx %arg12[%add3A_1909, %broadcast_in_dim3A_1897], %gather3A_1915 : memref<32x512xf32, #tpu.memory_space<vmem>>[vector<16xi32>, vector<16xi32>], vector<16xf32>,
      %and3A_1916 = arith.constant 127 : i32
      %and3A_1917 = arith.andi %squeeze3A_1113, %and3A_1916 : i32
      %broadcast_in_dim3A_1918 = vector.broadcast %and3A_1917 : i32 to vector<16xi32>
      %mul3A_1919 = arith.constant 16 : i32
      %mul3A_1920 = arith.muli %scan3A_111, %mul3A_1919 : i32
      %add3A_1921 = arith.constant 10 : i32
      %add3A_1922 = arith.addi %mul3A_1920, %add3A_1921 : i32
      %broadcast_in_dim3A_1923 = vector.broadcast %add3A_1922 : i32 to vector<16xi32>
      %add3A_1924 = arith.constant 0 : i32
      %add3A_1925 = vector.broadcast %add3A_1924 : i32 to vector<16xi32>
      %add3A_1926 = arith.addi %iota3A, %add3A_1925 : vector<16xi32>
      %gather3A_1927 = arith.constant 10 : i32
      %gather3A_1928 = arith.constant 0 : i32
      %gather3A_1929 = arith.constant 0 : i32
      %gather3A_1930 = tpu.memref_slice %arg10[%gather3A_1927, %gather3A_1928, %gather3A_1929] : memref<16x32x128xf32, #tpu.memory_space<vmem>> -> memref<1x32x128xf32, #tpu.memory_space<vmem>>
      %gather3A_1931 = tpu.memref_squeeze %gather3A_1930 : memref<1x32x128xf32, #tpu.memory_space<vmem>> -> memref<32x128xf32, #tpu.memory_space<vmem>>
      %gather3A_1932 = tpu.vector_load_idx %gather3A_1931[%add3A_1926, %broadcast_in_dim3A_1918] : memref<32x128xf32, #tpu.memory_space<vmem>>[vector<16xi32>, vector<16xi32>], vector<16xf32>,
      tpu.vector_store_idx %arg12[%add3A_1926, %broadcast_in_dim3A_1923], %gather3A_1932 : memref<32x512xf32, #tpu.memory_space<vmem>>[vector<16xi32>, vector<16xi32>], vector<16xf32>,
      %add3A_1933 = arith.constant 16 : i32
      %add3A_1934 = vector.broadcast %add3A_1933 : i32 to vector<16xi32>
      %add3A_1935 = arith.addi %iota3A, %add3A_1934 : vector<16xi32>
      %gather3A_1936 = arith.constant 10 : i32
      %gather3A_1937 = arith.constant 0 : i32
      %gather3A_1938 = arith.constant 0 : i32
      %gather3A_1939 = tpu.memref_slice %arg10[%gather3A_1936, %gather3A_1937, %gather3A_1938] : memref<16x32x128xf32, #tpu.memory_space<vmem>> -> memref<1x32x128xf32, #tpu.memory_space<vmem>>
      %gather3A_1940 = tpu.memref_squeeze %gather3A_1939 : memref<1x32x128xf32, #tpu.memory_space<vmem>> -> memref<32x128xf32, #tpu.memory_space<vmem>>
      %gather3A_1941 = tpu.vector_load_idx %gather3A_1940[%add3A_1935, %broadcast_in_dim3A_1918] : memref<32x128xf32, #tpu.memory_space<vmem>>[vector<16xi32>, vector<16xi32>], vector<16xf32>,
      tpu.vector_store_idx %arg12[%add3A_1935, %broadcast_in_dim3A_1923], %gather3A_1941 : memref<32x512xf32, #tpu.memory_space<vmem>>[vector<16xi32>, vector<16xi32>], vector<16xf32>,
      %and3A_1942 = arith.constant 127 : i32
      %and3A_1943 = arith.andi %squeeze3A_1115, %and3A_1942 : i32
      %broadcast_in_dim3A_1944 = vector.broadcast %and3A_1943 : i32 to vector<16xi32>
      %mul3A_1945 = arith.constant 16 : i32
      %mul3A_1946 = arith.muli %scan3A_111, %mul3A_1945 : i32
      %add3A_1947 = arith.constant 11 : i32
      %add3A_1948 = arith.addi %mul3A_1946, %add3A_1947 : i32
      %broadcast_in_dim3A_1949 = vector.broadcast %add3A_1948 : i32 to vector<16xi32>
      %add3A_1950 = arith.constant 0 : i32
      %add3A_1951 = vector.broadcast %add3A_1950 : i32 to vector<16xi32>
      %add3A_1952 = arith.addi %iota3A, %add3A_1951 : vector<16xi32>
      %gather3A_1953 = arith.constant 11 : i32
      %gather3A_1954 = arith.constant 0 : i32
      %gather3A_1955 = arith.constant 0 : i32
      %gather3A_1956 = tpu.memref_slice %arg10[%gather3A_1953, %gather3A_1954, %gather3A_1955] : memref<16x32x128xf32, #tpu.memory_space<vmem>> -> memref<1x32x128xf32, #tpu.memory_space<vmem>>
      %gather3A_1957 = tpu.memref_squeeze %gather3A_1956 : memref<1x32x128xf32, #tpu.memory_space<vmem>> -> memref<32x128xf32, #tpu.memory_space<vmem>>
      %gather3A_1958 = tpu.vector_load_idx %gather3A_1957[%add3A_1952, %broadcast_in_dim3A_1944] : memref<32x128xf32, #tpu.memory_space<vmem>>[vector<16xi32>, vector<16xi32>], vector<16xf32>,
      tpu.vector_store_idx %arg12[%add3A_1952, %broadcast_in_dim3A_1949], %gather3A_1958 : memref<32x512xf32, #tpu.memory_space<vmem>>[vector<16xi32>, vector<16xi32>], vector<16xf32>,
      %add3A_1959 = arith.constant 16 : i32
      %add3A_1960 = vector.broadcast %add3A_1959 : i32 to vector<16xi32>
      %add3A_1961 = arith.addi %iota3A, %add3A_1960 : vector<16xi32>
      %gather3A_1962 = arith.constant 11 : i32
      %gather3A_1963 = arith.constant 0 : i32
      %gather3A_1964 = arith.constant 0 : i32
      %gather3A_1965 = tpu.memref_slice %arg10[%gather3A_1962, %gather3A_1963, %gather3A_1964] : memref<16x32x128xf32, #tpu.memory_space<vmem>> -> memref<1x32x128xf32, #tpu.memory_space<vmem>>
      %gather3A_1966 = tpu.memref_squeeze %gather3A_1965 : memref<1x32x128xf32, #tpu.memory_space<vmem>> -> memref<32x128xf32, #tpu.memory_space<vmem>>
      %gather3A_1967 = tpu.vector_load_idx %gather3A_1966[%add3A_1961, %broadcast_in_dim3A_1944] : memref<32x128xf32, #tpu.memory_space<vmem>>[vector<16xi32>, vector<16xi32>], vector<16xf32>,
      tpu.vector_store_idx %arg12[%add3A_1961, %broadcast_in_dim3A_1949], %gather3A_1967 : memref<32x512xf32, #tpu.memory_space<vmem>>[vector<16xi32>, vector<16xi32>], vector<16xf32>,
      %and3A_1968 = arith.constant 127 : i32
      %and3A_1969 = arith.andi %squeeze3A_1117, %and3A_1968 : i32
      %broadcast_in_dim3A_1970 = vector.broadcast %and3A_1969 : i32 to vector<16xi32>
      %mul3A_1971 = arith.constant 16 : i32
      %mul3A_1972 = arith.muli %scan3A_111, %mul3A_1971 : i32
      %add3A_1973 = arith.constant 12 : i32
      %add3A_1974 = arith.addi %mul3A_1972, %add3A_1973 : i32
      %broadcast_in_dim3A_1975 = vector.broadcast %add3A_1974 : i32 to vector<16xi32>
      %add3A_1976 = arith.constant 0 : i32
      %add3A_1977 = vector.broadcast %add3A_1976 : i32 to vector<16xi32>
      %add3A_1978 = arith.addi %iota3A, %add3A_1977 : vector<16xi32>
      %gather3A_1979 = arith.constant 12 : i32
      %gather3A_1980 = arith.constant 0 : i32
      %gather3A_1981 = arith.constant 0 : i32
      %gather3A_1982 = tpu.memref_slice %arg10[%gather3A_1979, %gather3A_1980, %gather3A_1981] : memref<16x32x128xf32, #tpu.memory_space<vmem>> -> memref<1x32x128xf32, #tpu.memory_space<vmem>>
      %gather3A_1983 = tpu.memref_squeeze %gather3A_1982 : memref<1x32x128xf32, #tpu.memory_space<vmem>> -> memref<32x128xf32, #tpu.memory_space<vmem>>
      %gather3A_1984 = tpu.vector_load_idx %gather3A_1983[%add3A_1978, %broadcast_in_dim3A_1970] : memref<32x128xf32, #tpu.memory_space<vmem>>[vector<16xi32>, vector<16xi32>], vector<16xf32>,
      tpu.vector_store_idx %arg12[%add3A_1978, %broadcast_in_dim3A_1975], %gather3A_1984 : memref<32x512xf32, #tpu.memory_space<vmem>>[vector<16xi32>, vector<16xi32>], vector<16xf32>,
      %add3A_1985 = arith.constant 16 : i32
      %add3A_1986 = vector.broadcast %add3A_1985 : i32 to vector<16xi32>
      %add3A_1987 = arith.addi %iota3A, %add3A_1986 : vector<16xi32>
      %gather3A_1988 = arith.constant 12 : i32
      %gather3A_1989 = arith.constant 0 : i32
      %gather3A_1990 = arith.constant 0 : i32
      %gather3A_1991 = tpu.memref_slice %arg10[%gather3A_1988, %gather3A_1989, %gather3A_1990] : memref<16x32x128xf32, #tpu.memory_space<vmem>> -> memref<1x32x128xf32, #tpu.memory_space<vmem>>
      %gather3A_1992 = tpu.memref_squeeze %gather3A_1991 : memref<1x32x128xf32, #tpu.memory_space<vmem>> -> memref<32x128xf32, #tpu.memory_space<vmem>>
      %gather3A_1993 = tpu.vector_load_idx %gather3A_1992[%add3A_1987, %broadcast_in_dim3A_1970] : memref<32x128xf32, #tpu.memory_space<vmem>>[vector<16xi32>, vector<16xi32>], vector<16xf32>,
      tpu.vector_store_idx %arg12[%add3A_1987, %broadcast_in_dim3A_1975], %gather3A_1993 : memref<32x512xf32, #tpu.memory_space<vmem>>[vector<16xi32>, vector<16xi32>], vector<16xf32>,
      %and3A_1994 = arith.constant 127 : i32
      %and3A_1995 = arith.andi %squeeze3A_1119, %and3A_1994 : i32
      %broadcast_in_dim3A_1996 = vector.broadcast %and3A_1995 : i32 to vector<16xi32>
      %mul3A_1997 = arith.constant 16 : i32
      %mul3A_1998 = arith.muli %scan3A_111, %mul3A_1997 : i32
      %add3A_1999 = arith.constant 13 : i32
      %add3A_2000 = arith.addi %mul3A_1998, %add3A_1999 : i32
      %broadcast_in_dim3A_2001 = vector.broadcast %add3A_2000 : i32 to vector<16xi32>
      %add3A_2002 = arith.constant 0 : i32
      %add3A_2003 = vector.broadcast %add3A_2002 : i32 to vector<16xi32>
      %add3A_2004 = arith.addi %iota3A, %add3A_2003 : vector<16xi32>
      %gather3A_2005 = arith.constant 13 : i32
      %gather3A_2006 = arith.constant 0 : i32
      %gather3A_2007 = arith.constant 0 : i32
      %gather3A_2008 = tpu.memref_slice %arg10[%gather3A_2005, %gather3A_2006, %gather3A_2007] : memref<16x32x128xf32, #tpu.memory_space<vmem>> -> memref<1x32x128xf32, #tpu.memory_space<vmem>>
      %gather3A_2009 = tpu.memref_squeeze %gather3A_2008 : memref<1x32x128xf32, #tpu.memory_space<vmem>> -> memref<32x128xf32, #tpu.memory_space<vmem>>
      %gather3A_2010 = tpu.vector_load_idx %gather3A_2009[%add3A_2004, %broadcast_in_dim3A_1996] : memref<32x128xf32, #tpu.memory_space<vmem>>[vector<16xi32>, vector<16xi32>], vector<16xf32>,
      tpu.vector_store_idx %arg12[%add3A_2004, %broadcast_in_dim3A_2001], %gather3A_2010 : memref<32x512xf32, #tpu.memory_space<vmem>>[vector<16xi32>, vector<16xi32>], vector<16xf32>,
      %add3A_2011 = arith.constant 16 : i32
      %add3A_2012 = vector.broadcast %add3A_2011 : i32 to vector<16xi32>
      %add3A_2013 = arith.addi %iota3A, %add3A_2012 : vector<16xi32>
      %gather3A_2014 = arith.constant 13 : i32
      %gather3A_2015 = arith.constant 0 : i32
      %gather3A_2016 = arith.constant 0 : i32
      %gather3A_2017 = tpu.memref_slice %arg10[%gather3A_2014, %gather3A_2015, %gather3A_2016] : memref<16x32x128xf32, #tpu.memory_space<vmem>> -> memref<1x32x128xf32, #tpu.memory_space<vmem>>
      %gather3A_2018 = tpu.memref_squeeze %gather3A_2017 : memref<1x32x128xf32, #tpu.memory_space<vmem>> -> memref<32x128xf32, #tpu.memory_space<vmem>>
      %gather3A_2019 = tpu.vector_load_idx %gather3A_2018[%add3A_2013, %broadcast_in_dim3A_1996] : memref<32x128xf32, #tpu.memory_space<vmem>>[vector<16xi32>, vector<16xi32>], vector<16xf32>,
      tpu.vector_store_idx %arg12[%add3A_2013, %broadcast_in_dim3A_2001], %gather3A_2019 : memref<32x512xf32, #tpu.memory_space<vmem>>[vector<16xi32>, vector<16xi32>], vector<16xf32>,
      %and3A_2020 = arith.constant 127 : i32
      %and3A_2021 = arith.andi %squeeze3A_1121, %and3A_2020 : i32
      %broadcast_in_dim3A_2022 = vector.broadcast %and3A_2021 : i32 to vector<16xi32>
      %mul3A_2023 = arith.constant 16 : i32
      %mul3A_2024 = arith.muli %scan3A_111, %mul3A_2023 : i32
      %add3A_2025 = arith.constant 14 : i32
      %add3A_2026 = arith.addi %mul3A_2024, %add3A_2025 : i32
      %broadcast_in_dim3A_2027 = vector.broadcast %add3A_2026 : i32 to vector<16xi32>
      %add3A_2028 = arith.constant 0 : i32
      %add3A_2029 = vector.broadcast %add3A_2028 : i32 to vector<16xi32>
      %add3A_2030 = arith.addi %iota3A, %add3A_2029 : vector<16xi32>
      %gather3A_2031 = arith.constant 14 : i32
      %gather3A_2032 = arith.constant 0 : i32
      %gather3A_2033 = arith.constant 0 : i32
      %gather3A_2034 = tpu.memref_slice %arg10[%gather3A_2031, %gather3A_2032, %gather3A_2033] : memref<16x32x128xf32, #tpu.memory_space<vmem>> -> memref<1x32x128xf32, #tpu.memory_space<vmem>>
      %gather3A_2035 = tpu.memref_squeeze %gather3A_2034 : memref<1x32x128xf32, #tpu.memory_space<vmem>> -> memref<32x128xf32, #tpu.memory_space<vmem>>
      %gather3A_2036 = tpu.vector_load_idx %gather3A_2035[%add3A_2030, %broadcast_in_dim3A_2022] : memref<32x128xf32, #tpu.memory_space<vmem>>[vector<16xi32>, vector<16xi32>], vector<16xf32>,
      tpu.vector_store_idx %arg12[%add3A_2030, %broadcast_in_dim3A_2027], %gather3A_2036 : memref<32x512xf32, #tpu.memory_space<vmem>>[vector<16xi32>, vector<16xi32>], vector<16xf32>,
      %add3A_2037 = arith.constant 16 : i32
      %add3A_2038 = vector.broadcast %add3A_2037 : i32 to vector<16xi32>
      %add3A_2039 = arith.addi %iota3A, %add3A_2038 : vector<16xi32>
      %gather3A_2040 = arith.constant 14 : i32
      %gather3A_2041 = arith.constant 0 : i32
      %gather3A_2042 = arith.constant 0 : i32
      %gather3A_2043 = tpu.memref_slice %arg10[%gather3A_2040, %gather3A_2041, %gather3A_2042] : memref<16x32x128xf32, #tpu.memory_space<vmem>> -> memref<1x32x128xf32, #tpu.memory_space<vmem>>
      %gather3A_2044 = tpu.memref_squeeze %gather3A_2043 : memref<1x32x128xf32, #tpu.memory_space<vmem>> -> memref<32x128xf32, #tpu.memory_space<vmem>>
      %gather3A_2045 = tpu.vector_load_idx %gather3A_2044[%add3A_2039, %broadcast_in_dim3A_2022] : memref<32x128xf32, #tpu.memory_space<vmem>>[vector<16xi32>, vector<16xi32>], vector<16xf32>,
      tpu.vector_store_idx %arg12[%add3A_2039, %broadcast_in_dim3A_2027], %gather3A_2045 : memref<32x512xf32, #tpu.memory_space<vmem>>[vector<16xi32>, vector<16xi32>], vector<16xf32>,
      %and3A_2046 = arith.constant 127 : i32
      %and3A_2047 = arith.andi %squeeze3A_1123, %and3A_2046 : i32
      %broadcast_in_dim3A_2048 = vector.broadcast %and3A_2047 : i32 to vector<16xi32>
      %mul3A_2049 = arith.constant 16 : i32
      %mul3A_2050 = arith.muli %scan3A_111, %mul3A_2049 : i32
      %add3A_2051 = arith.constant 15 : i32
      %add3A_2052 = arith.addi %mul3A_2050, %add3A_2051 : i32
      %broadcast_in_dim3A_2053 = vector.broadcast %add3A_2052 : i32 to vector<16xi32>
      %add3A_2054 = arith.constant 0 : i32
      %add3A_2055 = vector.broadcast %add3A_2054 : i32 to vector<16xi32>
      %add3A_2056 = arith.addi %iota3A, %add3A_2055 : vector<16xi32>
      %gather3A_2057 = arith.constant 15 : i32
      %gather3A_2058 = arith.constant 0 : i32
      %gather3A_2059 = arith.constant 0 : i32
      %gather3A_2060 = tpu.memref_slice %arg10[%gather3A_2057, %gather3A_2058, %gather3A_2059] : memref<16x32x128xf32, #tpu.memory_space<vmem>> -> memref<1x32x128xf32, #tpu.memory_space<vmem>>
      %gather3A_2061 = tpu.memref_squeeze %gather3A_2060 : memref<1x32x128xf32, #tpu.memory_space<vmem>> -> memref<32x128xf32, #tpu.memory_space<vmem>>
      %gather3A_2062 = tpu.vector_load_idx %gather3A_2061[%add3A_2056, %broadcast_in_dim3A_2048] : memref<32x128xf32, #tpu.memory_space<vmem>>[vector<16xi32>, vector<16xi32>], vector<16xf32>,
      tpu.vector_store_idx %arg12[%add3A_2056, %broadcast_in_dim3A_2053], %gather3A_2062 : memref<32x512xf32, #tpu.memory_space<vmem>>[vector<16xi32>, vector<16xi32>], vector<16xf32>,
      %add3A_2063 = arith.constant 16 : i32
      %add3A_2064 = vector.broadcast %add3A_2063 : i32 to vector<16xi32>
      %add3A_2065 = arith.addi %iota3A, %add3A_2064 : vector<16xi32>
      %gather3A_2066 = arith.constant 15 : i32
      %gather3A_2067 = arith.constant 0 : i32
      %gather3A_2068 = arith.constant 0 : i32
      %gather3A_2069 = tpu.memref_slice %arg10[%gather3A_2066, %gather3A_2067, %gather3A_2068] : memref<16x32x128xf32, #tpu.memory_space<vmem>> -> memref<1x32x128xf32, #tpu.memory_space<vmem>>
      %gather3A_2070 = tpu.memref_squeeze %gather3A_2069 : memref<1x32x128xf32, #tpu.memory_space<vmem>> -> memref<32x128xf32, #tpu.memory_space<vmem>>
      %gather3A_2071 = tpu.vector_load_idx %gather3A_2070[%add3A_2065, %broadcast_in_dim3A_2048] : memref<32x128xf32, #tpu.memory_space<vmem>>[vector<16xi32>, vector<16xi32>], vector<16xf32>,
      tpu.vector_store_idx %arg12[%add3A_2065, %broadcast_in_dim3A_2053], %gather3A_2071 : memref<32x512xf32, #tpu.memory_space<vmem>>[vector<16xi32>, vector<16xi32>], vector<16xf32>,
    }
    %scan3A_5 = arith.constant 32 : i32
    %broadcast_in_dim3A = arith.constant 0 : i32
    %broadcast_in_dim3A_6 = vector.broadcast %broadcast_in_dim3A : i32 to vector<16xi32>
    %gather3A = tpu.vector_load_idx %arg13[%broadcast_in_dim3A_6] : memref<48xf32, #tpu.memory_space<vmem>>[vector<16xi32>], vector<16xf32>,
    %broadcast_in_dim3A_7 = arith.constant 1 : i32
    %broadcast_in_dim3A_8 = vector.broadcast %broadcast_in_dim3A_7 : i32 to vector<16xi32>
    %gather3A_9 = tpu.vector_load_idx %arg13[%broadcast_in_dim3A_8] : memref<48xf32, #tpu.memory_space<vmem>>[vector<16xi32>], vector<16xf32>,
    %broadcast_in_dim3A_10 = arith.constant 2 : i32
    %broadcast_in_dim3A_11 = vector.broadcast %broadcast_in_dim3A_10 : i32 to vector<16xi32>
    %gather3A_12 = tpu.vector_load_idx %arg13[%broadcast_in_dim3A_11] : memref<48xf32, #tpu.memory_space<vmem>>[vector<16xi32>], vector<16xf32>,
    %broadcast_in_dim3A_13 = arith.constant 3 : i32
    %broadcast_in_dim3A_14 = vector.broadcast %broadcast_in_dim3A_13 : i32 to vector<16xi32>
    %gather3A_15 = tpu.vector_load_idx %arg13[%broadcast_in_dim3A_14] : memref<48xf32, #tpu.memory_space<vmem>>[vector<16xi32>], vector<16xf32>,
    %broadcast_in_dim3A_16 = arith.constant 4 : i32
    %broadcast_in_dim3A_17 = vector.broadcast %broadcast_in_dim3A_16 : i32 to vector<16xi32>
    %gather3A_18 = tpu.vector_load_idx %arg13[%broadcast_in_dim3A_17] : memref<48xf32, #tpu.memory_space<vmem>>[vector<16xi32>], vector<16xf32>,
    %broadcast_in_dim3A_19 = arith.constant 5 : i32
    %broadcast_in_dim3A_20 = vector.broadcast %broadcast_in_dim3A_19 : i32 to vector<16xi32>
    %gather3A_21 = tpu.vector_load_idx %arg13[%broadcast_in_dim3A_20] : memref<48xf32, #tpu.memory_space<vmem>>[vector<16xi32>], vector<16xf32>,
    %broadcast_in_dim3A_22 = arith.constant 6 : i32
    %broadcast_in_dim3A_23 = vector.broadcast %broadcast_in_dim3A_22 : i32 to vector<16xi32>
    %gather3A_24 = tpu.vector_load_idx %arg13[%broadcast_in_dim3A_23] : memref<48xf32, #tpu.memory_space<vmem>>[vector<16xi32>], vector<16xf32>,
    %broadcast_in_dim3A_25 = arith.constant 7 : i32
    %broadcast_in_dim3A_26 = vector.broadcast %broadcast_in_dim3A_25 : i32 to vector<16xi32>
    %gather3A_27 = tpu.vector_load_idx %arg13[%broadcast_in_dim3A_26] : memref<48xf32, #tpu.memory_space<vmem>>[vector<16xi32>], vector<16xf32>,
    %broadcast_in_dim3A_28 = arith.constant 8 : i32
    %broadcast_in_dim3A_29 = vector.broadcast %broadcast_in_dim3A_28 : i32 to vector<16xi32>
    %gather3A_30 = tpu.vector_load_idx %arg13[%broadcast_in_dim3A_29] : memref<48xf32, #tpu.memory_space<vmem>>[vector<16xi32>], vector<16xf32>,
    %broadcast_in_dim3A_31 = arith.constant 9 : i32
    %broadcast_in_dim3A_32 = vector.broadcast %broadcast_in_dim3A_31 : i32 to vector<16xi32>
    %gather3A_33 = tpu.vector_load_idx %arg13[%broadcast_in_dim3A_32] : memref<48xf32, #tpu.memory_space<vmem>>[vector<16xi32>], vector<16xf32>,
    %broadcast_in_dim3A_34 = arith.constant 10 : i32
    %broadcast_in_dim3A_35 = vector.broadcast %broadcast_in_dim3A_34 : i32 to vector<16xi32>
    %gather3A_36 = tpu.vector_load_idx %arg13[%broadcast_in_dim3A_35] : memref<48xf32, #tpu.memory_space<vmem>>[vector<16xi32>], vector<16xf32>,
    %broadcast_in_dim3A_37 = arith.constant 11 : i32
    %broadcast_in_dim3A_38 = vector.broadcast %broadcast_in_dim3A_37 : i32 to vector<16xi32>
    %gather3A_39 = tpu.vector_load_idx %arg13[%broadcast_in_dim3A_38] : memref<48xf32, #tpu.memory_space<vmem>>[vector<16xi32>], vector<16xf32>,
    %broadcast_in_dim3A_40 = arith.constant 12 : i32
    %broadcast_in_dim3A_41 = vector.broadcast %broadcast_in_dim3A_40 : i32 to vector<16xi32>
    %gather3A_42 = tpu.vector_load_idx %arg13[%broadcast_in_dim3A_41] : memref<48xf32, #tpu.memory_space<vmem>>[vector<16xi32>], vector<16xf32>,
    %broadcast_in_dim3A_43 = arith.constant 13 : i32
    %broadcast_in_dim3A_44 = vector.broadcast %broadcast_in_dim3A_43 : i32 to vector<16xi32>
    %gather3A_45 = tpu.vector_load_idx %arg13[%broadcast_in_dim3A_44] : memref<48xf32, #tpu.memory_space<vmem>>[vector<16xi32>], vector<16xf32>,
    %broadcast_in_dim3A_46 = arith.constant 14 : i32
    %broadcast_in_dim3A_47 = vector.broadcast %broadcast_in_dim3A_46 : i32 to vector<16xi32>
    %gather3A_48 = tpu.vector_load_idx %arg13[%broadcast_in_dim3A_47] : memref<48xf32, #tpu.memory_space<vmem>>[vector<16xi32>], vector<16xf32>,
    %broadcast_in_dim3A_49 = arith.constant 15 : i32
    %broadcast_in_dim3A_50 = vector.broadcast %broadcast_in_dim3A_49 : i32 to vector<16xi32>
    %gather3A_51 = tpu.vector_load_idx %arg13[%broadcast_in_dim3A_50] : memref<48xf32, #tpu.memory_space<vmem>>[vector<16xi32>], vector<16xf32>,
    %broadcast_in_dim3A_52 = arith.constant 16 : i32
    %broadcast_in_dim3A_53 = vector.broadcast %broadcast_in_dim3A_52 : i32 to vector<16xi32>
    %gather3A_54 = tpu.vector_load_idx %arg13[%broadcast_in_dim3A_53] : memref<48xf32, #tpu.memory_space<vmem>>[vector<16xi32>], vector<16xf32>,
    %broadcast_in_dim3A_55 = arith.constant 17 : i32
    %broadcast_in_dim3A_56 = vector.broadcast %broadcast_in_dim3A_55 : i32 to vector<16xi32>
    %gather3A_57 = tpu.vector_load_idx %arg13[%broadcast_in_dim3A_56] : memref<48xf32, #tpu.memory_space<vmem>>[vector<16xi32>], vector<16xf32>,
    %broadcast_in_dim3A_58 = arith.constant 18 : i32
    %broadcast_in_dim3A_59 = vector.broadcast %broadcast_in_dim3A_58 : i32 to vector<16xi32>
    %gather3A_60 = tpu.vector_load_idx %arg13[%broadcast_in_dim3A_59] : memref<48xf32, #tpu.memory_space<vmem>>[vector<16xi32>], vector<16xf32>,
    %broadcast_in_dim3A_61 = arith.constant 19 : i32
    %broadcast_in_dim3A_62 = vector.broadcast %broadcast_in_dim3A_61 : i32 to vector<16xi32>
    %gather3A_63 = tpu.vector_load_idx %arg13[%broadcast_in_dim3A_62] : memref<48xf32, #tpu.memory_space<vmem>>[vector<16xi32>], vector<16xf32>,
    %broadcast_in_dim3A_64 = arith.constant 20 : i32
    %broadcast_in_dim3A_65 = vector.broadcast %broadcast_in_dim3A_64 : i32 to vector<16xi32>
    %gather3A_66 = tpu.vector_load_idx %arg13[%broadcast_in_dim3A_65] : memref<48xf32, #tpu.memory_space<vmem>>[vector<16xi32>], vector<16xf32>,
    %broadcast_in_dim3A_67 = arith.constant 21 : i32
    %broadcast_in_dim3A_68 = vector.broadcast %broadcast_in_dim3A_67 : i32 to vector<16xi32>
    %gather3A_69 = tpu.vector_load_idx %arg13[%broadcast_in_dim3A_68] : memref<48xf32, #tpu.memory_space<vmem>>[vector<16xi32>], vector<16xf32>,
    %broadcast_in_dim3A_70 = arith.constant 22 : i32
    %broadcast_in_dim3A_71 = vector.broadcast %broadcast_in_dim3A_70 : i32 to vector<16xi32>
    %gather3A_72 = tpu.vector_load_idx %arg13[%broadcast_in_dim3A_71] : memref<48xf32, #tpu.memory_space<vmem>>[vector<16xi32>], vector<16xf32>,
    %broadcast_in_dim3A_73 = arith.constant 23 : i32
    %broadcast_in_dim3A_74 = vector.broadcast %broadcast_in_dim3A_73 : i32 to vector<16xi32>
    %gather3A_75 = tpu.vector_load_idx %arg13[%broadcast_in_dim3A_74] : memref<48xf32, #tpu.memory_space<vmem>>[vector<16xi32>], vector<16xf32>,
    %broadcast_in_dim3A_76 = arith.constant 24 : i32
    %broadcast_in_dim3A_77 = vector.broadcast %broadcast_in_dim3A_76 : i32 to vector<16xi32>
    %gather3A_78 = tpu.vector_load_idx %arg13[%broadcast_in_dim3A_77] : memref<48xf32, #tpu.memory_space<vmem>>[vector<16xi32>], vector<16xf32>,
    %broadcast_in_dim3A_79 = arith.constant 25 : i32
    %broadcast_in_dim3A_80 = vector.broadcast %broadcast_in_dim3A_79 : i32 to vector<16xi32>
    %gather3A_81 = tpu.vector_load_idx %arg13[%broadcast_in_dim3A_80] : memref<48xf32, #tpu.memory_space<vmem>>[vector<16xi32>], vector<16xf32>,
    %broadcast_in_dim3A_82 = arith.constant 26 : i32
    %broadcast_in_dim3A_83 = vector.broadcast %broadcast_in_dim3A_82 : i32 to vector<16xi32>
    %gather3A_84 = tpu.vector_load_idx %arg13[%broadcast_in_dim3A_83] : memref<48xf32, #tpu.memory_space<vmem>>[vector<16xi32>], vector<16xf32>,
    %broadcast_in_dim3A_85 = arith.constant 27 : i32
    %broadcast_in_dim3A_86 = vector.broadcast %broadcast_in_dim3A_85 : i32 to vector<16xi32>
    %gather3A_87 = tpu.vector_load_idx %arg13[%broadcast_in_dim3A_86] : memref<48xf32, #tpu.memory_space<vmem>>[vector<16xi32>], vector<16xf32>,
    %broadcast_in_dim3A_88 = arith.constant 28 : i32
    %broadcast_in_dim3A_89 = vector.broadcast %broadcast_in_dim3A_88 : i32 to vector<16xi32>
    %gather3A_90 = tpu.vector_load_idx %arg13[%broadcast_in_dim3A_89] : memref<48xf32, #tpu.memory_space<vmem>>[vector<16xi32>], vector<16xf32>,
    %broadcast_in_dim3A_91 = arith.constant 29 : i32
    %broadcast_in_dim3A_92 = vector.broadcast %broadcast_in_dim3A_91 : i32 to vector<16xi32>
    %gather3A_93 = tpu.vector_load_idx %arg13[%broadcast_in_dim3A_92] : memref<48xf32, #tpu.memory_space<vmem>>[vector<16xi32>], vector<16xf32>,
    %broadcast_in_dim3A_94 = arith.constant 30 : i32
    %broadcast_in_dim3A_95 = vector.broadcast %broadcast_in_dim3A_94 : i32 to vector<16xi32>
    %gather3A_96 = tpu.vector_load_idx %arg13[%broadcast_in_dim3A_95] : memref<48xf32, #tpu.memory_space<vmem>>[vector<16xi32>], vector<16xf32>,
    %broadcast_in_dim3A_97 = arith.constant 31 : i32
    %broadcast_in_dim3A_98 = vector.broadcast %broadcast_in_dim3A_97 : i32 to vector<16xi32>
    %gather3A_99 = tpu.vector_load_idx %arg13[%broadcast_in_dim3A_98] : memref<48xf32, #tpu.memory_space<vmem>>[vector<16xi32>], vector<16xf32>,
    %broadcast_in_dim3A_100 = arith.constant 32 : i32
    %broadcast_in_dim3A_101 = vector.broadcast %broadcast_in_dim3A_100 : i32 to vector<16xi32>
    %gather3A_102 = tpu.vector_load_idx %arg13[%broadcast_in_dim3A_101] : memref<48xf32, #tpu.memory_space<vmem>>[vector<16xi32>], vector<16xf32>,
    %scan3A_103 = arith.constant 0 : i32
    %scan3A_104 = arith.constant 0 : i32
    %scan3A_105 = arith.constant 32 : i32
    %scan3A_106 = arith.addi %scan3A_104, %scan3A_105 : i32
    %scan3A_107 = arith.constant 1 : i32
    scf.for %scan3A_111 = %scan3A_104 to %scan3A_106 step %scan3A_107  : i32 {
      %mul3A_112 = arith.constant 16 : i32
      %mul3A_113 = arith.muli %scan3A_111, %mul3A_112 : i32
      %add3A_114 = vector.broadcast %mul3A_113 : i32 to vector<16xi32>
      %add3A_115 = arith.addi %add3A_114, %iota3A : vector<16xi32>
      %broadcast_in_dim3A_116 = arith.constant 0 : i32
      %broadcast_in_dim3A_117 = vector.broadcast %broadcast_in_dim3A_116 : i32 to vector<16xi32>
      %gather3A_118 = tpu.vector_load_idx %arg11[%broadcast_in_dim3A_117, %add3A_115] : memref<32x512xf32, #tpu.memory_space<vmem>>[vector<16xi32>, vector<16xi32>], vector<16xf32>,
      %gather3A_119 = tpu.vector_load_idx %arg12[%broadcast_in_dim3A_117, %add3A_115] : memref<32x512xf32, #tpu.memory_space<vmem>>[vector<16xi32>, vector<16xi32>], vector<16xf32>,
      %mul3A_120 = arith.mulf %gather3A_118, %gather3A_119 : vector<16xf32>
      %mul3A_121 = arith.mulf %mul3A_120, %gather3A : vector<16xf32>
      %add3A_122 = arith.addf %gather3A_102, %mul3A_121 : vector<16xf32>
      %broadcast_in_dim3A_123 = arith.constant 1 : i32
      %broadcast_in_dim3A_124 = vector.broadcast %broadcast_in_dim3A_123 : i32 to vector<16xi32>
      %gather3A_125 = tpu.vector_load_idx %arg11[%broadcast_in_dim3A_124, %add3A_115] : memref<32x512xf32, #tpu.memory_space<vmem>>[vector<16xi32>, vector<16xi32>], vector<16xf32>,
      %gather3A_126 = tpu.vector_load_idx %arg12[%broadcast_in_dim3A_124, %add3A_115] : memref<32x512xf32, #tpu.memory_space<vmem>>[vector<16xi32>, vector<16xi32>], vector<16xf32>,
      %mul3A_127 = arith.mulf %gather3A_125, %gather3A_126 : vector<16xf32>
      %mul3A_128 = arith.mulf %mul3A_127, %gather3A_9 : vector<16xf32>
      %add3A_129 = arith.addf %add3A_122, %mul3A_128 : vector<16xf32>
      %broadcast_in_dim3A_130 = arith.constant 2 : i32
      %broadcast_in_dim3A_131 = vector.broadcast %broadcast_in_dim3A_130 : i32 to vector<16xi32>
      %gather3A_132 = tpu.vector_load_idx %arg11[%broadcast_in_dim3A_131, %add3A_115] : memref<32x512xf32, #tpu.memory_space<vmem>>[vector<16xi32>, vector<16xi32>], vector<16xf32>,
      %gather3A_133 = tpu.vector_load_idx %arg12[%broadcast_in_dim3A_131, %add3A_115] : memref<32x512xf32, #tpu.memory_space<vmem>>[vector<16xi32>, vector<16xi32>], vector<16xf32>,
      %mul3A_134 = arith.mulf %gather3A_132, %gather3A_133 : vector<16xf32>
      %mul3A_135 = arith.mulf %mul3A_134, %gather3A_12 : vector<16xf32>
      %add3A_136 = arith.addf %add3A_129, %mul3A_135 : vector<16xf32>
      %broadcast_in_dim3A_137 = arith.constant 3 : i32
      %broadcast_in_dim3A_138 = vector.broadcast %broadcast_in_dim3A_137 : i32 to vector<16xi32>
      %gather3A_139 = tpu.vector_load_idx %arg11[%broadcast_in_dim3A_138, %add3A_115] : memref<32x512xf32, #tpu.memory_space<vmem>>[vector<16xi32>, vector<16xi32>], vector<16xf32>,
      %gather3A_140 = tpu.vector_load_idx %arg12[%broadcast_in_dim3A_138, %add3A_115] : memref<32x512xf32, #tpu.memory_space<vmem>>[vector<16xi32>, vector<16xi32>], vector<16xf32>,
      %mul3A_141 = arith.mulf %gather3A_139, %gather3A_140 : vector<16xf32>
      %mul3A_142 = arith.mulf %mul3A_141, %gather3A_15 : vector<16xf32>
      %add3A_143 = arith.addf %add3A_136, %mul3A_142 : vector<16xf32>
      %broadcast_in_dim3A_144 = arith.constant 4 : i32
      %broadcast_in_dim3A_145 = vector.broadcast %broadcast_in_dim3A_144 : i32 to vector<16xi32>
      %gather3A_146 = tpu.vector_load_idx %arg11[%broadcast_in_dim3A_145, %add3A_115] : memref<32x512xf32, #tpu.memory_space<vmem>>[vector<16xi32>, vector<16xi32>], vector<16xf32>,
      %gather3A_147 = tpu.vector_load_idx %arg12[%broadcast_in_dim3A_145, %add3A_115] : memref<32x512xf32, #tpu.memory_space<vmem>>[vector<16xi32>, vector<16xi32>], vector<16xf32>,
      %mul3A_148 = arith.mulf %gather3A_146, %gather3A_147 : vector<16xf32>
      %mul3A_149 = arith.mulf %mul3A_148, %gather3A_18 : vector<16xf32>
      %add3A_150 = arith.addf %add3A_143, %mul3A_149 : vector<16xf32>
      %broadcast_in_dim3A_151 = arith.constant 5 : i32
      %broadcast_in_dim3A_152 = vector.broadcast %broadcast_in_dim3A_151 : i32 to vector<16xi32>
      %gather3A_153 = tpu.vector_load_idx %arg11[%broadcast_in_dim3A_152, %add3A_115] : memref<32x512xf32, #tpu.memory_space<vmem>>[vector<16xi32>, vector<16xi32>], vector<16xf32>,
      %gather3A_154 = tpu.vector_load_idx %arg12[%broadcast_in_dim3A_152, %add3A_115] : memref<32x512xf32, #tpu.memory_space<vmem>>[vector<16xi32>, vector<16xi32>], vector<16xf32>,
      %mul3A_155 = arith.mulf %gather3A_153, %gather3A_154 : vector<16xf32>
      %mul3A_156 = arith.mulf %mul3A_155, %gather3A_21 : vector<16xf32>
      %add3A_157 = arith.addf %add3A_150, %mul3A_156 : vector<16xf32>
      %broadcast_in_dim3A_158 = arith.constant 6 : i32
      %broadcast_in_dim3A_159 = vector.broadcast %broadcast_in_dim3A_158 : i32 to vector<16xi32>
      %gather3A_160 = tpu.vector_load_idx %arg11[%broadcast_in_dim3A_159, %add3A_115] : memref<32x512xf32, #tpu.memory_space<vmem>>[vector<16xi32>, vector<16xi32>], vector<16xf32>,
      %gather3A_161 = tpu.vector_load_idx %arg12[%broadcast_in_dim3A_159, %add3A_115] : memref<32x512xf32, #tpu.memory_space<vmem>>[vector<16xi32>, vector<16xi32>], vector<16xf32>,
      %mul3A_162 = arith.mulf %gather3A_160, %gather3A_161 : vector<16xf32>
      %mul3A_163 = arith.mulf %mul3A_162, %gather3A_24 : vector<16xf32>
      %add3A_164 = arith.addf %add3A_157, %mul3A_163 : vector<16xf32>
      %broadcast_in_dim3A_165 = arith.constant 7 : i32
      %broadcast_in_dim3A_166 = vector.broadcast %broadcast_in_dim3A_165 : i32 to vector<16xi32>
      %gather3A_167 = tpu.vector_load_idx %arg11[%broadcast_in_dim3A_166, %add3A_115] : memref<32x512xf32, #tpu.memory_space<vmem>>[vector<16xi32>, vector<16xi32>], vector<16xf32>,
      %gather3A_168 = tpu.vector_load_idx %arg12[%broadcast_in_dim3A_166, %add3A_115] : memref<32x512xf32, #tpu.memory_space<vmem>>[vector<16xi32>, vector<16xi32>], vector<16xf32>,
      %mul3A_169 = arith.mulf %gather3A_167, %gather3A_168 : vector<16xf32>
      %mul3A_170 = arith.mulf %mul3A_169, %gather3A_27 : vector<16xf32>
      %add3A_171 = arith.addf %add3A_164, %mul3A_170 : vector<16xf32>
      %broadcast_in_dim3A_172 = arith.constant 8 : i32
      %broadcast_in_dim3A_173 = vector.broadcast %broadcast_in_dim3A_172 : i32 to vector<16xi32>
      %gather3A_174 = tpu.vector_load_idx %arg11[%broadcast_in_dim3A_173, %add3A_115] : memref<32x512xf32, #tpu.memory_space<vmem>>[vector<16xi32>, vector<16xi32>], vector<16xf32>,
      %gather3A_175 = tpu.vector_load_idx %arg12[%broadcast_in_dim3A_173, %add3A_115] : memref<32x512xf32, #tpu.memory_space<vmem>>[vector<16xi32>, vector<16xi32>], vector<16xf32>,
      %mul3A_176 = arith.mulf %gather3A_174, %gather3A_175 : vector<16xf32>
      %mul3A_177 = arith.mulf %mul3A_176, %gather3A_30 : vector<16xf32>
      %add3A_178 = arith.addf %add3A_171, %mul3A_177 : vector<16xf32>
      %broadcast_in_dim3A_179 = arith.constant 9 : i32
      %broadcast_in_dim3A_180 = vector.broadcast %broadcast_in_dim3A_179 : i32 to vector<16xi32>
      %gather3A_181 = tpu.vector_load_idx %arg11[%broadcast_in_dim3A_180, %add3A_115] : memref<32x512xf32, #tpu.memory_space<vmem>>[vector<16xi32>, vector<16xi32>], vector<16xf32>,
      %gather3A_182 = tpu.vector_load_idx %arg12[%broadcast_in_dim3A_180, %add3A_115] : memref<32x512xf32, #tpu.memory_space<vmem>>[vector<16xi32>, vector<16xi32>], vector<16xf32>,
      %mul3A_183 = arith.mulf %gather3A_181, %gather3A_182 : vector<16xf32>
      %mul3A_184 = arith.mulf %mul3A_183, %gather3A_33 : vector<16xf32>
      %add3A_185 = arith.addf %add3A_178, %mul3A_184 : vector<16xf32>
      %broadcast_in_dim3A_186 = arith.constant 10 : i32
      %broadcast_in_dim3A_187 = vector.broadcast %broadcast_in_dim3A_186 : i32 to vector<16xi32>
      %gather3A_188 = tpu.vector_load_idx %arg11[%broadcast_in_dim3A_187, %add3A_115] : memref<32x512xf32, #tpu.memory_space<vmem>>[vector<16xi32>, vector<16xi32>], vector<16xf32>,
      %gather3A_189 = tpu.vector_load_idx %arg12[%broadcast_in_dim3A_187, %add3A_115] : memref<32x512xf32, #tpu.memory_space<vmem>>[vector<16xi32>, vector<16xi32>], vector<16xf32>,
      %mul3A_190 = arith.mulf %gather3A_188, %gather3A_189 : vector<16xf32>
      %mul3A_191 = arith.mulf %mul3A_190, %gather3A_36 : vector<16xf32>
      %add3A_192 = arith.addf %add3A_185, %mul3A_191 : vector<16xf32>
      %broadcast_in_dim3A_193 = arith.constant 11 : i32
      %broadcast_in_dim3A_194 = vector.broadcast %broadcast_in_dim3A_193 : i32 to vector<16xi32>
      %gather3A_195 = tpu.vector_load_idx %arg11[%broadcast_in_dim3A_194, %add3A_115] : memref<32x512xf32, #tpu.memory_space<vmem>>[vector<16xi32>, vector<16xi32>], vector<16xf32>,
      %gather3A_196 = tpu.vector_load_idx %arg12[%broadcast_in_dim3A_194, %add3A_115] : memref<32x512xf32, #tpu.memory_space<vmem>>[vector<16xi32>, vector<16xi32>], vector<16xf32>,
      %mul3A_197 = arith.mulf %gather3A_195, %gather3A_196 : vector<16xf32>
      %mul3A_198 = arith.mulf %mul3A_197, %gather3A_39 : vector<16xf32>
      %add3A_199 = arith.addf %add3A_192, %mul3A_198 : vector<16xf32>
      %broadcast_in_dim3A_200 = arith.constant 12 : i32
      %broadcast_in_dim3A_201 = vector.broadcast %broadcast_in_dim3A_200 : i32 to vector<16xi32>
      %gather3A_202 = tpu.vector_load_idx %arg11[%broadcast_in_dim3A_201, %add3A_115] : memref<32x512xf32, #tpu.memory_space<vmem>>[vector<16xi32>, vector<16xi32>], vector<16xf32>,
      %gather3A_203 = tpu.vector_load_idx %arg12[%broadcast_in_dim3A_201, %add3A_115] : memref<32x512xf32, #tpu.memory_space<vmem>>[vector<16xi32>, vector<16xi32>], vector<16xf32>,
      %mul3A_204 = arith.mulf %gather3A_202, %gather3A_203 : vector<16xf32>
      %mul3A_205 = arith.mulf %mul3A_204, %gather3A_42 : vector<16xf32>
      %add3A_206 = arith.addf %add3A_199, %mul3A_205 : vector<16xf32>
      %broadcast_in_dim3A_207 = arith.constant 13 : i32
      %broadcast_in_dim3A_208 = vector.broadcast %broadcast_in_dim3A_207 : i32 to vector<16xi32>
      %gather3A_209 = tpu.vector_load_idx %arg11[%broadcast_in_dim3A_208, %add3A_115] : memref<32x512xf32, #tpu.memory_space<vmem>>[vector<16xi32>, vector<16xi32>], vector<16xf32>,
      %gather3A_210 = tpu.vector_load_idx %arg12[%broadcast_in_dim3A_208, %add3A_115] : memref<32x512xf32, #tpu.memory_space<vmem>>[vector<16xi32>, vector<16xi32>], vector<16xf32>,
      %mul3A_211 = arith.mulf %gather3A_209, %gather3A_210 : vector<16xf32>
      %mul3A_212 = arith.mulf %mul3A_211, %gather3A_45 : vector<16xf32>
      %add3A_213 = arith.addf %add3A_206, %mul3A_212 : vector<16xf32>
      %broadcast_in_dim3A_214 = arith.constant 14 : i32
      %broadcast_in_dim3A_215 = vector.broadcast %broadcast_in_dim3A_214 : i32 to vector<16xi32>
      %gather3A_216 = tpu.vector_load_idx %arg11[%broadcast_in_dim3A_215, %add3A_115] : memref<32x512xf32, #tpu.memory_space<vmem>>[vector<16xi32>, vector<16xi32>], vector<16xf32>,
      %gather3A_217 = tpu.vector_load_idx %arg12[%broadcast_in_dim3A_215, %add3A_115] : memref<32x512xf32, #tpu.memory_space<vmem>>[vector<16xi32>, vector<16xi32>], vector<16xf32>,
      %mul3A_218 = arith.mulf %gather3A_216, %gather3A_217 : vector<16xf32>
      %mul3A_219 = arith.mulf %mul3A_218, %gather3A_48 : vector<16xf32>
      %add3A_220 = arith.addf %add3A_213, %mul3A_219 : vector<16xf32>
      %broadcast_in_dim3A_221 = arith.constant 15 : i32
      %broadcast_in_dim3A_222 = vector.broadcast %broadcast_in_dim3A_221 : i32 to vector<16xi32>
      %gather3A_223 = tpu.vector_load_idx %arg11[%broadcast_in_dim3A_222, %add3A_115] : memref<32x512xf32, #tpu.memory_space<vmem>>[vector<16xi32>, vector<16xi32>], vector<16xf32>,
      %gather3A_224 = tpu.vector_load_idx %arg12[%broadcast_in_dim3A_222, %add3A_115] : memref<32x512xf32, #tpu.memory_space<vmem>>[vector<16xi32>, vector<16xi32>], vector<16xf32>,
      %mul3A_225 = arith.mulf %gather3A_223, %gather3A_224 : vector<16xf32>
      %mul3A_226 = arith.mulf %mul3A_225, %gather3A_51 : vector<16xf32>
      %add3A_227 = arith.addf %add3A_220, %mul3A_226 : vector<16xf32>
      %broadcast_in_dim3A_228 = arith.constant 16 : i32
      %broadcast_in_dim3A_229 = vector.broadcast %broadcast_in_dim3A_228 : i32 to vector<16xi32>
      %gather3A_230 = tpu.vector_load_idx %arg11[%broadcast_in_dim3A_229, %add3A_115] : memref<32x512xf32, #tpu.memory_space<vmem>>[vector<16xi32>, vector<16xi32>], vector<16xf32>,
      %gather3A_231 = tpu.vector_load_idx %arg12[%broadcast_in_dim3A_229, %add3A_115] : memref<32x512xf32, #tpu.memory_space<vmem>>[vector<16xi32>, vector<16xi32>], vector<16xf32>,
      %mul3A_232 = arith.mulf %gather3A_230, %gather3A_231 : vector<16xf32>
      %mul3A_233 = arith.mulf %mul3A_232, %gather3A_54 : vector<16xf32>
      %add3A_234 = arith.addf %add3A_227, %mul3A_233 : vector<16xf32>
      %broadcast_in_dim3A_235 = arith.constant 17 : i32
      %broadcast_in_dim3A_236 = vector.broadcast %broadcast_in_dim3A_235 : i32 to vector<16xi32>
      %gather3A_237 = tpu.vector_load_idx %arg11[%broadcast_in_dim3A_236, %add3A_115] : memref<32x512xf32, #tpu.memory_space<vmem>>[vector<16xi32>, vector<16xi32>], vector<16xf32>,
      %gather3A_238 = tpu.vector_load_idx %arg12[%broadcast_in_dim3A_236, %add3A_115] : memref<32x512xf32, #tpu.memory_space<vmem>>[vector<16xi32>, vector<16xi32>], vector<16xf32>,
      %mul3A_239 = arith.mulf %gather3A_237, %gather3A_238 : vector<16xf32>
      %mul3A_240 = arith.mulf %mul3A_239, %gather3A_57 : vector<16xf32>
      %add3A_241 = arith.addf %add3A_234, %mul3A_240 : vector<16xf32>
      %broadcast_in_dim3A_242 = arith.constant 18 : i32
      %broadcast_in_dim3A_243 = vector.broadcast %broadcast_in_dim3A_242 : i32 to vector<16xi32>
      %gather3A_244 = tpu.vector_load_idx %arg11[%broadcast_in_dim3A_243, %add3A_115] : memref<32x512xf32, #tpu.memory_space<vmem>>[vector<16xi32>, vector<16xi32>], vector<16xf32>,
      %gather3A_245 = tpu.vector_load_idx %arg12[%broadcast_in_dim3A_243, %add3A_115] : memref<32x512xf32, #tpu.memory_space<vmem>>[vector<16xi32>, vector<16xi32>], vector<16xf32>,
      %mul3A_246 = arith.mulf %gather3A_244, %gather3A_245 : vector<16xf32>
      %mul3A_247 = arith.mulf %mul3A_246, %gather3A_60 : vector<16xf32>
      %add3A_248 = arith.addf %add3A_241, %mul3A_247 : vector<16xf32>
      %broadcast_in_dim3A_249 = arith.constant 19 : i32
      %broadcast_in_dim3A_250 = vector.broadcast %broadcast_in_dim3A_249 : i32 to vector<16xi32>
      %gather3A_251 = tpu.vector_load_idx %arg11[%broadcast_in_dim3A_250, %add3A_115] : memref<32x512xf32, #tpu.memory_space<vmem>>[vector<16xi32>, vector<16xi32>], vector<16xf32>,
      %gather3A_252 = tpu.vector_load_idx %arg12[%broadcast_in_dim3A_250, %add3A_115] : memref<32x512xf32, #tpu.memory_space<vmem>>[vector<16xi32>, vector<16xi32>], vector<16xf32>,
      %mul3A_253 = arith.mulf %gather3A_251, %gather3A_252 : vector<16xf32>
      %mul3A_254 = arith.mulf %mul3A_253, %gather3A_63 : vector<16xf32>
      %add3A_255 = arith.addf %add3A_248, %mul3A_254 : vector<16xf32>
      %broadcast_in_dim3A_256 = arith.constant 20 : i32
      %broadcast_in_dim3A_257 = vector.broadcast %broadcast_in_dim3A_256 : i32 to vector<16xi32>
      %gather3A_258 = tpu.vector_load_idx %arg11[%broadcast_in_dim3A_257, %add3A_115] : memref<32x512xf32, #tpu.memory_space<vmem>>[vector<16xi32>, vector<16xi32>], vector<16xf32>,
      %gather3A_259 = tpu.vector_load_idx %arg12[%broadcast_in_dim3A_257, %add3A_115] : memref<32x512xf32, #tpu.memory_space<vmem>>[vector<16xi32>, vector<16xi32>], vector<16xf32>,
      %mul3A_260 = arith.mulf %gather3A_258, %gather3A_259 : vector<16xf32>
      %mul3A_261 = arith.mulf %mul3A_260, %gather3A_66 : vector<16xf32>
      %add3A_262 = arith.addf %add3A_255, %mul3A_261 : vector<16xf32>
      %broadcast_in_dim3A_263 = arith.constant 21 : i32
      %broadcast_in_dim3A_264 = vector.broadcast %broadcast_in_dim3A_263 : i32 to vector<16xi32>
      %gather3A_265 = tpu.vector_load_idx %arg11[%broadcast_in_dim3A_264, %add3A_115] : memref<32x512xf32, #tpu.memory_space<vmem>>[vector<16xi32>, vector<16xi32>], vector<16xf32>,
      %gather3A_266 = tpu.vector_load_idx %arg12[%broadcast_in_dim3A_264, %add3A_115] : memref<32x512xf32, #tpu.memory_space<vmem>>[vector<16xi32>, vector<16xi32>], vector<16xf32>,
      %mul3A_267 = arith.mulf %gather3A_265, %gather3A_266 : vector<16xf32>
      %mul3A_268 = arith.mulf %mul3A_267, %gather3A_69 : vector<16xf32>
      %add3A_269 = arith.addf %add3A_262, %mul3A_268 : vector<16xf32>
      %broadcast_in_dim3A_270 = arith.constant 22 : i32
      %broadcast_in_dim3A_271 = vector.broadcast %broadcast_in_dim3A_270 : i32 to vector<16xi32>
      %gather3A_272 = tpu.vector_load_idx %arg11[%broadcast_in_dim3A_271, %add3A_115] : memref<32x512xf32, #tpu.memory_space<vmem>>[vector<16xi32>, vector<16xi32>], vector<16xf32>,
      %gather3A_273 = tpu.vector_load_idx %arg12[%broadcast_in_dim3A_271, %add3A_115] : memref<32x512xf32, #tpu.memory_space<vmem>>[vector<16xi32>, vector<16xi32>], vector<16xf32>,
      %mul3A_274 = arith.mulf %gather3A_272, %gather3A_273 : vector<16xf32>
      %mul3A_275 = arith.mulf %mul3A_274, %gather3A_72 : vector<16xf32>
      %add3A_276 = arith.addf %add3A_269, %mul3A_275 : vector<16xf32>
      %broadcast_in_dim3A_277 = arith.constant 23 : i32
      %broadcast_in_dim3A_278 = vector.broadcast %broadcast_in_dim3A_277 : i32 to vector<16xi32>
      %gather3A_279 = tpu.vector_load_idx %arg11[%broadcast_in_dim3A_278, %add3A_115] : memref<32x512xf32, #tpu.memory_space<vmem>>[vector<16xi32>, vector<16xi32>], vector<16xf32>,
      %gather3A_280 = tpu.vector_load_idx %arg12[%broadcast_in_dim3A_278, %add3A_115] : memref<32x512xf32, #tpu.memory_space<vmem>>[vector<16xi32>, vector<16xi32>], vector<16xf32>,
      %mul3A_281 = arith.mulf %gather3A_279, %gather3A_280 : vector<16xf32>
      %mul3A_282 = arith.mulf %mul3A_281, %gather3A_75 : vector<16xf32>
      %add3A_283 = arith.addf %add3A_276, %mul3A_282 : vector<16xf32>
      %broadcast_in_dim3A_284 = arith.constant 24 : i32
      %broadcast_in_dim3A_285 = vector.broadcast %broadcast_in_dim3A_284 : i32 to vector<16xi32>
      %gather3A_286 = tpu.vector_load_idx %arg11[%broadcast_in_dim3A_285, %add3A_115] : memref<32x512xf32, #tpu.memory_space<vmem>>[vector<16xi32>, vector<16xi32>], vector<16xf32>,
      %gather3A_287 = tpu.vector_load_idx %arg12[%broadcast_in_dim3A_285, %add3A_115] : memref<32x512xf32, #tpu.memory_space<vmem>>[vector<16xi32>, vector<16xi32>], vector<16xf32>,
      %mul3A_288 = arith.mulf %gather3A_286, %gather3A_287 : vector<16xf32>
      %mul3A_289 = arith.mulf %mul3A_288, %gather3A_78 : vector<16xf32>
      %add3A_290 = arith.addf %add3A_283, %mul3A_289 : vector<16xf32>
      %broadcast_in_dim3A_291 = arith.constant 25 : i32
      %broadcast_in_dim3A_292 = vector.broadcast %broadcast_in_dim3A_291 : i32 to vector<16xi32>
      %gather3A_293 = tpu.vector_load_idx %arg11[%broadcast_in_dim3A_292, %add3A_115] : memref<32x512xf32, #tpu.memory_space<vmem>>[vector<16xi32>, vector<16xi32>], vector<16xf32>,
      %gather3A_294 = tpu.vector_load_idx %arg12[%broadcast_in_dim3A_292, %add3A_115] : memref<32x512xf32, #tpu.memory_space<vmem>>[vector<16xi32>, vector<16xi32>], vector<16xf32>,
      %mul3A_295 = arith.mulf %gather3A_293, %gather3A_294 : vector<16xf32>
      %mul3A_296 = arith.mulf %mul3A_295, %gather3A_81 : vector<16xf32>
      %add3A_297 = arith.addf %add3A_290, %mul3A_296 : vector<16xf32>
      %broadcast_in_dim3A_298 = arith.constant 26 : i32
      %broadcast_in_dim3A_299 = vector.broadcast %broadcast_in_dim3A_298 : i32 to vector<16xi32>
      %gather3A_300 = tpu.vector_load_idx %arg11[%broadcast_in_dim3A_299, %add3A_115] : memref<32x512xf32, #tpu.memory_space<vmem>>[vector<16xi32>, vector<16xi32>], vector<16xf32>,
      %gather3A_301 = tpu.vector_load_idx %arg12[%broadcast_in_dim3A_299, %add3A_115] : memref<32x512xf32, #tpu.memory_space<vmem>>[vector<16xi32>, vector<16xi32>], vector<16xf32>,
      %mul3A_302 = arith.mulf %gather3A_300, %gather3A_301 : vector<16xf32>
      %mul3A_303 = arith.mulf %mul3A_302, %gather3A_84 : vector<16xf32>
      %add3A_304 = arith.addf %add3A_297, %mul3A_303 : vector<16xf32>
      %broadcast_in_dim3A_305 = arith.constant 27 : i32
      %broadcast_in_dim3A_306 = vector.broadcast %broadcast_in_dim3A_305 : i32 to vector<16xi32>
      %gather3A_307 = tpu.vector_load_idx %arg11[%broadcast_in_dim3A_306, %add3A_115] : memref<32x512xf32, #tpu.memory_space<vmem>>[vector<16xi32>, vector<16xi32>], vector<16xf32>,
      %gather3A_308 = tpu.vector_load_idx %arg12[%broadcast_in_dim3A_306, %add3A_115] : memref<32x512xf32, #tpu.memory_space<vmem>>[vector<16xi32>, vector<16xi32>], vector<16xf32>,
      %mul3A_309 = arith.mulf %gather3A_307, %gather3A_308 : vector<16xf32>
      %mul3A_310 = arith.mulf %mul3A_309, %gather3A_87 : vector<16xf32>
      %add3A_311 = arith.addf %add3A_304, %mul3A_310 : vector<16xf32>
      %broadcast_in_dim3A_312 = arith.constant 28 : i32
      %broadcast_in_dim3A_313 = vector.broadcast %broadcast_in_dim3A_312 : i32 to vector<16xi32>
      %gather3A_314 = tpu.vector_load_idx %arg11[%broadcast_in_dim3A_313, %add3A_115] : memref<32x512xf32, #tpu.memory_space<vmem>>[vector<16xi32>, vector<16xi32>], vector<16xf32>,
      %gather3A_315 = tpu.vector_load_idx %arg12[%broadcast_in_dim3A_313, %add3A_115] : memref<32x512xf32, #tpu.memory_space<vmem>>[vector<16xi32>, vector<16xi32>], vector<16xf32>,
      %mul3A_316 = arith.mulf %gather3A_314, %gather3A_315 : vector<16xf32>
      %mul3A_317 = arith.mulf %mul3A_316, %gather3A_90 : vector<16xf32>
      %add3A_318 = arith.addf %add3A_311, %mul3A_317 : vector<16xf32>
      %broadcast_in_dim3A_319 = arith.constant 29 : i32
      %broadcast_in_dim3A_320 = vector.broadcast %broadcast_in_dim3A_319 : i32 to vector<16xi32>
      %gather3A_321 = tpu.vector_load_idx %arg11[%broadcast_in_dim3A_320, %add3A_115] : memref<32x512xf32, #tpu.memory_space<vmem>>[vector<16xi32>, vector<16xi32>], vector<16xf32>,
      %gather3A_322 = tpu.vector_load_idx %arg12[%broadcast_in_dim3A_320, %add3A_115] : memref<32x512xf32, #tpu.memory_space<vmem>>[vector<16xi32>, vector<16xi32>], vector<16xf32>,
      %mul3A_323 = arith.mulf %gather3A_321, %gather3A_322 : vector<16xf32>
      %mul3A_324 = arith.mulf %mul3A_323, %gather3A_93 : vector<16xf32>
      %add3A_325 = arith.addf %add3A_318, %mul3A_324 : vector<16xf32>
      %broadcast_in_dim3A_326 = arith.constant 30 : i32
      %broadcast_in_dim3A_327 = vector.broadcast %broadcast_in_dim3A_326 : i32 to vector<16xi32>
      %gather3A_328 = tpu.vector_load_idx %arg11[%broadcast_in_dim3A_327, %add3A_115] : memref<32x512xf32, #tpu.memory_space<vmem>>[vector<16xi32>, vector<16xi32>], vector<16xf32>,
      %gather3A_329 = tpu.vector_load_idx %arg12[%broadcast_in_dim3A_327, %add3A_115] : memref<32x512xf32, #tpu.memory_space<vmem>>[vector<16xi32>, vector<16xi32>], vector<16xf32>,
      %mul3A_330 = arith.mulf %gather3A_328, %gather3A_329 : vector<16xf32>
      %mul3A_331 = arith.mulf %mul3A_330, %gather3A_96 : vector<16xf32>
      %add3A_332 = arith.addf %add3A_325, %mul3A_331 : vector<16xf32>
      %broadcast_in_dim3A_333 = arith.constant 31 : i32
      %broadcast_in_dim3A_334 = vector.broadcast %broadcast_in_dim3A_333 : i32 to vector<16xi32>
      %gather3A_335 = tpu.vector_load_idx %arg11[%broadcast_in_dim3A_334, %add3A_115] : memref<32x512xf32, #tpu.memory_space<vmem>>[vector<16xi32>, vector<16xi32>], vector<16xf32>,
      %gather3A_336 = tpu.vector_load_idx %arg12[%broadcast_in_dim3A_334, %add3A_115] : memref<32x512xf32, #tpu.memory_space<vmem>>[vector<16xi32>, vector<16xi32>], vector<16xf32>,
      %mul3A_337 = arith.mulf %gather3A_335, %gather3A_336 : vector<16xf32>
      %mul3A_338 = arith.mulf %mul3A_337, %gather3A_99 : vector<16xf32>
      %add3A_339 = arith.addf %add3A_332, %mul3A_338 : vector<16xf32>
      %neg3A = arith.constant 0.000000e+00 : f32
      %neg3A_340 = vector.broadcast %neg3A : f32 to vector<16xf32>
      %neg3A_341 = arith.subf %neg3A_340, %add3A_339 : vector<16xf32>
      %exp3A = math.exp %neg3A_341 : vector<16xf32>
      %add3A_342 = arith.constant 1.000000e+00 : f32
      %add3A_343 = vector.broadcast %add3A_342 : f32 to vector<16xf32>
      %add3A_344 = arith.addf %add3A_343, %exp3A : vector<16xf32>
      %div3A = arith.constant 1.000000e+00 : f32
      %div3A_345 = vector.broadcast %div3A : f32 to vector<16xf32>
      %div3A_346 = arith.divf %div3A_345, %add3A_344 : vector<16xf32>
      %mul3A_347 = arith.constant 16 : i32
      %mul3A_348 = arith.muli %scan3A_111, %mul3A_347 : i32
      %swap3A = arith.index_cast %mul3A_348 : i32 to index
      %swap3A_349 = tpu.vector_load %arg14[%swap3A] {strides = array<i32>} : memref<512xf32, #tpu.memory_space<vmem>>, vector<16xf32>,
      tpu.vector_store %arg14[%swap3A], %div3A_346 {strides = array<i32>} : memref<512xf32, #tpu.memory_space<vmem>>, vector<16xf32>,
    }
    %scan3A_108 = arith.constant 32 : i32
    %mul3A_109 = arith.constant 512 : i32
    %mul3A_110 = arith.muli %add3A, %mul3A_109 : i32
    "tpu.region"() ({
      %run_scoped3A = tpu.sem_alloc : memref<!tpu.dma_semaphore, #tpu.memory_space<semaphore_mem>>
      %dma_start3A = tpu.memref_slice %arg7[%mul3A_110] : memref<16384xf32, #tpu.memory_space<hbm>> -> memref<512xf32, #tpu.memory_space<hbm>>
      %dma_start3A_111 = tpu.memref_slice %arg7[%mul3A_110] : memref<16384xf32, #tpu.memory_space<hbm>> -> memref<512xf32, #tpu.memory_space<hbm>>
      tpu.enqueue_dma source(%arg14 : memref<512xf32, #tpu.memory_space<vmem>>) target(%dma_start3A_111 : memref<512xf32, #tpu.memory_space<hbm>>) target_semaphore(%run_scoped3A : memref<!tpu.dma_semaphore, #tpu.memory_space<semaphore_mem>>)
      %dma_wait3A = tpu.memref_slice %arg7[%mul3A_110] : memref<16384xf32, #tpu.memory_space<hbm>> -> memref<512xf32, #tpu.memory_space<hbm>>
      %dma_wait3A_112 = tpu.memref_slice %arg7[%mul3A_110] : memref<16384xf32, #tpu.memory_space<hbm>> -> memref<512xf32, #tpu.memory_space<hbm>>
      tpu.wait_dma2 semaphore(%run_scoped3A : memref<!tpu.dma_semaphore, #tpu.memory_space<semaphore_mem>>) src(%arg14 : memref<512xf32, #tpu.memory_space<vmem>>) dst(%dma_wait3A_112 : memref<512xf32, #tpu.memory_space<hbm>>)
      tpu.yield
    }) : () -> ()
    return
  }
}

</mosaic_0001>

<sc_bundles>
// kernel: kernel.3.cloned.1.call-start
scs
__scs_entry_jumppad:
0x0: {  	(pc) =	sbr.rel $0x88, $3  }
0x1: {  	(tag) =	ssettag $0x0;
	lr =	simm.s32 $0x1  }
0x2: {  	[smem:$0x3F9B] =	sst lr;
	_ =	strace $0xD0000000  }
0x3: {  	_ = 	snop  }
0x4: {  	_ = 	snop  }
0x5: {  	_ = 	snop  }
0x6: {  	_ = 	snop  }
0x7: {  	_ = 	snop  }
__scs_overlays_trampoline_lowered:
0x8: {  	[smem:$0x3FAA] =	sst s0  }
0x9: {  	[smem:$0x3FAB] =	sst s1  }
0xa: {  	[smem:$0x3FAC] =	sst s2  }
0xb: {  	[smem:$0x3FAD] =	sst s3  }
0xc: {  	[smem:$0x3FAE] =	sst s4  }
0xd: {  	[smem:$0x3FAF] =	sst s5  }
0xe: {  	[smem:$0x3FB0] =	sst s6  }
0xf: {  	[smem:$0x3FB1] =	sst s7  }
0x10: {  	[smem:$0x3FB2] =	sst s8  }
0x11: {  	[smem:$0x3FB3] =	sst s9;
	s0 =	simm.s32 @!p0 $0x0  }
0x12: {  	s1 =	sld [smem:$0x3F99];
	s0 =	simm.s32 @p0 $0x1  }
0x13: {  	[smem:$0x3FB4] =	sst s0;
	s0 =	simm.s32 @!p1 $0x0  }
0x14: {  	s2 =	sld [smem:$0x3F98];
	s0 =	simm.s32 @p1 $0x1  }
0x15: {  	[smem:$0x3FB5] =	sst s0;
	s0 =	simm.s32 @!p2 $0x0  }
0x16: {  	s3 =	sld [smem:$0x3FDB];
	s0 =	simm.s32 @p2 $0x1  }
0x17: {  	s4 =	simm.s32 $0x1BF5;
	[smem:$0x3FB7] =	sst s0  }
0x18: {  	s0 =	sld [smem:$0x3F9A];
	_ =	swait.ge [sflag:s4], $0x0  }
0x19: {  	s7 =	sld [smem:$0x3F9B]  }
0x1a: {  	s8 =	sadd.s32 $0xFFFFE003, lr  }
0x1b: {  	s9 =	sadd.s32 $0xFFFFFEF7, lr;
	s5 =	simm.s32 $0xFFFFFFFF;
	p2 =	slt.u32 s8, $0xFFFFF086  }
0x1c: {  	p1 =	slt.u32 s9, $0xF7A;
	s5 =	simm.s32 @!p2 $0x0  }
0x1d: {  	s5 =	simm.s32 @p1 $0x1;
	p0 =	seq.s32 s7, s2  }
0x1e: {  	s7 =	smul.u32 @!p0 $0xF7A, s2;
	p2 =	seq.s32 @!p0 s5, $0x0  }
0x1f: {  	s9 =	smul.u32 $0xF7A, s1;
	s8 =	simm.s32 @!p0 $0x1BF5;
	p2 =	por !p2, p0  }
0x20: {  	[sflag:s8] =	ssyncset.s32 @!p0 $0xFFFFF086;
	s6 =	sadd.s32 @!p0 s3, s7;
	s7 =	simm.s32 @!p0 $0x108  }
0x21: {  	s3 =	sadd.s32 s3, s9;
	s6 =	sadd.s32 @!p0 $0x88, s6;
	s7 =	simm.s32 @p2 $0x1082  }
0x22: {  	[simem:s7], [sflag:s8] =	dma.local @!p0 [hbm:s6], $0xF7A  }
0x23: {  	s9 =	sor.u32 $0xD0000000, s2;
	s6 =	simm.s32 $0x108;
	_ =	swait.ge @!p0 [sflag:s8], $0x0  }
0x24: {  	s3 =	sadd.s32 $0x88, s3;
	s6 =	simm.s32 @!p1 $0x1082;
	[sflag:s4] =	ssyncset.s32 $0xFFFFF086  }
0x25: {  	[simem:s6], [sflag:s4] =	dma.local [hbm:s3], $0xF7A  }
0x26: {  	[smem:$0x3F9B] =	sst s1;
	(tag) =	ssettag s2;
	_ =	strace s9  }
0x27: {  	s1 =	sld [smem:$0x3FAB]  }
0x28: {  	s2 =	sld [smem:$0x3FAC]  }
0x29: {  	s4 =	sld [smem:$0x3FAE]  }
0x2a: {  	p0 =	seq.s32 s5, $0x0;
	s5 =	sld [smem:$0x3FAF]  }
0x2b: {  	s6 =	sld [smem:$0x3FB0]  }
0x2c: {  	s7 =	sld [smem:$0x3FB1]  }
0x2d: {  	s3 =	simm.s32 $0x108;
	s8 =	sld [smem:$0x3FB2]  }
0x2e: {  	s3 =	simm.s32 @!p0 $0x1082;
	s9 =	sld [smem:$0x3FB3]  }
0x2f: {  	lr =	sadd.s32 s0, s3;
	s0 =	sld [smem:$0x3FAA]  }
0x30: {  	s3 =	sld [smem:$0x3FAD]  }
0x31: {  	[smem:$0x3FB6] =	sst s10  }
0x32: {  	s10 =	sld [smem:$0x3FB4];
	_ =	sdelay $0x3  }
0x33: {  	p0 =	seq.s32 s10, $0x1;
	s10 =	sld [smem:$0x3FB6];
	_ =	sdelay $0x3  }
0x34: {  	[smem:$0x3FB6] =	sst s10  }
0x35: {  	s10 =	sld [smem:$0x3FB5];
	_ =	sdelay $0x3  }
0x36: {  	p1 =	seq.s32 s10, $0x1;
	s10 =	sld [smem:$0x3FB6];
	_ =	sdelay $0x3  }
0x37: {  	[smem:$0x3FB6] =	sst s10  }
0x38: {  	s10 =	sld [smem:$0x3FB7]  }
0x39: {  	_ = 	snop;
	(pc) =	sbr.ind lr, $3  }
0x3a: {  	_ = 	snop  }
0x3b: {  	_ = 	snop  }
0x3c: {  	p2 =	seq.s32 s10, $0x1;
	s10 =	sld [smem:$0x3FB6]  }
0x3d: {  	_ =	shalt  }
0x3e: {  	_ =	shalt  }
0x3f: {  	_ =	shalt  }
0x40: {  	_ =	shalt  }
0x41: {  	_ =	shalt  }
0x42: {  	_ =	shalt  }
0x43: {  	_ =	shalt  }
0x44: {  	_ =	shalt  }
0x45: {  	_ =	shalt  }
0x46: {  	_ =	shalt  }
0x47: {  	_ =	shalt  }
0x48: {  	_ =	shalt  }
0x49: {  	_ =	shalt  }
0x4a: {  	_ =	shalt  }
0x4b: {  	_ =	shalt  }
0x4c: {  	_ =	shalt  }
0x4d: {  	_ =	shalt  }
0x4e: {  	_ =	shalt  }
0x4f: {  	_ =	shalt  }
0x50: {  	_ =	shalt  }
0x51: {  	_ =	shalt  }
0x52: {  	_ =	shalt  }
0x53: {  	_ =	shalt  }
0x54: {  	_ =	shalt  }
0x55: {  	_ =	shalt  }
0x56: {  	_ =	shalt  }
0x57: {  	_ =	shalt  }
0x58: {  	_ =	shalt  }
0x59: {  	_ =	shalt  }
0x5a: {  	_ =	shalt  }
0x5b: {  	_ =	shalt  }
0x5c: {  	_ =	shalt  }
0x5d: {  	_ =	shalt  }
0x5e: {  	_ =	shalt  }
0x5f: {  	_ =	shalt  }
0x60: {  	_ =	shalt  }
0x61: {  	_ =	shalt  }
0x62: {  	_ =	shalt  }
0x63: {  	_ =	shalt  }
0x64: {  	_ =	shalt  }
0x65: {  	_ =	shalt  }
0x66: {  	_ =	shalt  }
0x67: {  	_ =	shalt  }
0x68: {  	_ =	shalt  }
0x69: {  	_ =	shalt  }
0x6a: {  	_ =	shalt  }
0x6b: {  	_ =	shalt  }
0x6c: {  	_ =	shalt  }
0x6d: {  	_ =	shalt  }
0x6e: {  	_ =	shalt  }
0x6f: {  	_ =	shalt  }
0x70: {  	_ =	shalt  }
0x71: {  	_ =	shalt  }
0x72: {  	_ =	shalt  }
0x73: {  	_ =	shalt  }
0x74: {  	_ =	shalt  }
0x75: {  	_ =	shalt  }
0x76: {  	_ =	shalt  }
0x77: {  	_ =	shalt  }
0x78: {  	_ =	shalt  }
0x79: {  	_ =	shalt  }
0x7a: {  	_ =	shalt  }
0x7b: {  	_ =	shalt  }
0x7c: {  	_ =	shalt  }
0x7d: {  	_ =	shalt  }
0x7e: {  	_ =	shalt  }
0x7f: {  	_ =	shalt  }
0x80: {  	_ =	shalt  }
0x81: {  	_ =	shalt  }
0x82: {  	_ =	shalt  }
0x83: {  	_ =	shalt  }
0x84: {  	_ =	shalt  }
0x85: {  	_ =	shalt  }
0x86: {  	_ =	shalt  }
0x87: {  	_ =	shalt  }
.Lfunc_end0:
.L_simem_size_0:
called_computation_lowered:
.L_overlay_start_0:
0x88: {  	s2 =	sld [smem:$0x3FD9]  }
0x89: {  	s3 =	sld [smem:$0x3FFE];
	_ =	sdelay $0x1  }
0x8a: {  	s1 =	srdreg.scid  }
0x8b: {  	s0 =	sand.u32 $0x1, s1  }
0x8c: {  	s17 =	sshll.u32 s0, $0xA;
	s2 =	sadd.s32 s3, s2  }
0x8d: {  	s2 =	sadd.s32 s2, s17  }
0x8e: {  	[smem:$0x3FC2] =	sst s2  }
0x8f: {  	_ = 	snop  }
0x90: {  	s2 =	sld [smem:$0x3FC7]  }
0x91: {  	s18 =	sld [smem:$0x3FC6]  }
0x92: {  	s4 =	sld [smem:$0x3FD0];
	(tm) =	ssettm $0x1  }
0x93: {  	s5 =	sld [smem:$0x3FFB];
	_ =	sdelay $0x3  }
0x94: {  	_ =	strace s5  }
0x95: {  	s5 =	sld [smem:$0x3FFC];
	_ =	sdelay $0x3  }
0x96: {  	_ =	strace s5  }
0x97: {  	s5 =	sld [smem:$0x3FFD];
	_ =	sdelay $0x3  }
0x98: {  	_ =	strace s5  }
0x99: {  	_ =	strace $0x8FFFFFFF  }
0x9a: {  	s19 =	sld [smem:$0x3FDB];
	_ =	sdelay $0x1  }
0x9b: {  	s6 =	simm.s32 $_scs_section_size  }
0x9c: {  	s7 =	simm.s32 $_size__tile_overlayer_lowered;
	s8 =	simm.s32 $_tile_overlayer_lowered  }
0x9d: {  	s22 =	simm.s32 $0x1BFF;
	s21 =	sshll.u32 s8, $0x1;
	s5 =	sadd.s32 s6, s19  }
0x9e: {  	s9 =	simm.s32 $0x0;
	s20 =	sshll.u32 s7, $0x1;
	s7 =	sadd.s32 s21, s5  }
0x9f: {  	[timem:s9], [sflag:s22] =	dma.local [hbm:s7], s20  }
0xa0: {  	_ =	swait.ge [sflag:s22], s20  }
0xa1: {  	s6 =	ssub.s32 $0x0, s20;
	[sflag:s22] =	ssyncset.done $0x0  }
0xa2: {  	[sflag:s22] =	ssyncadd.s32 s6;
	_ =	sdelay $0x1  }
0xa3: {  	s23 =	simm.s32 $0x1B8B  }
0xa4: {  	_ =	swait.ge [sflag:s23], $0x1  }
0xa5: {  	[sflag:s23] =	ssyncset.done $0x0  }
0xa6: {  	s25 =	simm.s32 $0x1B8E;
	s24 =	sld [smem:$0x3FFE];
	[sflag:s23] =	ssyncadd.s32 $0xFFFFFFFF  }
0xa7: {  	s26 =	simm.s32 $execute0_lowered;
	[smem:$0x3FD2] =	sst s25  }
0xa8: {  	s7 =	sshll.u32 s26, $0x1;
	_ =	strace $0x80000046;
	[dreg:$0x1] =	wrdreg $0xFFFFFFFF  }
0xa9: {  	s28 =	simm.s32 $_size_execute0_lowered;
	s5 =	sadd.s32 s5, s7;
	[dreg:$0x0] =	wrdreg $0x0  }
0xaa: {  	s7 =	sshll.u32 s28, $0x1;
	[dreg:$0x2] =	wrdreg s5  }
0xab: {  	[dreg:$0x3] =	wrdreg s7  }
0xac: {  	[dreg:$0x4] =	wrdreg $0xC0  }
0xad: {  	_ =	task [dreg:s9], $0x5FFFF  }
0xae: {  	[dreg:$0x1] =	wrdreg $0xFFFFFFFF  }
0xaf: {  	[dreg:$0x0] =	wrdreg $0x60  }
0xb0: {  	[dreg:$0x2] =	wrdreg s24  }
0xb1: {  	[dreg:$0x3] =	wrdreg s2  }
0xb2: {  	[dreg:$0x4] =	wrdreg s18  }
0xb3: {  	[dreg:$0x5] =	wrdreg s4  }
0xb4: {  	[dreg:$0x6] =	wrdreg $0x9  }
0xb5: {  	_ =	task.clear_ibuf [dreg:s9], $0x7FFFF;
	_ =	strace $0x90000046  }
0xb6: {  	s29 =	simm.s32 $0x9;
	_ =	strace $0x80000048  }
0xb7: {  	_ =	swait.ge [sflag:s29], $0x1  }
0xb8: {  	[sflag:s29] =	ssyncadd.s32 $0xFFFFFFFF  }
0xb9: {  	_ =	strace $0x90000048  }
0xba: {  	_ =	sfence  }
0xbb: {  	s30 =	sld [smem:$0x0];
	_ =	sdelay $0x2  }
0xbc: {  	s31 =	sshll.u32 s1, $0xD;
	s1 =	sshrl.u32 s1, $0x2  }
0xbd: {  	s3 =	sand.u32 $0x4000, s31;
	s1 =	sadd.s32 s1, s30  }
0xbe: {  	s0 =	sor.u32 s3, s0;
	s1 =	sshll.u32 s1, $0x11  }
0xbf: {  	s0 =	sor.u32 s1, s0  }
0xc0: {  	s0 =	sadd.s32 $0x8F2B, s0  }
0xc1: {  	[sflag:s0] =	ssyncadd.remote.s32 $0x1  }
0xc2: {  	_ =	sfence.sel $0xFFFF  }
0xc3: {  	[dreg:$0x0] =	wrdreg $0xFFFFFFFF;
	(pc) =	sbr.abs _section_cstart, $3  }
0xc4: {  	[dreg:$0x1] =	wrdreg $0xFFFFFFFF  }
0xc5: {  	_ =	task.clear_ibuf [dreg:s9], $0x2FFFF;
	_ =	strace $0x9FFFFFFF  }
0xc6: {  	(tm) =	ssettm $0x7FFFFFFF  }
0xc7: {  	_ =	shalt  }
tec
execute0_lowered:
.L_overlay_start_1:
0x0: {  	(tag) =	ssettag $0x1  }
0x1: {  	v2 =	vimm.s32 $0x1380;
	vm0 =	vcmask $0x300;
	vm1 =	vcmask $0x704  }
0x2: {  	v3 =	vimm.s32 $0x3380;
	vm2 =	vcmask $0xB08;
	vm4 =	vcmask $0xF0C  }
0x3: {  	vm5 =	vcmask $0x1310;
	vm6 =	vcmask $0x1714;
	vm7 =	vcmask $0x1B18  }
0x4: {  	s2 =	rddreg [dreg:$0x0];
	vm8 =	vcmask $0x1F1C;
	vm9 =	vcmask $0x2320;
	vm10 =	vcmask $0x2724  }
0x5: {  	s0 =	rddreg [dreg:$0x1];
	vm11 =	vcmask $0x2B28;
	vm12 =	vcmask $0x2F2C;
	vm13 =	vcmask $0x3330  }
0x6: {  	s1 =	rddreg [dreg:$0x2];
	s3 =	srdreg.scid;
	vm14 =	vcmask $0x3734;
	v2 =	vsel vm0, $0x0, v2;
	v3 =	vsel vm0, $0x2000, v3  }
0x7: {  	s6 =	stileid.u32;
	s4 =	rddreg [dreg:$0x3];
	s8 =	simm.s32 $0x0;
	vm15 =	vcmask $0x3B38;
	v2 =	vsel vm1, $0x80, v2;
	v3 =	vsel vm1, $0x2080, v3  }
0x8: {  	v0 =	vlaneseq.u32;
	s11 =	simm.s32 $0x400;
	s9 =	simm.s32 $0x18400;
	s14 =	simm.s32 $0x7A1400;
	v2 =	vsel vm2, $0x100, v2;
	v3 =	vsel vm2, $0x2100, v3  }
0x9: {  	s10 =	simm.s32 $0x4400;
	s29 =	simm.s32 $0x5400;
	s12 =	simm.s32 $0x7400;
	v27 =	vimm.s32 $0x17;
	v2 =	vsel vm4, $0x180, v2;
	v3 =	vsel vm4, $0x2180, v3  }
0xa: {  	s13 =	simm.s32 $0x8400;
	v28 =	vimm.s32 $0x18;
	s3 =	sand.u32 $0x1, s3;
	s5 =	sshll.u32 s6, $0x1;
	v2 =	vsel vm5, $0x200, v2;
	v3 =	vsel vm5, $0x2200, v3  }
0xb: {  	v29 =	vimm.s32 $0x19;
	s6 =	sshll.u32 s6, $0x7;
	[smem:$0x7FF] =	sst s8;
	s5 =	sor.u32 s3, s5;
	v2 =	vsel vm6, $0x280, v2;
	v3 =	vsel vm6, $0x2280, v3  }
0xc: {  	v30 =	vimm.s32 $0x1A;
	s3 =	ssub.s32 $0x2, s3;
	_ =	strace $0x80000047;
	s7 =	sshll.u32 s5, $0x4;
	v2 =	vsel vm7, $0x300, v2;
	v3 =	vsel vm7, $0x2300, v3  }
0xd: {  	v31 =	vimm.s32 $0x1B;
	s23 =	sshrl.u32 s3, $0x1;
	s30 =	sshll.u32 s5, $0x6;
	s6 =	sor.u32 s6, s7;
	v2 =	vsel vm8, $0x380, v2;
	v3 =	vsel vm8, $0x2380, v3  }
0xe: {  	v32 =	vimm.s32 $0x1C;
	s24 =	ssub.s32 s3, s23;
	s3 =	sadd.s32 s4, s30;
	s6 =	sand.u32 $0x670, s6;
	v2 =	vsel vm9, $0x1000, v2;
	v3 =	vsel vm9, $0x3000, v3  }
0xf: {  	v33 =	vimm.s32 $0x1D;
	[dreg:$0x8] =	wrdreg s3;
	s6 =	sadd.s32 s6, s2;
	s2 =	sadd.s32 $0x1400, s2;
	v2 =	vsel vm10, $0x1080, v2;
	v3 =	vsel vm10, $0x3080, v3  }
0x10: {  	s28 =	simm.s32 $0xB400;
	v34 =	vimm.s32 $0x1E;
	[dreg:$0x5] =	wrdreg s2;
	s25 =	sadd.s32 $0x400, s6;
	v2 =	vsel vm11, $0x1100, v2;
	v3 =	vsel vm11, $0x3100, v3  }
0x11: {  	s31 =	simm.s32 $0x1;
	v35 =	vimm.s32 $0x1F;
	s26 =	sadd.s32 $0xC00, s6;
	[dreg:$0x6] =	wrdreg s25;
	v2 =	vsel vm12, $0x1180, v2;
	v3 =	vsel vm12, $0x3180, v3  }
0x12: {  	v1 =	vmul.u32 $0x80, v0;
	s5 =	simm.s32 $0x0;
	s2 =	smax.u32 s24, $0x1;
	[dreg:$0x7] =	wrdreg s26;
	v2 =	vsel vm13, $0x1200, v2;
	v4 =	vsel vm13, $0x3200, v3  }
0x13: {  	v36 =	vimm.s32 $0x20;
	s7 =	simm.s32 $0x2;
	s3 =	simm.s32 $0x10400;
	[dreg:$0x9] =	wrdreg s2;
	v2 =	vsel vm14, $0x1280, v2;
	v4 =	vsel vm14, $0x3280, v4  }
0x14: {  	s25 =	simm.s32 $0x1400;
	s26 =	simm.s32 $0x6400;
	s2 =	simm.s32 $0x14400;
	v3 =	vor.u32 $0x800, v1;
	v2 =	vsel vm15, $0x1300, v2;
	v4 =	vsel vm15, $0x3300, v4  }
.LBB2_1:
0x15: {  	[dreg:$0xa] =	wrdreg s5  }
0x16: {  	s4 =	rddreg [dreg:$0x6];
	s6 =	simm.s32 $0x80  }
0x17: {  	[tilespmem:s8], [sflag:$0x2] =	stream.strided.gather [hbm4b:s4+s6], $0x200, s11, s6, $0x38;
	[tilespmem:$0x18680] =	vst v63  }
0x18: {  	_ =	swait.ge [sflag:s7], $0x200  }
0x19: {  	[sflag:s7] =	ssyncset.done $0x0  }
0x1a: {  	s5 =	simm.s32 $0x200;
	s24 =	rddreg [dreg:$0x7];
	[sflag:s7] =	ssyncadd.s32 $0xFFFFFE00  }
0x1b: {  	[tilespmem:s5], [sflag:$0x2] =	stream.strided.gather [hbm4b:s24+s6], $0x200, s11, s6, $0x38;
	[tilespmem:$0x18680] =	vst v63  }
0x1c: {  	_ =	swait.ge [sflag:s7], $0x200  }
0x1d: {  	[sflag:s7] =	ssyncset.done $0x0  }
0x1e: {  	s30 =	rddreg [dreg:$0x5];
	[sflag:s7] =	ssyncadd.s32 $0xFFFFFE00  }
0x1f: {  	[tilespmem:s9], [sflag:$0x2] =	stream.linear.gather [hbm4b:s30+s8], $0x80, $0x38;
	[tilespmem:$0x18680] =	vst v63  }
0x20: {  	_ =	swait.ge [sflag:s7], $0x80  }
0x21: {  	[sflag:s7] =	ssyncset.done $0x0  }
0x22: {  	s6 =	simm.s32 $0xF;
	[sflag:s7] =	ssyncadd.s32 $0xFFFFFF80;
	s7 =	simm.s32 $0x0  }
.LBB2_2:
0x23: {  	v5 =	vld [tilespmem:s7+$0x0];
	_ =	sdelay $0x4  }
0x24: {  	(v2sf) =	vpush v5, $0x0  }
0x25: {  	(v2sf) =	vpush v5, $0x1  }
0x26: {  	(v2sf) =	vpush v5, $0x2  }
0x27: {  	(v2sf) =	vpush v5, $0x3;
	_ =	sdelay $0x2  }
0x28: {  	(v2sf) =	vpush v5, $0x4;
	_ =	sdelay $0x1  }
0x29: {  	(v2sf) =	vpush v5, $0x5;
	_ =	sdelay $0x6  }
0x2a: {  	s24 =	spop (v2sf)  }
0x2b: {  	s23 =	spop (v2sf);
	(v2sf) =	vpush v5, $0x6  }
0x2c: {  	s22 =	spop (v2sf);
	(v2sf) =	vpush v5, $0x7  }
0x2d: {  	s4 =	sand.u32 $0xFFFFF80, s24;
	s21 =	spop (v2sf);
	(v2sf) =	vpush v5, $0x8  }
0x2e: {  	s8 =	simm.s32 $0x2400;
	s4 =	sadd.s32 s0, s4;
	s9 =	sand.u32 $0xFFFFF80, s23  }
0x2f: {  	[tilespmem:s11], [sflag:$0x1] =	stream.strided.gather [hbm4b:s4+s11], $0x1000, s14, s11, $0x38;
	[tilespmem:$0x18680] =	vst v63  }
0x30: {  	s4 =	sadd.s32 s0, s9;
	s15 =	sand.u32 $0xFFFFF80, s22;
	s20 =	spop (v2sf)  }
0x31: {  	(v2sf) =	vpush v5, $0x9;
	[tilespmem:s25], [sflag:$0x1] =	stream.strided.gather [hbm4b:s4+s11], $0x1000, s14, s11, $0x38;
	[tilespmem:$0x18680] =	vst v63  }
0x32: {  	s16 =	sand.u32 $0xFFFFF80, s21;
	s4 =	sadd.s32 s0, s15;
	s19 =	spop (v2sf)  }
0x33: {  	(v2sf) =	vpush v5, $0xA;
	[tilespmem:s8], [sflag:$0x1] =	stream.strided.gather [hbm4b:s4+s11], $0x1000, s14, s11, $0x38;
	[tilespmem:$0x18680] =	vst v63  }
0x34: {  	s17 =	simm.s32 $0x3400;
	s18 =	sand.u32 $0xFFFFF80, s20;
	s4 =	sadd.s32 s0, s16  }
0x35: {  	(v2sf) =	vpush v5, $0xB;
	[tilespmem:s17], [sflag:$0x1] =	stream.strided.gather [hbm4b:s4+s11], $0x1000, s14, s11, $0x38;
	[tilespmem:$0x18680] =	vst v63  }
0x36: {  	s25 =	sand.u32 $0xFFFFF80, s19;
	s4 =	sadd.s32 s0, s18  }
0x37: {  	[tilespmem:s10], [sflag:$0x1] =	stream.strided.gather [hbm4b:s4+s11], $0x1000, s14, s11, $0x38;
	[tilespmem:$0x18680] =	vst v63  }
0x38: {  	s4 =	sadd.s32 s0, s25  }
0x39: {  	[tilespmem:s29], [sflag:$0x1] =	stream.strided.gather [hbm4b:s4+s11], $0x1000, s14, s11, $0x38;
	[tilespmem:$0x18680] =	vst v63  }
0x3a: {  	s18 =	spop (v2sf)  }
0x3b: {  	(v2sf) =	vpush v5, $0xC;
	s30 =	sand.u32 $0xFFFFF80, s18;
	s17 =	spop (v2sf)  }
0x3c: {  	(v2sf) =	vpush v5, $0xD;
	s4 =	sadd.s32 s0, s30;
	s8 =	sand.u32 $0xFFFFF80, s17;
	s16 =	spop (v2sf)  }
0x3d: {  	[tilespmem:s26], [sflag:$0x1] =	stream.strided.gather [hbm4b:s4+s11], $0x1000, s14, s11, $0x38;
	[tilespmem:$0x18680] =	vst v63  }
0x3e: {  	s4 =	sadd.s32 s0, s8;
	s9 =	sand.u32 $0xFFFFF80, s16  }
0x3f: {  	(v2sf) =	vpush v5, $0xE;
	[tilespmem:s12], [sflag:$0x1] =	stream.strided.gather [hbm4b:s4+s11], $0x1000, s14, s11, $0x38;
	[tilespmem:$0x18680] =	vst v63  }
0x40: {  	s15 =	spop (v2sf);
	s4 =	sadd.s32 s0, s9  }
0x41: {  	[tilespmem:s13], [sflag:$0x1] =	stream.strided.gather [hbm4b:s4+s11], $0x1000, s14, s11, $0x38;
	[tilespmem:$0x18680] =	vst v63  }
0x42: {  	s13 =	spop (v2sf);
	(v2sf) =	vpush v5, $0xF  }
0x43: {  	s10 =	sand.u32 $0xFFFFF80, s15;
	s12 =	simm.s32 $0x9400  }
0x44: {  	s4 =	sadd.s32 s0, s10;
	s25 =	sand.u32 $0xFFFFF80, s13;
	s10 =	spop (v2sf)  }
0x45: {  	[tilespmem:s12], [sflag:$0x1] =	stream.strided.gather [hbm4b:s4+s11], $0x1000, s14, s11, $0x38;
	[tilespmem:$0x18680] =	vst v63  }
0x46: {  	s30 =	simm.s32 $0xA400;
	s4 =	sadd.s32 s0, s25;
	s8 =	sand.u32 $0xFFFFF80, s10  }
0x47: {  	[tilespmem:s30], [sflag:$0x1] =	stream.strided.gather [hbm4b:s4+s11], $0x1000, s14, s11, $0x38;
	[tilespmem:$0x18680] =	vst v63  }
0x48: {  	s4 =	sadd.s32 s0, s8  }
0x49: {  	[tilespmem:s28], [sflag:$0x1] =	stream.strided.gather [hbm4b:s4+s11], $0x1000, s14, s11, $0x38;
	[tilespmem:$0x18680] =	vst v63  }
0x4a: {  	s12 =	spop (v2sf)  }
0x4b: {  	s9 =	sand.u32 $0xFFFFF80, s12;
	s4 =	spop (v2sf)  }
0x4c: {  	s8 =	sadd.s32 s0, s9;
	s9 =	simm.s32 $0xC400;
	s25 =	sand.u32 $0xFFFFF80, s4  }
0x4d: {  	[tilespmem:s9], [sflag:$0x1] =	stream.strided.gather [hbm4b:s8+s11], $0x1000, s14, s11, $0x38;
	[tilespmem:$0x18680] =	vst v63  }
0x4e: {  	s9 =	spop (v2sf);
	s8 =	sadd.s32 s0, s25;
	s25 =	simm.s32 $0xD400  }
0x4f: {  	[tilespmem:s25], [sflag:$0x1] =	stream.strided.gather [hbm4b:s8+s11], $0x1000, s14, s11, $0x38;
	[tilespmem:$0x18680] =	vst v63  }
0x50: {  	s25 =	sand.u32 $0xFFFFF80, s9  }
0x51: {  	s29 =	simm.s32 $0xE400;
	s25 =	sadd.s32 s0, s25;
	s8 =	spop (v2sf)  }
0x52: {  	[tilespmem:s29], [sflag:$0x1] =	stream.strided.gather [hbm4b:s25+s11], $0x1000, s14, s11, $0x38;
	[tilespmem:$0x18680] =	vst v63  }
0x53: {  	s25 =	sand.u32 $0xFFFFF80, s8  }
0x54: {  	s29 =	simm.s32 $0xF400;
	s25 =	sadd.s32 s0, s25  }
0x55: {  	[tilespmem:s29], [sflag:$0x1] =	stream.strided.gather [hbm4b:s25+s11], $0x1000, s14, s11, $0x38;
	[tilespmem:$0x18680] =	vst v63  }
0x56: {  	_ =	swait.ge [sflag:s31], $0x1000  }
0x57: {  	[sflag:s31] =	ssyncset.done $0x0  }
0x58: {  	[sflag:s31] =	ssyncadd.s32 $0xFFFFF000  }
0x59: {  	_ =	swait.ge [sflag:s31], $0x1000  }
0x5a: {  	[sflag:s31] =	ssyncset.done $0x0  }
0x5b: {  	[sflag:s31] =	ssyncadd.s32 $0xFFFFF000  }
0x5c: {  	_ =	swait.ge [sflag:s31], $0x1000  }
0x5d: {  	[sflag:s31] =	ssyncset.done $0x0  }
0x5e: {  	[sflag:s31] =	ssyncadd.s32 $0xFFFFF000  }
0x5f: {  	_ =	swait.ge [sflag:s31], $0x1000  }
0x60: {  	[sflag:s31] =	ssyncset.done $0x0  }
0x61: {  	[sflag:s31] =	ssyncadd.s32 $0xFFFFF000  }
0x62: {  	_ =	swait.ge [sflag:s31], $0x1000  }
0x63: {  	[sflag:s31] =	ssyncset.done $0x0  }
0x64: {  	[sflag:s31] =	ssyncadd.s32 $0xFFFFF000  }
0x65: {  	_ =	swait.ge [sflag:s31], $0x1000  }
0x66: {  	[sflag:s31] =	ssyncset.done $0x0  }
0x67: {  	[sflag:s31] =	ssyncadd.s32 $0xFFFFF000  }
0x68: {  	_ =	swait.ge [sflag:s31], $0x1000  }
0x69: {  	[sflag:s31] =	ssyncset.done $0x0  }
0x6a: {  	[sflag:s31] =	ssyncadd.s32 $0xFFFFF000  }
0x6b: {  	_ =	swait.ge [sflag:s31], $0x1000  }
0x6c: {  	[sflag:s31] =	ssyncset.done $0x0  }
0x6d: {  	[sflag:s31] =	ssyncadd.s32 $0xFFFFF000  }
0x6e: {  	_ =	swait.ge [sflag:s31], $0x1000  }
0x6f: {  	[sflag:s31] =	ssyncset.done $0x0  }
0x70: {  	[sflag:s31] =	ssyncadd.s32 $0xFFFFF000  }
0x71: {  	_ =	swait.ge [sflag:s31], $0x1000  }
0x72: {  	[sflag:s31] =	ssyncset.done $0x0  }
0x73: {  	[sflag:s31] =	ssyncadd.s32 $0xFFFFF000  }
0x74: {  	_ =	swait.ge [sflag:s31], $0x1000  }
0x75: {  	[sflag:s31] =	ssyncset.done $0x0  }
0x76: {  	[sflag:s31] =	ssyncadd.s32 $0xFFFFF000  }
0x77: {  	_ =	swait.ge [sflag:s31], $0x1000  }
0x78: {  	[sflag:s31] =	ssyncset.done $0x0  }
0x79: {  	[sflag:s31] =	ssyncadd.s32 $0xFFFFF000  }
0x7a: {  	_ =	swait.ge [sflag:s31], $0x1000  }
0x7b: {  	[sflag:s31] =	ssyncset.done $0x0  }
0x7c: {  	[sflag:s31] =	ssyncadd.s32 $0xFFFFF000  }
0x7d: {  	_ =	swait.ge [sflag:s31], $0x1000  }
0x7e: {  	[sflag:s31] =	ssyncset.done $0x0  }
0x7f: {  	[sflag:s31] =	ssyncadd.s32 $0xFFFFF000  }
0x80: {  	s24 =	sand.u32 $0x7F, s24;
	_ =	swait.ge [sflag:s31], $0x1000  }
0x81: {  	v5 =	vor.u32 s24, v1;
	s25 =	sadd.s32 $0xFFFFFFF1, s6;
	[sflag:s31] =	ssyncset.done $0x0  }
0x82: {  	v6 =	vmov s25;
	[sflag:s31] =	ssyncadd.s32 $0xFFFFF000  }
0x83: {  	v7 =	vshll.u32 v6, $0x3;
	_ =	swait.ge [sflag:s31], $0x1000  }
0x84: {  	v6 =	vand.u32 $0x70, v6;
	v7 =	vand.u32 $0xC00, v7;
	[sflag:s31] =	ssyncset.done $0x0  }
0x85: {  	v6 =	vor.u32 v6, v7;
	[sflag:s31] =	ssyncadd.s32 $0xFFFFF000  }
0x86: {  	v7 =	vld.idx.msk [tilespmem:v5+s11+$0x0], $0xffff;
	v5 =	vor.u32 v2, v6  }
0x87: {  	v8 =	vor.u32 s24, v3;
	_ =	sdelay $0x3  }
0x88: {  	[tilespmem:v5+s3+$0x0] =	vst.idx.msk $0xffff, v7  }
0x89: {  	s23 =	sand.u32 $0x7F, s23;
	v6 =	vor.u32 v4, v6;
	v7 =	vld.idx.msk [tilespmem:v8+s11+$0x0], $0xffff  }
0x8a: {  	v56 =	vor.u32 s23, v1;
	s25 =	sadd.s32 $0xFFFFFFF2, s6  }
0x8b: {  	v9 =	vmov s25  }
0x8c: {  	v10 =	vshll.u32 v9, $0x3  }
0x8d: {  	v9 =	vand.u32 $0x71, v9;
	v10 =	vand.u32 $0xC00, v10  }
0x8e: {  	s25 =	simm.s32 $0x1400;
	v9 =	vor.u32 v9, v10;
	[tilespmem:v6+s3+$0x0] =	vst.idx.msk $0xffff, v7  }
0x8f: {  	v7 =	vor.u32 v2, v9;
	v8 =	vld.idx.msk [tilespmem:v56+s25+$0x0], $0xffff  }
0x90: {  	v57 =	vor.u32 s23, v3;
	_ =	sdelay $0x3  }
0x91: {  	s25 =	simm.s32 $0x1400;
	[tilespmem:v7+s3+$0x0] =	vst.idx.msk $0xffff, v8  }
0x92: {  	s22 =	sand.u32 $0x7F, s22;
	v8 =	vor.u32 v4, v9;
	v10 =	vld.idx.msk [tilespmem:v57+s25+$0x0], $0xffff  }
0x93: {  	v58 =	vor.u32 s22, v1;
	s24 =	sadd.s32 $0xFFFFFFF3, s6  }
0x94: {  	v11 =	vmov s24  }
0x95: {  	v12 =	vshll.u32 v11, $0x3  }
0x96: {  	v11 =	vand.u32 $0x72, v11;
	v12 =	vand.u32 $0xC00, v12  }
0x97: {  	v59 =	vor.u32 v11, v12;
	s28 =	simm.s32 $0x2400;
	[tilespmem:v8+s3+$0x0] =	vst.idx.msk $0xffff, v10  }
0x98: {  	v9 =	vor.u32 v2, v59;
	v60 =	vld.idx.msk [tilespmem:v58+s28+$0x0], $0xffff  }
0x99: {  	v61 =	vor.u32 s22, v3;
	_ =	sdelay $0x3  }
0x9a: {  	[tilespmem:v9+s3+$0x0] =	vst.idx.msk $0xffff, v60  }
0x9b: {  	s21 =	sand.u32 $0x7F, s21;
	v10 =	vor.u32 v4, v59;
	v11 =	vld.idx.msk [tilespmem:v61+s28+$0x0], $0xffff  }
0x9c: {  	v62 =	vor.u32 s21, v1;
	s25 =	sadd.s32 $0xFFFFFFF4, s6  }
0x9d: {  	v37 =	vmov s25  }
0x9e: {  	v38 =	vshll.u32 v37, $0x3  }
0x9f: {  	v37 =	vand.u32 $0x73, v37;
	v38 =	vand.u32 $0xC00, v38  }
0xa0: {  	s29 =	simm.s32 $0x3400;
	v63 =	vor.u32 v37, v38;
	[tilespmem:v10+s3+$0x0] =	vst.idx.msk $0xffff, v11  }
0xa1: {  	v37 =	vor.u32 v2, v63;
	v12 =	vld.idx.msk [tilespmem:v62+s29+$0x0], $0xffff  }
0xa2: {  	v16 =	vor.u32 s21, v3;
	_ =	sdelay $0x3  }
0xa3: {  	[tilespmem:v37+s3+$0x0] =	vst.idx.msk $0xffff, v12  }
0xa4: {  	s20 =	sand.u32 $0x7F, s20;
	v38 =	vor.u32 v4, v63;
	v12 =	vld.idx.msk [tilespmem:v16+s29+$0x0], $0xffff  }
0xa5: {  	s23 =	sadd.s32 $0xFFFFFFF5, s6;
	v17 =	vor.u32 s20, v1  }
0xa6: {  	v39 =	vmov s23  }
0xa7: {  	v40 =	vshll.u32 v39, $0x3  }
0xa8: {  	v39 =	vand.u32 $0x74, v39;
	v40 =	vand.u32 $0xC00, v40  }
0xa9: {  	v18 =	vor.u32 v39, v40;
	s24 =	simm.s32 $0x4400;
	[tilespmem:v38+s3+$0x0] =	vst.idx.msk $0xffff, v12  }
0xaa: {  	v39 =	vor.u32 v2, v18;
	v11 =	vld.idx.msk [tilespmem:v17+s24+$0x0], $0xffff  }
0xab: {  	v19 =	vor.u32 s20, v3;
	_ =	sdelay $0x3  }
0xac: {  	s25 =	simm.s32 $0x4400;
	[tilespmem:v39+s3+$0x0] =	vst.idx.msk $0xffff, v11  }
0xad: {  	s19 =	sand.u32 $0x7F, s19;
	v40 =	vor.u32 v4, v18;
	v11 =	vld.idx.msk [tilespmem:v19+s25+$0x0], $0xffff  }
0xae: {  	s21 =	sadd.s32 $0xFFFFFFF6, s6;
	v20 =	vor.u32 s19, v1  }
0xaf: {  	v41 =	vmov s21  }
0xb0: {  	v42 =	vshll.u32 v41, $0x3  }
0xb1: {  	v41 =	vand.u32 $0x75, v41;
	v42 =	vand.u32 $0xC00, v42  }
0xb2: {  	s22 =	simm.s32 $0x5400;
	v21 =	vor.u32 v41, v42;
	[tilespmem:v40+s3+$0x0] =	vst.idx.msk $0xffff, v11  }
0xb3: {  	v41 =	vor.u32 v2, v21;
	v12 =	vld.idx.msk [tilespmem:v20+s22+$0x0], $0xffff  }
0xb4: {  	v22 =	vor.u32 s19, v3;
	_ =	sdelay $0x3  }
0xb5: {  	s23 =	simm.s32 $0x5400;
	[tilespmem:v41+s3+$0x0] =	vst.idx.msk $0xffff, v12  }
0xb6: {  	v42 =	vor.u32 v4, v21;
	s18 =	sand.u32 $0x7F, s18;
	v12 =	vld.idx.msk [tilespmem:v22+s23+$0x0], $0xffff  }
0xb7: {  	v23 =	vor.u32 s18, v1;
	s24 =	sadd.s32 $0xFFFFFFF7, s6  }
0xb8: {  	v43 =	vmov s24  }
0xb9: {  	v44 =	vshll.u32 v43, $0x3  }
0xba: {  	v43 =	vand.u32 $0x76, v43;
	v44 =	vand.u32 $0xC00, v44  }
0xbb: {  	s26 =	simm.s32 $0x6400;
	v48 =	vor.u32 v43, v44;
	[tilespmem:v42+s3+$0x0] =	vst.idx.msk $0xffff, v12  }
0xbc: {  	v43 =	vor.u32 v2, v48;
	v11 =	vld.idx.msk [tilespmem:v23+s26+$0x0], $0xffff  }
0xbd: {  	v49 =	vor.u32 s18, v3;
	_ =	sdelay $0x3  }
0xbe: {  	[tilespmem:v43+s3+$0x0] =	vst.idx.msk $0xffff, v11  }
0xbf: {  	s17 =	sand.u32 $0x7F, s17;
	v44 =	vor.u32 v4, v48;
	v11 =	vld.idx.msk [tilespmem:v49+s26+$0x0], $0xffff  }
0xc0: {  	v50 =	vor.u32 s17, v1;
	s25 =	sadd.s32 $0xFFFFFFF8, s6  }
0xc1: {  	v45 =	vmov s25  }
0xc2: {  	v46 =	vshll.u32 v45, $0x3  }
0xc3: {  	v45 =	vand.u32 $0x77, v45;
	v46 =	vand.u32 $0xC00, v46  }
0xc4: {  	v51 =	vor.u32 v45, v46;
	s26 =	simm.s32 $0x7400;
	[tilespmem:v44+s3+$0x0] =	vst.idx.msk $0xffff, v11  }
0xc5: {  	v45 =	vor.u32 v2, v51;
	v12 =	vld.idx.msk [tilespmem:v50+s26+$0x0], $0xffff  }
0xc6: {  	v52 =	vor.u32 s17, v3;
	_ =	sdelay $0x3  }
0xc7: {  	s19 =	simm.s32 $0x7400;
	[tilespmem:v45+s3+$0x0] =	vst.idx.msk $0xffff, v12  }
0xc8: {  	s16 =	sand.u32 $0x7F, s16;
	v46 =	vor.u32 v4, v51;
	v12 =	vld.idx.msk [tilespmem:v52+s19+$0x0], $0xffff  }
0xc9: {  	s20 =	sadd.s32 $0xFFFFFFF9, s6;
	v53 =	vor.u32 s16, v1  }
0xca: {  	v47 =	vmov s20  }
0xcb: {  	v48 =	vshll.u32 v47, $0x3  }
0xcc: {  	v47 =	vand.u32 $0x78, v47;
	v48 =	vand.u32 $0xC00, v48  }
0xcd: {  	s21 =	simm.s32 $0x8400;
	v54 =	vor.u32 v47, v48;
	[tilespmem:v46+s3+$0x0] =	vst.idx.msk $0xffff, v12  }
0xce: {  	v47 =	vor.u32 v2, v54;
	v11 =	vld.idx.msk [tilespmem:v53+s21+$0x0], $0xffff  }
0xcf: {  	v55 =	vor.u32 s16, v3;
	_ =	sdelay $0x3  }
0xd0: {  	s22 =	simm.s32 $0x8400;
	[tilespmem:v47+s3+$0x0] =	vst.idx.msk $0xffff, v11  }
0xd1: {  	s15 =	sand.u32 $0x7F, s15;
	v48 =	vor.u32 v4, v54;
	v11 =	vld.idx.msk [tilespmem:v55+s22+$0x0], $0xffff  }
0xd2: {  	v56 =	vor.u32 s15, v1;
	s23 =	sadd.s32 $0xFFFFFFFA, s6  }
0xd3: {  	v49 =	vmov s23  }
0xd4: {  	v50 =	vshll.u32 v49, $0x3  }
0xd5: {  	v49 =	vand.u32 $0x79, v49;
	v50 =	vand.u32 $0xC00, v50  }
0xd6: {  	s24 =	simm.s32 $0x9400;
	v57 =	vor.u32 v49, v50;
	[tilespmem:v48+s3+$0x0] =	vst.idx.msk $0xffff, v11  }
0xd7: {  	v49 =	vor.u32 v2, v57;
	v12 =	vld.idx.msk [tilespmem:v56+s24+$0x0], $0xffff  }
0xd8: {  	v58 =	vor.u32 s15, v3;
	_ =	sdelay $0x3  }
0xd9: {  	s25 =	simm.s32 $0x9400;
	[tilespmem:v49+s3+$0x0] =	vst.idx.msk $0xffff, v12  }
0xda: {  	s13 =	sand.u32 $0x7F, s13;
	v50 =	vor.u32 v4, v57;
	v12 =	vld.idx.msk [tilespmem:v58+s25+$0x0], $0xffff  }
0xdb: {  	v59 =	vor.u32 s13, v1;
	s26 =	sadd.s32 $0xFFFFFFFB, s6  }
0xdc: {  	v51 =	vmov s26  }
0xdd: {  	v52 =	vshll.u32 v51, $0x3  }
0xde: {  	v51 =	vand.u32 $0x7A, v51;
	v52 =	vand.u32 $0xC00, v52  }
0xdf: {  	v60 =	vor.u32 v51, v52;
	[tilespmem:v50+s3+$0x0] =	vst.idx.msk $0xffff, v12  }
0xe0: {  	v51 =	vor.u32 v2, v60;
	v11 =	vld.idx.msk [tilespmem:v59+s30+$0x0], $0xffff  }
0xe1: {  	v61 =	vor.u32 s13, v3;
	_ =	sdelay $0x3  }
0xe2: {  	[tilespmem:v51+s3+$0x0] =	vst.idx.msk $0xffff, v11  }
0xe3: {  	s10 =	sand.u32 $0x7F, s10;
	v52 =	vor.u32 v4, v60;
	v11 =	vld.idx.msk [tilespmem:v61+s30+$0x0], $0xffff  }
0xe4: {  	s15 =	sadd.s32 $0xFFFFFFFC, s6;
	v62 =	vor.u32 s10, v1  }
0xe5: {  	v53 =	vmov s15  }
0xe6: {  	v54 =	vshll.u32 v53, $0x3  }
0xe7: {  	v53 =	vand.u32 $0x7B, v53;
	v54 =	vand.u32 $0xC00, v54  }
0xe8: {  	s16 =	simm.s32 $0xB400;
	v63 =	vor.u32 v53, v54;
	[tilespmem:v52+s3+$0x0] =	vst.idx.msk $0xffff, v11  }
0xe9: {  	v53 =	vor.u32 v2, v63;
	v12 =	vld.idx.msk [tilespmem:v62+s16+$0x0], $0xffff  }
0xea: {  	v15 =	vor.u32 s10, v3;
	_ =	sdelay $0x3  }
0xeb: {  	s17 =	simm.s32 $0xB400;
	[tilespmem:v53+s3+$0x0] =	vst.idx.msk $0xffff, v12  }
0xec: {  	s18 =	sand.u32 $0x7F, s12;
	v54 =	vor.u32 v4, v63;
	v12 =	vld.idx.msk [tilespmem:v15+s17+$0x0], $0xffff  }
0xed: {  	v16 =	vor.u32 s18, v1;
	s19 =	sadd.s32 $0xFFFFFFFD, s6  }
0xee: {  	v55 =	vmov s19  }
0xef: {  	v56 =	vshll.u32 v55, $0x3  }
0xf0: {  	v55 =	vand.u32 $0x7C, v55;
	v56 =	vand.u32 $0xC00, v56  }
0xf1: {  	s20 =	simm.s32 $0xC400;
	v17 =	vor.u32 v55, v56;
	[tilespmem:v54+s3+$0x0] =	vst.idx.msk $0xffff, v12  }
0xf2: {  	v55 =	vor.u32 v2, v17;
	v11 =	vld.idx.msk [tilespmem:v16+s20+$0x0], $0xffff  }
0xf3: {  	v18 =	vor.u32 s18, v3;
	_ =	sdelay $0x3  }
0xf4: {  	s21 =	simm.s32 $0xC400;
	[tilespmem:v55+s3+$0x0] =	vst.idx.msk $0xffff, v11  }
0xf5: {  	s4 =	sand.u32 $0x7F, s4;
	v56 =	vor.u32 v4, v17;
	v11 =	vld.idx.msk [tilespmem:v18+s21+$0x0], $0xffff  }
0xf6: {  	v19 =	vor.u32 s4, v1;
	s22 =	sadd.s32 $0xFFFFFFFE, s6  }
0xf7: {  	v57 =	vmov s22  }
0xf8: {  	v58 =	vshll.u32 v57, $0x3  }
0xf9: {  	v57 =	vand.u32 $0x7D, v57;
	v58 =	vand.u32 $0xC00, v58  }
0xfa: {  	s23 =	simm.s32 $0xD400;
	v20 =	vor.u32 v57, v58;
	[tilespmem:v56+s3+$0x0] =	vst.idx.msk $0xffff, v11  }
0xfb: {  	v57 =	vor.u32 v2, v20;
	v12 =	vld.idx.msk [tilespmem:v19+s23+$0x0], $0xffff  }
0xfc: {  	v21 =	vor.u32 s4, v3;
	_ =	sdelay $0x3  }
0xfd: {  	s24 =	simm.s32 $0xD400;
	[tilespmem:v57+s3+$0x0] =	vst.idx.msk $0xffff, v12  }
0xfe: {  	s25 =	sand.u32 $0x7F, s9;
	v58 =	vor.u32 v4, v20;
	v12 =	vld.idx.msk [tilespmem:v21+s24+$0x0], $0xffff  }
0xff: {  	s26 =	sadd.s32 $0xFFFFFFFF, s6;
	v22 =	vor.u32 s25, v1  }
0x100: {  	v59 =	vmov s26  }
0x101: {  	v60 =	vshll.u32 v59, $0x3  }
0x102: {  	v59 =	vand.u32 $0x7E, v59;
	v60 =	vand.u32 $0xC00, v60  }
0x103: {  	s10 =	simm.s32 $0xE400;
	v23 =	vor.u32 v59, v60;
	[tilespmem:v58+s3+$0x0] =	vst.idx.msk $0xffff, v12  }
0x104: {  	v59 =	vor.u32 v2, v23;
	v11 =	vld.idx.msk [tilespmem:v22+s10+$0x0], $0xffff  }
0x105: {  	v15 =	vor.u32 s25, v3;
	_ =	sdelay $0x3  }
0x106: {  	s12 =	simm.s32 $0xE400;
	[tilespmem:v59+s3+$0x0] =	vst.idx.msk $0xffff, v11  }
0x107: {  	s13 =	sand.u32 $0x7F, s8;
	v16 =	vor.u32 v4, v23;
	v11 =	vld.idx.msk [tilespmem:v15+s12+$0x0], $0xffff  }
0x108: {  	v17 =	vor.u32 s13, v1  }
0x109: {  	v61 =	vmov s6  }
0x10a: {  	v62 =	vshll.u32 v61, $0x3  }
0x10b: {  	v61 =	vand.u32 $0x7F, v61;
	v62 =	vand.u32 $0xC00, v62  }
0x10c: {  	s15 =	simm.s32 $0xF400;
	v18 =	vor.u32 v61, v62;
	[tilespmem:v16+s3+$0x0] =	vst.idx.msk $0xffff, v11  }
0x10d: {  	v61 =	vor.u32 v2, v18;
	v12 =	vld.idx.msk [tilespmem:v17+s15+$0x0], $0xffff  }
0x10e: {  	v19 =	vor.u32 s13, v3;
	_ =	sdelay $0x3  }
0x10f: {  	s16 =	simm.s32 $0xF400;
	[tilespmem:v61+s3+$0x0] =	vst.idx.msk $0xffff, v12  }
0x110: {  	v20 =	vor.u32 v4, v18;
	v12 =	vld.idx.msk [tilespmem:v19+s16+$0x0], $0xffff;
	_ =	sdelay $0x4  }
0x111: {  	[tilespmem:v20+s3+$0x0] =	vst.idx.msk $0xffff, v12  }
0x112: {  	v21 =	vld [tilespmem:s5+$0x0];
	_ =	sdelay $0x4  }
0x113: {  	(v2sf) =	vpush v21, $0x0;
	_ =	sdelay $0x1  }
0x114: {  	(v2sf) =	vpush v21, $0x1;
	_ =	sdelay $0x1  }
0x115: {  	(v2sf) =	vpush v21, $0x2;
	_ =	sdelay $0x2  }
0x116: {  	(v2sf) =	vpush v21, $0x3;
	_ =	sdelay $0x1  }
0x117: {  	(v2sf) =	vpush v21, $0x4;
	_ =	sdelay $0x3  }
0x118: {  	(v2sf) =	vpush v21, $0x5;
	_ =	sdelay $0x1  }
0x119: {  	s24 =	spop (v2sf);
	(v2sf) =	vpush v21, $0x6;
	_ =	sdelay $0x1  }
0x11a: {  	s23 =	spop (v2sf);
	(v2sf) =	vpush v21, $0x7;
	_ =	sdelay $0x1  }
0x11b: {  	s17 =	sand.u32 $0xFFFFF80, s24;
	s22 =	spop (v2sf);
	(v2sf) =	vpush v21, $0x8  }
0x11c: {  	s19 =	simm.s32 $0x1400;
	s4 =	sadd.s32 s1, s17;
	s18 =	sand.u32 $0xFFFFF80, s23  }
0x11d: {  	[tilespmem:s11], [sflag:$0x1] =	stream.strided.gather [hbm4b:s4+s11], $0x1000, s14, s11, $0x38;
	[tilespmem:$0x18680] =	vst v63  }
0x11e: {  	s4 =	sadd.s32 s1, s18;
	s20 =	sand.u32 $0xFFFFF80, s22;
	s21 =	spop (v2sf);
	(v2sf) =	vpush v21, $0x9  }
0x11f: {  	[tilespmem:s19], [sflag:$0x1] =	stream.strided.gather [hbm4b:s4+s11], $0x1000, s14, s11, $0x38;
	[tilespmem:$0x18680] =	vst v63  }
0x120: {  	s4 =	sadd.s32 s1, s20;
	s20 =	spop (v2sf);
	(v2sf) =	vpush v21, $0xA  }
0x121: {  	s28 =	simm.s32 $0x6400  }
0x122: {  	s9 =	simm.s32 $0x4400;
	s26 =	simm.s32 $0x2400;
	s25 =	sand.u32 $0xFFFFF80, s21  }
0x123: {  	[tilespmem:s26], [sflag:$0x1] =	stream.strided.gather [hbm4b:s4+s11], $0x1000, s14, s11, $0x38;
	[tilespmem:$0x18680] =	vst v63  }
0x124: {  	s8 =	sand.u32 $0xFFFFF80, s20;
	s19 =	spop (v2sf);
	s4 =	sadd.s32 s1, s25  }
0x125: {  	[tilespmem:s29], [sflag:$0x1] =	stream.strided.gather [hbm4b:s4+s11], $0x1000, s14, s11, $0x38;
	[tilespmem:$0x18680] =	vst v63  }
0x126: {  	s10 =	sand.u32 $0xFFFFF80, s19;
	s4 =	sadd.s32 s1, s8;
	s18 =	spop (v2sf);
	(v2sf) =	vpush v21, $0xB  }
0x127: {  	[tilespmem:s9], [sflag:$0x1] =	stream.strided.gather [hbm4b:s4+s11], $0x1000, s14, s11, $0x38;
	[tilespmem:$0x18680] =	vst v63  }
0x128: {  	s12 =	simm.s32 $0x5400;
	s4 =	sadd.s32 s1, s10;
	s17 =	spop (v2sf);
	(v2sf) =	vpush v21, $0xC  }
0x129: {  	[tilespmem:s12], [sflag:$0x1] =	stream.strided.gather [hbm4b:s4+s11], $0x1000, s14, s11, $0x38;
	[tilespmem:$0x18680] =	vst v63  }
0x12a: {  	s25 =	simm.s32 $0x7400;
	s13 =	sand.u32 $0xFFFFF80, s18;
	s16 =	spop (v2sf);
	(v2sf) =	vpush v21, $0xD  }
0x12b: {  	s9 =	simm.s32 $0x8400;
	s4 =	sadd.s32 s1, s13;
	s15 =	sand.u32 $0xFFFFF80, s17  }
0x12c: {  	[tilespmem:s28], [sflag:$0x1] =	stream.strided.gather [hbm4b:s4+s11], $0x1000, s14, s11, $0x38;
	[tilespmem:$0x18680] =	vst v63  }
0x12d: {  	s4 =	sadd.s32 s1, s15;
	s8 =	sand.u32 $0xFFFFF80, s16;
	s15 =	spop (v2sf);
	(v2sf) =	vpush v21, $0xE  }
0x12e: {  	[tilespmem:s25], [sflag:$0x1] =	stream.strided.gather [hbm4b:s4+s11], $0x1000, s14, s11, $0x38;
	[tilespmem:$0x18680] =	vst v63  }
0x12f: {  	s10 =	sand.u32 $0xFFFFF80, s15;
	s4 =	sadd.s32 s1, s8;
	s13 =	spop (v2sf)  }
0x130: {  	(v2sf) =	vpush v21, $0xF;
	[tilespmem:s9], [sflag:$0x1] =	stream.strided.gather [hbm4b:s4+s11], $0x1000, s14, s11, $0x38;
	[tilespmem:$0x18680] =	vst v63  }
0x131: {  	s12 =	simm.s32 $0x9400;
	s25 =	sand.u32 $0xFFFFF80, s13;
	s4 =	sadd.s32 s1, s10  }
0x132: {  	[tilespmem:s12], [sflag:$0x1] =	stream.strided.gather [hbm4b:s4+s11], $0x1000, s14, s11, $0x38;
	[tilespmem:$0x18680] =	vst v63  }
0x133: {  	s4 =	sadd.s32 s1, s25  }
0x134: {  	[tilespmem:s30], [sflag:$0x1] =	stream.strided.gather [hbm4b:s4+s11], $0x1000, s14, s11, $0x38;
	[tilespmem:$0x18680] =	vst v63  }
0x135: {  	s12 =	spop (v2sf)  }
0x136: {  	s8 =	sand.u32 $0xFFFFF80, s12  }
0x137: {  	s9 =	simm.s32 $0xB400;
	s10 =	spop (v2sf);
	s4 =	sadd.s32 s1, s8  }
0x138: {  	[tilespmem:s9], [sflag:$0x1] =	stream.strided.gather [hbm4b:s4+s11], $0x1000, s14, s11, $0x38;
	[tilespmem:$0x18680] =	vst v63  }
0x139: {  	s25 =	sand.u32 $0xFFFFF80, s10;
	s9 =	spop (v2sf)  }
0x13a: {  	s30 =	simm.s32 $0xC400;
	s4 =	sadd.s32 s1, s25;
	s25 =	sand.u32 $0xFFFFF80, s9  }
0x13b: {  	[tilespmem:s30], [sflag:$0x1] =	stream.strided.gather [hbm4b:s4+s11], $0x1000, s14, s11, $0x38;
	[tilespmem:$0x18680] =	vst v63  }
0x13c: {  	s8 =	spop (v2sf);
	s4 =	sadd.s32 s1, s25;
	s30 =	simm.s32 $0xD400  }
0x13d: {  	[tilespmem:s30], [sflag:$0x1] =	stream.strided.gather [hbm4b:s4+s11], $0x1000, s14, s11, $0x38;
	[tilespmem:$0x18680] =	vst v63  }
0x13e: {  	s30 =	sand.u32 $0xFFFFF80, s8  }
0x13f: {  	s4 =	spop (v2sf);
	s25 =	sadd.s32 s1, s30;
	s30 =	simm.s32 $0xE400  }
0x140: {  	[tilespmem:s30], [sflag:$0x1] =	stream.strided.gather [hbm4b:s25+s11], $0x1000, s14, s11, $0x38;
	[tilespmem:$0x18680] =	vst v63  }
0x141: {  	s30 =	sand.u32 $0xFFFFF80, s4  }
0x142: {  	s25 =	sadd.s32 s1, s30;
	s30 =	simm.s32 $0xF400  }
0x143: {  	[tilespmem:s30], [sflag:$0x1] =	stream.strided.gather [hbm4b:s25+s11], $0x1000, s14, s11, $0x38;
	[tilespmem:$0x18680] =	vst v63  }
0x144: {  	_ =	swait.ge [sflag:s31], $0x1000  }
0x145: {  	[sflag:s31] =	ssyncset.done $0x0  }
0x146: {  	[sflag:s31] =	ssyncadd.s32 $0xFFFFF000  }
0x147: {  	_ =	swait.ge [sflag:s31], $0x1000  }
0x148: {  	[sflag:s31] =	ssyncset.done $0x0  }
0x149: {  	[sflag:s31] =	ssyncadd.s32 $0xFFFFF000  }
0x14a: {  	_ =	swait.ge [sflag:s31], $0x1000  }
0x14b: {  	[sflag:s31] =	ssyncset.done $0x0  }
0x14c: {  	[sflag:s31] =	ssyncadd.s32 $0xFFFFF000  }
0x14d: {  	_ =	swait.ge [sflag:s31], $0x1000  }
0x14e: {  	[sflag:s31] =	ssyncset.done $0x0  }
0x14f: {  	[sflag:s31] =	ssyncadd.s32 $0xFFFFF000  }
0x150: {  	_ =	swait.ge [sflag:s31], $0x1000  }
0x151: {  	[sflag:s31] =	ssyncset.done $0x0  }
0x152: {  	[sflag:s31] =	ssyncadd.s32 $0xFFFFF000  }
0x153: {  	_ =	swait.ge [sflag:s31], $0x1000  }
0x154: {  	[sflag:s31] =	ssyncset.done $0x0  }
0x155: {  	[sflag:s31] =	ssyncadd.s32 $0xFFFFF000  }
0x156: {  	_ =	swait.ge [sflag:s31], $0x1000  }
0x157: {  	[sflag:s31] =	ssyncset.done $0x0  }
0x158: {  	[sflag:s31] =	ssyncadd.s32 $0xFFFFF000  }
0x159: {  	_ =	swait.ge [sflag:s31], $0x1000  }
0x15a: {  	[sflag:s31] =	ssyncset.done $0x0  }
0x15b: {  	[sflag:s31] =	ssyncadd.s32 $0xFFFFF000  }
0x15c: {  	_ =	swait.ge [sflag:s31], $0x1000  }
0x15d: {  	[sflag:s31] =	ssyncset.done $0x0  }
0x15e: {  	[sflag:s31] =	ssyncadd.s32 $0xFFFFF000  }
0x15f: {  	_ =	swait.ge [sflag:s31], $0x1000  }
0x160: {  	[sflag:s31] =	ssyncset.done $0x0  }
0x161: {  	[sflag:s31] =	ssyncadd.s32 $0xFFFFF000  }
0x162: {  	_ =	swait.ge [sflag:s31], $0x1000  }
0x163: {  	[sflag:s31] =	ssyncset.done $0x0  }
0x164: {  	[sflag:s31] =	ssyncadd.s32 $0xFFFFF000  }
0x165: {  	_ =	swait.ge [sflag:s31], $0x1000  }
0x166: {  	[sflag:s31] =	ssyncset.done $0x0  }
0x167: {  	[sflag:s31] =	ssyncadd.s32 $0xFFFFF000  }
0x168: {  	_ =	swait.ge [sflag:s31], $0x1000  }
0x169: {  	[sflag:s31] =	ssyncset.done $0x0  }
0x16a: {  	[sflag:s31] =	ssyncadd.s32 $0xFFFFF000  }
0x16b: {  	_ =	swait.ge [sflag:s31], $0x1000  }
0x16c: {  	[sflag:s31] =	ssyncset.done $0x0  }
0x16d: {  	[sflag:s31] =	ssyncadd.s32 $0xFFFFF000  }
0x16e: {  	s24 =	sand.u32 $0x7F, s24;
	_ =	swait.ge [sflag:s31], $0x1000  }
0x16f: {  	v22 =	vor.u32 s24, v1;
	[sflag:s31] =	ssyncset.done $0x0  }
0x170: {  	[sflag:s31] =	ssyncadd.s32 $0xFFFFF000  }
0x171: {  	_ =	swait.ge [sflag:s31], $0x1000  }
0x172: {  	[sflag:s31] =	ssyncset.done $0x0  }
0x173: {  	[sflag:s31] =	ssyncadd.s32 $0xFFFFF000  }
0x174: {  	v11 =	vld.idx.msk [tilespmem:v22+s11+$0x0], $0xffff  }
0x175: {  	v23 =	vor.u32 s24, v3;
	_ =	sdelay $0x3  }
0x176: {  	[tilespmem:v5+s2+$0x0] =	vst.idx.msk $0xffff, v11  }
0x177: {  	s23 =	sand.u32 $0x7F, s23;
	v5 =	vld.idx.msk [tilespmem:v23+s11+$0x0], $0xffff  }
0x178: {  	v63 =	vor.u32 s23, v1;
	_ =	sdelay $0x3  }
0x179: {  	s25 =	simm.s32 $0x1400;
	[tilespmem:v6+s2+$0x0] =	vst.idx.msk $0xffff, v5  }
0x17a: {  	v5 =	vld.idx.msk [tilespmem:v63+s25+$0x0], $0xffff  }
0x17b: {  	v6 =	vor.u32 s23, v3;
	_ =	sdelay $0x3  }
0x17c: {  	[tilespmem:v7+s2+$0x0] =	vst.idx.msk $0xffff, v5  }
0x17d: {  	s22 =	sand.u32 $0x7F, s22;
	v5 =	vld.idx.msk [tilespmem:v6+s25+$0x0], $0xffff  }
0x17e: {  	v6 =	vor.u32 s22, v1;
	_ =	sdelay $0x3  }
0x17f: {  	[tilespmem:v8+s2+$0x0] =	vst.idx.msk $0xffff, v5  }
0x180: {  	v5 =	vld.idx.msk [tilespmem:v6+s26+$0x0], $0xffff  }
0x181: {  	v6 =	vor.u32 s22, v3;
	_ =	sdelay $0x3  }
0x182: {  	[tilespmem:v9+s2+$0x0] =	vst.idx.msk $0xffff, v5  }
0x183: {  	s21 =	sand.u32 $0x7F, s21;
	v5 =	vld.idx.msk [tilespmem:v6+s26+$0x0], $0xffff  }
0x184: {  	v6 =	vor.u32 s21, v1;
	_ =	sdelay $0x3  }
0x185: {  	[tilespmem:v10+s2+$0x0] =	vst.idx.msk $0xffff, v5  }
0x186: {  	v5 =	vld.idx.msk [tilespmem:v6+s29+$0x0], $0xffff  }
0x187: {  	v6 =	vor.u32 s21, v3;
	_ =	sdelay $0x3  }
0x188: {  	[tilespmem:v37+s2+$0x0] =	vst.idx.msk $0xffff, v5  }
0x189: {  	s20 =	sand.u32 $0x7F, s20;
	v5 =	vld.idx.msk [tilespmem:v6+s29+$0x0], $0xffff  }
0x18a: {  	v6 =	vor.u32 s20, v1;
	_ =	sdelay $0x3  }
0x18b: {  	s30 =	simm.s32 $0x4400;
	[tilespmem:v38+s2+$0x0] =	vst.idx.msk $0xffff, v5  }
0x18c: {  	v5 =	vld.idx.msk [tilespmem:v6+s30+$0x0], $0xffff  }
0x18d: {  	v6 =	vor.u32 s20, v3;
	_ =	sdelay $0x3  }
0x18e: {  	s22 =	simm.s32 $0x4400;
	[tilespmem:v39+s2+$0x0] =	vst.idx.msk $0xffff, v5  }
0x18f: {  	s19 =	sand.u32 $0x7F, s19;
	v5 =	vld.idx.msk [tilespmem:v6+s22+$0x0], $0xffff  }
0x190: {  	v6 =	vor.u32 s19, v1;
	_ =	sdelay $0x3  }
0x191: {  	s29 =	simm.s32 $0x5400;
	[tilespmem:v40+s2+$0x0] =	vst.idx.msk $0xffff, v5  }
0x192: {  	v5 =	vld.idx.msk [tilespmem:v6+s29+$0x0], $0xffff  }
0x193: {  	v6 =	vor.u32 s19, v3;
	_ =	sdelay $0x3  }
0x194: {  	[tilespmem:v41+s2+$0x0] =	vst.idx.msk $0xffff, v5  }
0x195: {  	s18 =	sand.u32 $0x7F, s18;
	v5 =	vld.idx.msk [tilespmem:v6+s29+$0x0], $0xffff  }
0x196: {  	v6 =	vor.u32 s18, v1;
	_ =	sdelay $0x3  }
0x197: {  	[tilespmem:v42+s2+$0x0] =	vst.idx.msk $0xffff, v5  }
0x198: {  	v5 =	vld.idx.msk [tilespmem:v6+s28+$0x0], $0xffff  }
0x199: {  	v6 =	vor.u32 s18, v3;
	_ =	sdelay $0x3  }
0x19a: {  	[tilespmem:v43+s2+$0x0] =	vst.idx.msk $0xffff, v5  }
0x19b: {  	s17 =	sand.u32 $0x7F, s17;
	v5 =	vld.idx.msk [tilespmem:v6+s28+$0x0], $0xffff  }
0x19c: {  	v6 =	vor.u32 s17, v1;
	_ =	sdelay $0x3  }
0x19d: {  	s23 =	simm.s32 $0x7400;
	[tilespmem:v44+s2+$0x0] =	vst.idx.msk $0xffff, v5  }
0x19e: {  	v5 =	vld.idx.msk [tilespmem:v6+s23+$0x0], $0xffff  }
0x19f: {  	v6 =	vor.u32 s17, v3;
	_ =	sdelay $0x3  }
0x1a0: {  	s24 =	simm.s32 $0x7400;
	[tilespmem:v45+s2+$0x0] =	vst.idx.msk $0xffff, v5  }
0x1a1: {  	s16 =	sand.u32 $0x7F, s16;
	v5 =	vld.idx.msk [tilespmem:v6+s24+$0x0], $0xffff  }
0x1a2: {  	v6 =	vor.u32 s16, v1;
	_ =	sdelay $0x3  }
0x1a3: {  	s30 =	simm.s32 $0x8400;
	[tilespmem:v46+s2+$0x0] =	vst.idx.msk $0xffff, v5  }
0x1a4: {  	v5 =	vld.idx.msk [tilespmem:v6+s30+$0x0], $0xffff  }
0x1a5: {  	v6 =	vor.u32 s16, v3;
	_ =	sdelay $0x3  }
0x1a6: {  	s18 =	simm.s32 $0x8400;
	[tilespmem:v47+s2+$0x0] =	vst.idx.msk $0xffff, v5  }
0x1a7: {  	s15 =	sand.u32 $0x7F, s15;
	v5 =	vld.idx.msk [tilespmem:v6+s18+$0x0], $0xffff  }
0x1a8: {  	v6 =	vor.u32 s15, v1;
	_ =	sdelay $0x3  }
0x1a9: {  	s19 =	simm.s32 $0x9400;
	[tilespmem:v48+s2+$0x0] =	vst.idx.msk $0xffff, v5  }
0x1aa: {  	v5 =	vld.idx.msk [tilespmem:v6+s19+$0x0], $0xffff  }
0x1ab: {  	v6 =	vor.u32 s15, v3;
	_ =	sdelay $0x3  }
0x1ac: {  	s20 =	simm.s32 $0x9400;
	[tilespmem:v49+s2+$0x0] =	vst.idx.msk $0xffff, v5  }
0x1ad: {  	s13 =	sand.u32 $0x7F, s13;
	v5 =	vld.idx.msk [tilespmem:v6+s20+$0x0], $0xffff  }
0x1ae: {  	v6 =	vor.u32 s13, v1;
	_ =	sdelay $0x3  }
0x1af: {  	s21 =	simm.s32 $0xA400;
	[tilespmem:v50+s2+$0x0] =	vst.idx.msk $0xffff, v5  }
0x1b0: {  	v5 =	vld.idx.msk [tilespmem:v6+s21+$0x0], $0xffff  }
0x1b1: {  	v6 =	vor.u32 s13, v3;
	_ =	sdelay $0x3  }
0x1b2: {  	[tilespmem:v51+s2+$0x0] =	vst.idx.msk $0xffff, v5  }
0x1b3: {  	s12 =	sand.u32 $0x7F, s12;
	v5 =	vld.idx.msk [tilespmem:v6+s21+$0x0], $0xffff  }
0x1b4: {  	v6 =	vor.u32 s12, v1;
	_ =	sdelay $0x3  }
0x1b5: {  	s28 =	simm.s32 $0xB400;
	[tilespmem:v52+s2+$0x0] =	vst.idx.msk $0xffff, v5  }
0x1b6: {  	v5 =	vld.idx.msk [tilespmem:v6+s28+$0x0], $0xffff  }
0x1b7: {  	v6 =	vor.u32 s12, v3;
	_ =	sdelay $0x3  }
0x1b8: {  	[tilespmem:v53+s2+$0x0] =	vst.idx.msk $0xffff, v5  }
0x1b9: {  	s10 =	sand.u32 $0x7F, s10;
	v5 =	vld.idx.msk [tilespmem:v6+s28+$0x0], $0xffff  }
0x1ba: {  	v6 =	vor.u32 s10, v1;
	_ =	sdelay $0x3  }
0x1bb: {  	s22 =	simm.s32 $0xC400;
	[tilespmem:v54+s2+$0x0] =	vst.idx.msk $0xffff, v5  }
0x1bc: {  	v5 =	vld.idx.msk [tilespmem:v6+s22+$0x0], $0xffff  }
0x1bd: {  	v6 =	vor.u32 s10, v3;
	_ =	sdelay $0x3  }
0x1be: {  	[tilespmem:v55+s2+$0x0] =	vst.idx.msk $0xffff, v5  }
0x1bf: {  	s9 =	sand.u32 $0x7F, s9;
	v5 =	vld.idx.msk [tilespmem:v6+s22+$0x0], $0xffff  }
0x1c0: {  	v6 =	vor.u32 s9, v1;
	_ =	sdelay $0x3  }
0x1c1: {  	s23 =	simm.s32 $0xD400;
	[tilespmem:v56+s2+$0x0] =	vst.idx.msk $0xffff, v5  }
0x1c2: {  	v5 =	vld.idx.msk [tilespmem:v6+s23+$0x0], $0xffff  }
0x1c3: {  	v6 =	vor.u32 s9, v3;
	_ =	sdelay $0x3  }
0x1c4: {  	[tilespmem:v57+s2+$0x0] =	vst.idx.msk $0xffff, v5  }
0x1c5: {  	s8 =	sand.u32 $0x7F, s8;
	v5 =	vld.idx.msk [tilespmem:v6+s23+$0x0], $0xffff  }
0x1c6: {  	v6 =	vor.u32 s8, v1;
	_ =	sdelay $0x3  }
0x1c7: {  	s30 =	simm.s32 $0xE400;
	[tilespmem:v58+s2+$0x0] =	vst.idx.msk $0xffff, v5  }
0x1c8: {  	v5 =	vld.idx.msk [tilespmem:v6+s30+$0x0], $0xffff  }
0x1c9: {  	v6 =	vor.u32 s8, v3;
	_ =	sdelay $0x3  }
0x1ca: {  	[tilespmem:v59+s2+$0x0] =	vst.idx.msk $0xffff, v5  }
0x1cb: {  	s4 =	sand.u32 $0x7F, s4;
	v5 =	vld.idx.msk [tilespmem:v6+s30+$0x0], $0xffff  }
0x1cc: {  	v6 =	vor.u32 s4, v1;
	_ =	sdelay $0x3  }
0x1cd: {  	s24 =	simm.s32 $0xF400;
	[tilespmem:v16+s2+$0x0] =	vst.idx.msk $0xffff, v5  }
0x1ce: {  	v5 =	vld.idx.msk [tilespmem:v6+s24+$0x0], $0xffff  }
0x1cf: {  	v6 =	vor.u32 s4, v3;
	_ =	sdelay $0x3  }
0x1d0: {  	[tilespmem:v61+s2+$0x0] =	vst.idx.msk $0xffff, v5  }
0x1d1: {  	p0 =	sne.s32 s6, $0x1FF;
	v5 =	vld.idx.msk [tilespmem:v6+s24+$0x0], $0xffff  }
.Ltmp0:
0x1d2: {  	_ = 	snop;
	(pc) =	sbr.rel @p0 .LBB2_2-.Ltmp0, $4  }
0x1d3: {  	_ = 	snop  }
0x1d4: {  	s7 =	sadd.s32 $0x10, s7  }
0x1d5: {  	s6 =	sadd.s32 $0x10, s6;
	s5 =	sadd.s32 $0x10, s5;
	s26 =	simm.s32 $0x6400  }
0x1d6: {  	s13 =	simm.s32 $0x8400;
	s12 =	simm.s32 $0x7400;
	s10 =	simm.s32 $0x4400;
	[tilespmem:v20+s2+$0x0] =	vst.idx.msk $0xffff, v5  }
0x1d7: {  	v9 =	vimm.s32 $0x4;
	_ =	sdelay $0x3  }
0x1d8: {  	s9 =	simm.s32 $0x18400  }
0x1d9: {  	v63 =	vld.idx.msk [tilespmem:v9+s9+$0x0], $0xffff;
	v9 =	vimm.s32 $0x5;
	_ =	sdelay $0x4  }
0x1da: {  	v62 =	vld.idx.msk [tilespmem:v9+s9+$0x0], $0xffff;
	v9 =	vimm.s32 $0x6;
	_ =	sdelay $0x4  }
0x1db: {  	v61 =	vld.idx.msk [tilespmem:v9+s9+$0x0], $0xffff;
	v9 =	vimm.s32 $0x7;
	_ =	sdelay $0x4  }
0x1dc: {  	v60 =	vld.idx.msk [tilespmem:v9+s9+$0x0], $0xffff;
	v9 =	vimm.s32 $0x8;
	_ =	sdelay $0x4  }
0x1dd: {  	v59 =	vld.idx.msk [tilespmem:v9+s9+$0x0], $0xffff;
	v9 =	vimm.s32 $0x9;
	_ =	sdelay $0x4  }
0x1de: {  	v58 =	vld.idx.msk [tilespmem:v9+s9+$0x0], $0xffff;
	v9 =	vimm.s32 $0xA;
	_ =	sdelay $0x4  }
0x1df: {  	v57 =	vld.idx.msk [tilespmem:v9+s9+$0x0], $0xffff;
	v9 =	vimm.s32 $0xB;
	_ =	sdelay $0x4  }
0x1e0: {  	v56 =	vld.idx.msk [tilespmem:v9+s9+$0x0], $0xffff;
	v9 =	vimm.s32 $0xC;
	_ =	sdelay $0x4  }
0x1e1: {  	v55 =	vld.idx.msk [tilespmem:v9+s9+$0x0], $0xffff;
	v9 =	vimm.s32 $0xD;
	_ =	sdelay $0x4  }
0x1e2: {  	v54 =	vld.idx.msk [tilespmem:v9+s9+$0x0], $0xffff;
	v9 =	vimm.s32 $0xE;
	_ =	sdelay $0x4  }
0x1e3: {  	v53 =	vld.idx.msk [tilespmem:v9+s9+$0x0], $0xffff;
	v9 =	vimm.s32 $0xF;
	_ =	sdelay $0x4  }
0x1e4: {  	v52 =	vld.idx.msk [tilespmem:v9+s9+$0x0], $0xffff;
	v9 =	vimm.s32 $0x10;
	_ =	sdelay $0x4  }
0x1e5: {  	v51 =	vld.idx.msk [tilespmem:v9+s9+$0x0], $0xffff;
	v9 =	vimm.s32 $0x11;
	_ =	sdelay $0x4  }
0x1e6: {  	v50 =	vld.idx.msk [tilespmem:v9+s9+$0x0], $0xffff;
	v9 =	vimm.s32 $0x12;
	_ =	sdelay $0x4  }
0x1e7: {  	v49 =	vld.idx.msk [tilespmem:v9+s9+$0x0], $0xffff;
	v9 =	vimm.s32 $0x13;
	_ =	sdelay $0x4  }
0x1e8: {  	v48 =	vld.idx.msk [tilespmem:v9+s9+$0x0], $0xffff;
	v9 =	vimm.s32 $0x14;
	_ =	sdelay $0x4  }
0x1e9: {  	v47 =	vld.idx.msk [tilespmem:v9+s9+$0x0], $0xffff;
	v9 =	vimm.s32 $0x15  }
0x1ea: {  	v5 =	vimm.s32 $0x1;
	_ =	sdelay $0x1  }
0x1eb: {  	v8 =	vld.msk [tilespmem:s9+$0x0], $0xffff  }
0x1ec: {  	v44 =	vld.idx.msk [tilespmem:v27+s9+$0x0], $0xffff  }
0x1ed: {  	v46 =	vld.idx.msk [tilespmem:v9+s9+$0x0], $0xffff;
	v9 =	vimm.s32 $0x16  }
0x1ee: {  	v7 =	vld.idx.msk [tilespmem:v5+s9+$0x0], $0xffff;
	v5 =	vimm.s32 $0x2  }
0x1ef: {  	v43 =	vld.idx.msk [tilespmem:v28+s9+$0x0], $0xffff  }
0x1f0: {  	v42 =	vld.idx.msk [tilespmem:v29+s9+$0x0], $0xffff  }
0x1f1: {  	s4 =	simm.s32 $0x0;
	v41 =	vld.idx.msk [tilespmem:v30+s9+$0x0], $0xffff  }
0x1f2: {  	v45 =	vld.idx.msk [tilespmem:v9+s9+$0x0], $0xffff;
	v9 =	vmov s4  }
0x1f3: {  	v10 =	vor.u32 s4, v0;
	v6 =	vld.idx.msk [tilespmem:v5+s9+$0x0], $0xffff;
	v5 =	vimm.s32 $0x3;
	v11 =	vshll.u32 v9, $0x3  }
0x1f4: {  	v40 =	vld.idx.msk [tilespmem:v31+s9+$0x0], $0xffff;
	v12 =	vand.u32 $0x7F, v10;
	v9 =	vand.u32 $0xC00, v11  }
0x1f5: {  	v39 =	vld.idx.msk [tilespmem:v32+s9+$0x0], $0xffff;
	v10 =	vor.u32 v12, v9  }
0x1f6: {  	v38 =	vld.idx.msk [tilespmem:v33+s9+$0x0], $0xffff  }
0x1f7: {  	v37 =	vld.idx.msk [tilespmem:v34+s9+$0x0], $0xffff;
	v13 =	vor.u32 $0x80, v10  }
0x1f8: {  	v5 =	vld.idx.msk [tilespmem:v5+s9+$0x0], $0xffff  }
0x1f9: {  	v9 =	vld.idx.msk [tilespmem:v36+s9+$0x0], $0xffff;
	v14 =	vor.u32 $0x100, v10  }
0x1fa: {  	v15 =	vld.idx.msk [tilespmem:v10+s2+$0x0], $0xffff  }
0x1fb: {  	v17 =	vor.u32 $0x180, v10;
	v16 =	vld.idx.msk [tilespmem:v10+s3+$0x0], $0xffff  }
0x1fc: {  	v18 =	vld.idx.msk [tilespmem:v13+s3+$0x0], $0xffff  }
0x1fd: {  	v19 =	vor.u32 $0x200, v10;
	v13 =	vld.idx.msk [tilespmem:v13+s2+$0x0], $0xffff  }
0x1fe: {  	v20 =	vld.idx.msk [tilespmem:v14+s3+$0x0], $0xffff  }
0x1ff: {  	v21 =	vor.u32 $0x280, v10;
	v14 =	vld.idx.msk [tilespmem:v14+s2+$0x0], $0xffff  }
0x200: {  	v22 =	vld.idx.msk [tilespmem:v17+s3+$0x0], $0xffff;
	v15 =	vmul.f32 v15, v16  }
0x201: {  	v16 =	vld.idx.msk [tilespmem:v17+s2+$0x0], $0xffff;
	v17 =	vor.u32 $0x300, v10  }
0x202: {  	v11 =	vor.u32 v11, v12;
	v23 =	vld.idx.msk [tilespmem:v19+s3+$0x0], $0xffff;
	v13 =	vmul.f32 v13, v18;
	v12 =	vmul.f32 v15, v8  }
0x203: {  	v18 =	vor.u32 $0x380, v11;
	v15 =	vld.idx.msk [tilespmem:v19+s2+$0x0], $0xffff  }
0x204: {  	v14 =	vmul.f32 v14, v20;
	v19 =	vld.idx.msk [tilespmem:v21+s3+$0x0], $0xffff;
	v13 =	vmul.f32 v13, v7;
	v12 =	vadd.f32 v12, v9  }
0x205: {  	v20 =	vor.u32 $0x1000, v10;
	v21 =	vld.idx.msk [tilespmem:v21+s2+$0x0], $0xffff  }
0x206: {  	v24 =	vld.idx.msk [tilespmem:v17+s3+$0x0], $0xffff;
	v12 =	vadd.f32 v13, v12;
	v13 =	vmul.f32 v14, v6;
	v14 =	vmul.f32 v16, v22  }
0x207: {  	v17 =	vld.idx.msk [tilespmem:v17+s2+$0x0], $0xffff;
	v16 =	vor.u32 $0x1080, v10  }
0x208: {  	v22 =	vld.idx.msk [tilespmem:v18+s3+$0x0], $0xffff;
	v12 =	vadd.f32 v13, v12;
	v13 =	vmul.f32 v14, v5;
	v14 =	vmul.f32 v15, v23  }
0x209: {  	v18 =	vld.idx.msk [tilespmem:v18+s2+$0x0], $0xffff;
	v15 =	vor.u32 $0x1100, v10  }
0x20a: {  	v23 =	vld.idx.msk [tilespmem:v20+s3+$0x0], $0xffff;
	v12 =	vadd.f32 v13, v12;
	v13 =	vmul.f32 v14, v63;
	v14 =	vmul.f32 v21, v19  }
0x20b: {  	v20 =	vld.idx.msk [tilespmem:v20+s2+$0x0], $0xffff;
	v19 =	vor.u32 $0x1180, v10  }
0x20c: {  	v21 =	vld.idx.msk [tilespmem:v16+s3+$0x0], $0xffff;
	v12 =	vadd.f32 v13, v12;
	v13 =	vmul.f32 v14, v62;
	v14 =	vmul.f32 v17, v24  }
0x20d: {  	v16 =	vld.idx.msk [tilespmem:v16+s2+$0x0], $0xffff;
	v17 =	vor.u32 $0x1200, v10  }
0x20e: {  	v24 =	vld.idx.msk [tilespmem:v15+s3+$0x0], $0xffff;
	v12 =	vadd.f32 v13, v12;
	v13 =	vmul.f32 v14, v61;
	v14 =	vmul.f32 v18, v22  }
0x20f: {  	v15 =	vld.idx.msk [tilespmem:v15+s2+$0x0], $0xffff;
	v18 =	vor.u32 $0x1280, v10  }
0x210: {  	v22 =	vld.idx.msk [tilespmem:v19+s3+$0x0], $0xffff;
	v12 =	vadd.f32 v13, v12;
	v13 =	vmul.f32 v14, v60;
	v14 =	vmul.f32 v20, v23  }
0x211: {  	v19 =	vld.idx.msk [tilespmem:v19+s2+$0x0], $0xffff;
	v20 =	vor.u32 $0x1300, v10  }
0x212: {  	v23 =	vld.idx.msk [tilespmem:v17+s3+$0x0], $0xffff;
	v12 =	vadd.f32 v13, v12;
	v13 =	vmul.f32 v14, v59;
	v14 =	vmul.f32 v16, v21  }
0x213: {  	v17 =	vld.idx.msk [tilespmem:v17+s2+$0x0], $0xffff;
	v16 =	vor.u32 $0x1380, v11  }
0x214: {  	v21 =	vld.idx.msk [tilespmem:v18+s3+$0x0], $0xffff;
	v12 =	vadd.f32 v13, v12;
	v13 =	vmul.f32 v14, v58;
	v14 =	vmul.f32 v15, v24  }
0x215: {  	v18 =	vld.idx.msk [tilespmem:v18+s2+$0x0], $0xffff;
	v15 =	vor.u32 $0x2000, v10  }
0x216: {  	v24 =	vld.idx.msk [tilespmem:v20+s3+$0x0], $0xffff;
	v12 =	vadd.f32 v13, v12;
	v13 =	vmul.f32 v14, v57;
	v14 =	vmul.f32 v19, v22  }
0x217: {  	v20 =	vld.idx.msk [tilespmem:v20+s2+$0x0], $0xffff;
	v19 =	vor.u32 $0x2080, v10  }
0x218: {  	v22 =	vld.idx.msk [tilespmem:v16+s3+$0x0], $0xffff;
	v12 =	vadd.f32 v13, v12;
	v13 =	vmul.f32 v14, v56;
	v14 =	vmul.f32 v17, v23  }
0x219: {  	v16 =	vld.idx.msk [tilespmem:v16+s2+$0x0], $0xffff;
	v17 =	vor.u32 $0x2100, v10  }
0x21a: {  	v23 =	vld.idx.msk [tilespmem:v15+s3+$0x0], $0xffff;
	v12 =	vadd.f32 v13, v12;
	v13 =	vmul.f32 v14, v55;
	v14 =	vmul.f32 v18, v21  }
0x21b: {  	v15 =	vld.idx.msk [tilespmem:v15+s2+$0x0], $0xffff;
	v18 =	vor.u32 $0x2180, v10  }
0x21c: {  	v21 =	vld.idx.msk [tilespmem:v19+s3+$0x0], $0xffff;
	v12 =	vadd.f32 v13, v12;
	v13 =	vmul.f32 v14, v54;
	v14 =	vmul.f32 v20, v24  }
0x21d: {  	v19 =	vld.idx.msk [tilespmem:v19+s2+$0x0], $0xffff;
	v20 =	vor.u32 $0x2200, v10  }
0x21e: {  	v24 =	vld.idx.msk [tilespmem:v17+s3+$0x0], $0xffff;
	v12 =	vadd.f32 v13, v12;
	v13 =	vmul.f32 v14, v53;
	v14 =	vmul.f32 v16, v22  }
0x21f: {  	v17 =	vld.idx.msk [tilespmem:v17+s2+$0x0], $0xffff;
	v16 =	vor.u32 $0x2280, v10  }
0x220: {  	v22 =	vld.idx.msk [tilespmem:v18+s3+$0x0], $0xffff;
	v12 =	vadd.f32 v13, v12;
	v13 =	vmul.f32 v14, v52;
	v14 =	vmul.f32 v15, v23  }
0x221: {  	v18 =	vld.idx.msk [tilespmem:v18+s2+$0x0], $0xffff;
	v15 =	vor.u32 $0x2300, v10  }
0x222: {  	v23 =	vld.idx.msk [tilespmem:v20+s3+$0x0], $0xffff;
	v12 =	vadd.f32 v13, v12;
	v13 =	vmul.f32 v14, v51;
	v14 =	vmul.f32 v19, v21  }
0x223: {  	v20 =	vld.idx.msk [tilespmem:v20+s2+$0x0], $0xffff;
	v19 =	vor.u32 $0x2380, v11  }
0x224: {  	v21 =	vld.idx.msk [tilespmem:v16+s3+$0x0], $0xffff;
	v12 =	vadd.f32 v13, v12;
	v13 =	vmul.f32 v14, v50;
	v14 =	vmul.f32 v17, v24  }
0x225: {  	v16 =	vld.idx.msk [tilespmem:v16+s2+$0x0], $0xffff;
	v17 =	vor.u32 $0x3000, v10  }
0x226: {  	v24 =	vld.idx.msk [tilespmem:v15+s3+$0x0], $0xffff;
	v12 =	vadd.f32 v13, v12;
	v13 =	vmul.f32 v14, v49;
	v14 =	vmul.f32 v18, v22  }
0x227: {  	v15 =	vld.idx.msk [tilespmem:v15+s2+$0x0], $0xffff;
	v18 =	vor.u32 $0x3080, v10  }
0x228: {  	v22 =	vld.idx.msk [tilespmem:v19+s3+$0x0], $0xffff;
	v12 =	vadd.f32 v13, v12;
	v13 =	vmul.f32 v14, v48;
	v14 =	vmul.f32 v20, v23  }
0x229: {  	v19 =	vld.idx.msk [tilespmem:v19+s2+$0x0], $0xffff;
	v20 =	vor.u32 $0x3100, v10  }
0x22a: {  	v23 =	vld.idx.msk [tilespmem:v17+s3+$0x0], $0xffff;
	v12 =	vadd.f32 v13, v12;
	v13 =	vmul.f32 v14, v47;
	v14 =	vmul.f32 v16, v21  }
0x22b: {  	v17 =	vld.idx.msk [tilespmem:v17+s2+$0x0], $0xffff;
	v16 =	vor.u32 $0x3180, v10  }
0x22c: {  	v21 =	vld.idx.msk [tilespmem:v18+s3+$0x0], $0xffff;
	v12 =	vadd.f32 v13, v12;
	v13 =	vmul.f32 v14, v46;
	v14 =	vmul.f32 v15, v24  }
0x22d: {  	v18 =	vld.idx.msk [tilespmem:v18+s2+$0x0], $0xffff;
	v15 =	vor.u32 $0x3200, v10  }
0x22e: {  	v24 =	vld.idx.msk [tilespmem:v20+s3+$0x0], $0xffff;
	v12 =	vadd.f32 v13, v12;
	v13 =	vmul.f32 v14, v45;
	v14 =	vmul.f32 v19, v22  }
0x22f: {  	v20 =	vld.idx.msk [tilespmem:v20+s2+$0x0], $0xffff;
	v19 =	vor.u32 $0x3280, v10  }
0x230: {  	v22 =	vld.idx.msk [tilespmem:v16+s3+$0x0], $0xffff;
	v12 =	vadd.f32 v13, v12;
	v13 =	vmul.f32 v14, v44;
	v14 =	vmul.f32 v17, v23  }
0x231: {  	v10 =	vor.u32 $0x3300, v10;
	v16 =	vld.idx.msk [tilespmem:v16+s2+$0x0], $0xffff  }
0x232: {  	v17 =	vld.idx.msk [tilespmem:v15+s3+$0x0], $0xffff;
	v12 =	vadd.f32 v13, v12;
	v13 =	vmul.f32 v14, v43;
	v14 =	vmul.f32 v18, v21  }
0x233: {  	v11 =	vor.u32 $0x3380, v11;
	v15 =	vld.idx.msk [tilespmem:v15+s2+$0x0], $0xffff  }
0x234: {  	v18 =	vld.idx.msk [tilespmem:v19+s3+$0x0], $0xffff;
	v12 =	vadd.f32 v13, v12;
	v13 =	vmul.f32 v14, v42;
	v14 =	vmul.f32 v20, v24  }
0x235: {  	v19 =	vld.idx.msk [tilespmem:v19+s2+$0x0], $0xffff  }
0x236: {  	v20 =	vld.idx.msk [tilespmem:v10+s3+$0x0], $0xffff;
	v12 =	vadd.f32 v13, v12;
	v13 =	vmul.f32 v14, v41;
	v14 =	vmul.f32 v16, v22  }
0x237: {  	v16 =	vld.idx.msk [tilespmem:v10+s2+$0x0], $0xffff  }
0x238: {  	v21 =	vld.idx.msk [tilespmem:v11+s3+$0x0], $0xffff;
	v10 =	vadd.f32 v13, v12;
	v12 =	vmul.f32 v14, v40;
	v13 =	vmul.f32 v15, v17  }
0x239: {  	v11 =	vld.idx.msk [tilespmem:v11+s2+$0x0], $0xffff  }
0x23a: {  	v14 =	vmul.f32 v19, v18;
	v12 =	vadd.f32 v12, v10;
	v13 =	vmul.f32 v13, v39  }
0x23b: {  	v10 =	vld.idx.msk [tilespmem:v35+s9+$0x0], $0xffff  }
0x23c: {  	v12 =	vadd.f32 v13, v12;
	v13 =	vmul.f32 v14, v38;
	v14 =	vmul.f32 v16, v20;
	_ =	sdelay $0x1  }
0x23d: {  	v11 =	vmul.f32 v11, v21;
	v12 =	vadd.f32 v13, v12;
	v13 =	vmul.f32 v14, v37;
	_ =	sdelay $0x1  }
0x23e: {  	v11 =	vmul.f32 v11, v10;
	v12 =	vadd.f32 v13, v12;
	_ =	sdelay $0x1  }
0x23f: {  	v11 =	vadd.f32 v11, v12;
	_ =	sdelay $0x1  }
0x240: {  	v11 =	vsub.f32 $0.0e+00, v11;
	_ =	sdelay $0x1  }
0x241: {  	v11 =	vmul.f32 $1.442695020e+00, v11;
	_ =	sdelay $0x1  }
0x242: {  	(erf) = vpow2.f32 v11;
	_ =	sdelay $0x8  }
0x243: {  	v11 =	vpop (erf)  }
0x244: {  	v11 =	vadd.f32 $1.000000000e+00, v11;
	_ =	sdelay $0x1  }
0x245: {  	(erf) = vrcp.f32 v11;
	_ =	sdelay $0x1  }
0x246: {  	s24 =	simm.s32 $0x10  }
0x247: {  	v11 =	vmov s24  }
0x248: {  	v12 =	vor.u32 s24, v0;
	v13 =	vshll.u32 v11, $0x3  }
0x249: {  	v12 =	vand.u32 $0x7F, v12;
	v11 =	vand.u32 $0xC00, v13  }
0x24a: {  	v11 =	vor.u32 v12, v11;
	_ =	sdelay $0x1  }
0x24b: {  	v14 =	vor.u32 $0x80, v11  }
0x24c: {  	s5 =	simm.s32 $0x18480;
	v15 =	vpop (erf)  }
0x24d: {  	v16 =	vor.u32 $0x100, v11;
	[tilespmem:s5+$0x0] =	vst v15  }
0x24e: {  	v15 =	vld.idx.msk [tilespmem:v11+s2+$0x0], $0xffff  }
0x24f: {  	v18 =	vor.u32 $0x180, v11;
	v17 =	vld.idx.msk [tilespmem:v11+s3+$0x0], $0xffff  }
0x250: {  	v19 =	vld.idx.msk [tilespmem:v14+s3+$0x0], $0xffff  }
0x251: {  	v20 =	vor.u32 $0x200, v11;
	v14 =	vld.idx.msk [tilespmem:v14+s2+$0x0], $0xffff  }
0x252: {  	v21 =	vld.idx.msk [tilespmem:v16+s3+$0x0], $0xffff  }
0x253: {  	v22 =	vor.u32 $0x280, v11;
	v16 =	vld.idx.msk [tilespmem:v16+s2+$0x0], $0xffff  }
0x254: {  	v23 =	vld.idx.msk [tilespmem:v18+s3+$0x0], $0xffff;
	v15 =	vmul.f32 v15, v17  }
0x255: {  	v17 =	vld.idx.msk [tilespmem:v18+s2+$0x0], $0xffff;
	v18 =	vor.u32 $0x300, v11  }
0x256: {  	v12 =	vor.u32 v13, v12;
	v24 =	vld.idx.msk [tilespmem:v20+s3+$0x0], $0xffff;
	v14 =	vmul.f32 v14, v19;
	v13 =	vmul.f32 v15, v8  }
0x257: {  	v19 =	vor.u32 $0x380, v12;
	v15 =	vld.idx.msk [tilespmem:v20+s2+$0x0], $0xffff  }
0x258: {  	v16 =	vmul.f32 v16, v21;
	v20 =	vld.idx.msk [tilespmem:v22+s3+$0x0], $0xffff;
	v14 =	vmul.f32 v14, v7;
	v13 =	vadd.f32 v13, v9  }
0x259: {  	v21 =	vor.u32 $0x1000, v11;
	v22 =	vld.idx.msk [tilespmem:v22+s2+$0x0], $0xffff  }
0x25a: {  	v16 =	vmul.f32 v16, v6;
	v17 =	vmul.f32 v17, v23;
	v13 =	vadd.f32 v14, v13;
	v14 =	vld.idx.msk [tilespmem:v18+s3+$0x0], $0xffff  }
0x25b: {  	v23 =	vor.u32 $0x1080, v11;
	v18 =	vld.idx.msk [tilespmem:v18+s2+$0x0], $0xffff  }
0x25c: {  	v17 =	vmul.f32 v17, v5;
	v15 =	vmul.f32 v15, v24;
	v13 =	vadd.f32 v16, v13;
	v16 =	vld.idx.msk [tilespmem:v19+s3+$0x0], $0xffff  }
0x25d: {  	v24 =	vor.u32 $0x1100, v11;
	v19 =	vld.idx.msk [tilespmem:v19+s2+$0x0], $0xffff  }
0x25e: {  	v20 =	vmul.f32 v22, v20;
	v15 =	vmul.f32 v15, v63;
	v13 =	vadd.f32 v17, v13;
	v17 =	vld.idx.msk [tilespmem:v21+s3+$0x0], $0xffff  }
0x25f: {  	v22 =	vor.u32 $0x1180, v11;
	v21 =	vld.idx.msk [tilespmem:v21+s2+$0x0], $0xffff  }
0x260: {  	v20 =	vmul.f32 v20, v62;
	v14 =	vmul.f32 v18, v14;
	v13 =	vadd.f32 v15, v13;
	v15 =	vld.idx.msk [tilespmem:v23+s3+$0x0], $0xffff  }
0x261: {  	v18 =	vor.u32 $0x1200, v11;
	v23 =	vld.idx.msk [tilespmem:v23+s2+$0x0], $0xffff  }
0x262: {  	v14 =	vmul.f32 v14, v61;
	v16 =	vmul.f32 v19, v16;
	v13 =	vadd.f32 v20, v13;
	v20 =	vld.idx.msk [tilespmem:v24+s3+$0x0], $0xffff  }
0x263: {  	v19 =	vor.u32 $0x1280, v11;
	v24 =	vld.idx.msk [tilespmem:v24+s2+$0x0], $0xffff  }
0x264: {  	v16 =	vmul.f32 v16, v60;
	v17 =	vmul.f32 v21, v17;
	v13 =	vadd.f32 v14, v13;
	v14 =	vld.idx.msk [tilespmem:v22+s3+$0x0], $0xffff  }
0x265: {  	v21 =	vor.u32 $0x1300, v11;
	v22 =	vld.idx.msk [tilespmem:v22+s2+$0x0], $0xffff  }
0x266: {  	v17 =	vmul.f32 v17, v59;
	v15 =	vmul.f32 v23, v15;
	v13 =	vadd.f32 v16, v13;
	v16 =	vld.idx.msk [tilespmem:v18+s3+$0x0], $0xffff  }
0x267: {  	v23 =	vor.u32 $0x1380, v12;
	v18 =	vld.idx.msk [tilespmem:v18+s2+$0x0], $0xffff  }
0x268: {  	v15 =	vmul.f32 v15, v58;
	v20 =	vmul.f32 v24, v20;
	v13 =	vadd.f32 v17, v13;
	v17 =	vld.idx.msk [tilespmem:v19+s3+$0x0], $0xffff  }
0x269: {  	v24 =	vor.u32 $0x2000, v11;
	v19 =	vld.idx.msk [tilespmem:v19+s2+$0x0], $0xffff  }
0x26a: {  	v20 =	vmul.f32 v20, v57;
	v14 =	vmul.f32 v22, v14;
	v13 =	vadd.f32 v15, v13;
	v15 =	vld.idx.msk [tilespmem:v21+s3+$0x0], $0xffff  }
0x26b: {  	v22 =	vor.u32 $0x2080, v11;
	v21 =	vld.idx.msk [tilespmem:v21+s2+$0x0], $0xffff  }
0x26c: {  	v14 =	vmul.f32 v14, v56;
	v16 =	vmul.f32 v18, v16;
	v13 =	vadd.f32 v20, v13;
	v20 =	vld.idx.msk [tilespmem:v23+s3+$0x0], $0xffff  }
0x26d: {  	v18 =	vor.u32 $0x2100, v11;
	v23 =	vld.idx.msk [tilespmem:v23+s2+$0x0], $0xffff  }
0x26e: {  	v16 =	vmul.f32 v16, v55;
	v17 =	vmul.f32 v19, v17;
	v13 =	vadd.f32 v14, v13;
	v14 =	vld.idx.msk [tilespmem:v24+s3+$0x0], $0xffff  }
0x26f: {  	v19 =	vor.u32 $0x2180, v11;
	v24 =	vld.idx.msk [tilespmem:v24+s2+$0x0], $0xffff  }
0x270: {  	v17 =	vmul.f32 v17, v54;
	v15 =	vmul.f32 v21, v15;
	v13 =	vadd.f32 v16, v13;
	v16 =	vld.idx.msk [tilespmem:v22+s3+$0x0], $0xffff  }
0x271: {  	v21 =	vor.u32 $0x2200, v11;
	v22 =	vld.idx.msk [tilespmem:v22+s2+$0x0], $0xffff  }
0x272: {  	v15 =	vmul.f32 v15, v53;
	v20 =	vmul.f32 v23, v20;
	v13 =	vadd.f32 v17, v13;
	v17 =	vld.idx.msk [tilespmem:v18+s3+$0x0], $0xffff  }
0x273: {  	v23 =	vor.u32 $0x2280, v11;
	v18 =	vld.idx.msk [tilespmem:v18+s2+$0x0], $0xffff  }
0x274: {  	v20 =	vmul.f32 v20, v52;
	v14 =	vmul.f32 v24, v14;
	v13 =	vadd.f32 v15, v13;
	v15 =	vld.idx.msk [tilespmem:v19+s3+$0x0], $0xffff  }
0x275: {  	v24 =	vor.u32 $0x2300, v11;
	v19 =	vld.idx.msk [tilespmem:v19+s2+$0x0], $0xffff  }
0x276: {  	v14 =	vmul.f32 v14, v51;
	v16 =	vmul.f32 v22, v16;
	v13 =	vadd.f32 v20, v13;
	v20 =	vld.idx.msk [tilespmem:v21+s3+$0x0], $0xffff  }
0x277: {  	v22 =	vor.u32 $0x2380, v12;
	v21 =	vld.idx.msk [tilespmem:v21+s2+$0x0], $0xffff  }
0x278: {  	v16 =	vmul.f32 v16, v50;
	v17 =	vmul.f32 v18, v17;
	v13 =	vadd.f32 v14, v13;
	v14 =	vld.idx.msk [tilespmem:v23+s3+$0x0], $0xffff  }
0x279: {  	v18 =	vor.u32 $0x3000, v11;
	v23 =	vld.idx.msk [tilespmem:v23+s2+$0x0], $0xffff  }
0x27a: {  	v17 =	vmul.f32 v17, v49;
	v15 =	vmul.f32 v19, v15;
	v13 =	vadd.f32 v16, v13;
	v16 =	vld.idx.msk [tilespmem:v24+s3+$0x0], $0xffff  }
0x27b: {  	v19 =	vor.u32 $0x3080, v11;
	v24 =	vld.idx.msk [tilespmem:v24+s2+$0x0], $0xffff  }
0x27c: {  	v15 =	vmul.f32 v15, v48;
	v20 =	vmul.f32 v21, v20;
	v13 =	vadd.f32 v17, v13;
	v17 =	vld.idx.msk [tilespmem:v22+s3+$0x0], $0xffff  }
0x27d: {  	v21 =	vor.u32 $0x3100, v11;
	v22 =	vld.idx.msk [tilespmem:v22+s2+$0x0], $0xffff  }
0x27e: {  	v20 =	vmul.f32 v20, v47;
	v14 =	vmul.f32 v23, v14;
	v13 =	vadd.f32 v15, v13;
	v15 =	vld.idx.msk [tilespmem:v18+s3+$0x0], $0xffff  }
0x27f: {  	v23 =	vor.u32 $0x3180, v11;
	v18 =	vld.idx.msk [tilespmem:v18+s2+$0x0], $0xffff  }
0x280: {  	v14 =	vmul.f32 v14, v46;
	v16 =	vmul.f32 v24, v16;
	v13 =	vadd.f32 v20, v13;
	v20 =	vld.idx.msk [tilespmem:v19+s3+$0x0], $0xffff  }
0x281: {  	v24 =	vor.u32 $0x3200, v11;
	v19 =	vld.idx.msk [tilespmem:v19+s2+$0x0], $0xffff  }
0x282: {  	v16 =	vmul.f32 v16, v45;
	v17 =	vmul.f32 v22, v17;
	v13 =	vadd.f32 v14, v13;
	v14 =	vld.idx.msk [tilespmem:v21+s3+$0x0], $0xffff  }
0x283: {  	v22 =	vor.u32 $0x3280, v11;
	v21 =	vld.idx.msk [tilespmem:v21+s2+$0x0], $0xffff  }
0x284: {  	v15 =	vmul.f32 v18, v15;
	v17 =	vmul.f32 v17, v44;
	v18 =	vld.idx.msk [tilespmem:v23+s2+$0x0], $0xffff;
	v13 =	vadd.f32 v16, v13  }
0x285: {  	v11 =	vor.u32 $0x3300, v11;
	v16 =	vld.idx.msk [tilespmem:v23+s3+$0x0], $0xffff  }
0x286: {  	v15 =	vmul.f32 v15, v43;
	v13 =	vadd.f32 v17, v13;
	v17 =	vmul.f32 v19, v20;
	v19 =	vld.idx.msk [tilespmem:v24+s3+$0x0], $0xffff  }
0x287: {  	v12 =	vor.u32 $0x3380, v12;
	v20 =	vld.idx.msk [tilespmem:v24+s2+$0x0], $0xffff  }
0x288: {  	v14 =	vmul.f32 v21, v14;
	v21 =	vld.idx.msk [tilespmem:v22+s2+$0x0], $0xffff;
	v13 =	vadd.f32 v15, v13;
	v17 =	vmul.f32 v17, v42  }
0x289: {  	v15 =	vld.idx.msk [tilespmem:v22+s3+$0x0], $0xffff  }
0x28a: {  	v22 =	vld.idx.msk [tilespmem:v11+s3+$0x0], $0xffff;
	v16 =	vmul.f32 v18, v16;
	v14 =	vmul.f32 v14, v41;
	v13 =	vadd.f32 v17, v13  }
0x28b: {  	v11 =	vld.idx.msk [tilespmem:v11+s2+$0x0], $0xffff  }
0x28c: {  	v23 =	vld.idx.msk [tilespmem:v12+s3+$0x0], $0xffff;
	v16 =	vmul.f32 v16, v40;
	v13 =	vadd.f32 v14, v13;
	v14 =	vmul.f32 v20, v19  }
0x28d: {  	v12 =	vld.idx.msk [tilespmem:v12+s2+$0x0], $0xffff  }
0x28e: {  	v15 =	vmul.f32 v21, v15;
	v13 =	vadd.f32 v16, v13;
	v14 =	vmul.f32 v14, v39;
	_ =	sdelay $0x1  }
0x28f: {  	v11 =	vmul.f32 v11, v22;
	v13 =	vadd.f32 v14, v13;
	v14 =	vmul.f32 v15, v38;
	_ =	sdelay $0x1  }
0x290: {  	v12 =	vmul.f32 v12, v23;
	v11 =	vmul.f32 v11, v37;
	v13 =	vadd.f32 v14, v13;
	_ =	sdelay $0x1  }
0x291: {  	v12 =	vmul.f32 v12, v10;
	v11 =	vadd.f32 v11, v13;
	_ =	sdelay $0x1  }
0x292: {  	v11 =	vadd.f32 v12, v11;
	_ =	sdelay $0x1  }
0x293: {  	v11 =	vsub.f32 $0.0e+00, v11;
	_ =	sdelay $0x1  }
0x294: {  	v11 =	vmul.f32 $1.442695020e+00, v11;
	_ =	sdelay $0x1  }
0x295: {  	(erf) = vpow2.f32 v11;
	_ =	sdelay $0x8  }
0x296: {  	v11 =	vpop (erf)  }
0x297: {  	v11 =	vadd.f32 $1.000000000e+00, v11;
	_ =	sdelay $0x1  }
0x298: {  	(erf) = vrcp.f32 v11;
	_ =	sdelay $0x1  }
0x299: {  	s30 =	simm.s32 $0x20  }
0x29a: {  	v12 =	vmov s30  }
0x29b: {  	s6 =	simm.s32 $0x30;
	v12 =	vshll.u32 v12, $0x3;
	v11 =	vor.u32 s30, v0  }
.LBB2_4:
0x29c: {  	p0 =	sne.s32 s6, $0x1F0;
	v13 =	vand.u32 $0x7F, v11;
	v11 =	vand.u32 $0xC00, v12  }
0x29d: {  	v11 =	vor.u32 v13, v11;
	_ =	sdelay $0x1  }
0x29e: {  	v14 =	vor.u32 $0x80, v11  }
0x29f: {  	s5 =	sadd.s32 $0x10, s5;
	v15 =	vpop (erf)  }
0x2a0: {  	v16 =	vor.u32 $0x100, v11;
	[tilespmem:s5+$0x0] =	vst v15  }
0x2a1: {  	v15 =	vld.idx.msk [tilespmem:v11+s2+$0x0], $0xffff  }
0x2a2: {  	v18 =	vor.u32 $0x180, v11;
	v17 =	vld.idx.msk [tilespmem:v11+s3+$0x0], $0xffff  }
0x2a3: {  	v19 =	vld.idx.msk [tilespmem:v14+s3+$0x0], $0xffff  }
0x2a4: {  	v20 =	vor.u32 $0x200, v11;
	v14 =	vld.idx.msk [tilespmem:v14+s2+$0x0], $0xffff  }
0x2a5: {  	v21 =	vld.idx.msk [tilespmem:v16+s3+$0x0], $0xffff  }
0x2a6: {  	v22 =	vor.u32 $0x280, v11;
	v16 =	vld.idx.msk [tilespmem:v16+s2+$0x0], $0xffff  }
0x2a7: {  	v23 =	vld.idx.msk [tilespmem:v18+s3+$0x0], $0xffff  }
0x2a8: {  	v15 =	vmul.f32 v15, v17;
	v17 =	vld.idx.msk [tilespmem:v18+s2+$0x0], $0xffff;
	v18 =	vor.u32 $0x300, v11  }
0x2a9: {  	v12 =	vor.u32 v12, v13;
	v24 =	vld.idx.msk [tilespmem:v20+s3+$0x0], $0xffff  }
0x2aa: {  	v13 =	vmul.f32 v15, v8;
	v14 =	vmul.f32 v14, v19;
	v19 =	vor.u32 $0x380, v12;
	v15 =	vld.idx.msk [tilespmem:v20+s2+$0x0], $0xffff  }
0x2ab: {  	v25 =	vor.u32 $0x1000, v11;
	v20 =	vld.idx.msk [tilespmem:v22+s3+$0x0], $0xffff  }
0x2ac: {  	v13 =	vadd.f32 v13, v9;
	v14 =	vmul.f32 v14, v7;
	v16 =	vmul.f32 v16, v21;
	v21 =	vld.idx.msk [tilespmem:v22+s2+$0x0], $0xffff  }
0x2ad: {  	v26 =	vor.u32 $0x1080, v11;
	v22 =	vld.idx.msk [tilespmem:v18+s3+$0x0], $0xffff  }
0x2ae: {  	v13 =	vadd.f32 v14, v13;
	v14 =	vmul.f32 v16, v6;
	v16 =	vmul.f32 v17, v23;
	v17 =	vld.idx.msk [tilespmem:v18+s2+$0x0], $0xffff  }
0x2af: {  	v23 =	vor.u32 $0x1100, v11;
	v18 =	vld.idx.msk [tilespmem:v19+s3+$0x0], $0xffff  }
0x2b0: {  	v13 =	vadd.f32 v14, v13;
	v14 =	vmul.f32 v16, v5;
	v15 =	vmul.f32 v15, v24;
	v16 =	vld.idx.msk [tilespmem:v19+s2+$0x0], $0xffff  }
0x2b1: {  	v24 =	vor.u32 $0x1180, v11;
	v19 =	vld.idx.msk [tilespmem:v25+s3+$0x0], $0xffff  }
0x2b2: {  	v13 =	vadd.f32 v14, v13;
	v14 =	vmul.f32 v15, v63;
	v15 =	vmul.f32 v21, v20;
	v20 =	vld.idx.msk [tilespmem:v25+s2+$0x0], $0xffff  }
0x2b3: {  	v25 =	vor.u32 $0x1200, v11;
	v21 =	vld.idx.msk [tilespmem:v26+s3+$0x0], $0xffff  }
0x2b4: {  	v13 =	vadd.f32 v14, v13;
	v14 =	vmul.f32 v15, v62;
	v15 =	vmul.f32 v17, v22;
	v17 =	vld.idx.msk [tilespmem:v26+s2+$0x0], $0xffff  }
0x2b5: {  	v26 =	vor.u32 $0x1280, v11;
	v22 =	vld.idx.msk [tilespmem:v23+s3+$0x0], $0xffff  }
0x2b6: {  	v13 =	vadd.f32 v14, v13;
	v14 =	vmul.f32 v15, v61;
	v15 =	vmul.f32 v16, v18;
	v16 =	vld.idx.msk [tilespmem:v23+s2+$0x0], $0xffff  }
0x2b7: {  	v23 =	vor.u32 $0x1300, v11;
	v18 =	vld.idx.msk [tilespmem:v24+s3+$0x0], $0xffff  }
0x2b8: {  	v13 =	vadd.f32 v14, v13;
	v14 =	vmul.f32 v15, v60;
	v15 =	vmul.f32 v20, v19;
	v19 =	vld.idx.msk [tilespmem:v24+s2+$0x0], $0xffff  }
0x2b9: {  	v24 =	vor.u32 $0x1380, v12;
	v20 =	vld.idx.msk [tilespmem:v25+s3+$0x0], $0xffff  }
0x2ba: {  	v13 =	vadd.f32 v14, v13;
	v14 =	vmul.f32 v15, v59;
	v15 =	vmul.f32 v17, v21;
	v17 =	vld.idx.msk [tilespmem:v25+s2+$0x0], $0xffff  }
0x2bb: {  	v25 =	vor.u32 $0x2000, v11;
	v21 =	vld.idx.msk [tilespmem:v26+s3+$0x0], $0xffff  }
0x2bc: {  	v13 =	vadd.f32 v14, v13;
	v14 =	vmul.f32 v15, v58;
	v15 =	vmul.f32 v16, v22;
	v16 =	vld.idx.msk [tilespmem:v26+s2+$0x0], $0xffff  }
0x2bd: {  	v26 =	vor.u32 $0x2080, v11;
	v22 =	vld.idx.msk [tilespmem:v23+s3+$0x0], $0xffff  }
0x2be: {  	v13 =	vadd.f32 v14, v13;
	v14 =	vmul.f32 v15, v57;
	v15 =	vmul.f32 v19, v18;
	v18 =	vld.idx.msk [tilespmem:v23+s2+$0x0], $0xffff  }
0x2bf: {  	v23 =	vor.u32 $0x2100, v11;
	v19 =	vld.idx.msk [tilespmem:v24+s3+$0x0], $0xffff  }
0x2c0: {  	v13 =	vadd.f32 v14, v13;
	v14 =	vmul.f32 v15, v56;
	v15 =	vmul.f32 v17, v20;
	v17 =	vld.idx.msk [tilespmem:v24+s2+$0x0], $0xffff  }
0x2c1: {  	v24 =	vor.u32 $0x2180, v11;
	v20 =	vld.idx.msk [tilespmem:v25+s3+$0x0], $0xffff  }
0x2c2: {  	v13 =	vadd.f32 v14, v13;
	v14 =	vmul.f32 v15, v55;
	v15 =	vmul.f32 v16, v21;
	v16 =	vld.idx.msk [tilespmem:v25+s2+$0x0], $0xffff  }
0x2c3: {  	v25 =	vor.u32 $0x2200, v11;
	v21 =	vld.idx.msk [tilespmem:v26+s3+$0x0], $0xffff  }
0x2c4: {  	v13 =	vadd.f32 v14, v13;
	v14 =	vmul.f32 v15, v54;
	v15 =	vmul.f32 v18, v22;
	v18 =	vld.idx.msk [tilespmem:v26+s2+$0x0], $0xffff  }
0x2c5: {  	v26 =	vor.u32 $0x2280, v11;
	v22 =	vld.idx.msk [tilespmem:v23+s3+$0x0], $0xffff  }
0x2c6: {  	v13 =	vadd.f32 v14, v13;
	v14 =	vmul.f32 v15, v53;
	v15 =	vmul.f32 v17, v19;
	v17 =	vld.idx.msk [tilespmem:v23+s2+$0x0], $0xffff  }
0x2c7: {  	v23 =	vor.u32 $0x2300, v11;
	v19 =	vld.idx.msk [tilespmem:v24+s3+$0x0], $0xffff  }
0x2c8: {  	v13 =	vadd.f32 v14, v13;
	v14 =	vmul.f32 v15, v52;
	v15 =	vmul.f32 v16, v20;
	v16 =	vld.idx.msk [tilespmem:v24+s2+$0x0], $0xffff  }
0x2c9: {  	v24 =	vor.u32 $0x2380, v12;
	v20 =	vld.idx.msk [tilespmem:v25+s3+$0x0], $0xffff  }
0x2ca: {  	v13 =	vadd.f32 v14, v13;
	v14 =	vmul.f32 v15, v51;
	v15 =	vmul.f32 v18, v21;
	v18 =	vld.idx.msk [tilespmem:v25+s2+$0x0], $0xffff  }
0x2cb: {  	v25 =	vor.u32 $0x3000, v11;
	v21 =	vld.idx.msk [tilespmem:v26+s3+$0x0], $0xffff  }
0x2cc: {  	v13 =	vadd.f32 v14, v13;
	v14 =	vmul.f32 v15, v50;
	v15 =	vmul.f32 v17, v22;
	v17 =	vld.idx.msk [tilespmem:v26+s2+$0x0], $0xffff  }
0x2cd: {  	v26 =	vor.u32 $0x3080, v11;
	v22 =	vld.idx.msk [tilespmem:v23+s3+$0x0], $0xffff  }
0x2ce: {  	v13 =	vadd.f32 v14, v13;
	v14 =	vmul.f32 v15, v49;
	v15 =	vmul.f32 v16, v19;
	v16 =	vld.idx.msk [tilespmem:v23+s2+$0x0], $0xffff  }
0x2cf: {  	v23 =	vor.u32 $0x3100, v11;
	v19 =	vld.idx.msk [tilespmem:v24+s3+$0x0], $0xffff  }
0x2d0: {  	v13 =	vadd.f32 v14, v13;
	v14 =	vmul.f32 v15, v48;
	v15 =	vmul.f32 v18, v20;
	v18 =	vld.idx.msk [tilespmem:v24+s2+$0x0], $0xffff  }
0x2d1: {  	v24 =	vor.u32 $0x3180, v11;
	v20 =	vld.idx.msk [tilespmem:v25+s3+$0x0], $0xffff  }
0x2d2: {  	v13 =	vadd.f32 v14, v13;
	v14 =	vmul.f32 v15, v47;
	v15 =	vmul.f32 v17, v21;
	v17 =	vld.idx.msk [tilespmem:v25+s2+$0x0], $0xffff  }
0x2d3: {  	v25 =	vor.u32 $0x3200, v11;
	v21 =	vld.idx.msk [tilespmem:v26+s3+$0x0], $0xffff  }
0x2d4: {  	v13 =	vadd.f32 v14, v13;
	v14 =	vmul.f32 v15, v46;
	v15 =	vmul.f32 v16, v22;
	v16 =	vld.idx.msk [tilespmem:v26+s2+$0x0], $0xffff  }
0x2d5: {  	v26 =	vor.u32 $0x3280, v11;
	v22 =	vld.idx.msk [tilespmem:v23+s3+$0x0], $0xffff  }
0x2d6: {  	v13 =	vadd.f32 v14, v13;
	v14 =	vmul.f32 v15, v45;
	v15 =	vmul.f32 v18, v19;
	v18 =	vld.idx.msk [tilespmem:v23+s2+$0x0], $0xffff  }
0x2d7: {  	v11 =	vor.u32 $0x3300, v11;
	v19 =	vld.idx.msk [tilespmem:v24+s3+$0x0], $0xffff  }
0x2d8: {  	v13 =	vadd.f32 v14, v13;
	v14 =	vmul.f32 v15, v44;
	v15 =	vmul.f32 v17, v20;
	v17 =	vld.idx.msk [tilespmem:v24+s2+$0x0], $0xffff  }
0x2d9: {  	v12 =	vor.u32 $0x3380, v12;
	v20 =	vld.idx.msk [tilespmem:v25+s3+$0x0], $0xffff  }
0x2da: {  	v13 =	vadd.f32 v14, v13;
	v14 =	vmul.f32 v15, v43;
	v15 =	vmul.f32 v16, v21;
	v16 =	vld.idx.msk [tilespmem:v25+s2+$0x0], $0xffff  }
0x2db: {  	v21 =	vld.idx.msk [tilespmem:v26+s3+$0x0], $0xffff  }
0x2dc: {  	v13 =	vadd.f32 v14, v13;
	v14 =	vmul.f32 v15, v42;
	v15 =	vmul.f32 v18, v22;
	v18 =	vld.idx.msk [tilespmem:v26+s2+$0x0], $0xffff  }
0x2dd: {  	v22 =	vld.idx.msk [tilespmem:v11+s3+$0x0], $0xffff  }
0x2de: {  	v13 =	vadd.f32 v14, v13;
	v14 =	vmul.f32 v15, v41;
	v15 =	vmul.f32 v17, v19;
	v11 =	vld.idx.msk [tilespmem:v11+s2+$0x0], $0xffff  }
0x2df: {  	v17 =	vld.idx.msk [tilespmem:v12+s3+$0x0], $0xffff  }
0x2e0: {  	v13 =	vadd.f32 v14, v13;
	v14 =	vmul.f32 v15, v40;
	v15 =	vmul.f32 v16, v20;
	v12 =	vld.idx.msk [tilespmem:v12+s2+$0x0], $0xffff;
	_ =	sdelay $0x1  }
0x2e1: {  	v13 =	vadd.f32 v14, v13;
	v14 =	vmul.f32 v15, v39;
	v15 =	vmul.f32 v18, v21;
	_ =	sdelay $0x1  }
0x2e2: {  	v13 =	vadd.f32 v14, v13;
	v14 =	vmul.f32 v15, v38;
	v11 =	vmul.f32 v11, v22;
	_ =	sdelay $0x1  }
0x2e3: {  	v13 =	vadd.f32 v14, v13;
	v11 =	vmul.f32 v11, v37;
	v12 =	vmul.f32 v12, v17;
	_ =	sdelay $0x1  }
0x2e4: {  	v11 =	vadd.f32 v11, v13;
	v12 =	vmul.f32 v12, v10;
	_ =	sdelay $0x1  }
0x2e5: {  	v11 =	vadd.f32 v12, v11;
	_ =	sdelay $0x1  }
0x2e6: {  	v11 =	vsub.f32 $0.0e+00, v11;
	_ =	sdelay $0x1  }
0x2e7: {  	v11 =	vmul.f32 $1.442695020e+00, v11;
	_ =	sdelay $0x1  }
0x2e8: {  	(erf) = vpow2.f32 v11;
	_ =	sdelay $0x8  }
0x2e9: {  	v11 =	vpop (erf)  }
0x2ea: {  	v11 =	vadd.f32 $1.000000000e+00, v11;
	_ =	sdelay $0x1  }
.Ltmp1:
0x2eb: {  	(erf) = vrcp.f32 v11;
	(pc) =	sbr.rel @p0 .LBB2_4-.Ltmp1, $3  }
0x2ec: {  	_ =	sdelay $0x1  }
0x2ed: {  	v12 =	vmov s6  }
0x2ee: {  	v12 =	vshll.u32 v12, $0x3;
	v11 =	vor.u32 s6, v0;
	s6 =	sadd.s32 $0x10, s6  }
0x2ef: {  	v13 =	vand.u32 $0x7F, v11;
	v20 =	vand.u32 $0xC00, v12  }
0x2f0: {  	v11 =	vor.u32 v13, v20;
	_ =	sdelay $0x1  }
0x2f1: {  	v14 =	vor.u32 $0x80, v11  }
0x2f2: {  	s4 =	sadd.s32 $0x10, s5;
	v15 =	vpop (erf)  }
0x2f3: {  	v16 =	vor.u32 $0x100, v11;
	[tilespmem:s4+$0x0] =	vst v15  }
0x2f4: {  	v15 =	vld.idx.msk [tilespmem:v11+s2+$0x0], $0xffff  }
0x2f5: {  	v18 =	vor.u32 $0x180, v11;
	v17 =	vld.idx.msk [tilespmem:v11+s3+$0x0], $0xffff  }
0x2f6: {  	v19 =	vld.idx.msk [tilespmem:v14+s3+$0x0], $0xffff  }
0x2f7: {  	v20 =	vor.u32 $0x200, v11;
	v14 =	vld.idx.msk [tilespmem:v14+s2+$0x0], $0xffff  }
0x2f8: {  	v21 =	vld.idx.msk [tilespmem:v16+s3+$0x0], $0xffff  }
0x2f9: {  	v22 =	vor.u32 $0x280, v11;
	v16 =	vld.idx.msk [tilespmem:v16+s2+$0x0], $0xffff  }
0x2fa: {  	v23 =	vld.idx.msk [tilespmem:v18+s3+$0x0], $0xffff;
	v15 =	vmul.f32 v15, v17  }
0x2fb: {  	v17 =	vld.idx.msk [tilespmem:v18+s2+$0x0], $0xffff;
	v18 =	vor.u32 $0x300, v11  }
0x2fc: {  	v12 =	vor.u32 v12, v13;
	v24 =	vld.idx.msk [tilespmem:v20+s3+$0x0], $0xffff;
	v13 =	vmul.f32 v14, v19;
	v8 =	vmul.f32 v15, v8  }
0x2fd: {  	v14 =	vld.idx.msk [tilespmem:v20+s2+$0x0], $0xffff;
	v15 =	vor.u32 $0x380, v12  }
0x2fe: {  	v19 =	vld.idx.msk [tilespmem:v22+s3+$0x0], $0xffff;
	v7 =	vmul.f32 v13, v7;
	v8 =	vadd.f32 v8, v9;
	v9 =	vmul.f32 v16, v21  }
0x2ff: {  	v13 =	vor.u32 $0x1000, v11;
	v16 =	vld.idx.msk [tilespmem:v22+s2+$0x0], $0xffff  }
0x300: {  	v20 =	vld.idx.msk [tilespmem:v18+s3+$0x0], $0xffff;
	v21 =	vmul.f32 v17, v23;
	v7 =	vadd.f32 v7, v8;
	v6 =	vmul.f32 v9, v6  }
0x301: {  	v22 =	vor.u32 $0x1080, v11;
	v23 =	vld.idx.msk [tilespmem:v18+s2+$0x0], $0xffff  }
0x302: {  	v18 =	vld.idx.msk [tilespmem:v15+s3+$0x0], $0xffff;
	v5 =	vmul.f32 v21, v5;
	v6 =	vadd.f32 v6, v7;
	v7 =	vmul.f32 v14, v24  }
0x303: {  	v8 =	vor.u32 $0x1100, v11;
	v14 =	vld.idx.msk [tilespmem:v15+s2+$0x0], $0xffff  }
0x304: {  	v15 =	vld.idx.msk [tilespmem:v13+s3+$0x0], $0xffff;
	v5 =	vadd.f32 v5, v6;
	v6 =	vmul.f32 v7, v63;
	v7 =	vmul.f32 v16, v19  }
0x305: {  	v13 =	vld.idx.msk [tilespmem:v13+s2+$0x0], $0xffff;
	v16 =	vor.u32 $0x1180, v11  }
0x306: {  	v9 =	vld.idx.msk [tilespmem:v22+s2+$0x0], $0xffff;
	v5 =	vadd.f32 v6, v5;
	v6 =	vmul.f32 v7, v62;
	v7 =	vmul.f32 v23, v20  }
0x307: {  	v19 =	vld.idx.msk [tilespmem:v22+s3+$0x0], $0xffff;
	v62 =	vor.u32 $0x1200, v11  }
0x308: {  	v63 =	vld.idx.msk [tilespmem:v8+s3+$0x0], $0xffff;
	v5 =	vadd.f32 v6, v5;
	v6 =	vmul.f32 v7, v61;
	v7 =	vmul.f32 v14, v18  }
0x309: {  	v8 =	vld.idx.msk [tilespmem:v8+s2+$0x0], $0xffff;
	v23 =	vor.u32 $0x1280, v11  }
0x30a: {  	v18 =	vld.idx.msk [tilespmem:v16+s3+$0x0], $0xffff;
	v5 =	vadd.f32 v6, v5;
	v6 =	vmul.f32 v7, v60;
	v7 =	vmul.f32 v13, v15  }
0x30b: {  	v13 =	vor.u32 $0x1300, v11;
	v15 =	vld.idx.msk [tilespmem:v16+s2+$0x0], $0xffff  }
0x30c: {  	v16 =	vld.idx.msk [tilespmem:v62+s3+$0x0], $0xffff;
	v5 =	vadd.f32 v6, v5;
	v6 =	vmul.f32 v7, v59;
	v7 =	vmul.f32 v9, v19  }
0x30d: {  	v60 =	vor.u32 $0x1380, v12;
	v17 =	vld.idx.msk [tilespmem:v62+s2+$0x0], $0xffff  }
0x30e: {  	v61 =	vld.idx.msk [tilespmem:v23+s3+$0x0], $0xffff;
	v5 =	vadd.f32 v6, v5;
	v6 =	vmul.f32 v7, v58;
	v7 =	vmul.f32 v8, v63  }
0x30f: {  	v62 =	vor.u32 $0x2000, v11;
	v14 =	vld.idx.msk [tilespmem:v23+s2+$0x0], $0xffff  }
0x310: {  	v63 =	vld.idx.msk [tilespmem:v13+s3+$0x0], $0xffff;
	v5 =	vadd.f32 v6, v5;
	v6 =	vmul.f32 v7, v57;
	v7 =	vmul.f32 v15, v18  }
0x311: {  	v23 =	vor.u32 $0x2080, v11;
	v13 =	vld.idx.msk [tilespmem:v13+s2+$0x0], $0xffff  }
0x312: {  	v9 =	vld.idx.msk [tilespmem:v60+s2+$0x0], $0xffff;
	v5 =	vadd.f32 v6, v5;
	v6 =	vmul.f32 v7, v56;
	v7 =	vmul.f32 v17, v16  }
0x313: {  	v58 =	vor.u32 $0x2100, v11;
	v57 =	vld.idx.msk [tilespmem:v60+s3+$0x0], $0xffff  }
0x314: {  	v59 =	vld.idx.msk [tilespmem:v62+s3+$0x0], $0xffff;
	v5 =	vadd.f32 v6, v5;
	v6 =	vmul.f32 v7, v55;
	v7 =	vmul.f32 v14, v61  }
0x315: {  	v60 =	vor.u32 $0x2180, v11;
	v8 =	vld.idx.msk [tilespmem:v62+s2+$0x0], $0xffff  }
0x316: {  	v15 =	vld.idx.msk [tilespmem:v23+s2+$0x0], $0xffff;
	v5 =	vadd.f32 v6, v5;
	v6 =	vmul.f32 v7, v54;
	v7 =	vmul.f32 v13, v63  }
0x317: {  	v62 =	vor.u32 $0x2200, v11;
	v61 =	vld.idx.msk [tilespmem:v23+s3+$0x0], $0xffff  }
0x318: {  	v16 =	vld.idx.msk [tilespmem:v58+s2+$0x0], $0xffff;
	v5 =	vadd.f32 v6, v5;
	v6 =	vmul.f32 v7, v53;
	v7 =	vmul.f32 v9, v57  }
0x319: {  	v63 =	vld.idx.msk [tilespmem:v58+s3+$0x0], $0xffff;
	v54 =	vor.u32 $0x2280, v11  }
0x31a: {  	v55 =	vld.idx.msk [tilespmem:v60+s3+$0x0], $0xffff;
	v5 =	vadd.f32 v6, v5;
	v6 =	vmul.f32 v7, v52;
	v7 =	vmul.f32 v8, v59  }
0x31b: {  	v56 =	vor.u32 $0x2300, v11;
	v14 =	vld.idx.msk [tilespmem:v60+s2+$0x0], $0xffff  }
0x31c: {  	v13 =	vld.idx.msk [tilespmem:v62+s2+$0x0], $0xffff;
	v5 =	vadd.f32 v6, v5;
	v6 =	vmul.f32 v7, v51;
	v7 =	vmul.f32 v15, v61  }
0x31d: {  	v58 =	vor.u32 $0x2380, v12;
	v57 =	vld.idx.msk [tilespmem:v62+s3+$0x0], $0xffff  }
0x31e: {  	v59 =	vld.idx.msk [tilespmem:v54+s3+$0x0], $0xffff;
	v5 =	vadd.f32 v6, v5;
	v6 =	vmul.f32 v7, v50;
	v7 =	vmul.f32 v16, v63  }
0x31f: {  	v60 =	vor.u32 $0x3000, v11;
	v9 =	vld.idx.msk [tilespmem:v54+s2+$0x0], $0xffff  }
0x320: {  	v8 =	vld.idx.msk [tilespmem:v56+s2+$0x0], $0xffff;
	v5 =	vadd.f32 v6, v5;
	v6 =	vmul.f32 v7, v49;
	v7 =	vmul.f32 v14, v55  }
0x321: {  	v62 =	vor.u32 $0x3080, v11;
	v61 =	vld.idx.msk [tilespmem:v56+s3+$0x0], $0xffff  }
0x322: {  	v15 =	vld.idx.msk [tilespmem:v58+s2+$0x0], $0xffff;
	v5 =	vadd.f32 v6, v5;
	v6 =	vmul.f32 v7, v48;
	v7 =	vmul.f32 v13, v57  }
0x323: {  	v63 =	vld.idx.msk [tilespmem:v58+s3+$0x0], $0xffff;
	v49 =	vor.u32 $0x3100, v11  }
0x324: {  	v50 =	vld.idx.msk [tilespmem:v60+s3+$0x0], $0xffff;
	v5 =	vadd.f32 v6, v5;
	v6 =	vmul.f32 v7, v47;
	v7 =	vmul.f32 v9, v59  }
0x325: {  	v51 =	vor.u32 $0x3180, v11;
	v16 =	vld.idx.msk [tilespmem:v60+s2+$0x0], $0xffff  }
0x326: {  	v52 =	vld.idx.msk [tilespmem:v62+s3+$0x0], $0xffff;
	v5 =	vadd.f32 v6, v5;
	v6 =	vmul.f32 v7, v46;
	v7 =	vmul.f32 v8, v61  }
0x327: {  	v53 =	vor.u32 $0x3200, v11;
	v14 =	vld.idx.msk [tilespmem:v62+s2+$0x0], $0xffff  }
0x328: {  	v54 =	vld.idx.msk [tilespmem:v49+s3+$0x0], $0xffff;
	v5 =	vadd.f32 v6, v5;
	v6 =	vmul.f32 v7, v45;
	v7 =	vmul.f32 v15, v63  }
0x329: {  	v55 =	vor.u32 $0x3280, v11;
	v13 =	vld.idx.msk [tilespmem:v49+s2+$0x0], $0xffff  }
0x32a: {  	v56 =	vld.idx.msk [tilespmem:v51+s3+$0x0], $0xffff;
	v5 =	vadd.f32 v6, v5;
	v6 =	vmul.f32 v7, v44;
	v7 =	vmul.f32 v16, v50  }
0x32b: {  	v11 =	vor.u32 $0x3300, v11;
	v9 =	vld.idx.msk [tilespmem:v51+s2+$0x0], $0xffff  }
0x32c: {  	v57 =	vld.idx.msk [tilespmem:v53+s3+$0x0], $0xffff;
	v5 =	vadd.f32 v6, v5;
	v6 =	vmul.f32 v7, v43;
	v7 =	vmul.f32 v14, v52  }
0x32d: {  	v12 =	vor.u32 $0x3380, v12;
	v8 =	vld.idx.msk [tilespmem:v53+s2+$0x0], $0xffff  }
0x32e: {  	v58 =	vld.idx.msk [tilespmem:v55+s3+$0x0], $0xffff;
	v5 =	vadd.f32 v6, v5;
	v6 =	vmul.f32 v7, v42;
	v7 =	vmul.f32 v13, v54  }
0x32f: {  	v59 =	vld.idx.msk [tilespmem:v55+s2+$0x0], $0xffff  }
0x330: {  	v60 =	vld.idx.msk [tilespmem:v11+s3+$0x0], $0xffff;
	v5 =	vadd.f32 v6, v5;
	v6 =	vmul.f32 v7, v41;
	v7 =	vmul.f32 v9, v56  }
0x331: {  	v61 =	vld.idx.msk [tilespmem:v11+s2+$0x0], $0xffff  }
0x332: {  	v62 =	vld.idx.msk [tilespmem:v12+s3+$0x0], $0xffff;
	v5 =	vadd.f32 v6, v5;
	v6 =	vmul.f32 v7, v40;
	v7 =	vmul.f32 v8, v57  }
0x333: {  	v63 =	vld.idx.msk [tilespmem:v12+s2+$0x0], $0xffff  }
0x334: {  	v5 =	vadd.f32 v6, v5;
	v6 =	vmul.f32 v7, v39;
	v7 =	vmul.f32 v59, v58;
	_ =	sdelay $0x1  }
0x335: {  	v5 =	vadd.f32 v6, v5;
	v6 =	vmul.f32 v7, v38;
	v7 =	vmul.f32 v61, v60;
	_ =	sdelay $0x1  }
0x336: {  	v5 =	vadd.f32 v6, v5;
	v6 =	vmul.f32 v7, v37;
	v7 =	vmul.f32 v63, v62;
	_ =	sdelay $0x1  }
0x337: {  	v5 =	vadd.f32 v6, v5;
	v6 =	vmul.f32 v7, v10;
	_ =	sdelay $0x1  }
0x338: {  	v5 =	vadd.f32 v6, v5;
	_ =	sdelay $0x1  }
0x339: {  	v5 =	vsub.f32 $0.0e+00, v5;
	_ =	sdelay $0x1  }
0x33a: {  	v5 =	vmul.f32 $1.442695020e+00, v5;
	_ =	sdelay $0x1  }
0x33b: {  	(erf) = vpow2.f32 v5;
	_ =	sdelay $0x8  }
0x33c: {  	v5 =	vpop (erf)  }
0x33d: {  	v5 =	vadd.f32 $1.000000000e+00, v5;
	_ =	sdelay $0x1  }
0x33e: {  	(erf) = vrcp.f32 v5;
	_ =	sdelay $0x8  }
0x33f: {  	s8 =	simm.s32 $0x0;
	s4 =	sadd.s32 $0x10, s4;
	v5 =	vpop (erf)  }
0x340: {  	s22 =	rddreg [dreg:$0x8];
	s23 =	simm.s32 $0x18480;
	s7 =	simm.s32 $0x2;
	[tilespmem:s4+$0x0] =	vst v5  }
0x341: {  	[hbm4b:s22+s8] =	stream.linear.scatter [tilespmem:s23], [sflag:$0x2], $0x200, $0x38;
	[tilespmem:$0x18680] =	vst v63  }
0x342: {  	_ =	swait.ge [sflag:s7], $0x200  }
0x343: {  	s24 =	rddreg [dreg:$0xa]  }
0x344: {  	s30 =	rddreg [dreg:$0x9];
	s5 =	sadd.s32 $0x1, s24  }
0x345: {  	p0 =	sne.s32 s5, s30  }
.Ltmp2:
0x346: {  	_ = 	snop;
	(pc) =	sbr.rel @p0 .LBB2_1-.Ltmp2, $3  }
0x347: {  	_ =	sdelay $0x1  }
0x348: {  	[sflag:s7] =	ssyncset.done $0x0  }
0x349: {  	[sflag:s7] =	ssyncadd.s32 $0xFFFFFE00  }
0x34a: {  	_ =	sfence.sel $0x180000  }
0x34b: {  	[bflag:$0x0] =	sbarrier.arrive $0xFFFF  }
0x34c: {  	_ =	strace $0x90000047  }
0x34d: {  	s0 =	stileid.u32;
	[bflag:$0x2] =	sbarrier.arrive $0xFFFF  }
0x34e: {  	p0 =	sne.s32 s0, $0x0;
	s0 =	rddreg [dreg:$0x4]  }
0x34f: {  	s0 =	sadd.s32 @!p0 $0x100000, s0  }
0x350: {  	[sflag:s0] =	ssyncadd.tile.s32 @!p0 $0x1;
	_ =	shalt  }
.Lfunc_end2:
_tile_overlayer_lowered:
.L_overlay_start_2:
0x351: {  	(tag) =	ssettag $0x2  }
0x352: {  	s0 =	rddreg [dreg:$0x0];
	s2 =	stileid.u32  }
0x353: {  	s1 =	rddreg [dreg:$0x1];
	p0 =	sne.s32 s2, $0x0  }
0x354: {  	s3 =	rddreg [dreg:$0x2];
	[bflag:$0x3] =	sbarrier.arrive $0xFFFF;
	s2 =	simm.s32 @!p0 $0x1C02  }
0x355: {  	[timem:s3], [sflag:s2] =	dma.local @!p0 [hbm:s0], s1  }
0x356: {  	s0 =	simm.s32 @!p0 $0x2  }
0x357: {  	_ =	swait.ge @!p0 [sflag:s0], s1  }
0x358: {  	s1 =	ssub.s32 @!p0 $0x0, s1;
	[sflag:s0] =	ssyncset.done @!p0 $0x0  }
0x359: {  	[sflag:s0] =	ssyncadd.s32 @!p0 s1  }
0x35a: {  	[bflag:$0x3] =	sbarrier.arrive $0xFFFF  }
0x35b: {  	_ =	shalt  }

</sc_bundles>
